<compile_context>
chip_gen: v7x
topology: tpu7x:2x2x1
jax: 0.10.2.dev20260603
libtpu: 0.0.44.dev20260713+nightly
codegen_flags: <defaults>
</compile_context>

<pallas_src>
import functools

import jax
import jax.numpy as jnp
from jax import lax
from jax.experimental import pallas as pl
from jax.experimental.pallas import tpu as pltpu
from jax.experimental.pallas import tpu_sc as plsc

N = 10000
F = 128
H = 128
C = 2
E = 320000
G = 64

NC = 2
NS = 16
L = 16
NW = NC * NS
NPN = 640
NPAD = NS * NPN
K = 80
EPW = E // NW
EPT = E // NS
CHB = EPW // K
CHC = EPT // K
GB = 5
NGB = CHB // GB
GA = 5
GC = 10
GC2 = GC // 2
NGC = CHC // GC2
R = 1024
GRID = NPAD // R

_mesh = plsc.VectorSubcoreMesh(
    core_axis_name="c", subcore_axis_name="s", num_cores=NC, num_subcores=NS)

_f32 = jnp.float32


def _zero_vec(ref, n):
    for j in range(n // L):
        ref[pl.ds(j * L, L)] = jnp.zeros((L,), _f32)


CA = EPW // K
GA2 = 5
NGA = CA // GA2


@functools.partial(
    pl.kernel,
    out_type=jax.ShapeDtypeStruct((NC, NPAD), _f32),
    mesh=_mesh,
    scratch_types=[pltpu.VMEM((K,), jnp.int32)] * (2 * GA2) + [
        pltpu.VMEM((K,), _f32),
        pltpu.VMEM((K,), _f32),
        pltpu.VMEM_SHARED((NPAD,), _f32),
        pltpu.SemaphoreType.DMA,
        pltpu.SemaphoreType.DMA,
        pltpu.SemaphoreType.DMA,
        pltpu.SemaphoreType.DMA,
    ],
)
def _deg_kernel(dst_hbm, degp_hbm, *rest):
    ibufs = rest[:2 * GA2]
    (ones_v, zbuf_v, deg_sp, isem0, isem1, ssem0, ssem1) = rest[2 * GA2:]
    bank_i = (ibufs[:GA2], ibufs[GA2:])
    isems = (isem0, isem1)
    ssems = (ssem0, ssem1)
    cid = lax.axis_index("c")
    sid = lax.axis_index("s")
    wid = sid * NC + cid
    for j in range(K // L):
        ones_v[pl.ds(j * L, L)] = jnp.full((L,), 1.0, _f32)
    _zero_vec(zbuf_v, K)
    base_n = sid * NPN

    def zr(j, carry):
        pltpu.sync_copy(zbuf_v, deg_sp.at[pl.ds(base_n + j * K, K)])
        return carry

    lax.fori_loop(0, NPN // K, zr, 0)
    plsc.subcore_barrier()
    base_e = wid * EPW

    def fire_i(i, b, bk):
        pltpu.async_copy(dst_hbm.at[pl.ds(base_e + i * K, K)],
                         bank_i[bk][b], isems[bk])

    def drain_i(i, b, bk):
        pltpu.make_async_copy(dst_hbm.at[pl.ds(base_e + i * K, K)],
                              bank_i[bk][b], isems[bk]).wait()

    def fire_s(i, b, bk):
        return pltpu.async_copy(ones_v, deg_sp.at[bank_i[bk][b]],
                                ssems[bk], add=True)

    for b in range(GA2):
        fire_i(b, b, 0)

    def pair(t, carry):
        a0 = (2 * t) * GA2
        a1 = (2 * t + 1) * GA2
        a2 = (2 * t + 2) * GA2
        for b in range(GA2):
            drain_i(a0 + b, b, 0)
        sd0 = [fire_s(a0 + b, b, 0) for b in range(GA2)]
        for b in range(GA2):
            fire_i(a1 + b, b, 1)
        for d in sd0:
            d.wait()
        for b in range(GA2):
            fire_i(a2 + b, b, 0)
        for b in range(GA2):
            drain_i(a1 + b, b, 1)
        sd1 = [fire_s(a1 + b, b, 1) for b in range(GA2)]
        for d in sd1:
            d.wait()
        return carry

    lax.fori_loop(0, (NGA - 1) // 2, pair, 0)
    aL = (NGA - 1) * GA2
    for b in range(GA2):
        drain_i(aL + b, b, 0)
    sdL = [fire_s(aL + b, b, 0) for b in range(GA2)]
    for d in sdL:
        d.wait()
    plsc.subcore_barrier()
    pltpu.sync_copy(deg_sp.at[pl.ds(base_n, NPN)],
                    degp_hbm.at[cid, pl.ds(base_n, NPN)])


KB = 40
CB2 = EPW // KB
GB = 3
NGB = 83


@functools.partial(
    pl.kernel,
    out_type=jax.ShapeDtypeStruct((NC, NPAD, H), _f32),
    mesh=_mesh,
    scratch_types=[
        pltpu.VMEM((EPW,), jnp.int32),
    ] + [pltpu.VMEM((KB, H), _f32)] * (2 * GB)
      + [pltpu.VMEM((KB,), jnp.int32)] * (2 * GB) + [
        pltpu.VMEM_SHARED((NPAD, H), _f32),
        pltpu.SemaphoreType.DMA,
        pltpu.SemaphoreType.DMA,
        pltpu.SemaphoreType.DMA,
        pltpu.SemaphoreType.DMA,
    ],
)
def _acc_kernel(hh_hbm, src_hbm, dst_hbm, accp_hbm, sidx_all, *rest):
    rows = rest[:2 * GB]
    ibufs = rest[2 * GB:4 * GB]
    acc_sp, gsem0, gsem1, ssem0, ssem1 = rest[4 * GB:]
    bank_r = (rows[:GB], rows[GB:])
    bank_i = (ibufs[:GB], ibufs[GB:])
    gsems = (gsem0, gsem1)
    ssems = (ssem0, ssem1)
    cid = lax.axis_index("c")
    sid = lax.axis_index("s")
    wid = sid * NC + cid
    zrow = rows[0]

    def zf(i, carry):
        r = i // (H // L)
        c8 = (i % (H // L)) * L
        zrow[r, pl.ds(c8, L)] = jnp.zeros((L,), _f32)
        return carry

    lax.fori_loop(0, KB * (H // L), zf, 0)
    base_n = sid * NPN

    def zr(j, carry):
        pltpu.sync_copy(zrow, acc_sp.at[pl.ds(base_n + j * KB, KB)])
        return carry

    lax.fori_loop(0, NPN // KB, zr, 0)
    base_e = wid * EPW
    pltpu.sync_copy(src_hbm.at[pl.ds(base_e, EPW)], sidx_all)
    plsc.subcore_barrier()

    def g_src(i):
        return hh_hbm.at[sidx_all.at[pl.ds(i * KB, KB)]]

    def i_src(i):
        return dst_hbm.at[pl.ds(base_e + i * KB, KB)]

    def fire_g(i, b, bk):
        pltpu.async_copy(g_src(i), bank_r[bk][b], gsems[bk])
        pltpu.async_copy(i_src(i), bank_i[bk][b], gsems[bk])

    def drain_g(i, b, bk):
        pltpu.make_async_copy(g_src(i), bank_r[bk][b], gsems[bk]).wait()
        pltpu.make_async_copy(i_src(i), bank_i[bk][b], gsems[bk]).wait()

    def fire_s(i, b, bk):
        return pltpu.async_copy(
            bank_r[bk][b], acc_sp.at[bank_i[bk][b]], ssems[bk], add=True)

    for b in range(GB):
        fire_g(b, b, 0)

    def pair(t, carry):
        a0 = (2 * t) * GB
        a1 = (2 * t + 1) * GB
        a2 = (2 * t + 2) * GB
        for b in range(GB):
            drain_g(a0 + b, b, 0)
        sd0 = [fire_s(a0 + b, b, 0) for b in range(GB)]
        for b in range(GB):
            fire_g(a1 + b, b, 1)
        for d in sd0:
            d.wait()
        for b in range(GB):
            fire_g(a2 + b, b, 0)
        for b in range(GB):
            drain_g(a1 + b, b, 1)
        sd1 = [fire_s(a1 + b, b, 1) for b in range(GB)]
        for d in sd1:
            d.wait()
        return carry

    lax.fori_loop(0, (NGB - 1) // 2, pair, 0)
    aL = (NGB - 1) * GB
    for b in range(GB):
        drain_g(aL + b, b, 0)
    sdL = [fire_s(aL + b, b, 0) for b in range(GB)]
    for d in sdL:
        d.wait()
    for i in range(NGB * GB, CB2):
        fire_g(i, 0, 0)
        drain_g(i, 0, 0)
        fire_s(i, 0, 0).wait()
    plsc.subcore_barrier()
    pltpu.sync_copy(acc_sp.at[pl.ds(base_n, NPN)],
                    accp_hbm.at[cid, pl.ds(base_n, NPN)])


CC = EPW // K
GC2 = 5
NGC = CC // GC2


@functools.partial(
    pl.kernel,
    out_type=(jax.ShapeDtypeStruct((NC, G), _f32),
              jax.ShapeDtypeStruct((NC, G), _f32)),
    mesh=_mesh,
    scratch_types=[
        pltpu.VMEM((EPW,), jnp.int32),
    ] + [pltpu.VMEM((K,), _f32)] * (4 * GC2)
      + [pltpu.VMEM((K,), jnp.int32)] * (2 * GC2) + [
        pltpu.VMEM((K,), _f32),
        pltpu.VMEM((NPN,), _f32),
        pltpu.VMEM((NPN,), _f32),
        pltpu.VMEM((NPN,), _f32),
        pltpu.VMEM((NPN,), _f32),
        pltpu.VMEM((NPN,), _f32),
        pltpu.VMEM((NPN,), _f32),
        pltpu.VMEM((NPN,), _f32),
    ] + [pltpu.VMEM((128,), jnp.int32)] * (NPN // 128) + [
        pltpu.VMEM_SHARED((NPAD,), _f32),
        pltpu.VMEM_SHARED((NPAD,), _f32),
        pltpu.VMEM_SHARED((G,), _f32),
        pltpu.VMEM_SHARED((G,), _f32),
        pltpu.SemaphoreType.DMA,
        pltpu.SemaphoreType.DMA,
        pltpu.SemaphoreType.DMA,
        pltpu.SemaphoreType.DMA,
    ],
)
def _pool_kernel(src_hbm, dst_hbm, zz0_hbm, zz1_hbm, zzb0_hbm, zzb1_hbm,
                 dinv_hbm, bidx_hbm, out0_hbm, out1_hbm,
                 sidx_all, *rest):
    vbufs = rest[:4 * GC2]
    ibufs = rest[4 * GC2:6 * GC2]
    (zbuf_v, t0c_v, t1c_v, zb0_v, zb1_v, dv_v, u0_v, u1_v) = \
        rest[6 * GC2:6 * GC2 + 8]
    bibufs = rest[6 * GC2 + 8:6 * GC2 + 8 + NPN // 128]
    (t0_sp, t1_sp, pool0_sp, pool1_sp,
     gsem0, gsem1, ssem0, ssem1) = rest[6 * GC2 + 8 + NPN // 128:]
    bank_0 = (vbufs[:GC2], vbufs[GC2:2 * GC2])
    bank_1 = (vbufs[2 * GC2:3 * GC2], vbufs[3 * GC2:])
    bank_i = (ibufs[:GC2], ibufs[GC2:])
    gsems = (gsem0, gsem1)
    ssems = (ssem0, ssem1)
    cid = lax.axis_index("c")
    sid = lax.axis_index("s")
    wid = sid * NC + cid
    _zero_vec(zbuf_v, K)
    base_n = sid * NPN

    def zr(j, carry):
        pltpu.sync_copy(zbuf_v, t0_sp.at[pl.ds(base_n + j * K, K)])
        pltpu.sync_copy(zbuf_v, t1_sp.at[pl.ds(base_n + j * K, K)])
        return carry

    lax.fori_loop(0, NPN // K, zr, 0)
    base_e = wid * EPW
    pltpu.sync_copy(src_hbm.at[pl.ds(base_e, EPW)], sidx_all)

    @pl.when(sid == 0)
    def _():
        pltpu.sync_copy(zbuf_v.at[pl.ds(0, G)], pool0_sp)
        pltpu.sync_copy(zbuf_v.at[pl.ds(0, G)], pool1_sp)

    plsc.subcore_barrier()

    def fire_g(i, b, bk):
        pltpu.async_copy(dst_hbm.at[pl.ds(base_e + i * K, K)],
                         bank_i[bk][b], gsems[bk])
        pltpu.async_copy(zz0_hbm.at[sidx_all.at[pl.ds(i * K, K)]],
                         bank_0[bk][b], gsems[bk])
        pltpu.async_copy(zz1_hbm.at[sidx_all.at[pl.ds(i * K, K)]],
                         bank_1[bk][b], gsems[bk])

    def drain_g(i, b, bk):
        pltpu.make_async_copy(dst_hbm.at[pl.ds(base_e + i * K, K)],
                              bank_i[bk][b], gsems[bk]).wait()
        pltpu.make_async_copy(zz0_hbm.at[sidx_all.at[pl.ds(i * K, K)]],
                              bank_0[bk][b], gsems[bk]).wait()
        pltpu.make_async_copy(zz1_hbm.at[sidx_all.at[pl.ds(i * K, K)]],
                              bank_1[bk][b], gsems[bk]).wait()

    def fire_s(i, b, bk):
        return [pltpu.async_copy(bank_0[bk][b], t0_sp.at[bank_i[bk][b]],
                                 ssems[bk], add=True),
                pltpu.async_copy(bank_1[bk][b], t1_sp.at[bank_i[bk][b]],
                                 ssems[bk], add=True)]

    for b in range(GC2):
        fire_g(b, b, 0)

    def pair(t, carry):
        a0 = (2 * t) * GC2
        a1 = (2 * t + 1) * GC2
        a2 = (2 * t + 2) * GC2
        for b in range(GC2):
            drain_g(a0 + b, b, 0)
        sd0 = [d for b in range(GC2) for d in fire_s(a0 + b, b, 0)]
        for b in range(GC2):
            fire_g(a1 + b, b, 1)
        for d in sd0:
            d.wait()
        for b in range(GC2):
            fire_g(a2 + b, b, 0)
        for b in range(GC2):
            drain_g(a1 + b, b, 1)
        sd1 = [d for b in range(GC2) for d in fire_s(a1 + b, b, 1)]
        for d in sd1:
            d.wait()
        return carry

    lax.fori_loop(0, (NGC - 1) // 2, pair, 0)
    aL = (NGC - 1) * GC2
    for b in range(GC2):
        drain_g(aL + b, b, 0)
    sdL = [d for b in range(GC2) for d in fire_s(aL + b, b, 0)]
    for d in sdL:
        d.wait()
    plsc.subcore_barrier()

    pltpu.sync_copy(t0_sp.at[pl.ds(base_n, NPN)], t0c_v)
    pltpu.sync_copy(t1_sp.at[pl.ds(base_n, NPN)], t1c_v)
    pltpu.sync_copy(dinv_hbm.at[pl.ds(base_n, NPN)], dv_v)

    @pl.when(cid == 0)
    def _():
        pltpu.sync_copy(zzb0_hbm.at[pl.ds(base_n, NPN)], zb0_v)
        pltpu.sync_copy(zzb1_hbm.at[pl.ds(base_n, NPN)], zb1_v)

    @pl.when(cid != 0)
    def _():
        def zb(j, carry):
            zb0_v[pl.ds(j * L, L)] = jnp.zeros((L,), _f32)
            zb1_v[pl.ds(j * L, L)] = jnp.zeros((L,), _f32)
            return carry

        lax.fori_loop(0, NPN // L, zb, 0)

    def nstep(j, carry):
        o = j * L
        dv = dv_v[pl.ds(o, L)]
        u0_v[pl.ds(o, L)] = dv * (t0c_v[pl.ds(o, L)] + zb0_v[pl.ds(o, L)])
        u1_v[pl.ds(o, L)] = dv * (t1c_v[pl.ds(o, L)] + zb1_v[pl.ds(o, L)])
        return carry

    lax.fori_loop(0, NPN // L, nstep, 0)
    for c5 in range(NPN // 128):
        pltpu.sync_copy(bidx_hbm.at[pl.ds(base_n + c5 * 128, 128)],
                        bibufs[c5])
        pltpu.sync_copy(u0_v.at[pl.ds(c5 * 128, 128)],
                        pool0_sp.at[bibufs[c5]], add=True)
        pltpu.sync_copy(u1_v.at[pl.ds(c5 * 128, 128)],
                        pool1_sp.at[bibufs[c5]], add=True)

    plsc.subcore_barrier()

    @pl.when(sid == 0)
    def _():
        pltpu.sync_copy(pool0_sp, out0_hbm.at[cid])
        pltpu.sync_copy(pool1_sp, out1_hbm.at[cid])


def _tc0_body(x_ref, w_ref, degp_ref, hh_ref, dinv_ref):
    deg = degp_ref[0, :] + degp_ref[1, :] + 1.0
    dinv = lax.rsqrt(deg)
    h = jnp.dot(x_ref[...], w_ref[...], preferred_element_type=_f32)
    hh_ref[...] = h * dinv[:, None]
    dinv_ref[...] = dinv


def _tc0_call(x_pad, W1, degp):
    return pl.pallas_call(
        _tc0_body,
        grid=(GRID,),
        in_specs=[
            pl.BlockSpec((R, F), lambda i: (i, 0)),
            pl.BlockSpec((F, H), lambda i: (0, 0)),
            pl.BlockSpec((NC, R), lambda i: (0, i)),
        ],
        out_specs=[
            pl.BlockSpec((R, H), lambda i: (i, 0)),
            pl.BlockSpec((R,), lambda i: (i,)),
        ],
        out_shape=[
            jax.ShapeDtypeStruct((NPAD, H), _f32),
            jax.ShapeDtypeStruct((NPAD,), _f32),
        ],
    )(x_pad, W1, degp)


def _tc2_body(accp_ref, hh_ref, dinv_ref, b1_ref, w2_ref, b2_ref,
              zz0_ref, zz1_ref, zzb0_ref, zzb1_ref):
    i = pl.program_id(0)
    dinv = dinv_ref[...]
    a = accp_ref[0] + accp_ref[1] + hh_ref[...]
    y = jnp.maximum(a * dinv[:, None] + b1_ref[...][None, :], 0.0)
    z = jnp.dot(y, w2_ref[...], preferred_element_type=_f32)
    zz = z * dinv[:, None]
    rows = i * R + lax.broadcasted_iota(jnp.int32, (R,), 0)
    valid = (rows < N).astype(_f32)
    sdeg = 1.0 / dinv
    zz0_ref[...] = zz[:, 0] * valid
    zz1_ref[...] = zz[:, 1] * valid
    zzb0_ref[...] = (zz[:, 0] + b2_ref[0] * sdeg) * valid
    zzb1_ref[...] = (zz[:, 1] + b2_ref[1] * sdeg) * valid


def _tc2_call(accp, hh, dinv, b1, W2, b2):
    vec = jax.ShapeDtypeStruct((NPAD,), _f32)
    return pl.pallas_call(
        _tc2_body,
        grid=(GRID,),
        in_specs=[
            pl.BlockSpec((NC, R, H), lambda i: (0, i, 0)),
            pl.BlockSpec((R, H), lambda i: (i, 0)),
            pl.BlockSpec((R,), lambda i: (i,)),
            pl.BlockSpec((H,), lambda i: (0,)),
            pl.BlockSpec((H, C), lambda i: (0, 0)),
            pl.BlockSpec((C,), lambda i: (0,)),
        ],
        out_specs=[pl.BlockSpec((R,), lambda i: (i,))] * 4,
        out_shape=[vec] * 4,
    )(accp, hh, dinv, b1, W2, b2)


def kernel(x, edge_index, batch, W1, b1, W2, b2):
    src = edge_index[0]
    dst = edge_index[1]
    x_pad = jnp.pad(x, ((0, NPAD - N), (0, 0)))
    batch_pad = jnp.pad(batch, (0, NPAD - N))
    degp = _deg_kernel(dst)
    hh, dinv = _tc0_call(x_pad, W1, degp)
    accp = _acc_kernel(hh, src, dst)
    zz0, zz1, zzb0, zzb1 = _tc2_call(accp, hh, dinv, b1, W2, b2)
    out0p, out1p = _pool_kernel(src, dst, zz0, zz1, zzb0, zzb1,
                                dinv, batch_pad)
    return jnp.stack([out0p.sum(axis=0), out1p.sum(axis=0)], axis=1)

# --- scband reference (transcript-rebuilt; emitter-appended) ---
"""Pipeline reference for scband-gnn-clf-64278480552403 (READ-ONLY COPY).

The authoritative reference and input builder live on the scoring server;
editing this copy changes nothing except your own understanding.
"""

import jax, jax.numpy as jnp
import numpy as np

N = 10000
F = 128
H = 128
C = 2
E = 320000
G = 64


def setup_inputs(seed: int = 0) -> dict:
    key = jax.random.key(seed)
    k1, k2, k3, k4, k5, k6, k7 = jax.random.split(key, 7)
    x = jax.random.normal(k1, (N, F), dtype=jnp.float32)
    edge_index = jax.random.randint(k2, (2, E), 0, N, dtype=jnp.int32)
    batch = jnp.sort(jax.random.randint(k3, (N,), 0, G, dtype=jnp.int32))
    W1 = jax.random.normal(k4, (F, H), dtype=jnp.float32) * (1.0 / np.sqrt(F))
    b1 = jnp.zeros((H,), dtype=jnp.float32)
    W2 = jax.random.normal(k5, (H, C), dtype=jnp.float32) * (1.0 / np.sqrt(H))
    b2 = jnp.zeros((C,), dtype=jnp.float32)
    return {"x": x, "edge_index": edge_index, "batch": batch, "W1": W1, "b1": b1, "W2": W2, "b2": b2}


def _gcn_conv(x, src, dst, W, b):
    # GCNConv: D^{-1/2} (A + I) D^{-1/2} X W + b  (source_to_target message flow)
    loop = jnp.arange(N, dtype=src.dtype)
    s = jnp.concatenate([src, loop])
    d = jnp.concatenate([dst, loop])
    deg = jnp.zeros((N,), x.dtype).at[d].add(1.0)
    dinv = jnp.where(deg > 0, deg ** -0.5, 0.0)
    h = x @ W
    coef = dinv[s] * dinv[d]
    msg = h[s] * coef[:, None]
    out = jax.ops.segment_sum(msg, d, num_segments=N)
    return out + b


def reference(x, edge_index, batch, W1, b1, W2, b2):
    src = edge_index[0]
    dst = edge_index[1]
    h = _gcn_conv(x, src, dst, W1, b1)
    h = jax.nn.relu(h)
    h = _gcn_conv(h, src, dst, W2, b2)
    # global_add_pool over graph-id (batch vector)
    out = jax.ops.segment_sum(h, batch, num_segments=G)
    return out

if __name__ == "__main__":
    import jax
    _d = setup_inputs()
    print(jax.jit(kernel)(*tuple(_d.values())))

</pallas_src>

<mosaic_0001>
#map = affine_map<(d0, d1) -> (0)>
#map1 = affine_map<(d0, d1) -> (0, 0)>
module attributes {stable_mosaic.version = 14 : i64} {
  func.func @_pool_kernel(%arg0: i32, %arg1: i32, %arg2: memref<320000xi32, #tpu.memory_space<hbm>>, %arg3: memref<320000xi32, #tpu.memory_space<hbm>>, %arg4: memref<10240xf32, #tpu.memory_space<hbm>>, %arg5: memref<10240xf32, #tpu.memory_space<hbm>>, %arg6: memref<10240xf32, #tpu.memory_space<hbm>>, %arg7: memref<10240xf32, #tpu.memory_space<hbm>>, %arg8: memref<10240xf32, #tpu.memory_space<hbm>>, %arg9: memref<10240xi32, #tpu.memory_space<hbm>>, %arg10: memref<2x64xf32, #tpu.memory_space<hbm>>, %arg11: memref<2x64xf32, #tpu.memory_space<hbm>>, %arg12: memref<10000xi32, #tpu.memory_space<vmem>>, %arg13: memref<80xf32, #tpu.memory_space<vmem>>, %arg14: memref<80xf32, #tpu.memory_space<vmem>>, %arg15: memref<80xf32, #tpu.memory_space<vmem>>, %arg16: memref<80xf32, #tpu.memory_space<vmem>>, %arg17: memref<80xf32, #tpu.memory_space<vmem>>, %arg18: memref<80xf32, #tpu.memory_space<vmem>>, %arg19: memref<80xf32, #tpu.memory_space<vmem>>, %arg20: memref<80xf32, #tpu.memory_space<vmem>>, %arg21: memref<80xf32, #tpu.memory_space<vmem>>, %arg22: memref<80xf32, #tpu.memory_space<vmem>>, %arg23: memref<80xf32, #tpu.memory_space<vmem>>, %arg24: memref<80xf32, #tpu.memory_space<vmem>>, %arg25: memref<80xf32, #tpu.memory_space<vmem>>, %arg26: memref<80xf32, #tpu.memory_space<vmem>>, %arg27: memref<80xf32, #tpu.memory_space<vmem>>, %arg28: memref<80xf32, #tpu.memory_space<vmem>>, %arg29: memref<80xf32, #tpu.memory_space<vmem>>, %arg30: memref<80xf32, #tpu.memory_space<vmem>>, %arg31: memref<80xf32, #tpu.memory_space<vmem>>, %arg32: memref<80xf32, #tpu.memory_space<vmem>>, %arg33: memref<80xi32, #tpu.memory_space<vmem>>, %arg34: memref<80xi32, #tpu.memory_space<vmem>>, %arg35: memref<80xi32, #tpu.memory_space<vmem>>, %arg36: memref<80xi32, #tpu.memory_space<vmem>>, %arg37: memref<80xi32, #tpu.memory_space<vmem>>, %arg38: memref<80xi32, #tpu.memory_space<vmem>>, %arg39: memref<80xi32, #tpu.memory_space<vmem>>, %arg40: memref<80xi32, #tpu.memory_space<vmem>>, %arg41: memref<80xi32, #tpu.memory_space<vmem>>, %arg42: memref<80xi32, #tpu.memory_space<vmem>>, %arg43: memref<80xf32, #tpu.memory_space<vmem>>, %arg44: memref<640xf32, #tpu.memory_space<vmem>>, %arg45: memref<640xf32, #tpu.memory_space<vmem>>, %arg46: memref<640xf32, #tpu.memory_space<vmem>>, %arg47: memref<640xf32, #tpu.memory_space<vmem>>, %arg48: memref<640xf32, #tpu.memory_space<vmem>>, %arg49: memref<640xf32, #tpu.memory_space<vmem>>, %arg50: memref<640xf32, #tpu.memory_space<vmem>>, %arg51: memref<128xi32, #tpu.memory_space<vmem>>, %arg52: memref<128xi32, #tpu.memory_space<vmem>>, %arg53: memref<128xi32, #tpu.memory_space<vmem>>, %arg54: memref<128xi32, #tpu.memory_space<vmem>>, %arg55: memref<128xi32, #tpu.memory_space<vmem>>, %arg56: memref<10240xf32, #tpu.memory_space<vmem_shared>>, %arg57: memref<10240xf32, #tpu.memory_space<vmem_shared>>, %arg58: memref<64xf32, #tpu.memory_space<vmem_shared>>, %arg59: memref<64xf32, #tpu.memory_space<vmem_shared>>, %arg60: memref<!tpu.dma_semaphore, #tpu.memory_space<semaphore_mem>>, %arg61: memref<!tpu.dma_semaphore, #tpu.memory_space<semaphore_mem>>, %arg62: memref<!tpu.dma_semaphore, #tpu.memory_space<semaphore_mem>>, %arg63: memref<!tpu.dma_semaphore, #tpu.memory_space<semaphore_mem>>) attributes {dimension_semantics = [#tpu.dimension_semantics<core_parallel>, #tpu.dimension_semantics<subcore_parallel>], iteration_bounds = array<i64: 2, 16>, scalar_prefetch = 0 : i64, scratch_operands = 52 : i64, tpu.core_type = #tpu.core_type<sc_vector_subcore>, window_params = [{transform_indices = #map}, {transform_indices = #map}, {transform_indices = #map}, {transform_indices = #map}, {transform_indices = #map}, {transform_indices = #map}, {transform_indices = #map}, {transform_indices = #map}, {transform_indices = #map1}, {transform_indices = #map1}]} {
    %mul3A = arith.constant 2 : i32
    %mul3A_0 = arith.muli %arg1, %mul3A : i32
    %add3A = arith.addi %mul3A_0, %arg0 : i32
    %broadcast_in_dim3A = arith.constant 0.000000e+00 : f32
    %broadcast_in_dim3A_1 = vector.broadcast %broadcast_in_dim3A : f32 to vector<16xf32>
    %swap3A = arith.constant 0 : index
    %swap3A_2 = tpu.vector_load %arg43[%swap3A] {strides = array<i32>} : memref<80xf32, #tpu.memory_space<vmem>>, vector<16xf32>,
    %swap3A_3 = vector.shape_cast %swap3A_2 : vector<16xf32> to vector<16xf32>
    %swap3A_4 = vector.shape_cast %broadcast_in_dim3A_1 : vector<16xf32> to vector<16xf32>
    tpu.vector_store %arg43[%swap3A], %swap3A_4 {strides = array<i32>} : memref<80xf32, #tpu.memory_space<vmem>>, vector<16xf32>,
    %broadcast_in_dim3A_5 = arith.constant 0.000000e+00 : f32
    %broadcast_in_dim3A_6 = vector.broadcast %broadcast_in_dim3A_5 : f32 to vector<16xf32>
    %swap3A_7 = arith.constant 16 : index
    %swap3A_8 = tpu.vector_load %arg43[%swap3A_7] {strides = array<i32>} : memref<80xf32, #tpu.memory_space<vmem>>, vector<16xf32>,
    %swap3A_9 = vector.shape_cast %swap3A_8 : vector<16xf32> to vector<16xf32>
    %swap3A_10 = vector.shape_cast %broadcast_in_dim3A_6 : vector<16xf32> to vector<16xf32>
    tpu.vector_store %arg43[%swap3A_7], %swap3A_10 {strides = array<i32>} : memref<80xf32, #tpu.memory_space<vmem>>, vector<16xf32>,
    %broadcast_in_dim3A_11 = arith.constant 0.000000e+00 : f32
    %broadcast_in_dim3A_12 = vector.broadcast %broadcast_in_dim3A_11 : f32 to vector<16xf32>
    %swap3A_13 = arith.constant 32 : index
    %swap3A_14 = tpu.vector_load %arg43[%swap3A_13] {strides = array<i32>} : memref<80xf32, #tpu.memory_space<vmem>>, vector<16xf32>,
    %swap3A_15 = vector.shape_cast %swap3A_14 : vector<16xf32> to vector<16xf32>
    %swap3A_16 = vector.shape_cast %broadcast_in_dim3A_12 : vector<16xf32> to vector<16xf32>
    tpu.vector_store %arg43[%swap3A_13], %swap3A_16 {strides = array<i32>} : memref<80xf32, #tpu.memory_space<vmem>>, vector<16xf32>,
    %broadcast_in_dim3A_17 = arith.constant 0.000000e+00 : f32
    %broadcast_in_dim3A_18 = vector.broadcast %broadcast_in_dim3A_17 : f32 to vector<16xf32>
    %swap3A_19 = arith.constant 48 : index
    %swap3A_20 = tpu.vector_load %arg43[%swap3A_19] {strides = array<i32>} : memref<80xf32, #tpu.memory_space<vmem>>, vector<16xf32>,
    %swap3A_21 = vector.shape_cast %swap3A_20 : vector<16xf32> to vector<16xf32>
    %swap3A_22 = vector.shape_cast %broadcast_in_dim3A_18 : vector<16xf32> to vector<16xf32>
    tpu.vector_store %arg43[%swap3A_19], %swap3A_22 {strides = array<i32>} : memref<80xf32, #tpu.memory_space<vmem>>, vector<16xf32>,
    %broadcast_in_dim3A_23 = arith.constant 0.000000e+00 : f32
    %broadcast_in_dim3A_24 = vector.broadcast %broadcast_in_dim3A_23 : f32 to vector<16xf32>
    %swap3A_25 = arith.constant 64 : index
    %swap3A_26 = tpu.vector_load %arg43[%swap3A_25] {strides = array<i32>} : memref<80xf32, #tpu.memory_space<vmem>>, vector<16xf32>,
    %swap3A_27 = vector.shape_cast %swap3A_26 : vector<16xf32> to vector<16xf32>
    %swap3A_28 = vector.shape_cast %broadcast_in_dim3A_24 : vector<16xf32> to vector<16xf32>
    tpu.vector_store %arg43[%swap3A_25], %swap3A_28 {strides = array<i32>} : memref<80xf32, #tpu.memory_space<vmem>>, vector<16xf32>,
    %mul3A_29 = arith.constant 640 : i32
    %mul3A_30 = arith.muli %arg1, %mul3A_29 : i32
    %scan3A = arith.constant 0 : i32
    %scan3A_31 = arith.constant 0 : i32
    %scan3A_32 = arith.constant 8 : i32
    %scan3A_33 = arith.addi %scan3A_31, %scan3A_32 : i32
    %scan3A_34 = arith.constant 1 : i32
    scf.for %scan3A_236 = %scan3A_31 to %scan3A_33 step %scan3A_34  : i32 {
      %mul3A_237 = arith.constant 80 : i32
      %mul3A_238 = arith.muli %scan3A_236, %mul3A_237 : i32
      %add3A_239 = arith.addi %mul3A_30, %mul3A_238 : i32
      "tpu.region"() ({
        %run_scoped3A = tpu.sem_alloc : memref<!tpu.dma_semaphore, #tpu.memory_space<semaphore_mem>>
        %dma_start3A_243 = tpu.memref_slice %arg56[%add3A_239] : memref<10240xf32, #tpu.memory_space<vmem_shared>> -> memref<80xf32, #tpu.memory_space<vmem_shared>>
        %dma_start3A_244 = tpu.memref_slice %arg56[%add3A_239] : memref<10240xf32, #tpu.memory_space<vmem_shared>> -> memref<80xf32, #tpu.memory_space<vmem_shared>>
        tpu.enqueue_dma source(%arg43 : memref<80xf32, #tpu.memory_space<vmem>>) target(%dma_start3A_244 : memref<80xf32, #tpu.memory_space<vmem_shared>>) target_semaphore(%run_scoped3A : memref<!tpu.dma_semaphore, #tpu.memory_space<semaphore_mem>>)
        %dma_wait3A_245 = tpu.memref_slice %arg56[%add3A_239] : memref<10240xf32, #tpu.memory_space<vmem_shared>> -> memref<80xf32, #tpu.memory_space<vmem_shared>>
        %dma_wait3A_246 = tpu.memref_slice %arg56[%add3A_239] : memref<10240xf32, #tpu.memory_space<vmem_shared>> -> memref<80xf32, #tpu.memory_space<vmem_shared>>
        tpu.wait_dma2 semaphore(%run_scoped3A : memref<!tpu.dma_semaphore, #tpu.memory_space<semaphore_mem>>) src(%arg43 : memref<80xf32, #tpu.memory_space<vmem>>) dst(%dma_wait3A_246 : memref<80xf32, #tpu.memory_space<vmem_shared>>)
        tpu.yield
      }) : () -> ()
      %mul3A_240 = arith.constant 80 : i32
      %mul3A_241 = arith.muli %scan3A_236, %mul3A_240 : i32
      %add3A_242 = arith.addi %mul3A_30, %mul3A_241 : i32
      "tpu.region"() ({
        %run_scoped3A = tpu.sem_alloc : memref<!tpu.dma_semaphore, #tpu.memory_space<semaphore_mem>>
        %dma_start3A_243 = tpu.memref_slice %arg57[%add3A_242] : memref<10240xf32, #tpu.memory_space<vmem_shared>> -> memref<80xf32, #tpu.memory_space<vmem_shared>>
        %dma_start3A_244 = tpu.memref_slice %arg57[%add3A_242] : memref<10240xf32, #tpu.memory_space<vmem_shared>> -> memref<80xf32, #tpu.memory_space<vmem_shared>>
        tpu.enqueue_dma source(%arg43 : memref<80xf32, #tpu.memory_space<vmem>>) target(%dma_start3A_244 : memref<80xf32, #tpu.memory_space<vmem_shared>>) target_semaphore(%run_scoped3A : memref<!tpu.dma_semaphore, #tpu.memory_space<semaphore_mem>>)
        %dma_wait3A_245 = tpu.memref_slice %arg57[%add3A_242] : memref<10240xf32, #tpu.memory_space<vmem_shared>> -> memref<80xf32, #tpu.memory_space<vmem_shared>>
        %dma_wait3A_246 = tpu.memref_slice %arg57[%add3A_242] : memref<10240xf32, #tpu.memory_space<vmem_shared>> -> memref<80xf32, #tpu.memory_space<vmem_shared>>
        tpu.wait_dma2 semaphore(%run_scoped3A : memref<!tpu.dma_semaphore, #tpu.memory_space<semaphore_mem>>) src(%arg43 : memref<80xf32, #tpu.memory_space<vmem>>) dst(%dma_wait3A_246 : memref<80xf32, #tpu.memory_space<vmem_shared>>)
        tpu.yield
      }) : () -> ()
    }
    %scan3A_35 = arith.constant 8 : i32
    %mul3A_36 = arith.constant 10000 : i32
    %mul3A_37 = arith.muli %add3A, %mul3A_36 : i32
    "tpu.region"() ({
      %run_scoped3A = tpu.sem_alloc : memref<!tpu.dma_semaphore, #tpu.memory_space<semaphore_mem>>
      %dma_start3A_236 = tpu.memref_slice %arg2[%mul3A_37] : memref<320000xi32, #tpu.memory_space<hbm>> -> memref<10000xi32, #tpu.memory_space<hbm>>
      %dma_start3A_237 = tpu.memref_slice %arg2[%mul3A_37] : memref<320000xi32, #tpu.memory_space<hbm>> -> memref<10000xi32, #tpu.memory_space<hbm>>
      tpu.enqueue_dma source(%dma_start3A_237 : memref<10000xi32, #tpu.memory_space<hbm>>) target(%arg12 : memref<10000xi32, #tpu.memory_space<vmem>>) target_semaphore(%run_scoped3A : memref<!tpu.dma_semaphore, #tpu.memory_space<semaphore_mem>>)
      %dma_wait3A_238 = tpu.memref_slice %arg2[%mul3A_37] : memref<320000xi32, #tpu.memory_space<hbm>> -> memref<10000xi32, #tpu.memory_space<hbm>>
      %dma_wait3A_239 = tpu.memref_slice %arg2[%mul3A_37] : memref<320000xi32, #tpu.memory_space<hbm>> -> memref<10000xi32, #tpu.memory_space<hbm>>
      tpu.wait_dma2 semaphore(%run_scoped3A : memref<!tpu.dma_semaphore, #tpu.memory_space<semaphore_mem>>) src(%dma_wait3A_239 : memref<10000xi32, #tpu.memory_space<hbm>>) dst(%arg12 : memref<10000xi32, #tpu.memory_space<vmem>>)
      tpu.yield
    }) : () -> ()
    %eq3A = arith.constant 0 : i32
    %eq3A_38 = arith.cmpi eq, %arg1, %eq3A : i32
    %convert_element_type3A = arith.extui %eq3A_38 : i1 to i32
    %cond3A = arith.constant 0 : i32
    %cond3A_39 = arith.cmpi ne, %convert_element_type3A, %cond3A : i32
    scf.if %cond3A_39 {
      "tpu.region"() ({
        %run_scoped3A = tpu.sem_alloc : memref<!tpu.dma_semaphore, #tpu.memory_space<semaphore_mem>>
        %dma_start3A_236 = arith.constant 0 : i32
        %dma_start3A_237 = tpu.memref_slice %arg43[%dma_start3A_236] : memref<80xf32, #tpu.memory_space<vmem>> -> memref<64xf32, #tpu.memory_space<vmem>>
        %dma_start3A_238 = arith.constant 0 : i32
        %dma_start3A_239 = tpu.memref_slice %arg43[%dma_start3A_238] : memref<80xf32, #tpu.memory_space<vmem>> -> memref<64xf32, #tpu.memory_space<vmem>>
        tpu.enqueue_dma source(%dma_start3A_239 : memref<64xf32, #tpu.memory_space<vmem>>) target(%arg58 : memref<64xf32, #tpu.memory_space<vmem_shared>>) target_semaphore(%run_scoped3A : memref<!tpu.dma_semaphore, #tpu.memory_space<semaphore_mem>>)
        %dma_wait3A_240 = arith.constant 0 : i32
        %dma_wait3A_241 = tpu.memref_slice %arg43[%dma_wait3A_240] : memref<80xf32, #tpu.memory_space<vmem>> -> memref<64xf32, #tpu.memory_space<vmem>>
        %dma_wait3A_242 = arith.constant 0 : i32
        %dma_wait3A_243 = tpu.memref_slice %arg43[%dma_wait3A_242] : memref<80xf32, #tpu.memory_space<vmem>> -> memref<64xf32, #tpu.memory_space<vmem>>
        tpu.wait_dma2 semaphore(%run_scoped3A : memref<!tpu.dma_semaphore, #tpu.memory_space<semaphore_mem>>) src(%dma_wait3A_243 : memref<64xf32, #tpu.memory_space<vmem>>) dst(%arg58 : memref<64xf32, #tpu.memory_space<vmem_shared>>)
        tpu.yield
      }) : () -> ()
      "tpu.region"() ({
        %run_scoped3A = tpu.sem_alloc : memref<!tpu.dma_semaphore, #tpu.memory_space<semaphore_mem>>
        %dma_start3A_236 = arith.constant 0 : i32
        %dma_start3A_237 = tpu.memref_slice %arg43[%dma_start3A_236] : memref<80xf32, #tpu.memory_space<vmem>> -> memref<64xf32, #tpu.memory_space<vmem>>
        %dma_start3A_238 = arith.constant 0 : i32
        %dma_start3A_239 = tpu.memref_slice %arg43[%dma_start3A_238] : memref<80xf32, #tpu.memory_space<vmem>> -> memref<64xf32, #tpu.memory_space<vmem>>
        tpu.enqueue_dma source(%dma_start3A_239 : memref<64xf32, #tpu.memory_space<vmem>>) target(%arg59 : memref<64xf32, #tpu.memory_space<vmem_shared>>) target_semaphore(%run_scoped3A : memref<!tpu.dma_semaphore, #tpu.memory_space<semaphore_mem>>)
        %dma_wait3A_240 = arith.constant 0 : i32
        %dma_wait3A_241 = tpu.memref_slice %arg43[%dma_wait3A_240] : memref<80xf32, #tpu.memory_space<vmem>> -> memref<64xf32, #tpu.memory_space<vmem>>
        %dma_wait3A_242 = arith.constant 0 : i32
        %dma_wait3A_243 = tpu.memref_slice %arg43[%dma_wait3A_242] : memref<80xf32, #tpu.memory_space<vmem>> -> memref<64xf32, #tpu.memory_space<vmem>>
        tpu.wait_dma2 semaphore(%run_scoped3A : memref<!tpu.dma_semaphore, #tpu.memory_space<semaphore_mem>>) src(%dma_wait3A_243 : memref<64xf32, #tpu.memory_space<vmem>>) dst(%arg59 : memref<64xf32, #tpu.memory_space<vmem_shared>>)
        tpu.yield
      }) : () -> ()
    } else {
    }
    %barrier3A = arith.constant 0 : index
    tpu.barrier barrier_id(%barrier3A)
    %add3A_40 = arith.constant 0 : i32
    %add3A_41 = arith.addi %mul3A_37, %add3A_40 : i32
    %dma_start3A = tpu.memref_slice %arg3[%add3A_41] : memref<320000xi32, #tpu.memory_space<hbm>> -> memref<80xi32, #tpu.memory_space<hbm>>
    %dma_start3A_42 = tpu.memref_slice %arg3[%add3A_41] : memref<320000xi32, #tpu.memory_space<hbm>> -> memref<80xi32, #tpu.memory_space<hbm>>
    tpu.enqueue_dma source(%dma_start3A_42 : memref<80xi32, #tpu.memory_space<hbm>>) target(%arg33 : memref<80xi32, #tpu.memory_space<vmem>>) target_semaphore(%arg60 : memref<!tpu.dma_semaphore, #tpu.memory_space<semaphore_mem>>)
    %dma_start3A_43 = arith.constant 0 : i32
    %dma_start3A_44 = tpu.memref_slice %arg12[%dma_start3A_43] : memref<10000xi32, #tpu.memory_space<vmem>> -> memref<80xi32, #tpu.memory_space<vmem>>
    %dma_start3A_45 = arith.constant 0 : i32
    %dma_start3A_46 = tpu.memref_slice %arg4[%dma_start3A_45] : memref<10240xf32, #tpu.memory_space<hbm>> -> memref<10240xf32, #tpu.memory_space<hbm>>
    tpu.enqueue_indirect_dma source(%dma_start3A_46 : memref<10240xf32, #tpu.memory_space<hbm>>) target(%arg13 : memref<80xf32, #tpu.memory_space<vmem>>) offsets(%dma_start3A_44 : memref<80xi32, #tpu.memory_space<vmem>>) semaphore(%arg60 : memref<!tpu.dma_semaphore, #tpu.memory_space<semaphore_mem>>)
    %dma_start3A_47 = arith.constant 0 : i32
    %dma_start3A_48 = tpu.memref_slice %arg12[%dma_start3A_47] : memref<10000xi32, #tpu.memory_space<vmem>> -> memref<80xi32, #tpu.memory_space<vmem>>
    %dma_start3A_49 = arith.constant 0 : i32
    %dma_start3A_50 = tpu.memref_slice %arg5[%dma_start3A_49] : memref<10240xf32, #tpu.memory_space<hbm>> -> memref<10240xf32, #tpu.memory_space<hbm>>
    tpu.enqueue_indirect_dma source(%dma_start3A_50 : memref<10240xf32, #tpu.memory_space<hbm>>) target(%arg23 : memref<80xf32, #tpu.memory_space<vmem>>) offsets(%dma_start3A_48 : memref<80xi32, #tpu.memory_space<vmem>>) semaphore(%arg60 : memref<!tpu.dma_semaphore, #tpu.memory_space<semaphore_mem>>)
    %add3A_51 = arith.constant 80 : i32
    %add3A_52 = arith.addi %mul3A_37, %add3A_51 : i32
    %dma_start3A_53 = tpu.memref_slice %arg3[%add3A_52] : memref<320000xi32, #tpu.memory_space<hbm>> -> memref<80xi32, #tpu.memory_space<hbm>>
    %dma_start3A_54 = tpu.memref_slice %arg3[%add3A_52] : memref<320000xi32, #tpu.memory_space<hbm>> -> memref<80xi32, #tpu.memory_space<hbm>>
    tpu.enqueue_dma source(%dma_start3A_54 : memref<80xi32, #tpu.memory_space<hbm>>) target(%arg34 : memref<80xi32, #tpu.memory_space<vmem>>) target_semaphore(%arg60 : memref<!tpu.dma_semaphore, #tpu.memory_space<semaphore_mem>>)
    %dma_start3A_55 = arith.constant 80 : i32
    %dma_start3A_56 = tpu.memref_slice %arg12[%dma_start3A_55] : memref<10000xi32, #tpu.memory_space<vmem>> -> memref<80xi32, #tpu.memory_space<vmem>>
    %dma_start3A_57 = arith.constant 0 : i32
    %dma_start3A_58 = tpu.memref_slice %arg4[%dma_start3A_57] : memref<10240xf32, #tpu.memory_space<hbm>> -> memref<10240xf32, #tpu.memory_space<hbm>>
    tpu.enqueue_indirect_dma source(%dma_start3A_58 : memref<10240xf32, #tpu.memory_space<hbm>>) target(%arg14 : memref<80xf32, #tpu.memory_space<vmem>>) offsets(%dma_start3A_56 : memref<80xi32, #tpu.memory_space<vmem>>) semaphore(%arg60 : memref<!tpu.dma_semaphore, #tpu.memory_space<semaphore_mem>>)
    %dma_start3A_59 = arith.constant 80 : i32
    %dma_start3A_60 = tpu.memref_slice %arg12[%dma_start3A_59] : memref<10000xi32, #tpu.memory_space<vmem>> -> memref<80xi32, #tpu.memory_space<vmem>>
    %dma_start3A_61 = arith.constant 0 : i32
    %dma_start3A_62 = tpu.memref_slice %arg5[%dma_start3A_61] : memref<10240xf32, #tpu.memory_space<hbm>> -> memref<10240xf32, #tpu.memory_space<hbm>>
    tpu.enqueue_indirect_dma source(%dma_start3A_62 : memref<10240xf32, #tpu.memory_space<hbm>>) target(%arg24 : memref<80xf32, #tpu.memory_space<vmem>>) offsets(%dma_start3A_60 : memref<80xi32, #tpu.memory_space<vmem>>) semaphore(%arg60 : memref<!tpu.dma_semaphore, #tpu.memory_space<semaphore_mem>>)
    %add3A_63 = arith.constant 160 : i32
    %add3A_64 = arith.addi %mul3A_37, %add3A_63 : i32
    %dma_start3A_65 = tpu.memref_slice %arg3[%add3A_64] : memref<320000xi32, #tpu.memory_space<hbm>> -> memref<80xi32, #tpu.memory_space<hbm>>
    %dma_start3A_66 = tpu.memref_slice %arg3[%add3A_64] : memref<320000xi32, #tpu.memory_space<hbm>> -> memref<80xi32, #tpu.memory_space<hbm>>
    tpu.enqueue_dma source(%dma_start3A_66 : memref<80xi32, #tpu.memory_space<hbm>>) target(%arg35 : memref<80xi32, #tpu.memory_space<vmem>>) target_semaphore(%arg60 : memref<!tpu.dma_semaphore, #tpu.memory_space<semaphore_mem>>)
    %dma_start3A_67 = arith.constant 160 : i32
    %dma_start3A_68 = tpu.memref_slice %arg12[%dma_start3A_67] : memref<10000xi32, #tpu.memory_space<vmem>> -> memref<80xi32, #tpu.memory_space<vmem>>
    %dma_start3A_69 = arith.constant 0 : i32
    %dma_start3A_70 = tpu.memref_slice %arg4[%dma_start3A_69] : memref<10240xf32, #tpu.memory_space<hbm>> -> memref<10240xf32, #tpu.memory_space<hbm>>
    tpu.enqueue_indirect_dma source(%dma_start3A_70 : memref<10240xf32, #tpu.memory_space<hbm>>) target(%arg15 : memref<80xf32, #tpu.memory_space<vmem>>) offsets(%dma_start3A_68 : memref<80xi32, #tpu.memory_space<vmem>>) semaphore(%arg60 : memref<!tpu.dma_semaphore, #tpu.memory_space<semaphore_mem>>)
    %dma_start3A_71 = arith.constant 160 : i32
    %dma_start3A_72 = tpu.memref_slice %arg12[%dma_start3A_71] : memref<10000xi32, #tpu.memory_space<vmem>> -> memref<80xi32, #tpu.memory_space<vmem>>
    %dma_start3A_73 = arith.constant 0 : i32
    %dma_start3A_74 = tpu.memref_slice %arg5[%dma_start3A_73] : memref<10240xf32, #tpu.memory_space<hbm>> -> memref<10240xf32, #tpu.memory_space<hbm>>
    tpu.enqueue_indirect_dma source(%dma_start3A_74 : memref<10240xf32, #tpu.memory_space<hbm>>) target(%arg25 : memref<80xf32, #tpu.memory_space<vmem>>) offsets(%dma_start3A_72 : memref<80xi32, #tpu.memory_space<vmem>>) semaphore(%arg60 : memref<!tpu.dma_semaphore, #tpu.memory_space<semaphore_mem>>)
    %add3A_75 = arith.constant 240 : i32
    %add3A_76 = arith.addi %mul3A_37, %add3A_75 : i32
    %dma_start3A_77 = tpu.memref_slice %arg3[%add3A_76] : memref<320000xi32, #tpu.memory_space<hbm>> -> memref<80xi32, #tpu.memory_space<hbm>>
    %dma_start3A_78 = tpu.memref_slice %arg3[%add3A_76] : memref<320000xi32, #tpu.memory_space<hbm>> -> memref<80xi32, #tpu.memory_space<hbm>>
    tpu.enqueue_dma source(%dma_start3A_78 : memref<80xi32, #tpu.memory_space<hbm>>) target(%arg36 : memref<80xi32, #tpu.memory_space<vmem>>) target_semaphore(%arg60 : memref<!tpu.dma_semaphore, #tpu.memory_space<semaphore_mem>>)
    %dma_start3A_79 = arith.constant 240 : i32
    %dma_start3A_80 = tpu.memref_slice %arg12[%dma_start3A_79] : memref<10000xi32, #tpu.memory_space<vmem>> -> memref<80xi32, #tpu.memory_space<vmem>>
    %dma_start3A_81 = arith.constant 0 : i32
    %dma_start3A_82 = tpu.memref_slice %arg4[%dma_start3A_81] : memref<10240xf32, #tpu.memory_space<hbm>> -> memref<10240xf32, #tpu.memory_space<hbm>>
    tpu.enqueue_indirect_dma source(%dma_start3A_82 : memref<10240xf32, #tpu.memory_space<hbm>>) target(%arg16 : memref<80xf32, #tpu.memory_space<vmem>>) offsets(%dma_start3A_80 : memref<80xi32, #tpu.memory_space<vmem>>) semaphore(%arg60 : memref<!tpu.dma_semaphore, #tpu.memory_space<semaphore_mem>>)
    %dma_start3A_83 = arith.constant 240 : i32
    %dma_start3A_84 = tpu.memref_slice %arg12[%dma_start3A_83] : memref<10000xi32, #tpu.memory_space<vmem>> -> memref<80xi32, #tpu.memory_space<vmem>>
    %dma_start3A_85 = arith.constant 0 : i32
    %dma_start3A_86 = tpu.memref_slice %arg5[%dma_start3A_85] : memref<10240xf32, #tpu.memory_space<hbm>> -> memref<10240xf32, #tpu.memory_space<hbm>>
    tpu.enqueue_indirect_dma source(%dma_start3A_86 : memref<10240xf32, #tpu.memory_space<hbm>>) target(%arg26 : memref<80xf32, #tpu.memory_space<vmem>>) offsets(%dma_start3A_84 : memref<80xi32, #tpu.memory_space<vmem>>) semaphore(%arg60 : memref<!tpu.dma_semaphore, #tpu.memory_space<semaphore_mem>>)
    %add3A_87 = arith.constant 320 : i32
    %add3A_88 = arith.addi %mul3A_37, %add3A_87 : i32
    %dma_start3A_89 = tpu.memref_slice %arg3[%add3A_88] : memref<320000xi32, #tpu.memory_space<hbm>> -> memref<80xi32, #tpu.memory_space<hbm>>
    %dma_start3A_90 = tpu.memref_slice %arg3[%add3A_88] : memref<320000xi32, #tpu.memory_space<hbm>> -> memref<80xi32, #tpu.memory_space<hbm>>
    tpu.enqueue_dma source(%dma_start3A_90 : memref<80xi32, #tpu.memory_space<hbm>>) target(%arg37 : memref<80xi32, #tpu.memory_space<vmem>>) target_semaphore(%arg60 : memref<!tpu.dma_semaphore, #tpu.memory_space<semaphore_mem>>)
    %dma_start3A_91 = arith.constant 320 : i32
    %dma_start3A_92 = tpu.memref_slice %arg12[%dma_start3A_91] : memref<10000xi32, #tpu.memory_space<vmem>> -> memref<80xi32, #tpu.memory_space<vmem>>
    %dma_start3A_93 = arith.constant 0 : i32
    %dma_start3A_94 = tpu.memref_slice %arg4[%dma_start3A_93] : memref<10240xf32, #tpu.memory_space<hbm>> -> memref<10240xf32, #tpu.memory_space<hbm>>
    tpu.enqueue_indirect_dma source(%dma_start3A_94 : memref<10240xf32, #tpu.memory_space<hbm>>) target(%arg17 : memref<80xf32, #tpu.memory_space<vmem>>) offsets(%dma_start3A_92 : memref<80xi32, #tpu.memory_space<vmem>>) semaphore(%arg60 : memref<!tpu.dma_semaphore, #tpu.memory_space<semaphore_mem>>)
    %dma_start3A_95 = arith.constant 320 : i32
    %dma_start3A_96 = tpu.memref_slice %arg12[%dma_start3A_95] : memref<10000xi32, #tpu.memory_space<vmem>> -> memref<80xi32, #tpu.memory_space<vmem>>
    %dma_start3A_97 = arith.constant 0 : i32
    %dma_start3A_98 = tpu.memref_slice %arg5[%dma_start3A_97] : memref<10240xf32, #tpu.memory_space<hbm>> -> memref<10240xf32, #tpu.memory_space<hbm>>
    tpu.enqueue_indirect_dma source(%dma_start3A_98 : memref<10240xf32, #tpu.memory_space<hbm>>) target(%arg27 : memref<80xf32, #tpu.memory_space<vmem>>) offsets(%dma_start3A_96 : memref<80xi32, #tpu.memory_space<vmem>>) semaphore(%arg60 : memref<!tpu.dma_semaphore, #tpu.memory_space<semaphore_mem>>)
    %scan3A_99 = arith.constant 0 : i32
    %scan3A_100 = arith.constant 0 : i32
    %scan3A_101 = arith.constant 12 : i32
    %scan3A_102 = arith.addi %scan3A_100, %scan3A_101 : i32
    %scan3A_103 = arith.constant 1 : i32
    scf.for %scan3A_236 = %scan3A_100 to %scan3A_102 step %scan3A_103  : i32 {
      %mul3A_237 = arith.constant 2 : i32
      %mul3A_238 = arith.muli %mul3A_237, %scan3A_236 : i32
      %mul3A_239 = arith.constant 5 : i32
      %mul3A_240 = arith.muli %mul3A_238, %mul3A_239 : i32
      %mul3A_241 = arith.constant 2 : i32
      %mul3A_242 = arith.muli %mul3A_241, %scan3A_236 : i32
      %add3A_243 = arith.constant 1 : i32
      %add3A_244 = arith.addi %mul3A_242, %add3A_243 : i32
      %mul3A_245 = arith.constant 5 : i32
      %mul3A_246 = arith.muli %add3A_244, %mul3A_245 : i32
      %mul3A_247 = arith.constant 2 : i32
      %mul3A_248 = arith.muli %mul3A_247, %scan3A_236 : i32
      %add3A_249 = arith.constant 2 : i32
      %add3A_250 = arith.addi %mul3A_248, %add3A_249 : i32
      %mul3A_251 = arith.constant 5 : i32
      %mul3A_252 = arith.muli %add3A_250, %mul3A_251 : i32
      %add3A_253 = arith.constant 0 : i32
      %add3A_254 = arith.addi %mul3A_240, %add3A_253 : i32
      %mul3A_255 = arith.constant 80 : i32
      %mul3A_256 = arith.muli %add3A_254, %mul3A_255 : i32
      %add3A_257 = arith.addi %mul3A_37, %mul3A_256 : i32
      %dma_wait3A_258 = tpu.memref_slice %arg3[%add3A_257] : memref<320000xi32, #tpu.memory_space<hbm>> -> memref<80xi32, #tpu.memory_space<hbm>>
      %dma_wait3A_259 = tpu.memref_slice %arg3[%add3A_257] : memref<320000xi32, #tpu.memory_space<hbm>> -> memref<80xi32, #tpu.memory_space<hbm>>
      tpu.wait_dma2 semaphore(%arg60 : memref<!tpu.dma_semaphore, #tpu.memory_space<semaphore_mem>>) src(%dma_wait3A_259 : memref<80xi32, #tpu.memory_space<hbm>>) dst(%arg33 : memref<80xi32, #tpu.memory_space<vmem>>)
      %mul3A_260 = arith.constant 80 : i32
      %mul3A_261 = arith.muli %add3A_254, %mul3A_260 : i32
      %dma_wait3A_262 = tpu.memref_slice %arg12[%mul3A_261] : memref<10000xi32, #tpu.memory_space<vmem>> -> memref<80xi32, #tpu.memory_space<vmem>>
      %dma_wait3A_263 = arith.constant 0 : i32
      %dma_wait3A_264 = tpu.memref_slice %arg4[%dma_wait3A_263] : memref<10240xf32, #tpu.memory_space<hbm>> -> memref<10240xf32, #tpu.memory_space<hbm>>
      tpu.wait_indirect_dma semaphore(%arg60 : memref<!tpu.dma_semaphore, #tpu.memory_space<semaphore_mem>>) src(%dma_wait3A_264 : memref<10240xf32, #tpu.memory_space<hbm>>) dst(%arg13 : memref<80xf32, #tpu.memory_space<vmem>>)
      %mul3A_265 = arith.constant 80 : i32
      %mul3A_266 = arith.muli %add3A_254, %mul3A_265 : i32
      %dma_wait3A_267 = tpu.memref_slice %arg12[%mul3A_266] : memref<10000xi32, #tpu.memory_space<vmem>> -> memref<80xi32, #tpu.memory_space<vmem>>
      %dma_wait3A_268 = arith.constant 0 : i32
      %dma_wait3A_269 = tpu.memref_slice %arg5[%dma_wait3A_268] : memref<10240xf32, #tpu.memory_space<hbm>> -> memref<10240xf32, #tpu.memory_space<hbm>>
      tpu.wait_indirect_dma semaphore(%arg60 : memref<!tpu.dma_semaphore, #tpu.memory_space<semaphore_mem>>) src(%dma_wait3A_269 : memref<10240xf32, #tpu.memory_space<hbm>>) dst(%arg23 : memref<80xf32, #tpu.memory_space<vmem>>)
      %add3A_270 = arith.constant 1 : i32
      %add3A_271 = arith.addi %mul3A_240, %add3A_270 : i32
      %mul3A_272 = arith.constant 80 : i32
      %mul3A_273 = arith.muli %add3A_271, %mul3A_272 : i32
      %add3A_274 = arith.addi %mul3A_37, %mul3A_273 : i32
      %dma_wait3A_275 = tpu.memref_slice %arg3[%add3A_274] : memref<320000xi32, #tpu.memory_space<hbm>> -> memref<80xi32, #tpu.memory_space<hbm>>
      %dma_wait3A_276 = tpu.memref_slice %arg3[%add3A_274] : memref<320000xi32, #tpu.memory_space<hbm>> -> memref<80xi32, #tpu.memory_space<hbm>>
      tpu.wait_dma2 semaphore(%arg60 : memref<!tpu.dma_semaphore, #tpu.memory_space<semaphore_mem>>) src(%dma_wait3A_276 : memref<80xi32, #tpu.memory_space<hbm>>) dst(%arg34 : memref<80xi32, #tpu.memory_space<vmem>>)
      %mul3A_277 = arith.constant 80 : i32
      %mul3A_278 = arith.muli %add3A_271, %mul3A_277 : i32
      %dma_wait3A_279 = tpu.memref_slice %arg12[%mul3A_278] : memref<10000xi32, #tpu.memory_space<vmem>> -> memref<80xi32, #tpu.memory_space<vmem>>
      %dma_wait3A_280 = arith.constant 0 : i32
      %dma_wait3A_281 = tpu.memref_slice %arg4[%dma_wait3A_280] : memref<10240xf32, #tpu.memory_space<hbm>> -> memref<10240xf32, #tpu.memory_space<hbm>>
      tpu.wait_indirect_dma semaphore(%arg60 : memref<!tpu.dma_semaphore, #tpu.memory_space<semaphore_mem>>) src(%dma_wait3A_281 : memref<10240xf32, #tpu.memory_space<hbm>>) dst(%arg14 : memref<80xf32, #tpu.memory_space<vmem>>)
      %mul3A_282 = arith.constant 80 : i32
      %mul3A_283 = arith.muli %add3A_271, %mul3A_282 : i32
      %dma_wait3A_284 = tpu.memref_slice %arg12[%mul3A_283] : memref<10000xi32, #tpu.memory_space<vmem>> -> memref<80xi32, #tpu.memory_space<vmem>>
      %dma_wait3A_285 = arith.constant 0 : i32
      %dma_wait3A_286 = tpu.memref_slice %arg5[%dma_wait3A_285] : memref<10240xf32, #tpu.memory_space<hbm>> -> memref<10240xf32, #tpu.memory_space<hbm>>
      tpu.wait_indirect_dma semaphore(%arg60 : memref<!tpu.dma_semaphore, #tpu.memory_space<semaphore_mem>>) src(%dma_wait3A_286 : memref<10240xf32, #tpu.memory_space<hbm>>) dst(%arg24 : memref<80xf32, #tpu.memory_space<vmem>>)
      %add3A_287 = arith.constant 2 : i32
      %add3A_288 = arith.addi %mul3A_240, %add3A_287 : i32
      %mul3A_289 = arith.constant 80 : i32
      %mul3A_290 = arith.muli %add3A_288, %mul3A_289 : i32
      %add3A_291 = arith.addi %mul3A_37, %mul3A_290 : i32
      %dma_wait3A_292 = tpu.memref_slice %arg3[%add3A_291] : memref<320000xi32, #tpu.memory_space<hbm>> -> memref<80xi32, #tpu.memory_space<hbm>>
      %dma_wait3A_293 = tpu.memref_slice %arg3[%add3A_291] : memref<320000xi32, #tpu.memory_space<hbm>> -> memref<80xi32, #tpu.memory_space<hbm>>
      tpu.wait_dma2 semaphore(%arg60 : memref<!tpu.dma_semaphore, #tpu.memory_space<semaphore_mem>>) src(%dma_wait3A_293 : memref<80xi32, #tpu.memory_space<hbm>>) dst(%arg35 : memref<80xi32, #tpu.memory_space<vmem>>)
      %mul3A_294 = arith.constant 80 : i32
      %mul3A_295 = arith.muli %add3A_288, %mul3A_294 : i32
      %dma_wait3A_296 = tpu.memref_slice %arg12[%mul3A_295] : memref<10000xi32, #tpu.memory_space<vmem>> -> memref<80xi32, #tpu.memory_space<vmem>>
      %dma_wait3A_297 = arith.constant 0 : i32
      %dma_wait3A_298 = tpu.memref_slice %arg4[%dma_wait3A_297] : memref<10240xf32, #tpu.memory_space<hbm>> -> memref<10240xf32, #tpu.memory_space<hbm>>
      tpu.wait_indirect_dma semaphore(%arg60 : memref<!tpu.dma_semaphore, #tpu.memory_space<semaphore_mem>>) src(%dma_wait3A_298 : memref<10240xf32, #tpu.memory_space<hbm>>) dst(%arg15 : memref<80xf32, #tpu.memory_space<vmem>>)
      %mul3A_299 = arith.constant 80 : i32
      %mul3A_300 = arith.muli %add3A_288, %mul3A_299 : i32
      %dma_wait3A_301 = tpu.memref_slice %arg12[%mul3A_300] : memref<10000xi32, #tpu.memory_space<vmem>> -> memref<80xi32, #tpu.memory_space<vmem>>
      %dma_wait3A_302 = arith.constant 0 : i32
      %dma_wait3A_303 = tpu.memref_slice %arg5[%dma_wait3A_302] : memref<10240xf32, #tpu.memory_space<hbm>> -> memref<10240xf32, #tpu.memory_space<hbm>>
      tpu.wait_indirect_dma semaphore(%arg60 : memref<!tpu.dma_semaphore, #tpu.memory_space<semaphore_mem>>) src(%dma_wait3A_303 : memref<10240xf32, #tpu.memory_space<hbm>>) dst(%arg25 : memref<80xf32, #tpu.memory_space<vmem>>)
      %add3A_304 = arith.constant 3 : i32
      %add3A_305 = arith.addi %mul3A_240, %add3A_304 : i32
      %mul3A_306 = arith.constant 80 : i32
      %mul3A_307 = arith.muli %add3A_305, %mul3A_306 : i32
      %add3A_308 = arith.addi %mul3A_37, %mul3A_307 : i32
      %dma_wait3A_309 = tpu.memref_slice %arg3[%add3A_308] : memref<320000xi32, #tpu.memory_space<hbm>> -> memref<80xi32, #tpu.memory_space<hbm>>
      %dma_wait3A_310 = tpu.memref_slice %arg3[%add3A_308] : memref<320000xi32, #tpu.memory_space<hbm>> -> memref<80xi32, #tpu.memory_space<hbm>>
      tpu.wait_dma2 semaphore(%arg60 : memref<!tpu.dma_semaphore, #tpu.memory_space<semaphore_mem>>) src(%dma_wait3A_310 : memref<80xi32, #tpu.memory_space<hbm>>) dst(%arg36 : memref<80xi32, #tpu.memory_space<vmem>>)
      %mul3A_311 = arith.constant 80 : i32
      %mul3A_312 = arith.muli %add3A_305, %mul3A_311 : i32
      %dma_wait3A_313 = tpu.memref_slice %arg12[%mul3A_312] : memref<10000xi32, #tpu.memory_space<vmem>> -> memref<80xi32, #tpu.memory_space<vmem>>
      %dma_wait3A_314 = arith.constant 0 : i32
      %dma_wait3A_315 = tpu.memref_slice %arg4[%dma_wait3A_314] : memref<10240xf32, #tpu.memory_space<hbm>> -> memref<10240xf32, #tpu.memory_space<hbm>>
      tpu.wait_indirect_dma semaphore(%arg60 : memref<!tpu.dma_semaphore, #tpu.memory_space<semaphore_mem>>) src(%dma_wait3A_315 : memref<10240xf32, #tpu.memory_space<hbm>>) dst(%arg16 : memref<80xf32, #tpu.memory_space<vmem>>)
      %mul3A_316 = arith.constant 80 : i32
      %mul3A_317 = arith.muli %add3A_305, %mul3A_316 : i32
      %dma_wait3A_318 = tpu.memref_slice %arg12[%mul3A_317] : memref<10000xi32, #tpu.memory_space<vmem>> -> memref<80xi32, #tpu.memory_space<vmem>>
      %dma_wait3A_319 = arith.constant 0 : i32
      %dma_wait3A_320 = tpu.memref_slice %arg5[%dma_wait3A_319] : memref<10240xf32, #tpu.memory_space<hbm>> -> memref<10240xf32, #tpu.memory_space<hbm>>
      tpu.wait_indirect_dma semaphore(%arg60 : memref<!tpu.dma_semaphore, #tpu.memory_space<semaphore_mem>>) src(%dma_wait3A_320 : memref<10240xf32, #tpu.memory_space<hbm>>) dst(%arg26 : memref<80xf32, #tpu.memory_space<vmem>>)
      %add3A_321 = arith.constant 4 : i32
      %add3A_322 = arith.addi %mul3A_240, %add3A_321 : i32
      %mul3A_323 = arith.constant 80 : i32
      %mul3A_324 = arith.muli %add3A_322, %mul3A_323 : i32
      %add3A_325 = arith.addi %mul3A_37, %mul3A_324 : i32
      %dma_wait3A_326 = tpu.memref_slice %arg3[%add3A_325] : memref<320000xi32, #tpu.memory_space<hbm>> -> memref<80xi32, #tpu.memory_space<hbm>>
      %dma_wait3A_327 = tpu.memref_slice %arg3[%add3A_325] : memref<320000xi32, #tpu.memory_space<hbm>> -> memref<80xi32, #tpu.memory_space<hbm>>
      tpu.wait_dma2 semaphore(%arg60 : memref<!tpu.dma_semaphore, #tpu.memory_space<semaphore_mem>>) src(%dma_wait3A_327 : memref<80xi32, #tpu.memory_space<hbm>>) dst(%arg37 : memref<80xi32, #tpu.memory_space<vmem>>)
      %mul3A_328 = arith.constant 80 : i32
      %mul3A_329 = arith.muli %add3A_322, %mul3A_328 : i32
      %dma_wait3A_330 = tpu.memref_slice %arg12[%mul3A_329] : memref<10000xi32, #tpu.memory_space<vmem>> -> memref<80xi32, #tpu.memory_space<vmem>>
      %dma_wait3A_331 = arith.constant 0 : i32
      %dma_wait3A_332 = tpu.memref_slice %arg4[%dma_wait3A_331] : memref<10240xf32, #tpu.memory_space<hbm>> -> memref<10240xf32, #tpu.memory_space<hbm>>
      tpu.wait_indirect_dma semaphore(%arg60 : memref<!tpu.dma_semaphore, #tpu.memory_space<semaphore_mem>>) src(%dma_wait3A_332 : memref<10240xf32, #tpu.memory_space<hbm>>) dst(%arg17 : memref<80xf32, #tpu.memory_space<vmem>>)
      %mul3A_333 = arith.constant 80 : i32
      %mul3A_334 = arith.muli %add3A_322, %mul3A_333 : i32
      %dma_wait3A_335 = tpu.memref_slice %arg12[%mul3A_334] : memref<10000xi32, #tpu.memory_space<vmem>> -> memref<80xi32, #tpu.memory_space<vmem>>
      %dma_wait3A_336 = arith.constant 0 : i32
      %dma_wait3A_337 = tpu.memref_slice %arg5[%dma_wait3A_336] : memref<10240xf32, #tpu.memory_space<hbm>> -> memref<10240xf32, #tpu.memory_space<hbm>>
      tpu.wait_indirect_dma semaphore(%arg60 : memref<!tpu.dma_semaphore, #tpu.memory_space<semaphore_mem>>) src(%dma_wait3A_337 : memref<10240xf32, #tpu.memory_space<hbm>>) dst(%arg27 : memref<80xf32, #tpu.memory_space<vmem>>)
      %add3A_338 = arith.constant 0 : i32
      %add3A_339 = arith.addi %mul3A_240, %add3A_338 : i32
      %dma_start3A_340 = arith.constant 0 : i32
      %dma_start3A_341 = tpu.memref_slice %arg56[%dma_start3A_340] : memref<10240xf32, #tpu.memory_space<vmem_shared>> -> memref<10240xf32, #tpu.memory_space<vmem_shared>>
      tpu.enqueue_indirect_dma source(%arg13 : memref<80xf32, #tpu.memory_space<vmem>>) target(%dma_start3A_341 : memref<10240xf32, #tpu.memory_space<vmem_shared>>) offsets(%arg33 : memref<80xi32, #tpu.memory_space<vmem>>) semaphore(%arg62 : memref<!tpu.dma_semaphore, #tpu.memory_space<semaphore_mem>>) {add = true}
      %dma_start3A_342 = arith.constant 0 : i32
      %dma_start3A_343 = tpu.memref_slice %arg57[%dma_start3A_342] : memref<10240xf32, #tpu.memory_space<vmem_shared>> -> memref<10240xf32, #tpu.memory_space<vmem_shared>>
      tpu.enqueue_indirect_dma source(%arg23 : memref<80xf32, #tpu.memory_space<vmem>>) target(%dma_start3A_343 : memref<10240xf32, #tpu.memory_space<vmem_shared>>) offsets(%arg33 : memref<80xi32, #tpu.memory_space<vmem>>) semaphore(%arg62 : memref<!tpu.dma_semaphore, #tpu.memory_space<semaphore_mem>>) {add = true}
      %add3A_344 = arith.constant 1 : i32
      %add3A_345 = arith.addi %mul3A_240, %add3A_344 : i32
      %dma_start3A_346 = arith.constant 0 : i32
      %dma_start3A_347 = tpu.memref_slice %arg56[%dma_start3A_346] : memref<10240xf32, #tpu.memory_space<vmem_shared>> -> memref<10240xf32, #tpu.memory_space<vmem_shared>>
      tpu.enqueue_indirect_dma source(%arg14 : memref<80xf32, #tpu.memory_space<vmem>>) target(%dma_start3A_347 : memref<10240xf32, #tpu.memory_space<vmem_shared>>) offsets(%arg34 : memref<80xi32, #tpu.memory_space<vmem>>) semaphore(%arg62 : memref<!tpu.dma_semaphore, #tpu.memory_space<semaphore_mem>>) {add = true}
      %dma_start3A_348 = arith.constant 0 : i32
      %dma_start3A_349 = tpu.memref_slice %arg57[%dma_start3A_348] : memref<10240xf32, #tpu.memory_space<vmem_shared>> -> memref<10240xf32, #tpu.memory_space<vmem_shared>>
      tpu.enqueue_indirect_dma source(%arg24 : memref<80xf32, #tpu.memory_space<vmem>>) target(%dma_start3A_349 : memref<10240xf32, #tpu.memory_space<vmem_shared>>) offsets(%arg34 : memref<80xi32, #tpu.memory_space<vmem>>) semaphore(%arg62 : memref<!tpu.dma_semaphore, #tpu.memory_space<semaphore_mem>>) {add = true}
      %add3A_350 = arith.constant 2 : i32
      %add3A_351 = arith.addi %mul3A_240, %add3A_350 : i32
      %dma_start3A_352 = arith.constant 0 : i32
      %dma_start3A_353 = tpu.memref_slice %arg56[%dma_start3A_352] : memref<10240xf32, #tpu.memory_space<vmem_shared>> -> memref<10240xf32, #tpu.memory_space<vmem_shared>>
      tpu.enqueue_indirect_dma source(%arg15 : memref<80xf32, #tpu.memory_space<vmem>>) target(%dma_start3A_353 : memref<10240xf32, #tpu.memory_space<vmem_shared>>) offsets(%arg35 : memref<80xi32, #tpu.memory_space<vmem>>) semaphore(%arg62 : memref<!tpu.dma_semaphore, #tpu.memory_space<semaphore_mem>>) {add = true}
      %dma_start3A_354 = arith.constant 0 : i32
      %dma_start3A_355 = tpu.memref_slice %arg57[%dma_start3A_354] : memref<10240xf32, #tpu.memory_space<vmem_shared>> -> memref<10240xf32, #tpu.memory_space<vmem_shared>>
      tpu.enqueue_indirect_dma source(%arg25 : memref<80xf32, #tpu.memory_space<vmem>>) target(%dma_start3A_355 : memref<10240xf32, #tpu.memory_space<vmem_shared>>) offsets(%arg35 : memref<80xi32, #tpu.memory_space<vmem>>) semaphore(%arg62 : memref<!tpu.dma_semaphore, #tpu.memory_space<semaphore_mem>>) {add = true}
      %add3A_356 = arith.constant 3 : i32
      %add3A_357 = arith.addi %mul3A_240, %add3A_356 : i32
      %dma_start3A_358 = arith.constant 0 : i32
      %dma_start3A_359 = tpu.memref_slice %arg56[%dma_start3A_358] : memref<10240xf32, #tpu.memory_space<vmem_shared>> -> memref<10240xf32, #tpu.memory_space<vmem_shared>>
      tpu.enqueue_indirect_dma source(%arg16 : memref<80xf32, #tpu.memory_space<vmem>>) target(%dma_start3A_359 : memref<10240xf32, #tpu.memory_space<vmem_shared>>) offsets(%arg36 : memref<80xi32, #tpu.memory_space<vmem>>) semaphore(%arg62 : memref<!tpu.dma_semaphore, #tpu.memory_space<semaphore_mem>>) {add = true}
      %dma_start3A_360 = arith.constant 0 : i32
      %dma_start3A_361 = tpu.memref_slice %arg57[%dma_start3A_360] : memref<10240xf32, #tpu.memory_space<vmem_shared>> -> memref<10240xf32, #tpu.memory_space<vmem_shared>>
      tpu.enqueue_indirect_dma source(%arg26 : memref<80xf32, #tpu.memory_space<vmem>>) target(%dma_start3A_361 : memref<10240xf32, #tpu.memory_space<vmem_shared>>) offsets(%arg36 : memref<80xi32, #tpu.memory_space<vmem>>) semaphore(%arg62 : memref<!tpu.dma_semaphore, #tpu.memory_space<semaphore_mem>>) {add = true}
      %add3A_362 = arith.constant 4 : i32
      %add3A_363 = arith.addi %mul3A_240, %add3A_362 : i32
      %dma_start3A_364 = arith.constant 0 : i32
      %dma_start3A_365 = tpu.memref_slice %arg56[%dma_start3A_364] : memref<10240xf32, #tpu.memory_space<vmem_shared>> -> memref<10240xf32, #tpu.memory_space<vmem_shared>>
      tpu.enqueue_indirect_dma source(%arg17 : memref<80xf32, #tpu.memory_space<vmem>>) target(%dma_start3A_365 : memref<10240xf32, #tpu.memory_space<vmem_shared>>) offsets(%arg37 : memref<80xi32, #tpu.memory_space<vmem>>) semaphore(%arg62 : memref<!tpu.dma_semaphore, #tpu.memory_space<semaphore_mem>>) {add = true}
      %dma_start3A_366 = arith.constant 0 : i32
      %dma_start3A_367 = tpu.memref_slice %arg57[%dma_start3A_366] : memref<10240xf32, #tpu.memory_space<vmem_shared>> -> memref<10240xf32, #tpu.memory_space<vmem_shared>>
      tpu.enqueue_indirect_dma source(%arg27 : memref<80xf32, #tpu.memory_space<vmem>>) target(%dma_start3A_367 : memref<10240xf32, #tpu.memory_space<vmem_shared>>) offsets(%arg37 : memref<80xi32, #tpu.memory_space<vmem>>) semaphore(%arg62 : memref<!tpu.dma_semaphore, #tpu.memory_space<semaphore_mem>>) {add = true}
      %add3A_368 = arith.constant 0 : i32
      %add3A_369 = arith.addi %mul3A_246, %add3A_368 : i32
      %mul3A_370 = arith.constant 80 : i32
      %mul3A_371 = arith.muli %add3A_369, %mul3A_370 : i32
      %add3A_372 = arith.addi %mul3A_37, %mul3A_371 : i32
      %dma_start3A_373 = tpu.memref_slice %arg3[%add3A_372] : memref<320000xi32, #tpu.memory_space<hbm>> -> memref<80xi32, #tpu.memory_space<hbm>>
      %dma_start3A_374 = tpu.memref_slice %arg3[%add3A_372] : memref<320000xi32, #tpu.memory_space<hbm>> -> memref<80xi32, #tpu.memory_space<hbm>>
      tpu.enqueue_dma source(%dma_start3A_374 : memref<80xi32, #tpu.memory_space<hbm>>) target(%arg38 : memref<80xi32, #tpu.memory_space<vmem>>) target_semaphore(%arg61 : memref<!tpu.dma_semaphore, #tpu.memory_space<semaphore_mem>>)
      %mul3A_375 = arith.constant 80 : i32
      %mul3A_376 = arith.muli %add3A_369, %mul3A_375 : i32
      %dma_start3A_377 = tpu.memref_slice %arg12[%mul3A_376] : memref<10000xi32, #tpu.memory_space<vmem>> -> memref<80xi32, #tpu.memory_space<vmem>>
      %dma_start3A_378 = arith.constant 0 : i32
      %dma_start3A_379 = tpu.memref_slice %arg4[%dma_start3A_378] : memref<10240xf32, #tpu.memory_space<hbm>> -> memref<10240xf32, #tpu.memory_space<hbm>>
      tpu.enqueue_indirect_dma source(%dma_start3A_379 : memref<10240xf32, #tpu.memory_space<hbm>>) target(%arg18 : memref<80xf32, #tpu.memory_space<vmem>>) offsets(%dma_start3A_377 : memref<80xi32, #tpu.memory_space<vmem>>) semaphore(%arg61 : memref<!tpu.dma_semaphore, #tpu.memory_space<semaphore_mem>>)
      %mul3A_380 = arith.constant 80 : i32
      %mul3A_381 = arith.muli %add3A_369, %mul3A_380 : i32
      %dma_start3A_382 = tpu.memref_slice %arg12[%mul3A_381] : memref<10000xi32, #tpu.memory_space<vmem>> -> memref<80xi32, #tpu.memory_space<vmem>>
      %dma_start3A_383 = arith.constant 0 : i32
      %dma_start3A_384 = tpu.memref_slice %arg5[%dma_start3A_383] : memref<10240xf32, #tpu.memory_space<hbm>> -> memref<10240xf32, #tpu.memory_space<hbm>>
      tpu.enqueue_indirect_dma source(%dma_start3A_384 : memref<10240xf32, #tpu.memory_space<hbm>>) target(%arg28 : memref<80xf32, #tpu.memory_space<vmem>>) offsets(%dma_start3A_382 : memref<80xi32, #tpu.memory_space<vmem>>) semaphore(%arg61 : memref<!tpu.dma_semaphore, #tpu.memory_space<semaphore_mem>>)
      %add3A_385 = arith.constant 1 : i32
      %add3A_386 = arith.addi %mul3A_246, %add3A_385 : i32
      %mul3A_387 = arith.constant 80 : i32
      %mul3A_388 = arith.muli %add3A_386, %mul3A_387 : i32
      %add3A_389 = arith.addi %mul3A_37, %mul3A_388 : i32
      %dma_start3A_390 = tpu.memref_slice %arg3[%add3A_389] : memref<320000xi32, #tpu.memory_space<hbm>> -> memref<80xi32, #tpu.memory_space<hbm>>
      %dma_start3A_391 = tpu.memref_slice %arg3[%add3A_389] : memref<320000xi32, #tpu.memory_space<hbm>> -> memref<80xi32, #tpu.memory_space<hbm>>
      tpu.enqueue_dma source(%dma_start3A_391 : memref<80xi32, #tpu.memory_space<hbm>>) target(%arg39 : memref<80xi32, #tpu.memory_space<vmem>>) target_semaphore(%arg61 : memref<!tpu.dma_semaphore, #tpu.memory_space<semaphore_mem>>)
      %mul3A_392 = arith.constant 80 : i32
      %mul3A_393 = arith.muli %add3A_386, %mul3A_392 : i32
      %dma_start3A_394 = tpu.memref_slice %arg12[%mul3A_393] : memref<10000xi32, #tpu.memory_space<vmem>> -> memref<80xi32, #tpu.memory_space<vmem>>
      %dma_start3A_395 = arith.constant 0 : i32
      %dma_start3A_396 = tpu.memref_slice %arg4[%dma_start3A_395] : memref<10240xf32, #tpu.memory_space<hbm>> -> memref<10240xf32, #tpu.memory_space<hbm>>
      tpu.enqueue_indirect_dma source(%dma_start3A_396 : memref<10240xf32, #tpu.memory_space<hbm>>) target(%arg19 : memref<80xf32, #tpu.memory_space<vmem>>) offsets(%dma_start3A_394 : memref<80xi32, #tpu.memory_space<vmem>>) semaphore(%arg61 : memref<!tpu.dma_semaphore, #tpu.memory_space<semaphore_mem>>)
      %mul3A_397 = arith.constant 80 : i32
      %mul3A_398 = arith.muli %add3A_386, %mul3A_397 : i32
      %dma_start3A_399 = tpu.memref_slice %arg12[%mul3A_398] : memref<10000xi32, #tpu.memory_space<vmem>> -> memref<80xi32, #tpu.memory_space<vmem>>
      %dma_start3A_400 = arith.constant 0 : i32
      %dma_start3A_401 = tpu.memref_slice %arg5[%dma_start3A_400] : memref<10240xf32, #tpu.memory_space<hbm>> -> memref<10240xf32, #tpu.memory_space<hbm>>
      tpu.enqueue_indirect_dma source(%dma_start3A_401 : memref<10240xf32, #tpu.memory_space<hbm>>) target(%arg29 : memref<80xf32, #tpu.memory_space<vmem>>) offsets(%dma_start3A_399 : memref<80xi32, #tpu.memory_space<vmem>>) semaphore(%arg61 : memref<!tpu.dma_semaphore, #tpu.memory_space<semaphore_mem>>)
      %add3A_402 = arith.constant 2 : i32
      %add3A_403 = arith.addi %mul3A_246, %add3A_402 : i32
      %mul3A_404 = arith.constant 80 : i32
      %mul3A_405 = arith.muli %add3A_403, %mul3A_404 : i32
      %add3A_406 = arith.addi %mul3A_37, %mul3A_405 : i32
      %dma_start3A_407 = tpu.memref_slice %arg3[%add3A_406] : memref<320000xi32, #tpu.memory_space<hbm>> -> memref<80xi32, #tpu.memory_space<hbm>>
      %dma_start3A_408 = tpu.memref_slice %arg3[%add3A_406] : memref<320000xi32, #tpu.memory_space<hbm>> -> memref<80xi32, #tpu.memory_space<hbm>>
      tpu.enqueue_dma source(%dma_start3A_408 : memref<80xi32, #tpu.memory_space<hbm>>) target(%arg40 : memref<80xi32, #tpu.memory_space<vmem>>) target_semaphore(%arg61 : memref<!tpu.dma_semaphore, #tpu.memory_space<semaphore_mem>>)
      %mul3A_409 = arith.constant 80 : i32
      %mul3A_410 = arith.muli %add3A_403, %mul3A_409 : i32
      %dma_start3A_411 = tpu.memref_slice %arg12[%mul3A_410] : memref<10000xi32, #tpu.memory_space<vmem>> -> memref<80xi32, #tpu.memory_space<vmem>>
      %dma_start3A_412 = arith.constant 0 : i32
      %dma_start3A_413 = tpu.memref_slice %arg4[%dma_start3A_412] : memref<10240xf32, #tpu.memory_space<hbm>> -> memref<10240xf32, #tpu.memory_space<hbm>>
      tpu.enqueue_indirect_dma source(%dma_start3A_413 : memref<10240xf32, #tpu.memory_space<hbm>>) target(%arg20 : memref<80xf32, #tpu.memory_space<vmem>>) offsets(%dma_start3A_411 : memref<80xi32, #tpu.memory_space<vmem>>) semaphore(%arg61 : memref<!tpu.dma_semaphore, #tpu.memory_space<semaphore_mem>>)
      %mul3A_414 = arith.constant 80 : i32
      %mul3A_415 = arith.muli %add3A_403, %mul3A_414 : i32
      %dma_start3A_416 = tpu.memref_slice %arg12[%mul3A_415] : memref<10000xi32, #tpu.memory_space<vmem>> -> memref<80xi32, #tpu.memory_space<vmem>>
      %dma_start3A_417 = arith.constant 0 : i32
      %dma_start3A_418 = tpu.memref_slice %arg5[%dma_start3A_417] : memref<10240xf32, #tpu.memory_space<hbm>> -> memref<10240xf32, #tpu.memory_space<hbm>>
      tpu.enqueue_indirect_dma source(%dma_start3A_418 : memref<10240xf32, #tpu.memory_space<hbm>>) target(%arg30 : memref<80xf32, #tpu.memory_space<vmem>>) offsets(%dma_start3A_416 : memref<80xi32, #tpu.memory_space<vmem>>) semaphore(%arg61 : memref<!tpu.dma_semaphore, #tpu.memory_space<semaphore_mem>>)
      %add3A_419 = arith.constant 3 : i32
      %add3A_420 = arith.addi %mul3A_246, %add3A_419 : i32
      %mul3A_421 = arith.constant 80 : i32
      %mul3A_422 = arith.muli %add3A_420, %mul3A_421 : i32
      %add3A_423 = arith.addi %mul3A_37, %mul3A_422 : i32
      %dma_start3A_424 = tpu.memref_slice %arg3[%add3A_423] : memref<320000xi32, #tpu.memory_space<hbm>> -> memref<80xi32, #tpu.memory_space<hbm>>
      %dma_start3A_425 = tpu.memref_slice %arg3[%add3A_423] : memref<320000xi32, #tpu.memory_space<hbm>> -> memref<80xi32, #tpu.memory_space<hbm>>
      tpu.enqueue_dma source(%dma_start3A_425 : memref<80xi32, #tpu.memory_space<hbm>>) target(%arg41 : memref<80xi32, #tpu.memory_space<vmem>>) target_semaphore(%arg61 : memref<!tpu.dma_semaphore, #tpu.memory_space<semaphore_mem>>)
      %mul3A_426 = arith.constant 80 : i32
      %mul3A_427 = arith.muli %add3A_420, %mul3A_426 : i32
      %dma_start3A_428 = tpu.memref_slice %arg12[%mul3A_427] : memref<10000xi32, #tpu.memory_space<vmem>> -> memref<80xi32, #tpu.memory_space<vmem>>
      %dma_start3A_429 = arith.constant 0 : i32
      %dma_start3A_430 = tpu.memref_slice %arg4[%dma_start3A_429] : memref<10240xf32, #tpu.memory_space<hbm>> -> memref<10240xf32, #tpu.memory_space<hbm>>
      tpu.enqueue_indirect_dma source(%dma_start3A_430 : memref<10240xf32, #tpu.memory_space<hbm>>) target(%arg21 : memref<80xf32, #tpu.memory_space<vmem>>) offsets(%dma_start3A_428 : memref<80xi32, #tpu.memory_space<vmem>>) semaphore(%arg61 : memref<!tpu.dma_semaphore, #tpu.memory_space<semaphore_mem>>)
      %mul3A_431 = arith.constant 80 : i32
      %mul3A_432 = arith.muli %add3A_420, %mul3A_431 : i32
      %dma_start3A_433 = tpu.memref_slice %arg12[%mul3A_432] : memref<10000xi32, #tpu.memory_space<vmem>> -> memref<80xi32, #tpu.memory_space<vmem>>
      %dma_start3A_434 = arith.constant 0 : i32
      %dma_start3A_435 = tpu.memref_slice %arg5[%dma_start3A_434] : memref<10240xf32, #tpu.memory_space<hbm>> -> memref<10240xf32, #tpu.memory_space<hbm>>
      tpu.enqueue_indirect_dma source(%dma_start3A_435 : memref<10240xf32, #tpu.memory_space<hbm>>) target(%arg31 : memref<80xf32, #tpu.memory_space<vmem>>) offsets(%dma_start3A_433 : memref<80xi32, #tpu.memory_space<vmem>>) semaphore(%arg61 : memref<!tpu.dma_semaphore, #tpu.memory_space<semaphore_mem>>)
      %add3A_436 = arith.constant 4 : i32
      %add3A_437 = arith.addi %mul3A_246, %add3A_436 : i32
      %mul3A_438 = arith.constant 80 : i32
      %mul3A_439 = arith.muli %add3A_437, %mul3A_438 : i32
      %add3A_440 = arith.addi %mul3A_37, %mul3A_439 : i32
      %dma_start3A_441 = tpu.memref_slice %arg3[%add3A_440] : memref<320000xi32, #tpu.memory_space<hbm>> -> memref<80xi32, #tpu.memory_space<hbm>>
      %dma_start3A_442 = tpu.memref_slice %arg3[%add3A_440] : memref<320000xi32, #tpu.memory_space<hbm>> -> memref<80xi32, #tpu.memory_space<hbm>>
      tpu.enqueue_dma source(%dma_start3A_442 : memref<80xi32, #tpu.memory_space<hbm>>) target(%arg42 : memref<80xi32, #tpu.memory_space<vmem>>) target_semaphore(%arg61 : memref<!tpu.dma_semaphore, #tpu.memory_space<semaphore_mem>>)
      %mul3A_443 = arith.constant 80 : i32
      %mul3A_444 = arith.muli %add3A_437, %mul3A_443 : i32
      %dma_start3A_445 = tpu.memref_slice %arg12[%mul3A_444] : memref<10000xi32, #tpu.memory_space<vmem>> -> memref<80xi32, #tpu.memory_space<vmem>>
      %dma_start3A_446 = arith.constant 0 : i32
      %dma_start3A_447 = tpu.memref_slice %arg4[%dma_start3A_446] : memref<10240xf32, #tpu.memory_space<hbm>> -> memref<10240xf32, #tpu.memory_space<hbm>>
      tpu.enqueue_indirect_dma source(%dma_start3A_447 : memref<10240xf32, #tpu.memory_space<hbm>>) target(%arg22 : memref<80xf32, #tpu.memory_space<vmem>>) offsets(%dma_start3A_445 : memref<80xi32, #tpu.memory_space<vmem>>) semaphore(%arg61 : memref<!tpu.dma_semaphore, #tpu.memory_space<semaphore_mem>>)
      %mul3A_448 = arith.constant 80 : i32
      %mul3A_449 = arith.muli %add3A_437, %mul3A_448 : i32
      %dma_start3A_450 = tpu.memref_slice %arg12[%mul3A_449] : memref<10000xi32, #tpu.memory_space<vmem>> -> memref<80xi32, #tpu.memory_space<vmem>>
      %dma_start3A_451 = arith.constant 0 : i32
      %dma_start3A_452 = tpu.memref_slice %arg5[%dma_start3A_451] : memref<10240xf32, #tpu.memory_space<hbm>> -> memref<10240xf32, #tpu.memory_space<hbm>>
      tpu.enqueue_indirect_dma source(%dma_start3A_452 : memref<10240xf32, #tpu.memory_space<hbm>>) target(%arg32 : memref<80xf32, #tpu.memory_space<vmem>>) offsets(%dma_start3A_450 : memref<80xi32, #tpu.memory_space<vmem>>) semaphore(%arg61 : memref<!tpu.dma_semaphore, #tpu.memory_space<semaphore_mem>>)
      %dma_wait3A_453 = arith.constant 0 : i32
      %dma_wait3A_454 = tpu.memref_slice %arg56[%dma_wait3A_453] : memref<10240xf32, #tpu.memory_space<vmem_shared>> -> memref<10240xf32, #tpu.memory_space<vmem_shared>>
      tpu.wait_indirect_dma semaphore(%arg62 : memref<!tpu.dma_semaphore, #tpu.memory_space<semaphore_mem>>) src(%arg13 : memref<80xf32, #tpu.memory_space<vmem>>) dst(%dma_wait3A_454 : memref<10240xf32, #tpu.memory_space<vmem_shared>>)
      %dma_wait3A_455 = arith.constant 0 : i32
      %dma_wait3A_456 = tpu.memref_slice %arg57[%dma_wait3A_455] : memref<10240xf32, #tpu.memory_space<vmem_shared>> -> memref<10240xf32, #tpu.memory_space<vmem_shared>>
      tpu.wait_indirect_dma semaphore(%arg62 : memref<!tpu.dma_semaphore, #tpu.memory_space<semaphore_mem>>) src(%arg23 : memref<80xf32, #tpu.memory_space<vmem>>) dst(%dma_wait3A_456 : memref<10240xf32, #tpu.memory_space<vmem_shared>>)
      %dma_wait3A_457 = arith.constant 0 : i32
      %dma_wait3A_458 = tpu.memref_slice %arg56[%dma_wait3A_457] : memref<10240xf32, #tpu.memory_space<vmem_shared>> -> memref<10240xf32, #tpu.memory_space<vmem_shared>>
      tpu.wait_indirect_dma semaphore(%arg62 : memref<!tpu.dma_semaphore, #tpu.memory_space<semaphore_mem>>) src(%arg14 : memref<80xf32, #tpu.memory_space<vmem>>) dst(%dma_wait3A_458 : memref<10240xf32, #tpu.memory_space<vmem_shared>>)
      %dma_wait3A_459 = arith.constant 0 : i32
      %dma_wait3A_460 = tpu.memref_slice %arg57[%dma_wait3A_459] : memref<10240xf32, #tpu.memory_space<vmem_shared>> -> memref<10240xf32, #tpu.memory_space<vmem_shared>>
      tpu.wait_indirect_dma semaphore(%arg62 : memref<!tpu.dma_semaphore, #tpu.memory_space<semaphore_mem>>) src(%arg24 : memref<80xf32, #tpu.memory_space<vmem>>) dst(%dma_wait3A_460 : memref<10240xf32, #tpu.memory_space<vmem_shared>>)
      %dma_wait3A_461 = arith.constant 0 : i32
      %dma_wait3A_462 = tpu.memref_slice %arg56[%dma_wait3A_461] : memref<10240xf32, #tpu.memory_space<vmem_shared>> -> memref<10240xf32, #tpu.memory_space<vmem_shared>>
      tpu.wait_indirect_dma semaphore(%arg62 : memref<!tpu.dma_semaphore, #tpu.memory_space<semaphore_mem>>) src(%arg15 : memref<80xf32, #tpu.memory_space<vmem>>) dst(%dma_wait3A_462 : memref<10240xf32, #tpu.memory_space<vmem_shared>>)
      %dma_wait3A_463 = arith.constant 0 : i32
      %dma_wait3A_464 = tpu.memref_slice %arg57[%dma_wait3A_463] : memref<10240xf32, #tpu.memory_space<vmem_shared>> -> memref<10240xf32, #tpu.memory_space<vmem_shared>>
      tpu.wait_indirect_dma semaphore(%arg62 : memref<!tpu.dma_semaphore, #tpu.memory_space<semaphore_mem>>) src(%arg25 : memref<80xf32, #tpu.memory_space<vmem>>) dst(%dma_wait3A_464 : memref<10240xf32, #tpu.memory_space<vmem_shared>>)
      %dma_wait3A_465 = arith.constant 0 : i32
      %dma_wait3A_466 = tpu.memref_slice %arg56[%dma_wait3A_465] : memref<10240xf32, #tpu.memory_space<vmem_shared>> -> memref<10240xf32, #tpu.memory_space<vmem_shared>>
      tpu.wait_indirect_dma semaphore(%arg62 : memref<!tpu.dma_semaphore, #tpu.memory_space<semaphore_mem>>) src(%arg16 : memref<80xf32, #tpu.memory_space<vmem>>) dst(%dma_wait3A_466 : memref<10240xf32, #tpu.memory_space<vmem_shared>>)
      %dma_wait3A_467 = arith.constant 0 : i32
      %dma_wait3A_468 = tpu.memref_slice %arg57[%dma_wait3A_467] : memref<10240xf32, #tpu.memory_space<vmem_shared>> -> memref<10240xf32, #tpu.memory_space<vmem_shared>>
      tpu.wait_indirect_dma semaphore(%arg62 : memref<!tpu.dma_semaphore, #tpu.memory_space<semaphore_mem>>) src(%arg26 : memref<80xf32, #tpu.memory_space<vmem>>) dst(%dma_wait3A_468 : memref<10240xf32, #tpu.memory_space<vmem_shared>>)
      %dma_wait3A_469 = arith.constant 0 : i32
      %dma_wait3A_470 = tpu.memref_slice %arg56[%dma_wait3A_469] : memref<10240xf32, #tpu.memory_space<vmem_shared>> -> memref<10240xf32, #tpu.memory_space<vmem_shared>>
      tpu.wait_indirect_dma semaphore(%arg62 : memref<!tpu.dma_semaphore, #tpu.memory_space<semaphore_mem>>) src(%arg17 : memref<80xf32, #tpu.memory_space<vmem>>) dst(%dma_wait3A_470 : memref<10240xf32, #tpu.memory_space<vmem_shared>>)
      %dma_wait3A_471 = arith.constant 0 : i32
      %dma_wait3A_472 = tpu.memref_slice %arg57[%dma_wait3A_471] : memref<10240xf32, #tpu.memory_space<vmem_shared>> -> memref<10240xf32, #tpu.memory_space<vmem_shared>>
      tpu.wait_indirect_dma semaphore(%arg62 : memref<!tpu.dma_semaphore, #tpu.memory_space<semaphore_mem>>) src(%arg27 : memref<80xf32, #tpu.memory_space<vmem>>) dst(%dma_wait3A_472 : memref<10240xf32, #tpu.memory_space<vmem_shared>>)
      %add3A_473 = arith.constant 0 : i32
      %add3A_474 = arith.addi %mul3A_252, %add3A_473 : i32
      %mul3A_475 = arith.constant 80 : i32
      %mul3A_476 = arith.muli %add3A_474, %mul3A_475 : i32
      %add3A_477 = arith.addi %mul3A_37, %mul3A_476 : i32
      %dma_start3A_478 = tpu.memref_slice %arg3[%add3A_477] : memref<320000xi32, #tpu.memory_space<hbm>> -> memref<80xi32, #tpu.memory_space<hbm>>
      %dma_start3A_479 = tpu.memref_slice %arg3[%add3A_477] : memref<320000xi32, #tpu.memory_space<hbm>> -> memref<80xi32, #tpu.memory_space<hbm>>
      tpu.enqueue_dma source(%dma_start3A_479 : memref<80xi32, #tpu.memory_space<hbm>>) target(%arg33 : memref<80xi32, #tpu.memory_space<vmem>>) target_semaphore(%arg60 : memref<!tpu.dma_semaphore, #tpu.memory_space<semaphore_mem>>)
      %mul3A_480 = arith.constant 80 : i32
      %mul3A_481 = arith.muli %add3A_474, %mul3A_480 : i32
      %dma_start3A_482 = tpu.memref_slice %arg12[%mul3A_481] : memref<10000xi32, #tpu.memory_space<vmem>> -> memref<80xi32, #tpu.memory_space<vmem>>
      %dma_start3A_483 = arith.constant 0 : i32
      %dma_start3A_484 = tpu.memref_slice %arg4[%dma_start3A_483] : memref<10240xf32, #tpu.memory_space<hbm>> -> memref<10240xf32, #tpu.memory_space<hbm>>
      tpu.enqueue_indirect_dma source(%dma_start3A_484 : memref<10240xf32, #tpu.memory_space<hbm>>) target(%arg13 : memref<80xf32, #tpu.memory_space<vmem>>) offsets(%dma_start3A_482 : memref<80xi32, #tpu.memory_space<vmem>>) semaphore(%arg60 : memref<!tpu.dma_semaphore, #tpu.memory_space<semaphore_mem>>)
      %mul3A_485 = arith.constant 80 : i32
      %mul3A_486 = arith.muli %add3A_474, %mul3A_485 : i32
      %dma_start3A_487 = tpu.memref_slice %arg12[%mul3A_486] : memref<10000xi32, #tpu.memory_space<vmem>> -> memref<80xi32, #tpu.memory_space<vmem>>
      %dma_start3A_488 = arith.constant 0 : i32
      %dma_start3A_489 = tpu.memref_slice %arg5[%dma_start3A_488] : memref<10240xf32, #tpu.memory_space<hbm>> -> memref<10240xf32, #tpu.memory_space<hbm>>
      tpu.enqueue_indirect_dma source(%dma_start3A_489 : memref<10240xf32, #tpu.memory_space<hbm>>) target(%arg23 : memref<80xf32, #tpu.memory_space<vmem>>) offsets(%dma_start3A_487 : memref<80xi32, #tpu.memory_space<vmem>>) semaphore(%arg60 : memref<!tpu.dma_semaphore, #tpu.memory_space<semaphore_mem>>)
      %add3A_490 = arith.constant 1 : i32
      %add3A_491 = arith.addi %mul3A_252, %add3A_490 : i32
      %mul3A_492 = arith.constant 80 : i32
      %mul3A_493 = arith.muli %add3A_491, %mul3A_492 : i32
      %add3A_494 = arith.addi %mul3A_37, %mul3A_493 : i32
      %dma_start3A_495 = tpu.memref_slice %arg3[%add3A_494] : memref<320000xi32, #tpu.memory_space<hbm>> -> memref<80xi32, #tpu.memory_space<hbm>>
      %dma_start3A_496 = tpu.memref_slice %arg3[%add3A_494] : memref<320000xi32, #tpu.memory_space<hbm>> -> memref<80xi32, #tpu.memory_space<hbm>>
      tpu.enqueue_dma source(%dma_start3A_496 : memref<80xi32, #tpu.memory_space<hbm>>) target(%arg34 : memref<80xi32, #tpu.memory_space<vmem>>) target_semaphore(%arg60 : memref<!tpu.dma_semaphore, #tpu.memory_space<semaphore_mem>>)
      %mul3A_497 = arith.constant 80 : i32
      %mul3A_498 = arith.muli %add3A_491, %mul3A_497 : i32
      %dma_start3A_499 = tpu.memref_slice %arg12[%mul3A_498] : memref<10000xi32, #tpu.memory_space<vmem>> -> memref<80xi32, #tpu.memory_space<vmem>>
      %dma_start3A_500 = arith.constant 0 : i32
      %dma_start3A_501 = tpu.memref_slice %arg4[%dma_start3A_500] : memref<10240xf32, #tpu.memory_space<hbm>> -> memref<10240xf32, #tpu.memory_space<hbm>>
      tpu.enqueue_indirect_dma source(%dma_start3A_501 : memref<10240xf32, #tpu.memory_space<hbm>>) target(%arg14 : memref<80xf32, #tpu.memory_space<vmem>>) offsets(%dma_start3A_499 : memref<80xi32, #tpu.memory_space<vmem>>) semaphore(%arg60 : memref<!tpu.dma_semaphore, #tpu.memory_space<semaphore_mem>>)
      %mul3A_502 = arith.constant 80 : i32
      %mul3A_503 = arith.muli %add3A_491, %mul3A_502 : i32
      %dma_start3A_504 = tpu.memref_slice %arg12[%mul3A_503] : memref<10000xi32, #tpu.memory_space<vmem>> -> memref<80xi32, #tpu.memory_space<vmem>>
      %dma_start3A_505 = arith.constant 0 : i32
      %dma_start3A_506 = tpu.memref_slice %arg5[%dma_start3A_505] : memref<10240xf32, #tpu.memory_space<hbm>> -> memref<10240xf32, #tpu.memory_space<hbm>>
      tpu.enqueue_indirect_dma source(%dma_start3A_506 : memref<10240xf32, #tpu.memory_space<hbm>>) target(%arg24 : memref<80xf32, #tpu.memory_space<vmem>>) offsets(%dma_start3A_504 : memref<80xi32, #tpu.memory_space<vmem>>) semaphore(%arg60 : memref<!tpu.dma_semaphore, #tpu.memory_space<semaphore_mem>>)
      %add3A_507 = arith.constant 2 : i32
      %add3A_508 = arith.addi %mul3A_252, %add3A_507 : i32
      %mul3A_509 = arith.constant 80 : i32
      %mul3A_510 = arith.muli %add3A_508, %mul3A_509 : i32
      %add3A_511 = arith.addi %mul3A_37, %mul3A_510 : i32
      %dma_start3A_512 = tpu.memref_slice %arg3[%add3A_511] : memref<320000xi32, #tpu.memory_space<hbm>> -> memref<80xi32, #tpu.memory_space<hbm>>
      %dma_start3A_513 = tpu.memref_slice %arg3[%add3A_511] : memref<320000xi32, #tpu.memory_space<hbm>> -> memref<80xi32, #tpu.memory_space<hbm>>
      tpu.enqueue_dma source(%dma_start3A_513 : memref<80xi32, #tpu.memory_space<hbm>>) target(%arg35 : memref<80xi32, #tpu.memory_space<vmem>>) target_semaphore(%arg60 : memref<!tpu.dma_semaphore, #tpu.memory_space<semaphore_mem>>)
      %mul3A_514 = arith.constant 80 : i32
      %mul3A_515 = arith.muli %add3A_508, %mul3A_514 : i32
      %dma_start3A_516 = tpu.memref_slice %arg12[%mul3A_515] : memref<10000xi32, #tpu.memory_space<vmem>> -> memref<80xi32, #tpu.memory_space<vmem>>
      %dma_start3A_517 = arith.constant 0 : i32
      %dma_start3A_518 = tpu.memref_slice %arg4[%dma_start3A_517] : memref<10240xf32, #tpu.memory_space<hbm>> -> memref<10240xf32, #tpu.memory_space<hbm>>
      tpu.enqueue_indirect_dma source(%dma_start3A_518 : memref<10240xf32, #tpu.memory_space<hbm>>) target(%arg15 : memref<80xf32, #tpu.memory_space<vmem>>) offsets(%dma_start3A_516 : memref<80xi32, #tpu.memory_space<vmem>>) semaphore(%arg60 : memref<!tpu.dma_semaphore, #tpu.memory_space<semaphore_mem>>)
      %mul3A_519 = arith.constant 80 : i32
      %mul3A_520 = arith.muli %add3A_508, %mul3A_519 : i32
      %dma_start3A_521 = tpu.memref_slice %arg12[%mul3A_520] : memref<10000xi32, #tpu.memory_space<vmem>> -> memref<80xi32, #tpu.memory_space<vmem>>
      %dma_start3A_522 = arith.constant 0 : i32
      %dma_start3A_523 = tpu.memref_slice %arg5[%dma_start3A_522] : memref<10240xf32, #tpu.memory_space<hbm>> -> memref<10240xf32, #tpu.memory_space<hbm>>
      tpu.enqueue_indirect_dma source(%dma_start3A_523 : memref<10240xf32, #tpu.memory_space<hbm>>) target(%arg25 : memref<80xf32, #tpu.memory_space<vmem>>) offsets(%dma_start3A_521 : memref<80xi32, #tpu.memory_space<vmem>>) semaphore(%arg60 : memref<!tpu.dma_semaphore, #tpu.memory_space<semaphore_mem>>)
      %add3A_524 = arith.constant 3 : i32
      %add3A_525 = arith.addi %mul3A_252, %add3A_524 : i32
      %mul3A_526 = arith.constant 80 : i32
      %mul3A_527 = arith.muli %add3A_525, %mul3A_526 : i32
      %add3A_528 = arith.addi %mul3A_37, %mul3A_527 : i32
      %dma_start3A_529 = tpu.memref_slice %arg3[%add3A_528] : memref<320000xi32, #tpu.memory_space<hbm>> -> memref<80xi32, #tpu.memory_space<hbm>>
      %dma_start3A_530 = tpu.memref_slice %arg3[%add3A_528] : memref<320000xi32, #tpu.memory_space<hbm>> -> memref<80xi32, #tpu.memory_space<hbm>>
      tpu.enqueue_dma source(%dma_start3A_530 : memref<80xi32, #tpu.memory_space<hbm>>) target(%arg36 : memref<80xi32, #tpu.memory_space<vmem>>) target_semaphore(%arg60 : memref<!tpu.dma_semaphore, #tpu.memory_space<semaphore_mem>>)
      %mul3A_531 = arith.constant 80 : i32
      %mul3A_532 = arith.muli %add3A_525, %mul3A_531 : i32
      %dma_start3A_533 = tpu.memref_slice %arg12[%mul3A_532] : memref<10000xi32, #tpu.memory_space<vmem>> -> memref<80xi32, #tpu.memory_space<vmem>>
      %dma_start3A_534 = arith.constant 0 : i32
      %dma_start3A_535 = tpu.memref_slice %arg4[%dma_start3A_534] : memref<10240xf32, #tpu.memory_space<hbm>> -> memref<10240xf32, #tpu.memory_space<hbm>>
      tpu.enqueue_indirect_dma source(%dma_start3A_535 : memref<10240xf32, #tpu.memory_space<hbm>>) target(%arg16 : memref<80xf32, #tpu.memory_space<vmem>>) offsets(%dma_start3A_533 : memref<80xi32, #tpu.memory_space<vmem>>) semaphore(%arg60 : memref<!tpu.dma_semaphore, #tpu.memory_space<semaphore_mem>>)
      %mul3A_536 = arith.constant 80 : i32
      %mul3A_537 = arith.muli %add3A_525, %mul3A_536 : i32
      %dma_start3A_538 = tpu.memref_slice %arg12[%mul3A_537] : memref<10000xi32, #tpu.memory_space<vmem>> -> memref<80xi32, #tpu.memory_space<vmem>>
      %dma_start3A_539 = arith.constant 0 : i32
      %dma_start3A_540 = tpu.memref_slice %arg5[%dma_start3A_539] : memref<10240xf32, #tpu.memory_space<hbm>> -> memref<10240xf32, #tpu.memory_space<hbm>>
      tpu.enqueue_indirect_dma source(%dma_start3A_540 : memref<10240xf32, #tpu.memory_space<hbm>>) target(%arg26 : memref<80xf32, #tpu.memory_space<vmem>>) offsets(%dma_start3A_538 : memref<80xi32, #tpu.memory_space<vmem>>) semaphore(%arg60 : memref<!tpu.dma_semaphore, #tpu.memory_space<semaphore_mem>>)
      %add3A_541 = arith.constant 4 : i32
      %add3A_542 = arith.addi %mul3A_252, %add3A_541 : i32
      %mul3A_543 = arith.constant 80 : i32
      %mul3A_544 = arith.muli %add3A_542, %mul3A_543 : i32
      %add3A_545 = arith.addi %mul3A_37, %mul3A_544 : i32
      %dma_start3A_546 = tpu.memref_slice %arg3[%add3A_545] : memref<320000xi32, #tpu.memory_space<hbm>> -> memref<80xi32, #tpu.memory_space<hbm>>
      %dma_start3A_547 = tpu.memref_slice %arg3[%add3A_545] : memref<320000xi32, #tpu.memory_space<hbm>> -> memref<80xi32, #tpu.memory_space<hbm>>
      tpu.enqueue_dma source(%dma_start3A_547 : memref<80xi32, #tpu.memory_space<hbm>>) target(%arg37 : memref<80xi32, #tpu.memory_space<vmem>>) target_semaphore(%arg60 : memref<!tpu.dma_semaphore, #tpu.memory_space<semaphore_mem>>)
      %mul3A_548 = arith.constant 80 : i32
      %mul3A_549 = arith.muli %add3A_542, %mul3A_548 : i32
      %dma_start3A_550 = tpu.memref_slice %arg12[%mul3A_549] : memref<10000xi32, #tpu.memory_space<vmem>> -> memref<80xi32, #tpu.memory_space<vmem>>
      %dma_start3A_551 = arith.constant 0 : i32
      %dma_start3A_552 = tpu.memref_slice %arg4[%dma_start3A_551] : memref<10240xf32, #tpu.memory_space<hbm>> -> memref<10240xf32, #tpu.memory_space<hbm>>
      tpu.enqueue_indirect_dma source(%dma_start3A_552 : memref<10240xf32, #tpu.memory_space<hbm>>) target(%arg17 : memref<80xf32, #tpu.memory_space<vmem>>) offsets(%dma_start3A_550 : memref<80xi32, #tpu.memory_space<vmem>>) semaphore(%arg60 : memref<!tpu.dma_semaphore, #tpu.memory_space<semaphore_mem>>)
      %mul3A_553 = arith.constant 80 : i32
      %mul3A_554 = arith.muli %add3A_542, %mul3A_553 : i32
      %dma_start3A_555 = tpu.memref_slice %arg12[%mul3A_554] : memref<10000xi32, #tpu.memory_space<vmem>> -> memref<80xi32, #tpu.memory_space<vmem>>
      %dma_start3A_556 = arith.constant 0 : i32
      %dma_start3A_557 = tpu.memref_slice %arg5[%dma_start3A_556] : memref<10240xf32, #tpu.memory_space<hbm>> -> memref<10240xf32, #tpu.memory_space<hbm>>
      tpu.enqueue_indirect_dma source(%dma_start3A_557 : memref<10240xf32, #tpu.memory_space<hbm>>) target(%arg27 : memref<80xf32, #tpu.memory_space<vmem>>) offsets(%dma_start3A_555 : memref<80xi32, #tpu.memory_space<vmem>>) semaphore(%arg60 : memref<!tpu.dma_semaphore, #tpu.memory_space<semaphore_mem>>)
      %add3A_558 = arith.constant 0 : i32
      %add3A_559 = arith.addi %mul3A_246, %add3A_558 : i32
      %mul3A_560 = arith.constant 80 : i32
      %mul3A_561 = arith.muli %add3A_559, %mul3A_560 : i32
      %add3A_562 = arith.addi %mul3A_37, %mul3A_561 : i32
      %dma_wait3A_563 = tpu.memref_slice %arg3[%add3A_562] : memref<320000xi32, #tpu.memory_space<hbm>> -> memref<80xi32, #tpu.memory_space<hbm>>
      %dma_wait3A_564 = tpu.memref_slice %arg3[%add3A_562] : memref<320000xi32, #tpu.memory_space<hbm>> -> memref<80xi32, #tpu.memory_space<hbm>>
      tpu.wait_dma2 semaphore(%arg61 : memref<!tpu.dma_semaphore, #tpu.memory_space<semaphore_mem>>) src(%dma_wait3A_564 : memref<80xi32, #tpu.memory_space<hbm>>) dst(%arg38 : memref<80xi32, #tpu.memory_space<vmem>>)
      %mul3A_565 = arith.constant 80 : i32
      %mul3A_566 = arith.muli %add3A_559, %mul3A_565 : i32
      %dma_wait3A_567 = tpu.memref_slice %arg12[%mul3A_566] : memref<10000xi32, #tpu.memory_space<vmem>> -> memref<80xi32, #tpu.memory_space<vmem>>
      %dma_wait3A_568 = arith.constant 0 : i32
      %dma_wait3A_569 = tpu.memref_slice %arg4[%dma_wait3A_568] : memref<10240xf32, #tpu.memory_space<hbm>> -> memref<10240xf32, #tpu.memory_space<hbm>>
      tpu.wait_indirect_dma semaphore(%arg61 : memref<!tpu.dma_semaphore, #tpu.memory_space<semaphore_mem>>) src(%dma_wait3A_569 : memref<10240xf32, #tpu.memory_space<hbm>>) dst(%arg18 : memref<80xf32, #tpu.memory_space<vmem>>)
      %mul3A_570 = arith.constant 80 : i32
      %mul3A_571 = arith.muli %add3A_559, %mul3A_570 : i32
      %dma_wait3A_572 = tpu.memref_slice %arg12[%mul3A_571] : memref<10000xi32, #tpu.memory_space<vmem>> -> memref<80xi32, #tpu.memory_space<vmem>>
      %dma_wait3A_573 = arith.constant 0 : i32
      %dma_wait3A_574 = tpu.memref_slice %arg5[%dma_wait3A_573] : memref<10240xf32, #tpu.memory_space<hbm>> -> memref<10240xf32, #tpu.memory_space<hbm>>
      tpu.wait_indirect_dma semaphore(%arg61 : memref<!tpu.dma_semaphore, #tpu.memory_space<semaphore_mem>>) src(%dma_wait3A_574 : memref<10240xf32, #tpu.memory_space<hbm>>) dst(%arg28 : memref<80xf32, #tpu.memory_space<vmem>>)
      %add3A_575 = arith.constant 1 : i32
      %add3A_576 = arith.addi %mul3A_246, %add3A_575 : i32
      %mul3A_577 = arith.constant 80 : i32
      %mul3A_578 = arith.muli %add3A_576, %mul3A_577 : i32
      %add3A_579 = arith.addi %mul3A_37, %mul3A_578 : i32
      %dma_wait3A_580 = tpu.memref_slice %arg3[%add3A_579] : memref<320000xi32, #tpu.memory_space<hbm>> -> memref<80xi32, #tpu.memory_space<hbm>>
      %dma_wait3A_581 = tpu.memref_slice %arg3[%add3A_579] : memref<320000xi32, #tpu.memory_space<hbm>> -> memref<80xi32, #tpu.memory_space<hbm>>
      tpu.wait_dma2 semaphore(%arg61 : memref<!tpu.dma_semaphore, #tpu.memory_space<semaphore_mem>>) src(%dma_wait3A_581 : memref<80xi32, #tpu.memory_space<hbm>>) dst(%arg39 : memref<80xi32, #tpu.memory_space<vmem>>)
      %mul3A_582 = arith.constant 80 : i32
      %mul3A_583 = arith.muli %add3A_576, %mul3A_582 : i32
      %dma_wait3A_584 = tpu.memref_slice %arg12[%mul3A_583] : memref<10000xi32, #tpu.memory_space<vmem>> -> memref<80xi32, #tpu.memory_space<vmem>>
      %dma_wait3A_585 = arith.constant 0 : i32
      %dma_wait3A_586 = tpu.memref_slice %arg4[%dma_wait3A_585] : memref<10240xf32, #tpu.memory_space<hbm>> -> memref<10240xf32, #tpu.memory_space<hbm>>
      tpu.wait_indirect_dma semaphore(%arg61 : memref<!tpu.dma_semaphore, #tpu.memory_space<semaphore_mem>>) src(%dma_wait3A_586 : memref<10240xf32, #tpu.memory_space<hbm>>) dst(%arg19 : memref<80xf32, #tpu.memory_space<vmem>>)
      %mul3A_587 = arith.constant 80 : i32
      %mul3A_588 = arith.muli %add3A_576, %mul3A_587 : i32
      %dma_wait3A_589 = tpu.memref_slice %arg12[%mul3A_588] : memref<10000xi32, #tpu.memory_space<vmem>> -> memref<80xi32, #tpu.memory_space<vmem>>
      %dma_wait3A_590 = arith.constant 0 : i32
      %dma_wait3A_591 = tpu.memref_slice %arg5[%dma_wait3A_590] : memref<10240xf32, #tpu.memory_space<hbm>> -> memref<10240xf32, #tpu.memory_space<hbm>>
      tpu.wait_indirect_dma semaphore(%arg61 : memref<!tpu.dma_semaphore, #tpu.memory_space<semaphore_mem>>) src(%dma_wait3A_591 : memref<10240xf32, #tpu.memory_space<hbm>>) dst(%arg29 : memref<80xf32, #tpu.memory_space<vmem>>)
      %add3A_592 = arith.constant 2 : i32
      %add3A_593 = arith.addi %mul3A_246, %add3A_592 : i32
      %mul3A_594 = arith.constant 80 : i32
      %mul3A_595 = arith.muli %add3A_593, %mul3A_594 : i32
      %add3A_596 = arith.addi %mul3A_37, %mul3A_595 : i32
      %dma_wait3A_597 = tpu.memref_slice %arg3[%add3A_596] : memref<320000xi32, #tpu.memory_space<hbm>> -> memref<80xi32, #tpu.memory_space<hbm>>
      %dma_wait3A_598 = tpu.memref_slice %arg3[%add3A_596] : memref<320000xi32, #tpu.memory_space<hbm>> -> memref<80xi32, #tpu.memory_space<hbm>>
      tpu.wait_dma2 semaphore(%arg61 : memref<!tpu.dma_semaphore, #tpu.memory_space<semaphore_mem>>) src(%dma_wait3A_598 : memref<80xi32, #tpu.memory_space<hbm>>) dst(%arg40 : memref<80xi32, #tpu.memory_space<vmem>>)
      %mul3A_599 = arith.constant 80 : i32
      %mul3A_600 = arith.muli %add3A_593, %mul3A_599 : i32
      %dma_wait3A_601 = tpu.memref_slice %arg12[%mul3A_600] : memref<10000xi32, #tpu.memory_space<vmem>> -> memref<80xi32, #tpu.memory_space<vmem>>
      %dma_wait3A_602 = arith.constant 0 : i32
      %dma_wait3A_603 = tpu.memref_slice %arg4[%dma_wait3A_602] : memref<10240xf32, #tpu.memory_space<hbm>> -> memref<10240xf32, #tpu.memory_space<hbm>>
      tpu.wait_indirect_dma semaphore(%arg61 : memref<!tpu.dma_semaphore, #tpu.memory_space<semaphore_mem>>) src(%dma_wait3A_603 : memref<10240xf32, #tpu.memory_space<hbm>>) dst(%arg20 : memref<80xf32, #tpu.memory_space<vmem>>)
      %mul3A_604 = arith.constant 80 : i32
      %mul3A_605 = arith.muli %add3A_593, %mul3A_604 : i32
      %dma_wait3A_606 = tpu.memref_slice %arg12[%mul3A_605] : memref<10000xi32, #tpu.memory_space<vmem>> -> memref<80xi32, #tpu.memory_space<vmem>>
      %dma_wait3A_607 = arith.constant 0 : i32
      %dma_wait3A_608 = tpu.memref_slice %arg5[%dma_wait3A_607] : memref<10240xf32, #tpu.memory_space<hbm>> -> memref<10240xf32, #tpu.memory_space<hbm>>
      tpu.wait_indirect_dma semaphore(%arg61 : memref<!tpu.dma_semaphore, #tpu.memory_space<semaphore_mem>>) src(%dma_wait3A_608 : memref<10240xf32, #tpu.memory_space<hbm>>) dst(%arg30 : memref<80xf32, #tpu.memory_space<vmem>>)
      %add3A_609 = arith.constant 3 : i32
      %add3A_610 = arith.addi %mul3A_246, %add3A_609 : i32
      %mul3A_611 = arith.constant 80 : i32
      %mul3A_612 = arith.muli %add3A_610, %mul3A_611 : i32
      %add3A_613 = arith.addi %mul3A_37, %mul3A_612 : i32
      %dma_wait3A_614 = tpu.memref_slice %arg3[%add3A_613] : memref<320000xi32, #tpu.memory_space<hbm>> -> memref<80xi32, #tpu.memory_space<hbm>>
      %dma_wait3A_615 = tpu.memref_slice %arg3[%add3A_613] : memref<320000xi32, #tpu.memory_space<hbm>> -> memref<80xi32, #tpu.memory_space<hbm>>
      tpu.wait_dma2 semaphore(%arg61 : memref<!tpu.dma_semaphore, #tpu.memory_space<semaphore_mem>>) src(%dma_wait3A_615 : memref<80xi32, #tpu.memory_space<hbm>>) dst(%arg41 : memref<80xi32, #tpu.memory_space<vmem>>)
      %mul3A_616 = arith.constant 80 : i32
      %mul3A_617 = arith.muli %add3A_610, %mul3A_616 : i32
      %dma_wait3A_618 = tpu.memref_slice %arg12[%mul3A_617] : memref<10000xi32, #tpu.memory_space<vmem>> -> memref<80xi32, #tpu.memory_space<vmem>>
      %dma_wait3A_619 = arith.constant 0 : i32
      %dma_wait3A_620 = tpu.memref_slice %arg4[%dma_wait3A_619] : memref<10240xf32, #tpu.memory_space<hbm>> -> memref<10240xf32, #tpu.memory_space<hbm>>
      tpu.wait_indirect_dma semaphore(%arg61 : memref<!tpu.dma_semaphore, #tpu.memory_space<semaphore_mem>>) src(%dma_wait3A_620 : memref<10240xf32, #tpu.memory_space<hbm>>) dst(%arg21 : memref<80xf32, #tpu.memory_space<vmem>>)
      %mul3A_621 = arith.constant 80 : i32
      %mul3A_622 = arith.muli %add3A_610, %mul3A_621 : i32
      %dma_wait3A_623 = tpu.memref_slice %arg12[%mul3A_622] : memref<10000xi32, #tpu.memory_space<vmem>> -> memref<80xi32, #tpu.memory_space<vmem>>
      %dma_wait3A_624 = arith.constant 0 : i32
      %dma_wait3A_625 = tpu.memref_slice %arg5[%dma_wait3A_624] : memref<10240xf32, #tpu.memory_space<hbm>> -> memref<10240xf32, #tpu.memory_space<hbm>>
      tpu.wait_indirect_dma semaphore(%arg61 : memref<!tpu.dma_semaphore, #tpu.memory_space<semaphore_mem>>) src(%dma_wait3A_625 : memref<10240xf32, #tpu.memory_space<hbm>>) dst(%arg31 : memref<80xf32, #tpu.memory_space<vmem>>)
      %add3A_626 = arith.constant 4 : i32
      %add3A_627 = arith.addi %mul3A_246, %add3A_626 : i32
      %mul3A_628 = arith.constant 80 : i32
      %mul3A_629 = arith.muli %add3A_627, %mul3A_628 : i32
      %add3A_630 = arith.addi %mul3A_37, %mul3A_629 : i32
      %dma_wait3A_631 = tpu.memref_slice %arg3[%add3A_630] : memref<320000xi32, #tpu.memory_space<hbm>> -> memref<80xi32, #tpu.memory_space<hbm>>
      %dma_wait3A_632 = tpu.memref_slice %arg3[%add3A_630] : memref<320000xi32, #tpu.memory_space<hbm>> -> memref<80xi32, #tpu.memory_space<hbm>>
      tpu.wait_dma2 semaphore(%arg61 : memref<!tpu.dma_semaphore, #tpu.memory_space<semaphore_mem>>) src(%dma_wait3A_632 : memref<80xi32, #tpu.memory_space<hbm>>) dst(%arg42 : memref<80xi32, #tpu.memory_space<vmem>>)
      %mul3A_633 = arith.constant 80 : i32
      %mul3A_634 = arith.muli %add3A_627, %mul3A_633 : i32
      %dma_wait3A_635 = tpu.memref_slice %arg12[%mul3A_634] : memref<10000xi32, #tpu.memory_space<vmem>> -> memref<80xi32, #tpu.memory_space<vmem>>
      %dma_wait3A_636 = arith.constant 0 : i32
      %dma_wait3A_637 = tpu.memref_slice %arg4[%dma_wait3A_636] : memref<10240xf32, #tpu.memory_space<hbm>> -> memref<10240xf32, #tpu.memory_space<hbm>>
      tpu.wait_indirect_dma semaphore(%arg61 : memref<!tpu.dma_semaphore, #tpu.memory_space<semaphore_mem>>) src(%dma_wait3A_637 : memref<10240xf32, #tpu.memory_space<hbm>>) dst(%arg22 : memref<80xf32, #tpu.memory_space<vmem>>)
      %mul3A_638 = arith.constant 80 : i32
      %mul3A_639 = arith.muli %add3A_627, %mul3A_638 : i32
      %dma_wait3A_640 = tpu.memref_slice %arg12[%mul3A_639] : memref<10000xi32, #tpu.memory_space<vmem>> -> memref<80xi32, #tpu.memory_space<vmem>>
      %dma_wait3A_641 = arith.constant 0 : i32
      %dma_wait3A_642 = tpu.memref_slice %arg5[%dma_wait3A_641] : memref<10240xf32, #tpu.memory_space<hbm>> -> memref<10240xf32, #tpu.memory_space<hbm>>
      tpu.wait_indirect_dma semaphore(%arg61 : memref<!tpu.dma_semaphore, #tpu.memory_space<semaphore_mem>>) src(%dma_wait3A_642 : memref<10240xf32, #tpu.memory_space<hbm>>) dst(%arg32 : memref<80xf32, #tpu.memory_space<vmem>>)
      %add3A_643 = arith.constant 0 : i32
      %add3A_644 = arith.addi %mul3A_246, %add3A_643 : i32
      %dma_start3A_645 = arith.constant 0 : i32
      %dma_start3A_646 = tpu.memref_slice %arg56[%dma_start3A_645] : memref<10240xf32, #tpu.memory_space<vmem_shared>> -> memref<10240xf32, #tpu.memory_space<vmem_shared>>
      tpu.enqueue_indirect_dma source(%arg18 : memref<80xf32, #tpu.memory_space<vmem>>) target(%dma_start3A_646 : memref<10240xf32, #tpu.memory_space<vmem_shared>>) offsets(%arg38 : memref<80xi32, #tpu.memory_space<vmem>>) semaphore(%arg63 : memref<!tpu.dma_semaphore, #tpu.memory_space<semaphore_mem>>) {add = true}
      %dma_start3A_647 = arith.constant 0 : i32
      %dma_start3A_648 = tpu.memref_slice %arg57[%dma_start3A_647] : memref<10240xf32, #tpu.memory_space<vmem_shared>> -> memref<10240xf32, #tpu.memory_space<vmem_shared>>
      tpu.enqueue_indirect_dma source(%arg28 : memref<80xf32, #tpu.memory_space<vmem>>) target(%dma_start3A_648 : memref<10240xf32, #tpu.memory_space<vmem_shared>>) offsets(%arg38 : memref<80xi32, #tpu.memory_space<vmem>>) semaphore(%arg63 : memref<!tpu.dma_semaphore, #tpu.memory_space<semaphore_mem>>) {add = true}
      %add3A_649 = arith.constant 1 : i32
      %add3A_650 = arith.addi %mul3A_246, %add3A_649 : i32
      %dma_start3A_651 = arith.constant 0 : i32
      %dma_start3A_652 = tpu.memref_slice %arg56[%dma_start3A_651] : memref<10240xf32, #tpu.memory_space<vmem_shared>> -> memref<10240xf32, #tpu.memory_space<vmem_shared>>
      tpu.enqueue_indirect_dma source(%arg19 : memref<80xf32, #tpu.memory_space<vmem>>) target(%dma_start3A_652 : memref<10240xf32, #tpu.memory_space<vmem_shared>>) offsets(%arg39 : memref<80xi32, #tpu.memory_space<vmem>>) semaphore(%arg63 : memref<!tpu.dma_semaphore, #tpu.memory_space<semaphore_mem>>) {add = true}
      %dma_start3A_653 = arith.constant 0 : i32
      %dma_start3A_654 = tpu.memref_slice %arg57[%dma_start3A_653] : memref<10240xf32, #tpu.memory_space<vmem_shared>> -> memref<10240xf32, #tpu.memory_space<vmem_shared>>
      tpu.enqueue_indirect_dma source(%arg29 : memref<80xf32, #tpu.memory_space<vmem>>) target(%dma_start3A_654 : memref<10240xf32, #tpu.memory_space<vmem_shared>>) offsets(%arg39 : memref<80xi32, #tpu.memory_space<vmem>>) semaphore(%arg63 : memref<!tpu.dma_semaphore, #tpu.memory_space<semaphore_mem>>) {add = true}
      %add3A_655 = arith.constant 2 : i32
      %add3A_656 = arith.addi %mul3A_246, %add3A_655 : i32
      %dma_start3A_657 = arith.constant 0 : i32
      %dma_start3A_658 = tpu.memref_slice %arg56[%dma_start3A_657] : memref<10240xf32, #tpu.memory_space<vmem_shared>> -> memref<10240xf32, #tpu.memory_space<vmem_shared>>
      tpu.enqueue_indirect_dma source(%arg20 : memref<80xf32, #tpu.memory_space<vmem>>) target(%dma_start3A_658 : memref<10240xf32, #tpu.memory_space<vmem_shared>>) offsets(%arg40 : memref<80xi32, #tpu.memory_space<vmem>>) semaphore(%arg63 : memref<!tpu.dma_semaphore, #tpu.memory_space<semaphore_mem>>) {add = true}
      %dma_start3A_659 = arith.constant 0 : i32
      %dma_start3A_660 = tpu.memref_slice %arg57[%dma_start3A_659] : memref<10240xf32, #tpu.memory_space<vmem_shared>> -> memref<10240xf32, #tpu.memory_space<vmem_shared>>
      tpu.enqueue_indirect_dma source(%arg30 : memref<80xf32, #tpu.memory_space<vmem>>) target(%dma_start3A_660 : memref<10240xf32, #tpu.memory_space<vmem_shared>>) offsets(%arg40 : memref<80xi32, #tpu.memory_space<vmem>>) semaphore(%arg63 : memref<!tpu.dma_semaphore, #tpu.memory_space<semaphore_mem>>) {add = true}
      %add3A_661 = arith.constant 3 : i32
      %add3A_662 = arith.addi %mul3A_246, %add3A_661 : i32
      %dma_start3A_663 = arith.constant 0 : i32
      %dma_start3A_664 = tpu.memref_slice %arg56[%dma_start3A_663] : memref<10240xf32, #tpu.memory_space<vmem_shared>> -> memref<10240xf32, #tpu.memory_space<vmem_shared>>
      tpu.enqueue_indirect_dma source(%arg21 : memref<80xf32, #tpu.memory_space<vmem>>) target(%dma_start3A_664 : memref<10240xf32, #tpu.memory_space<vmem_shared>>) offsets(%arg41 : memref<80xi32, #tpu.memory_space<vmem>>) semaphore(%arg63 : memref<!tpu.dma_semaphore, #tpu.memory_space<semaphore_mem>>) {add = true}
      %dma_start3A_665 = arith.constant 0 : i32
      %dma_start3A_666 = tpu.memref_slice %arg57[%dma_start3A_665] : memref<10240xf32, #tpu.memory_space<vmem_shared>> -> memref<10240xf32, #tpu.memory_space<vmem_shared>>
      tpu.enqueue_indirect_dma source(%arg31 : memref<80xf32, #tpu.memory_space<vmem>>) target(%dma_start3A_666 : memref<10240xf32, #tpu.memory_space<vmem_shared>>) offsets(%arg41 : memref<80xi32, #tpu.memory_space<vmem>>) semaphore(%arg63 : memref<!tpu.dma_semaphore, #tpu.memory_space<semaphore_mem>>) {add = true}
      %add3A_667 = arith.constant 4 : i32
      %add3A_668 = arith.addi %mul3A_246, %add3A_667 : i32
      %dma_start3A_669 = arith.constant 0 : i32
      %dma_start3A_670 = tpu.memref_slice %arg56[%dma_start3A_669] : memref<10240xf32, #tpu.memory_space<vmem_shared>> -> memref<10240xf32, #tpu.memory_space<vmem_shared>>
      tpu.enqueue_indirect_dma source(%arg22 : memref<80xf32, #tpu.memory_space<vmem>>) target(%dma_start3A_670 : memref<10240xf32, #tpu.memory_space<vmem_shared>>) offsets(%arg42 : memref<80xi32, #tpu.memory_space<vmem>>) semaphore(%arg63 : memref<!tpu.dma_semaphore, #tpu.memory_space<semaphore_mem>>) {add = true}
      %dma_start3A_671 = arith.constant 0 : i32
      %dma_start3A_672 = tpu.memref_slice %arg57[%dma_start3A_671] : memref<10240xf32, #tpu.memory_space<vmem_shared>> -> memref<10240xf32, #tpu.memory_space<vmem_shared>>
      tpu.enqueue_indirect_dma source(%arg32 : memref<80xf32, #tpu.memory_space<vmem>>) target(%dma_start3A_672 : memref<10240xf32, #tpu.memory_space<vmem_shared>>) offsets(%arg42 : memref<80xi32, #tpu.memory_space<vmem>>) semaphore(%arg63 : memref<!tpu.dma_semaphore, #tpu.memory_space<semaphore_mem>>) {add = true}
      %dma_wait3A_673 = arith.constant 0 : i32
      %dma_wait3A_674 = tpu.memref_slice %arg56[%dma_wait3A_673] : memref<10240xf32, #tpu.memory_space<vmem_shared>> -> memref<10240xf32, #tpu.memory_space<vmem_shared>>
      tpu.wait_indirect_dma semaphore(%arg63 : memref<!tpu.dma_semaphore, #tpu.memory_space<semaphore_mem>>) src(%arg18 : memref<80xf32, #tpu.memory_space<vmem>>) dst(%dma_wait3A_674 : memref<10240xf32, #tpu.memory_space<vmem_shared>>)
      %dma_wait3A_675 = arith.constant 0 : i32
      %dma_wait3A_676 = tpu.memref_slice %arg57[%dma_wait3A_675] : memref<10240xf32, #tpu.memory_space<vmem_shared>> -> memref<10240xf32, #tpu.memory_space<vmem_shared>>
      tpu.wait_indirect_dma semaphore(%arg63 : memref<!tpu.dma_semaphore, #tpu.memory_space<semaphore_mem>>) src(%arg28 : memref<80xf32, #tpu.memory_space<vmem>>) dst(%dma_wait3A_676 : memref<10240xf32, #tpu.memory_space<vmem_shared>>)
      %dma_wait3A_677 = arith.constant 0 : i32
      %dma_wait3A_678 = tpu.memref_slice %arg56[%dma_wait3A_677] : memref<10240xf32, #tpu.memory_space<vmem_shared>> -> memref<10240xf32, #tpu.memory_space<vmem_shared>>
      tpu.wait_indirect_dma semaphore(%arg63 : memref<!tpu.dma_semaphore, #tpu.memory_space<semaphore_mem>>) src(%arg19 : memref<80xf32, #tpu.memory_space<vmem>>) dst(%dma_wait3A_678 : memref<10240xf32, #tpu.memory_space<vmem_shared>>)
      %dma_wait3A_679 = arith.constant 0 : i32
      %dma_wait3A_680 = tpu.memref_slice %arg57[%dma_wait3A_679] : memref<10240xf32, #tpu.memory_space<vmem_shared>> -> memref<10240xf32, #tpu.memory_space<vmem_shared>>
      tpu.wait_indirect_dma semaphore(%arg63 : memref<!tpu.dma_semaphore, #tpu.memory_space<semaphore_mem>>) src(%arg29 : memref<80xf32, #tpu.memory_space<vmem>>) dst(%dma_wait3A_680 : memref<10240xf32, #tpu.memory_space<vmem_shared>>)
      %dma_wait3A_681 = arith.constant 0 : i32
      %dma_wait3A_682 = tpu.memref_slice %arg56[%dma_wait3A_681] : memref<10240xf32, #tpu.memory_space<vmem_shared>> -> memref<10240xf32, #tpu.memory_space<vmem_shared>>
      tpu.wait_indirect_dma semaphore(%arg63 : memref<!tpu.dma_semaphore, #tpu.memory_space<semaphore_mem>>) src(%arg20 : memref<80xf32, #tpu.memory_space<vmem>>) dst(%dma_wait3A_682 : memref<10240xf32, #tpu.memory_space<vmem_shared>>)
      %dma_wait3A_683 = arith.constant 0 : i32
      %dma_wait3A_684 = tpu.memref_slice %arg57[%dma_wait3A_683] : memref<10240xf32, #tpu.memory_space<vmem_shared>> -> memref<10240xf32, #tpu.memory_space<vmem_shared>>
      tpu.wait_indirect_dma semaphore(%arg63 : memref<!tpu.dma_semaphore, #tpu.memory_space<semaphore_mem>>) src(%arg30 : memref<80xf32, #tpu.memory_space<vmem>>) dst(%dma_wait3A_684 : memref<10240xf32, #tpu.memory_space<vmem_shared>>)
      %dma_wait3A_685 = arith.constant 0 : i32
      %dma_wait3A_686 = tpu.memref_slice %arg56[%dma_wait3A_685] : memref<10240xf32, #tpu.memory_space<vmem_shared>> -> memref<10240xf32, #tpu.memory_space<vmem_shared>>
      tpu.wait_indirect_dma semaphore(%arg63 : memref<!tpu.dma_semaphore, #tpu.memory_space<semaphore_mem>>) src(%arg21 : memref<80xf32, #tpu.memory_space<vmem>>) dst(%dma_wait3A_686 : memref<10240xf32, #tpu.memory_space<vmem_shared>>)
      %dma_wait3A_687 = arith.constant 0 : i32
      %dma_wait3A_688 = tpu.memref_slice %arg57[%dma_wait3A_687] : memref<10240xf32, #tpu.memory_space<vmem_shared>> -> memref<10240xf32, #tpu.memory_space<vmem_shared>>
      tpu.wait_indirect_dma semaphore(%arg63 : memref<!tpu.dma_semaphore, #tpu.memory_space<semaphore_mem>>) src(%arg31 : memref<80xf32, #tpu.memory_space<vmem>>) dst(%dma_wait3A_688 : memref<10240xf32, #tpu.memory_space<vmem_shared>>)
      %dma_wait3A_689 = arith.constant 0 : i32
      %dma_wait3A_690 = tpu.memref_slice %arg56[%dma_wait3A_689] : memref<10240xf32, #tpu.memory_space<vmem_shared>> -> memref<10240xf32, #tpu.memory_space<vmem_shared>>
      tpu.wait_indirect_dma semaphore(%arg63 : memref<!tpu.dma_semaphore, #tpu.memory_space<semaphore_mem>>) src(%arg22 : memref<80xf32, #tpu.memory_space<vmem>>) dst(%dma_wait3A_690 : memref<10240xf32, #tpu.memory_space<vmem_shared>>)
      %dma_wait3A_691 = arith.constant 0 : i32
      %dma_wait3A_692 = tpu.memref_slice %arg57[%dma_wait3A_691] : memref<10240xf32, #tpu.memory_space<vmem_shared>> -> memref<10240xf32, #tpu.memory_space<vmem_shared>>
      tpu.wait_indirect_dma semaphore(%arg63 : memref<!tpu.dma_semaphore, #tpu.memory_space<semaphore_mem>>) src(%arg32 : memref<80xf32, #tpu.memory_space<vmem>>) dst(%dma_wait3A_692 : memref<10240xf32, #tpu.memory_space<vmem_shared>>)
    }
    %scan3A_104 = arith.constant 12 : i32
    %add3A_105 = arith.constant 9600 : i32
    %add3A_106 = arith.addi %mul3A_37, %add3A_105 : i32
    %dma_wait3A = tpu.memref_slice %arg3[%add3A_106] : memref<320000xi32, #tpu.memory_space<hbm>> -> memref<80xi32, #tpu.memory_space<hbm>>
    %dma_wait3A_107 = tpu.memref_slice %arg3[%add3A_106] : memref<320000xi32, #tpu.memory_space<hbm>> -> memref<80xi32, #tpu.memory_space<hbm>>
    tpu.wait_dma2 semaphore(%arg60 : memref<!tpu.dma_semaphore, #tpu.memory_space<semaphore_mem>>) src(%dma_wait3A_107 : memref<80xi32, #tpu.memory_space<hbm>>) dst(%arg33 : memref<80xi32, #tpu.memory_space<vmem>>)
    %dma_wait3A_108 = arith.constant 9600 : i32
    %dma_wait3A_109 = tpu.memref_slice %arg12[%dma_wait3A_108] : memref<10000xi32, #tpu.memory_space<vmem>> -> memref<80xi32, #tpu.memory_space<vmem>>
    %dma_wait3A_110 = arith.constant 0 : i32
    %dma_wait3A_111 = tpu.memref_slice %arg4[%dma_wait3A_110] : memref<10240xf32, #tpu.memory_space<hbm>> -> memref<10240xf32, #tpu.memory_space<hbm>>
    tpu.wait_indirect_dma semaphore(%arg60 : memref<!tpu.dma_semaphore, #tpu.memory_space<semaphore_mem>>) src(%dma_wait3A_111 : memref<10240xf32, #tpu.memory_space<hbm>>) dst(%arg13 : memref<80xf32, #tpu.memory_space<vmem>>)
    %dma_wait3A_112 = arith.constant 9600 : i32
    %dma_wait3A_113 = tpu.memref_slice %arg12[%dma_wait3A_112] : memref<10000xi32, #tpu.memory_space<vmem>> -> memref<80xi32, #tpu.memory_space<vmem>>
    %dma_wait3A_114 = arith.constant 0 : i32
    %dma_wait3A_115 = tpu.memref_slice %arg5[%dma_wait3A_114] : memref<10240xf32, #tpu.memory_space<hbm>> -> memref<10240xf32, #tpu.memory_space<hbm>>
    tpu.wait_indirect_dma semaphore(%arg60 : memref<!tpu.dma_semaphore, #tpu.memory_space<semaphore_mem>>) src(%dma_wait3A_115 : memref<10240xf32, #tpu.memory_space<hbm>>) dst(%arg23 : memref<80xf32, #tpu.memory_space<vmem>>)
    %add3A_116 = arith.constant 9680 : i32
    %add3A_117 = arith.addi %mul3A_37, %add3A_116 : i32
    %dma_wait3A_118 = tpu.memref_slice %arg3[%add3A_117] : memref<320000xi32, #tpu.memory_space<hbm>> -> memref<80xi32, #tpu.memory_space<hbm>>
    %dma_wait3A_119 = tpu.memref_slice %arg3[%add3A_117] : memref<320000xi32, #tpu.memory_space<hbm>> -> memref<80xi32, #tpu.memory_space<hbm>>
    tpu.wait_dma2 semaphore(%arg60 : memref<!tpu.dma_semaphore, #tpu.memory_space<semaphore_mem>>) src(%dma_wait3A_119 : memref<80xi32, #tpu.memory_space<hbm>>) dst(%arg34 : memref<80xi32, #tpu.memory_space<vmem>>)
    %dma_wait3A_120 = arith.constant 9680 : i32
    %dma_wait3A_121 = tpu.memref_slice %arg12[%dma_wait3A_120] : memref<10000xi32, #tpu.memory_space<vmem>> -> memref<80xi32, #tpu.memory_space<vmem>>
    %dma_wait3A_122 = arith.constant 0 : i32
    %dma_wait3A_123 = tpu.memref_slice %arg4[%dma_wait3A_122] : memref<10240xf32, #tpu.memory_space<hbm>> -> memref<10240xf32, #tpu.memory_space<hbm>>
    tpu.wait_indirect_dma semaphore(%arg60 : memref<!tpu.dma_semaphore, #tpu.memory_space<semaphore_mem>>) src(%dma_wait3A_123 : memref<10240xf32, #tpu.memory_space<hbm>>) dst(%arg14 : memref<80xf32, #tpu.memory_space<vmem>>)
    %dma_wait3A_124 = arith.constant 9680 : i32
    %dma_wait3A_125 = tpu.memref_slice %arg12[%dma_wait3A_124] : memref<10000xi32, #tpu.memory_space<vmem>> -> memref<80xi32, #tpu.memory_space<vmem>>
    %dma_wait3A_126 = arith.constant 0 : i32
    %dma_wait3A_127 = tpu.memref_slice %arg5[%dma_wait3A_126] : memref<10240xf32, #tpu.memory_space<hbm>> -> memref<10240xf32, #tpu.memory_space<hbm>>
    tpu.wait_indirect_dma semaphore(%arg60 : memref<!tpu.dma_semaphore, #tpu.memory_space<semaphore_mem>>) src(%dma_wait3A_127 : memref<10240xf32, #tpu.memory_space<hbm>>) dst(%arg24 : memref<80xf32, #tpu.memory_space<vmem>>)
    %add3A_128 = arith.constant 9760 : i32
    %add3A_129 = arith.addi %mul3A_37, %add3A_128 : i32
    %dma_wait3A_130 = tpu.memref_slice %arg3[%add3A_129] : memref<320000xi32, #tpu.memory_space<hbm>> -> memref<80xi32, #tpu.memory_space<hbm>>
    %dma_wait3A_131 = tpu.memref_slice %arg3[%add3A_129] : memref<320000xi32, #tpu.memory_space<hbm>> -> memref<80xi32, #tpu.memory_space<hbm>>
    tpu.wait_dma2 semaphore(%arg60 : memref<!tpu.dma_semaphore, #tpu.memory_space<semaphore_mem>>) src(%dma_wait3A_131 : memref<80xi32, #tpu.memory_space<hbm>>) dst(%arg35 : memref<80xi32, #tpu.memory_space<vmem>>)
    %dma_wait3A_132 = arith.constant 9760 : i32
    %dma_wait3A_133 = tpu.memref_slice %arg12[%dma_wait3A_132] : memref<10000xi32, #tpu.memory_space<vmem>> -> memref<80xi32, #tpu.memory_space<vmem>>
    %dma_wait3A_134 = arith.constant 0 : i32
    %dma_wait3A_135 = tpu.memref_slice %arg4[%dma_wait3A_134] : memref<10240xf32, #tpu.memory_space<hbm>> -> memref<10240xf32, #tpu.memory_space<hbm>>
    tpu.wait_indirect_dma semaphore(%arg60 : memref<!tpu.dma_semaphore, #tpu.memory_space<semaphore_mem>>) src(%dma_wait3A_135 : memref<10240xf32, #tpu.memory_space<hbm>>) dst(%arg15 : memref<80xf32, #tpu.memory_space<vmem>>)
    %dma_wait3A_136 = arith.constant 9760 : i32
    %dma_wait3A_137 = tpu.memref_slice %arg12[%dma_wait3A_136] : memref<10000xi32, #tpu.memory_space<vmem>> -> memref<80xi32, #tpu.memory_space<vmem>>
    %dma_wait3A_138 = arith.constant 0 : i32
    %dma_wait3A_139 = tpu.memref_slice %arg5[%dma_wait3A_138] : memref<10240xf32, #tpu.memory_space<hbm>> -> memref<10240xf32, #tpu.memory_space<hbm>>
    tpu.wait_indirect_dma semaphore(%arg60 : memref<!tpu.dma_semaphore, #tpu.memory_space<semaphore_mem>>) src(%dma_wait3A_139 : memref<10240xf32, #tpu.memory_space<hbm>>) dst(%arg25 : memref<80xf32, #tpu.memory_space<vmem>>)
    %add3A_140 = arith.constant 9840 : i32
    %add3A_141 = arith.addi %mul3A_37, %add3A_140 : i32
    %dma_wait3A_142 = tpu.memref_slice %arg3[%add3A_141] : memref<320000xi32, #tpu.memory_space<hbm>> -> memref<80xi32, #tpu.memory_space<hbm>>
    %dma_wait3A_143 = tpu.memref_slice %arg3[%add3A_141] : memref<320000xi32, #tpu.memory_space<hbm>> -> memref<80xi32, #tpu.memory_space<hbm>>
    tpu.wait_dma2 semaphore(%arg60 : memref<!tpu.dma_semaphore, #tpu.memory_space<semaphore_mem>>) src(%dma_wait3A_143 : memref<80xi32, #tpu.memory_space<hbm>>) dst(%arg36 : memref<80xi32, #tpu.memory_space<vmem>>)
    %dma_wait3A_144 = arith.constant 9840 : i32
    %dma_wait3A_145 = tpu.memref_slice %arg12[%dma_wait3A_144] : memref<10000xi32, #tpu.memory_space<vmem>> -> memref<80xi32, #tpu.memory_space<vmem>>
    %dma_wait3A_146 = arith.constant 0 : i32
    %dma_wait3A_147 = tpu.memref_slice %arg4[%dma_wait3A_146] : memref<10240xf32, #tpu.memory_space<hbm>> -> memref<10240xf32, #tpu.memory_space<hbm>>
    tpu.wait_indirect_dma semaphore(%arg60 : memref<!tpu.dma_semaphore, #tpu.memory_space<semaphore_mem>>) src(%dma_wait3A_147 : memref<10240xf32, #tpu.memory_space<hbm>>) dst(%arg16 : memref<80xf32, #tpu.memory_space<vmem>>)
    %dma_wait3A_148 = arith.constant 9840 : i32
    %dma_wait3A_149 = tpu.memref_slice %arg12[%dma_wait3A_148] : memref<10000xi32, #tpu.memory_space<vmem>> -> memref<80xi32, #tpu.memory_space<vmem>>
    %dma_wait3A_150 = arith.constant 0 : i32
    %dma_wait3A_151 = tpu.memref_slice %arg5[%dma_wait3A_150] : memref<10240xf32, #tpu.memory_space<hbm>> -> memref<10240xf32, #tpu.memory_space<hbm>>
    tpu.wait_indirect_dma semaphore(%arg60 : memref<!tpu.dma_semaphore, #tpu.memory_space<semaphore_mem>>) src(%dma_wait3A_151 : memref<10240xf32, #tpu.memory_space<hbm>>) dst(%arg26 : memref<80xf32, #tpu.memory_space<vmem>>)
    %add3A_152 = arith.constant 9920 : i32
    %add3A_153 = arith.addi %mul3A_37, %add3A_152 : i32
    %dma_wait3A_154 = tpu.memref_slice %arg3[%add3A_153] : memref<320000xi32, #tpu.memory_space<hbm>> -> memref<80xi32, #tpu.memory_space<hbm>>
    %dma_wait3A_155 = tpu.memref_slice %arg3[%add3A_153] : memref<320000xi32, #tpu.memory_space<hbm>> -> memref<80xi32, #tpu.memory_space<hbm>>
    tpu.wait_dma2 semaphore(%arg60 : memref<!tpu.dma_semaphore, #tpu.memory_space<semaphore_mem>>) src(%dma_wait3A_155 : memref<80xi32, #tpu.memory_space<hbm>>) dst(%arg37 : memref<80xi32, #tpu.memory_space<vmem>>)
    %dma_wait3A_156 = arith.constant 9920 : i32
    %dma_wait3A_157 = tpu.memref_slice %arg12[%dma_wait3A_156] : memref<10000xi32, #tpu.memory_space<vmem>> -> memref<80xi32, #tpu.memory_space<vmem>>
    %dma_wait3A_158 = arith.constant 0 : i32
    %dma_wait3A_159 = tpu.memref_slice %arg4[%dma_wait3A_158] : memref<10240xf32, #tpu.memory_space<hbm>> -> memref<10240xf32, #tpu.memory_space<hbm>>
    tpu.wait_indirect_dma semaphore(%arg60 : memref<!tpu.dma_semaphore, #tpu.memory_space<semaphore_mem>>) src(%dma_wait3A_159 : memref<10240xf32, #tpu.memory_space<hbm>>) dst(%arg17 : memref<80xf32, #tpu.memory_space<vmem>>)
    %dma_wait3A_160 = arith.constant 9920 : i32
    %dma_wait3A_161 = tpu.memref_slice %arg12[%dma_wait3A_160] : memref<10000xi32, #tpu.memory_space<vmem>> -> memref<80xi32, #tpu.memory_space<vmem>>
    %dma_wait3A_162 = arith.constant 0 : i32
    %dma_wait3A_163 = tpu.memref_slice %arg5[%dma_wait3A_162] : memref<10240xf32, #tpu.memory_space<hbm>> -> memref<10240xf32, #tpu.memory_space<hbm>>
    tpu.wait_indirect_dma semaphore(%arg60 : memref<!tpu.dma_semaphore, #tpu.memory_space<semaphore_mem>>) src(%dma_wait3A_163 : memref<10240xf32, #tpu.memory_space<hbm>>) dst(%arg27 : memref<80xf32, #tpu.memory_space<vmem>>)
    %dma_start3A_164 = arith.constant 0 : i32
    %dma_start3A_165 = tpu.memref_slice %arg56[%dma_start3A_164] : memref<10240xf32, #tpu.memory_space<vmem_shared>> -> memref<10240xf32, #tpu.memory_space<vmem_shared>>
    tpu.enqueue_indirect_dma source(%arg13 : memref<80xf32, #tpu.memory_space<vmem>>) target(%dma_start3A_165 : memref<10240xf32, #tpu.memory_space<vmem_shared>>) offsets(%arg33 : memref<80xi32, #tpu.memory_space<vmem>>) semaphore(%arg62 : memref<!tpu.dma_semaphore, #tpu.memory_space<semaphore_mem>>) {add = true}
    %dma_start3A_166 = arith.constant 0 : i32
    %dma_start3A_167 = tpu.memref_slice %arg57[%dma_start3A_166] : memref<10240xf32, #tpu.memory_space<vmem_shared>> -> memref<10240xf32, #tpu.memory_space<vmem_shared>>
    tpu.enqueue_indirect_dma source(%arg23 : memref<80xf32, #tpu.memory_space<vmem>>) target(%dma_start3A_167 : memref<10240xf32, #tpu.memory_space<vmem_shared>>) offsets(%arg33 : memref<80xi32, #tpu.memory_space<vmem>>) semaphore(%arg62 : memref<!tpu.dma_semaphore, #tpu.memory_space<semaphore_mem>>) {add = true}
    %dma_start3A_168 = arith.constant 0 : i32
    %dma_start3A_169 = tpu.memref_slice %arg56[%dma_start3A_168] : memref<10240xf32, #tpu.memory_space<vmem_shared>> -> memref<10240xf32, #tpu.memory_space<vmem_shared>>
    tpu.enqueue_indirect_dma source(%arg14 : memref<80xf32, #tpu.memory_space<vmem>>) target(%dma_start3A_169 : memref<10240xf32, #tpu.memory_space<vmem_shared>>) offsets(%arg34 : memref<80xi32, #tpu.memory_space<vmem>>) semaphore(%arg62 : memref<!tpu.dma_semaphore, #tpu.memory_space<semaphore_mem>>) {add = true}
    %dma_start3A_170 = arith.constant 0 : i32
    %dma_start3A_171 = tpu.memref_slice %arg57[%dma_start3A_170] : memref<10240xf32, #tpu.memory_space<vmem_shared>> -> memref<10240xf32, #tpu.memory_space<vmem_shared>>
    tpu.enqueue_indirect_dma source(%arg24 : memref<80xf32, #tpu.memory_space<vmem>>) target(%dma_start3A_171 : memref<10240xf32, #tpu.memory_space<vmem_shared>>) offsets(%arg34 : memref<80xi32, #tpu.memory_space<vmem>>) semaphore(%arg62 : memref<!tpu.dma_semaphore, #tpu.memory_space<semaphore_mem>>) {add = true}
    %dma_start3A_172 = arith.constant 0 : i32
    %dma_start3A_173 = tpu.memref_slice %arg56[%dma_start3A_172] : memref<10240xf32, #tpu.memory_space<vmem_shared>> -> memref<10240xf32, #tpu.memory_space<vmem_shared>>
    tpu.enqueue_indirect_dma source(%arg15 : memref<80xf32, #tpu.memory_space<vmem>>) target(%dma_start3A_173 : memref<10240xf32, #tpu.memory_space<vmem_shared>>) offsets(%arg35 : memref<80xi32, #tpu.memory_space<vmem>>) semaphore(%arg62 : memref<!tpu.dma_semaphore, #tpu.memory_space<semaphore_mem>>) {add = true}
    %dma_start3A_174 = arith.constant 0 : i32
    %dma_start3A_175 = tpu.memref_slice %arg57[%dma_start3A_174] : memref<10240xf32, #tpu.memory_space<vmem_shared>> -> memref<10240xf32, #tpu.memory_space<vmem_shared>>
    tpu.enqueue_indirect_dma source(%arg25 : memref<80xf32, #tpu.memory_space<vmem>>) target(%dma_start3A_175 : memref<10240xf32, #tpu.memory_space<vmem_shared>>) offsets(%arg35 : memref<80xi32, #tpu.memory_space<vmem>>) semaphore(%arg62 : memref<!tpu.dma_semaphore, #tpu.memory_space<semaphore_mem>>) {add = true}
    %dma_start3A_176 = arith.constant 0 : i32
    %dma_start3A_177 = tpu.memref_slice %arg56[%dma_start3A_176] : memref<10240xf32, #tpu.memory_space<vmem_shared>> -> memref<10240xf32, #tpu.memory_space<vmem_shared>>
    tpu.enqueue_indirect_dma source(%arg16 : memref<80xf32, #tpu.memory_space<vmem>>) target(%dma_start3A_177 : memref<10240xf32, #tpu.memory_space<vmem_shared>>) offsets(%arg36 : memref<80xi32, #tpu.memory_space<vmem>>) semaphore(%arg62 : memref<!tpu.dma_semaphore, #tpu.memory_space<semaphore_mem>>) {add = true}
    %dma_start3A_178 = arith.constant 0 : i32
    %dma_start3A_179 = tpu.memref_slice %arg57[%dma_start3A_178] : memref<10240xf32, #tpu.memory_space<vmem_shared>> -> memref<10240xf32, #tpu.memory_space<vmem_shared>>
    tpu.enqueue_indirect_dma source(%arg26 : memref<80xf32, #tpu.memory_space<vmem>>) target(%dma_start3A_179 : memref<10240xf32, #tpu.memory_space<vmem_shared>>) offsets(%arg36 : memref<80xi32, #tpu.memory_space<vmem>>) semaphore(%arg62 : memref<!tpu.dma_semaphore, #tpu.memory_space<semaphore_mem>>) {add = true}
    %dma_start3A_180 = arith.constant 0 : i32
    %dma_start3A_181 = tpu.memref_slice %arg56[%dma_start3A_180] : memref<10240xf32, #tpu.memory_space<vmem_shared>> -> memref<10240xf32, #tpu.memory_space<vmem_shared>>
    tpu.enqueue_indirect_dma source(%arg17 : memref<80xf32, #tpu.memory_space<vmem>>) target(%dma_start3A_181 : memref<10240xf32, #tpu.memory_space<vmem_shared>>) offsets(%arg37 : memref<80xi32, #tpu.memory_space<vmem>>) semaphore(%arg62 : memref<!tpu.dma_semaphore, #tpu.memory_space<semaphore_mem>>) {add = true}
    %dma_start3A_182 = arith.constant 0 : i32
    %dma_start3A_183 = tpu.memref_slice %arg57[%dma_start3A_182] : memref<10240xf32, #tpu.memory_space<vmem_shared>> -> memref<10240xf32, #tpu.memory_space<vmem_shared>>
    tpu.enqueue_indirect_dma source(%arg27 : memref<80xf32, #tpu.memory_space<vmem>>) target(%dma_start3A_183 : memref<10240xf32, #tpu.memory_space<vmem_shared>>) offsets(%arg37 : memref<80xi32, #tpu.memory_space<vmem>>) semaphore(%arg62 : memref<!tpu.dma_semaphore, #tpu.memory_space<semaphore_mem>>) {add = true}
    %dma_wait3A_184 = arith.constant 0 : i32
    %dma_wait3A_185 = tpu.memref_slice %arg56[%dma_wait3A_184] : memref<10240xf32, #tpu.memory_space<vmem_shared>> -> memref<10240xf32, #tpu.memory_space<vmem_shared>>
    tpu.wait_indirect_dma semaphore(%arg62 : memref<!tpu.dma_semaphore, #tpu.memory_space<semaphore_mem>>) src(%arg13 : memref<80xf32, #tpu.memory_space<vmem>>) dst(%dma_wait3A_185 : memref<10240xf32, #tpu.memory_space<vmem_shared>>)
    %dma_wait3A_186 = arith.constant 0 : i32
    %dma_wait3A_187 = tpu.memref_slice %arg57[%dma_wait3A_186] : memref<10240xf32, #tpu.memory_space<vmem_shared>> -> memref<10240xf32, #tpu.memory_space<vmem_shared>>
    tpu.wait_indirect_dma semaphore(%arg62 : memref<!tpu.dma_semaphore, #tpu.memory_space<semaphore_mem>>) src(%arg23 : memref<80xf32, #tpu.memory_space<vmem>>) dst(%dma_wait3A_187 : memref<10240xf32, #tpu.memory_space<vmem_shared>>)
    %dma_wait3A_188 = arith.constant 0 : i32
    %dma_wait3A_189 = tpu.memref_slice %arg56[%dma_wait3A_188] : memref<10240xf32, #tpu.memory_space<vmem_shared>> -> memref<10240xf32, #tpu.memory_space<vmem_shared>>
    tpu.wait_indirect_dma semaphore(%arg62 : memref<!tpu.dma_semaphore, #tpu.memory_space<semaphore_mem>>) src(%arg14 : memref<80xf32, #tpu.memory_space<vmem>>) dst(%dma_wait3A_189 : memref<10240xf32, #tpu.memory_space<vmem_shared>>)
    %dma_wait3A_190 = arith.constant 0 : i32
    %dma_wait3A_191 = tpu.memref_slice %arg57[%dma_wait3A_190] : memref<10240xf32, #tpu.memory_space<vmem_shared>> -> memref<10240xf32, #tpu.memory_space<vmem_shared>>
    tpu.wait_indirect_dma semaphore(%arg62 : memref<!tpu.dma_semaphore, #tpu.memory_space<semaphore_mem>>) src(%arg24 : memref<80xf32, #tpu.memory_space<vmem>>) dst(%dma_wait3A_191 : memref<10240xf32, #tpu.memory_space<vmem_shared>>)
    %dma_wait3A_192 = arith.constant 0 : i32
    %dma_wait3A_193 = tpu.memref_slice %arg56[%dma_wait3A_192] : memref<10240xf32, #tpu.memory_space<vmem_shared>> -> memref<10240xf32, #tpu.memory_space<vmem_shared>>
    tpu.wait_indirect_dma semaphore(%arg62 : memref<!tpu.dma_semaphore, #tpu.memory_space<semaphore_mem>>) src(%arg15 : memref<80xf32, #tpu.memory_space<vmem>>) dst(%dma_wait3A_193 : memref<10240xf32, #tpu.memory_space<vmem_shared>>)
    %dma_wait3A_194 = arith.constant 0 : i32
    %dma_wait3A_195 = tpu.memref_slice %arg57[%dma_wait3A_194] : memref<10240xf32, #tpu.memory_space<vmem_shared>> -> memref<10240xf32, #tpu.memory_space<vmem_shared>>
    tpu.wait_indirect_dma semaphore(%arg62 : memref<!tpu.dma_semaphore, #tpu.memory_space<semaphore_mem>>) src(%arg25 : memref<80xf32, #tpu.memory_space<vmem>>) dst(%dma_wait3A_195 : memref<10240xf32, #tpu.memory_space<vmem_shared>>)
    %dma_wait3A_196 = arith.constant 0 : i32
    %dma_wait3A_197 = tpu.memref_slice %arg56[%dma_wait3A_196] : memref<10240xf32, #tpu.memory_space<vmem_shared>> -> memref<10240xf32, #tpu.memory_space<vmem_shared>>
    tpu.wait_indirect_dma semaphore(%arg62 : memref<!tpu.dma_semaphore, #tpu.memory_space<semaphore_mem>>) src(%arg16 : memref<80xf32, #tpu.memory_space<vmem>>) dst(%dma_wait3A_197 : memref<10240xf32, #tpu.memory_space<vmem_shared>>)
    %dma_wait3A_198 = arith.constant 0 : i32
    %dma_wait3A_199 = tpu.memref_slice %arg57[%dma_wait3A_198] : memref<10240xf32, #tpu.memory_space<vmem_shared>> -> memref<10240xf32, #tpu.memory_space<vmem_shared>>
    tpu.wait_indirect_dma semaphore(%arg62 : memref<!tpu.dma_semaphore, #tpu.memory_space<semaphore_mem>>) src(%arg26 : memref<80xf32, #tpu.memory_space<vmem>>) dst(%dma_wait3A_199 : memref<10240xf32, #tpu.memory_space<vmem_shared>>)
    %dma_wait3A_200 = arith.constant 0 : i32
    %dma_wait3A_201 = tpu.memref_slice %arg56[%dma_wait3A_200] : memref<10240xf32, #tpu.memory_space<vmem_shared>> -> memref<10240xf32, #tpu.memory_space<vmem_shared>>
    tpu.wait_indirect_dma semaphore(%arg62 : memref<!tpu.dma_semaphore, #tpu.memory_space<semaphore_mem>>) src(%arg17 : memref<80xf32, #tpu.memory_space<vmem>>) dst(%dma_wait3A_201 : memref<10240xf32, #tpu.memory_space<vmem_shared>>)
    %dma_wait3A_202 = arith.constant 0 : i32
    %dma_wait3A_203 = tpu.memref_slice %arg57[%dma_wait3A_202] : memref<10240xf32, #tpu.memory_space<vmem_shared>> -> memref<10240xf32, #tpu.memory_space<vmem_shared>>
    tpu.wait_indirect_dma semaphore(%arg62 : memref<!tpu.dma_semaphore, #tpu.memory_space<semaphore_mem>>) src(%arg27 : memref<80xf32, #tpu.memory_space<vmem>>) dst(%dma_wait3A_203 : memref<10240xf32, #tpu.memory_space<vmem_shared>>)
    %barrier3A_204 = arith.constant 0 : index
    tpu.barrier barrier_id(%barrier3A_204)
    "tpu.region"() ({
      %run_scoped3A = tpu.sem_alloc : memref<!tpu.dma_semaphore, #tpu.memory_space<semaphore_mem>>
      %dma_start3A_236 = tpu.memref_slice %arg56[%mul3A_30] : memref<10240xf32, #tpu.memory_space<vmem_shared>> -> memref<640xf32, #tpu.memory_space<vmem_shared>>
      %dma_start3A_237 = tpu.memref_slice %arg56[%mul3A_30] : memref<10240xf32, #tpu.memory_space<vmem_shared>> -> memref<640xf32, #tpu.memory_space<vmem_shared>>
      tpu.enqueue_dma source(%dma_start3A_237 : memref<640xf32, #tpu.memory_space<vmem_shared>>) target(%arg44 : memref<640xf32, #tpu.memory_space<vmem>>) target_semaphore(%run_scoped3A : memref<!tpu.dma_semaphore, #tpu.memory_space<semaphore_mem>>)
      %dma_wait3A_238 = tpu.memref_slice %arg56[%mul3A_30] : memref<10240xf32, #tpu.memory_space<vmem_shared>> -> memref<640xf32, #tpu.memory_space<vmem_shared>>
      %dma_wait3A_239 = tpu.memref_slice %arg56[%mul3A_30] : memref<10240xf32, #tpu.memory_space<vmem_shared>> -> memref<640xf32, #tpu.memory_space<vmem_shared>>
      tpu.wait_dma2 semaphore(%run_scoped3A : memref<!tpu.dma_semaphore, #tpu.memory_space<semaphore_mem>>) src(%dma_wait3A_239 : memref<640xf32, #tpu.memory_space<vmem_shared>>) dst(%arg44 : memref<640xf32, #tpu.memory_space<vmem>>)
      tpu.yield
    }) : () -> ()
    "tpu.region"() ({
      %run_scoped3A = tpu.sem_alloc : memref<!tpu.dma_semaphore, #tpu.memory_space<semaphore_mem>>
      %dma_start3A_236 = tpu.memref_slice %arg57[%mul3A_30] : memref<10240xf32, #tpu.memory_space<vmem_shared>> -> memref<640xf32, #tpu.memory_space<vmem_shared>>
      %dma_start3A_237 = tpu.memref_slice %arg57[%mul3A_30] : memref<10240xf32, #tpu.memory_space<vmem_shared>> -> memref<640xf32, #tpu.memory_space<vmem_shared>>
      tpu.enqueue_dma source(%dma_start3A_237 : memref<640xf32, #tpu.memory_space<vmem_shared>>) target(%arg45 : memref<640xf32, #tpu.memory_space<vmem>>) target_semaphore(%run_scoped3A : memref<!tpu.dma_semaphore, #tpu.memory_space<semaphore_mem>>)
      %dma_wait3A_238 = tpu.memref_slice %arg57[%mul3A_30] : memref<10240xf32, #tpu.memory_space<vmem_shared>> -> memref<640xf32, #tpu.memory_space<vmem_shared>>
      %dma_wait3A_239 = tpu.memref_slice %arg57[%mul3A_30] : memref<10240xf32, #tpu.memory_space<vmem_shared>> -> memref<640xf32, #tpu.memory_space<vmem_shared>>
      tpu.wait_dma2 semaphore(%run_scoped3A : memref<!tpu.dma_semaphore, #tpu.memory_space<semaphore_mem>>) src(%dma_wait3A_239 : memref<640xf32, #tpu.memory_space<vmem_shared>>) dst(%arg45 : memref<640xf32, #tpu.memory_space<vmem>>)
      tpu.yield
    }) : () -> ()
    "tpu.region"() ({
      %run_scoped3A = tpu.sem_alloc : memref<!tpu.dma_semaphore, #tpu.memory_space<semaphore_mem>>
      %dma_start3A_236 = tpu.memref_slice %arg8[%mul3A_30] : memref<10240xf32, #tpu.memory_space<hbm>> -> memref<640xf32, #tpu.memory_space<hbm>>
      %dma_start3A_237 = tpu.memref_slice %arg8[%mul3A_30] : memref<10240xf32, #tpu.memory_space<hbm>> -> memref<640xf32, #tpu.memory_space<hbm>>
      tpu.enqueue_dma source(%dma_start3A_237 : memref<640xf32, #tpu.memory_space<hbm>>) target(%arg48 : memref<640xf32, #tpu.memory_space<vmem>>) target_semaphore(%run_scoped3A : memref<!tpu.dma_semaphore, #tpu.memory_space<semaphore_mem>>)
      %dma_wait3A_238 = tpu.memref_slice %arg8[%mul3A_30] : memref<10240xf32, #tpu.memory_space<hbm>> -> memref<640xf32, #tpu.memory_space<hbm>>
      %dma_wait3A_239 = tpu.memref_slice %arg8[%mul3A_30] : memref<10240xf32, #tpu.memory_space<hbm>> -> memref<640xf32, #tpu.memory_space<hbm>>
      tpu.wait_dma2 semaphore(%run_scoped3A : memref<!tpu.dma_semaphore, #tpu.memory_space<semaphore_mem>>) src(%dma_wait3A_239 : memref<640xf32, #tpu.memory_space<hbm>>) dst(%arg48 : memref<640xf32, #tpu.memory_space<vmem>>)
      tpu.yield
    }) : () -> ()
    %eq3A_205 = arith.constant 0 : i32
    %eq3A_206 = arith.cmpi eq, %arg0, %eq3A_205 : i32
    %convert_element_type3A_207 = arith.extui %eq3A_206 : i1 to i32
    %cond3A_208 = arith.constant 0 : i32
    %cond3A_209 = arith.cmpi ne, %convert_element_type3A_207, %cond3A_208 : i32
    scf.if %cond3A_209 {
      "tpu.region"() ({
        %run_scoped3A = tpu.sem_alloc : memref<!tpu.dma_semaphore, #tpu.memory_space<semaphore_mem>>
        %dma_start3A_236 = tpu.memref_slice %arg6[%mul3A_30] : memref<10240xf32, #tpu.memory_space<hbm>> -> memref<640xf32, #tpu.memory_space<hbm>>
        %dma_start3A_237 = tpu.memref_slice %arg6[%mul3A_30] : memref<10240xf32, #tpu.memory_space<hbm>> -> memref<640xf32, #tpu.memory_space<hbm>>
        tpu.enqueue_dma source(%dma_start3A_237 : memref<640xf32, #tpu.memory_space<hbm>>) target(%arg46 : memref<640xf32, #tpu.memory_space<vmem>>) target_semaphore(%run_scoped3A : memref<!tpu.dma_semaphore, #tpu.memory_space<semaphore_mem>>)
        %dma_wait3A_238 = tpu.memref_slice %arg6[%mul3A_30] : memref<10240xf32, #tpu.memory_space<hbm>> -> memref<640xf32, #tpu.memory_space<hbm>>
        %dma_wait3A_239 = tpu.memref_slice %arg6[%mul3A_30] : memref<10240xf32, #tpu.memory_space<hbm>> -> memref<640xf32, #tpu.memory_space<hbm>>
        tpu.wait_dma2 semaphore(%run_scoped3A : memref<!tpu.dma_semaphore, #tpu.memory_space<semaphore_mem>>) src(%dma_wait3A_239 : memref<640xf32, #tpu.memory_space<hbm>>) dst(%arg46 : memref<640xf32, #tpu.memory_space<vmem>>)
        tpu.yield
      }) : () -> ()
      "tpu.region"() ({
        %run_scoped3A = tpu.sem_alloc : memref<!tpu.dma_semaphore, #tpu.memory_space<semaphore_mem>>
        %dma_start3A_236 = tpu.memref_slice %arg7[%mul3A_30] : memref<10240xf32, #tpu.memory_space<hbm>> -> memref<640xf32, #tpu.memory_space<hbm>>
        %dma_start3A_237 = tpu.memref_slice %arg7[%mul3A_30] : memref<10240xf32, #tpu.memory_space<hbm>> -> memref<640xf32, #tpu.memory_space<hbm>>
        tpu.enqueue_dma source(%dma_start3A_237 : memref<640xf32, #tpu.memory_space<hbm>>) target(%arg47 : memref<640xf32, #tpu.memory_space<vmem>>) target_semaphore(%run_scoped3A : memref<!tpu.dma_semaphore, #tpu.memory_space<semaphore_mem>>)
        %dma_wait3A_238 = tpu.memref_slice %arg7[%mul3A_30] : memref<10240xf32, #tpu.memory_space<hbm>> -> memref<640xf32, #tpu.memory_space<hbm>>
        %dma_wait3A_239 = tpu.memref_slice %arg7[%mul3A_30] : memref<10240xf32, #tpu.memory_space<hbm>> -> memref<640xf32, #tpu.memory_space<hbm>>
        tpu.wait_dma2 semaphore(%run_scoped3A : memref<!tpu.dma_semaphore, #tpu.memory_space<semaphore_mem>>) src(%dma_wait3A_239 : memref<640xf32, #tpu.memory_space<hbm>>) dst(%arg47 : memref<640xf32, #tpu.memory_space<vmem>>)
        tpu.yield
      }) : () -> ()
    } else {
    }
    %ne3A = arith.constant 0 : i32
    %ne3A_210 = arith.cmpi ne, %arg0, %ne3A : i32
    %convert_element_type3A_211 = arith.extui %ne3A_210 : i1 to i32
    %cond3A_212 = arith.constant 0 : i32
    %cond3A_213 = arith.cmpi ne, %convert_element_type3A_211, %cond3A_212 : i32
    scf.if %cond3A_213 {
      %scan3A_236 = arith.constant 0 : i32
      %scan3A_237 = arith.constant 0 : i32
      %scan3A_238 = arith.constant 40 : i32
      %scan3A_239 = arith.addi %scan3A_237, %scan3A_238 : i32
      %scan3A_240 = arith.constant 1 : i32
      scf.for %scan3A_242 = %scan3A_237 to %scan3A_239 step %scan3A_240  : i32 {
        %broadcast_in_dim3A_243 = arith.constant 0.000000e+00 : f32
        %broadcast_in_dim3A_244 = vector.broadcast %broadcast_in_dim3A_243 : f32 to vector<16xf32>
        %mul3A_245 = arith.constant 16 : i32
        %mul3A_246 = arith.muli %scan3A_242, %mul3A_245 : i32
        %swap3A_247 = arith.index_cast %mul3A_246 : i32 to index
        %swap3A_248 = tpu.vector_load %arg46[%swap3A_247] {strides = array<i32>} : memref<640xf32, #tpu.memory_space<vmem>>, vector<16xf32>,
        %swap3A_249 = vector.shape_cast %swap3A_248 : vector<16xf32> to vector<16xf32>
        %swap3A_250 = vector.shape_cast %broadcast_in_dim3A_244 : vector<16xf32> to vector<16xf32>
        tpu.vector_store %arg46[%swap3A_247], %swap3A_250 {strides = array<i32>} : memref<640xf32, #tpu.memory_space<vmem>>, vector<16xf32>,
        %broadcast_in_dim3A_251 = arith.constant 0.000000e+00 : f32
        %broadcast_in_dim3A_252 = vector.broadcast %broadcast_in_dim3A_251 : f32 to vector<16xf32>
        %mul3A_253 = arith.constant 16 : i32
        %mul3A_254 = arith.muli %scan3A_242, %mul3A_253 : i32
        %swap3A_255 = arith.index_cast %mul3A_254 : i32 to index
        %swap3A_256 = tpu.vector_load %arg47[%swap3A_255] {strides = array<i32>} : memref<640xf32, #tpu.memory_space<vmem>>, vector<16xf32>,
        %swap3A_257 = vector.shape_cast %swap3A_256 : vector<16xf32> to vector<16xf32>
        %swap3A_258 = vector.shape_cast %broadcast_in_dim3A_252 : vector<16xf32> to vector<16xf32>
        tpu.vector_store %arg47[%swap3A_255], %swap3A_258 {strides = array<i32>} : memref<640xf32, #tpu.memory_space<vmem>>, vector<16xf32>,
      }
      %scan3A_241 = arith.constant 40 : i32
    } else {
    }
    %scan3A_214 = arith.constant 0 : i32
    %scan3A_215 = arith.constant 0 : i32
    %scan3A_216 = arith.constant 40 : i32
    %scan3A_217 = arith.addi %scan3A_215, %scan3A_216 : i32
    %scan3A_218 = arith.constant 1 : i32
    scf.for %scan3A_236 = %scan3A_215 to %scan3A_217 step %scan3A_218  : i32 {
      %mul3A_237 = arith.constant 16 : i32
      %mul3A_238 = arith.muli %scan3A_236, %mul3A_237 : i32
      %get3A = arith.index_cast %mul3A_238 : i32 to index
      %get3A_239 = tpu.vector_load %arg48[%get3A] {strides = array<i32>} : memref<640xf32, #tpu.memory_space<vmem>>, vector<16xf32>,
      %get3A_240 = vector.shape_cast %get3A_239 : vector<16xf32> to vector<16xf32>
      %get3A_241 = arith.index_cast %mul3A_238 : i32 to index
      %get3A_242 = tpu.vector_load %arg44[%get3A_241] {strides = array<i32>} : memref<640xf32, #tpu.memory_space<vmem>>, vector<16xf32>,
      %get3A_243 = vector.shape_cast %get3A_242 : vector<16xf32> to vector<16xf32>
      %get3A_244 = arith.index_cast %mul3A_238 : i32 to index
      %get3A_245 = tpu.vector_load %arg46[%get3A_244] {strides = array<i32>} : memref<640xf32, #tpu.memory_space<vmem>>, vector<16xf32>,
      %get3A_246 = vector.shape_cast %get3A_245 : vector<16xf32> to vector<16xf32>
      %add3A_247 = arith.addf %get3A_243, %get3A_246 : vector<16xf32>
      %mul3A_248 = arith.mulf %get3A_240, %add3A_247 : vector<16xf32>
      %swap3A_249 = arith.index_cast %mul3A_238 : i32 to index
      %swap3A_250 = tpu.vector_load %arg49[%swap3A_249] {strides = array<i32>} : memref<640xf32, #tpu.memory_space<vmem>>, vector<16xf32>,
      %swap3A_251 = vector.shape_cast %swap3A_250 : vector<16xf32> to vector<16xf32>
      %swap3A_252 = vector.shape_cast %mul3A_248 : vector<16xf32> to vector<16xf32>
      tpu.vector_store %arg49[%swap3A_249], %swap3A_252 {strides = array<i32>} : memref<640xf32, #tpu.memory_space<vmem>>, vector<16xf32>,
      %get3A_253 = arith.index_cast %mul3A_238 : i32 to index
      %get3A_254 = tpu.vector_load %arg45[%get3A_253] {strides = array<i32>} : memref<640xf32, #tpu.memory_space<vmem>>, vector<16xf32>,
      %get3A_255 = vector.shape_cast %get3A_254 : vector<16xf32> to vector<16xf32>
      %get3A_256 = arith.index_cast %mul3A_238 : i32 to index
      %get3A_257 = tpu.vector_load %arg47[%get3A_256] {strides = array<i32>} : memref<640xf32, #tpu.memory_space<vmem>>, vector<16xf32>,
      %get3A_258 = vector.shape_cast %get3A_257 : vector<16xf32> to vector<16xf32>
      %add3A_259 = arith.addf %get3A_255, %get3A_258 : vector<16xf32>
      %mul3A_260 = arith.mulf %get3A_240, %add3A_259 : vector<16xf32>
      %swap3A_261 = arith.index_cast %mul3A_238 : i32 to index
      %swap3A_262 = tpu.vector_load %arg50[%swap3A_261] {strides = array<i32>} : memref<640xf32, #tpu.memory_space<vmem>>, vector<16xf32>,
      %swap3A_263 = vector.shape_cast %swap3A_262 : vector<16xf32> to vector<16xf32>
      %swap3A_264 = vector.shape_cast %mul3A_260 : vector<16xf32> to vector<16xf32>
      tpu.vector_store %arg50[%swap3A_261], %swap3A_264 {strides = array<i32>} : memref<640xf32, #tpu.memory_space<vmem>>, vector<16xf32>,
    }
    %scan3A_219 = arith.constant 40 : i32
    %add3A_220 = arith.constant 0 : i32
    %add3A_221 = arith.addi %mul3A_30, %add3A_220 : i32
    "tpu.region"() ({
      %run_scoped3A = tpu.sem_alloc : memref<!tpu.dma_semaphore, #tpu.memory_space<semaphore_mem>>
      %dma_start3A_236 = tpu.memref_slice %arg9[%add3A_221] : memref<10240xi32, #tpu.memory_space<hbm>> -> memref<128xi32, #tpu.memory_space<hbm>>
      %dma_start3A_237 = tpu.memref_slice %arg9[%add3A_221] : memref<10240xi32, #tpu.memory_space<hbm>> -> memref<128xi32, #tpu.memory_space<hbm>>
      tpu.enqueue_dma source(%dma_start3A_237 : memref<128xi32, #tpu.memory_space<hbm>>) target(%arg51 : memref<128xi32, #tpu.memory_space<vmem>>) target_semaphore(%run_scoped3A : memref<!tpu.dma_semaphore, #tpu.memory_space<semaphore_mem>>)
      %dma_wait3A_238 = tpu.memref_slice %arg9[%add3A_221] : memref<10240xi32, #tpu.memory_space<hbm>> -> memref<128xi32, #tpu.memory_space<hbm>>
      %dma_wait3A_239 = tpu.memref_slice %arg9[%add3A_221] : memref<10240xi32, #tpu.memory_space<hbm>> -> memref<128xi32, #tpu.memory_space<hbm>>
      tpu.wait_dma2 semaphore(%run_scoped3A : memref<!tpu.dma_semaphore, #tpu.memory_space<semaphore_mem>>) src(%dma_wait3A_239 : memref<128xi32, #tpu.memory_space<hbm>>) dst(%arg51 : memref<128xi32, #tpu.memory_space<vmem>>)
      tpu.yield
    }) : () -> ()
    "tpu.region"() ({
      %run_scoped3A = tpu.sem_alloc : memref<!tpu.dma_semaphore, #tpu.memory_space<semaphore_mem>>
      %dma_start3A_236 = arith.constant 0 : i32
      %dma_start3A_237 = tpu.memref_slice %arg49[%dma_start3A_236] : memref<640xf32, #tpu.memory_space<vmem>> -> memref<128xf32, #tpu.memory_space<vmem>>
      %dma_start3A_238 = arith.constant 0 : i32
      %dma_start3A_239 = tpu.memref_slice %arg58[%dma_start3A_238] : memref<64xf32, #tpu.memory_space<vmem_shared>> -> memref<64xf32, #tpu.memory_space<vmem_shared>>
      tpu.enqueue_indirect_dma source(%dma_start3A_237 : memref<128xf32, #tpu.memory_space<vmem>>) target(%dma_start3A_239 : memref<64xf32, #tpu.memory_space<vmem_shared>>) offsets(%arg51 : memref<128xi32, #tpu.memory_space<vmem>>) semaphore(%run_scoped3A : memref<!tpu.dma_semaphore, #tpu.memory_space<semaphore_mem>>) {add = true}
      %dma_wait3A_240 = arith.constant 0 : i32
      %dma_wait3A_241 = tpu.memref_slice %arg49[%dma_wait3A_240] : memref<640xf32, #tpu.memory_space<vmem>> -> memref<128xf32, #tpu.memory_space<vmem>>
      %dma_wait3A_242 = arith.constant 0 : i32
      %dma_wait3A_243 = tpu.memref_slice %arg58[%dma_wait3A_242] : memref<64xf32, #tpu.memory_space<vmem_shared>> -> memref<64xf32, #tpu.memory_space<vmem_shared>>
      tpu.wait_indirect_dma semaphore(%run_scoped3A : memref<!tpu.dma_semaphore, #tpu.memory_space<semaphore_mem>>) src(%dma_wait3A_241 : memref<128xf32, #tpu.memory_space<vmem>>) dst(%dma_wait3A_243 : memref<64xf32, #tpu.memory_space<vmem_shared>>)
      tpu.yield
    }) : () -> ()
    "tpu.region"() ({
      %run_scoped3A = tpu.sem_alloc : memref<!tpu.dma_semaphore, #tpu.memory_space<semaphore_mem>>
      %dma_start3A_236 = arith.constant 0 : i32
      %dma_start3A_237 = tpu.memref_slice %arg50[%dma_start3A_236] : memref<640xf32, #tpu.memory_space<vmem>> -> memref<128xf32, #tpu.memory_space<vmem>>
      %dma_start3A_238 = arith.constant 0 : i32
      %dma_start3A_239 = tpu.memref_slice %arg59[%dma_start3A_238] : memref<64xf32, #tpu.memory_space<vmem_shared>> -> memref<64xf32, #tpu.memory_space<vmem_shared>>
      tpu.enqueue_indirect_dma source(%dma_start3A_237 : memref<128xf32, #tpu.memory_space<vmem>>) target(%dma_start3A_239 : memref<64xf32, #tpu.memory_space<vmem_shared>>) offsets(%arg51 : memref<128xi32, #tpu.memory_space<vmem>>) semaphore(%run_scoped3A : memref<!tpu.dma_semaphore, #tpu.memory_space<semaphore_mem>>) {add = true}
      %dma_wait3A_240 = arith.constant 0 : i32
      %dma_wait3A_241 = tpu.memref_slice %arg50[%dma_wait3A_240] : memref<640xf32, #tpu.memory_space<vmem>> -> memref<128xf32, #tpu.memory_space<vmem>>
      %dma_wait3A_242 = arith.constant 0 : i32
      %dma_wait3A_243 = tpu.memref_slice %arg59[%dma_wait3A_242] : memref<64xf32, #tpu.memory_space<vmem_shared>> -> memref<64xf32, #tpu.memory_space<vmem_shared>>
      tpu.wait_indirect_dma semaphore(%run_scoped3A : memref<!tpu.dma_semaphore, #tpu.memory_space<semaphore_mem>>) src(%dma_wait3A_241 : memref<128xf32, #tpu.memory_space<vmem>>) dst(%dma_wait3A_243 : memref<64xf32, #tpu.memory_space<vmem_shared>>)
      tpu.yield
    }) : () -> ()
    %add3A_222 = arith.constant 128 : i32
    %add3A_223 = arith.addi %mul3A_30, %add3A_222 : i32
    "tpu.region"() ({
      %run_scoped3A = tpu.sem_alloc : memref<!tpu.dma_semaphore, #tpu.memory_space<semaphore_mem>>
      %dma_start3A_236 = tpu.memref_slice %arg9[%add3A_223] : memref<10240xi32, #tpu.memory_space<hbm>> -> memref<128xi32, #tpu.memory_space<hbm>>
      %dma_start3A_237 = tpu.memref_slice %arg9[%add3A_223] : memref<10240xi32, #tpu.memory_space<hbm>> -> memref<128xi32, #tpu.memory_space<hbm>>
      tpu.enqueue_dma source(%dma_start3A_237 : memref<128xi32, #tpu.memory_space<hbm>>) target(%arg52 : memref<128xi32, #tpu.memory_space<vmem>>) target_semaphore(%run_scoped3A : memref<!tpu.dma_semaphore, #tpu.memory_space<semaphore_mem>>)
      %dma_wait3A_238 = tpu.memref_slice %arg9[%add3A_223] : memref<10240xi32, #tpu.memory_space<hbm>> -> memref<128xi32, #tpu.memory_space<hbm>>
      %dma_wait3A_239 = tpu.memref_slice %arg9[%add3A_223] : memref<10240xi32, #tpu.memory_space<hbm>> -> memref<128xi32, #tpu.memory_space<hbm>>
      tpu.wait_dma2 semaphore(%run_scoped3A : memref<!tpu.dma_semaphore, #tpu.memory_space<semaphore_mem>>) src(%dma_wait3A_239 : memref<128xi32, #tpu.memory_space<hbm>>) dst(%arg52 : memref<128xi32, #tpu.memory_space<vmem>>)
      tpu.yield
    }) : () -> ()
    "tpu.region"() ({
      %run_scoped3A = tpu.sem_alloc : memref<!tpu.dma_semaphore, #tpu.memory_space<semaphore_mem>>
      %dma_start3A_236 = arith.constant 128 : i32
      %dma_start3A_237 = tpu.memref_slice %arg49[%dma_start3A_236] : memref<640xf32, #tpu.memory_space<vmem>> -> memref<128xf32, #tpu.memory_space<vmem>>
      %dma_start3A_238 = arith.constant 0 : i32
      %dma_start3A_239 = tpu.memref_slice %arg58[%dma_start3A_238] : memref<64xf32, #tpu.memory_space<vmem_shared>> -> memref<64xf32, #tpu.memory_space<vmem_shared>>
      tpu.enqueue_indirect_dma source(%dma_start3A_237 : memref<128xf32, #tpu.memory_space<vmem>>) target(%dma_start3A_239 : memref<64xf32, #tpu.memory_space<vmem_shared>>) offsets(%arg52 : memref<128xi32, #tpu.memory_space<vmem>>) semaphore(%run_scoped3A : memref<!tpu.dma_semaphore, #tpu.memory_space<semaphore_mem>>) {add = true}
      %dma_wait3A_240 = arith.constant 128 : i32
      %dma_wait3A_241 = tpu.memref_slice %arg49[%dma_wait3A_240] : memref<640xf32, #tpu.memory_space<vmem>> -> memref<128xf32, #tpu.memory_space<vmem>>
      %dma_wait3A_242 = arith.constant 0 : i32
      %dma_wait3A_243 = tpu.memref_slice %arg58[%dma_wait3A_242] : memref<64xf32, #tpu.memory_space<vmem_shared>> -> memref<64xf32, #tpu.memory_space<vmem_shared>>
      tpu.wait_indirect_dma semaphore(%run_scoped3A : memref<!tpu.dma_semaphore, #tpu.memory_space<semaphore_mem>>) src(%dma_wait3A_241 : memref<128xf32, #tpu.memory_space<vmem>>) dst(%dma_wait3A_243 : memref<64xf32, #tpu.memory_space<vmem_shared>>)
      tpu.yield
    }) : () -> ()
    "tpu.region"() ({
      %run_scoped3A = tpu.sem_alloc : memref<!tpu.dma_semaphore, #tpu.memory_space<semaphore_mem>>
      %dma_start3A_236 = arith.constant 128 : i32
      %dma_start3A_237 = tpu.memref_slice %arg50[%dma_start3A_236] : memref<640xf32, #tpu.memory_space<vmem>> -> memref<128xf32, #tpu.memory_space<vmem>>
      %dma_start3A_238 = arith.constant 0 : i32
      %dma_start3A_239 = tpu.memref_slice %arg59[%dma_start3A_238] : memref<64xf32, #tpu.memory_space<vmem_shared>> -> memref<64xf32, #tpu.memory_space<vmem_shared>>
      tpu.enqueue_indirect_dma source(%dma_start3A_237 : memref<128xf32, #tpu.memory_space<vmem>>) target(%dma_start3A_239 : memref<64xf32, #tpu.memory_space<vmem_shared>>) offsets(%arg52 : memref<128xi32, #tpu.memory_space<vmem>>) semaphore(%run_scoped3A : memref<!tpu.dma_semaphore, #tpu.memory_space<semaphore_mem>>) {add = true}
      %dma_wait3A_240 = arith.constant 128 : i32
      %dma_wait3A_241 = tpu.memref_slice %arg50[%dma_wait3A_240] : memref<640xf32, #tpu.memory_space<vmem>> -> memref<128xf32, #tpu.memory_space<vmem>>
      %dma_wait3A_242 = arith.constant 0 : i32
      %dma_wait3A_243 = tpu.memref_slice %arg59[%dma_wait3A_242] : memref<64xf32, #tpu.memory_space<vmem_shared>> -> memref<64xf32, #tpu.memory_space<vmem_shared>>
      tpu.wait_indirect_dma semaphore(%run_scoped3A : memref<!tpu.dma_semaphore, #tpu.memory_space<semaphore_mem>>) src(%dma_wait3A_241 : memref<128xf32, #tpu.memory_space<vmem>>) dst(%dma_wait3A_243 : memref<64xf32, #tpu.memory_space<vmem_shared>>)
      tpu.yield
    }) : () -> ()
    %add3A_224 = arith.constant 256 : i32
    %add3A_225 = arith.addi %mul3A_30, %add3A_224 : i32
    "tpu.region"() ({
      %run_scoped3A = tpu.sem_alloc : memref<!tpu.dma_semaphore, #tpu.memory_space<semaphore_mem>>
      %dma_start3A_236 = tpu.memref_slice %arg9[%add3A_225] : memref<10240xi32, #tpu.memory_space<hbm>> -> memref<128xi32, #tpu.memory_space<hbm>>
      %dma_start3A_237 = tpu.memref_slice %arg9[%add3A_225] : memref<10240xi32, #tpu.memory_space<hbm>> -> memref<128xi32, #tpu.memory_space<hbm>>
      tpu.enqueue_dma source(%dma_start3A_237 : memref<128xi32, #tpu.memory_space<hbm>>) target(%arg53 : memref<128xi32, #tpu.memory_space<vmem>>) target_semaphore(%run_scoped3A : memref<!tpu.dma_semaphore, #tpu.memory_space<semaphore_mem>>)
      %dma_wait3A_238 = tpu.memref_slice %arg9[%add3A_225] : memref<10240xi32, #tpu.memory_space<hbm>> -> memref<128xi32, #tpu.memory_space<hbm>>
      %dma_wait3A_239 = tpu.memref_slice %arg9[%add3A_225] : memref<10240xi32, #tpu.memory_space<hbm>> -> memref<128xi32, #tpu.memory_space<hbm>>
      tpu.wait_dma2 semaphore(%run_scoped3A : memref<!tpu.dma_semaphore, #tpu.memory_space<semaphore_mem>>) src(%dma_wait3A_239 : memref<128xi32, #tpu.memory_space<hbm>>) dst(%arg53 : memref<128xi32, #tpu.memory_space<vmem>>)
      tpu.yield
    }) : () -> ()
    "tpu.region"() ({
      %run_scoped3A = tpu.sem_alloc : memref<!tpu.dma_semaphore, #tpu.memory_space<semaphore_mem>>
      %dma_start3A_236 = arith.constant 256 : i32
      %dma_start3A_237 = tpu.memref_slice %arg49[%dma_start3A_236] : memref<640xf32, #tpu.memory_space<vmem>> -> memref<128xf32, #tpu.memory_space<vmem>>
      %dma_start3A_238 = arith.constant 0 : i32
      %dma_start3A_239 = tpu.memref_slice %arg58[%dma_start3A_238] : memref<64xf32, #tpu.memory_space<vmem_shared>> -> memref<64xf32, #tpu.memory_space<vmem_shared>>
      tpu.enqueue_indirect_dma source(%dma_start3A_237 : memref<128xf32, #tpu.memory_space<vmem>>) target(%dma_start3A_239 : memref<64xf32, #tpu.memory_space<vmem_shared>>) offsets(%arg53 : memref<128xi32, #tpu.memory_space<vmem>>) semaphore(%run_scoped3A : memref<!tpu.dma_semaphore, #tpu.memory_space<semaphore_mem>>) {add = true}
      %dma_wait3A_240 = arith.constant 256 : i32
      %dma_wait3A_241 = tpu.memref_slice %arg49[%dma_wait3A_240] : memref<640xf32, #tpu.memory_space<vmem>> -> memref<128xf32, #tpu.memory_space<vmem>>
      %dma_wait3A_242 = arith.constant 0 : i32
      %dma_wait3A_243 = tpu.memref_slice %arg58[%dma_wait3A_242] : memref<64xf32, #tpu.memory_space<vmem_shared>> -> memref<64xf32, #tpu.memory_space<vmem_shared>>
      tpu.wait_indirect_dma semaphore(%run_scoped3A : memref<!tpu.dma_semaphore, #tpu.memory_space<semaphore_mem>>) src(%dma_wait3A_241 : memref<128xf32, #tpu.memory_space<vmem>>) dst(%dma_wait3A_243 : memref<64xf32, #tpu.memory_space<vmem_shared>>)
      tpu.yield
    }) : () -> ()
    "tpu.region"() ({
      %run_scoped3A = tpu.sem_alloc : memref<!tpu.dma_semaphore, #tpu.memory_space<semaphore_mem>>
      %dma_start3A_236 = arith.constant 256 : i32
      %dma_start3A_237 = tpu.memref_slice %arg50[%dma_start3A_236] : memref<640xf32, #tpu.memory_space<vmem>> -> memref<128xf32, #tpu.memory_space<vmem>>
      %dma_start3A_238 = arith.constant 0 : i32
      %dma_start3A_239 = tpu.memref_slice %arg59[%dma_start3A_238] : memref<64xf32, #tpu.memory_space<vmem_shared>> -> memref<64xf32, #tpu.memory_space<vmem_shared>>
      tpu.enqueue_indirect_dma source(%dma_start3A_237 : memref<128xf32, #tpu.memory_space<vmem>>) target(%dma_start3A_239 : memref<64xf32, #tpu.memory_space<vmem_shared>>) offsets(%arg53 : memref<128xi32, #tpu.memory_space<vmem>>) semaphore(%run_scoped3A : memref<!tpu.dma_semaphore, #tpu.memory_space<semaphore_mem>>) {add = true}
      %dma_wait3A_240 = arith.constant 256 : i32
      %dma_wait3A_241 = tpu.memref_slice %arg50[%dma_wait3A_240] : memref<640xf32, #tpu.memory_space<vmem>> -> memref<128xf32, #tpu.memory_space<vmem>>
      %dma_wait3A_242 = arith.constant 0 : i32
      %dma_wait3A_243 = tpu.memref_slice %arg59[%dma_wait3A_242] : memref<64xf32, #tpu.memory_space<vmem_shared>> -> memref<64xf32, #tpu.memory_space<vmem_shared>>
      tpu.wait_indirect_dma semaphore(%run_scoped3A : memref<!tpu.dma_semaphore, #tpu.memory_space<semaphore_mem>>) src(%dma_wait3A_241 : memref<128xf32, #tpu.memory_space<vmem>>) dst(%dma_wait3A_243 : memref<64xf32, #tpu.memory_space<vmem_shared>>)
      tpu.yield
    }) : () -> ()
    %add3A_226 = arith.constant 384 : i32
    %add3A_227 = arith.addi %mul3A_30, %add3A_226 : i32
    "tpu.region"() ({
      %run_scoped3A = tpu.sem_alloc : memref<!tpu.dma_semaphore, #tpu.memory_space<semaphore_mem>>
      %dma_start3A_236 = tpu.memref_slice %arg9[%add3A_227] : memref<10240xi32, #tpu.memory_space<hbm>> -> memref<128xi32, #tpu.memory_space<hbm>>
      %dma_start3A_237 = tpu.memref_slice %arg9[%add3A_227] : memref<10240xi32, #tpu.memory_space<hbm>> -> memref<128xi32, #tpu.memory_space<hbm>>
      tpu.enqueue_dma source(%dma_start3A_237 : memref<128xi32, #tpu.memory_space<hbm>>) target(%arg54 : memref<128xi32, #tpu.memory_space<vmem>>) target_semaphore(%run_scoped3A : memref<!tpu.dma_semaphore, #tpu.memory_space<semaphore_mem>>)
      %dma_wait3A_238 = tpu.memref_slice %arg9[%add3A_227] : memref<10240xi32, #tpu.memory_space<hbm>> -> memref<128xi32, #tpu.memory_space<hbm>>
      %dma_wait3A_239 = tpu.memref_slice %arg9[%add3A_227] : memref<10240xi32, #tpu.memory_space<hbm>> -> memref<128xi32, #tpu.memory_space<hbm>>
      tpu.wait_dma2 semaphore(%run_scoped3A : memref<!tpu.dma_semaphore, #tpu.memory_space<semaphore_mem>>) src(%dma_wait3A_239 : memref<128xi32, #tpu.memory_space<hbm>>) dst(%arg54 : memref<128xi32, #tpu.memory_space<vmem>>)
      tpu.yield
    }) : () -> ()
    "tpu.region"() ({
      %run_scoped3A = tpu.sem_alloc : memref<!tpu.dma_semaphore, #tpu.memory_space<semaphore_mem>>
      %dma_start3A_236 = arith.constant 384 : i32
      %dma_start3A_237 = tpu.memref_slice %arg49[%dma_start3A_236] : memref<640xf32, #tpu.memory_space<vmem>> -> memref<128xf32, #tpu.memory_space<vmem>>
      %dma_start3A_238 = arith.constant 0 : i32
      %dma_start3A_239 = tpu.memref_slice %arg58[%dma_start3A_238] : memref<64xf32, #tpu.memory_space<vmem_shared>> -> memref<64xf32, #tpu.memory_space<vmem_shared>>
      tpu.enqueue_indirect_dma source(%dma_start3A_237 : memref<128xf32, #tpu.memory_space<vmem>>) target(%dma_start3A_239 : memref<64xf32, #tpu.memory_space<vmem_shared>>) offsets(%arg54 : memref<128xi32, #tpu.memory_space<vmem>>) semaphore(%run_scoped3A : memref<!tpu.dma_semaphore, #tpu.memory_space<semaphore_mem>>) {add = true}
      %dma_wait3A_240 = arith.constant 384 : i32
      %dma_wait3A_241 = tpu.memref_slice %arg49[%dma_wait3A_240] : memref<640xf32, #tpu.memory_space<vmem>> -> memref<128xf32, #tpu.memory_space<vmem>>
      %dma_wait3A_242 = arith.constant 0 : i32
      %dma_wait3A_243 = tpu.memref_slice %arg58[%dma_wait3A_242] : memref<64xf32, #tpu.memory_space<vmem_shared>> -> memref<64xf32, #tpu.memory_space<vmem_shared>>
      tpu.wait_indirect_dma semaphore(%run_scoped3A : memref<!tpu.dma_semaphore, #tpu.memory_space<semaphore_mem>>) src(%dma_wait3A_241 : memref<128xf32, #tpu.memory_space<vmem>>) dst(%dma_wait3A_243 : memref<64xf32, #tpu.memory_space<vmem_shared>>)
      tpu.yield
    }) : () -> ()
    "tpu.region"() ({
      %run_scoped3A = tpu.sem_alloc : memref<!tpu.dma_semaphore, #tpu.memory_space<semaphore_mem>>
      %dma_start3A_236 = arith.constant 384 : i32
      %dma_start3A_237 = tpu.memref_slice %arg50[%dma_start3A_236] : memref<640xf32, #tpu.memory_space<vmem>> -> memref<128xf32, #tpu.memory_space<vmem>>
      %dma_start3A_238 = arith.constant 0 : i32
      %dma_start3A_239 = tpu.memref_slice %arg59[%dma_start3A_238] : memref<64xf32, #tpu.memory_space<vmem_shared>> -> memref<64xf32, #tpu.memory_space<vmem_shared>>
      tpu.enqueue_indirect_dma source(%dma_start3A_237 : memref<128xf32, #tpu.memory_space<vmem>>) target(%dma_start3A_239 : memref<64xf32, #tpu.memory_space<vmem_shared>>) offsets(%arg54 : memref<128xi32, #tpu.memory_space<vmem>>) semaphore(%run_scoped3A : memref<!tpu.dma_semaphore, #tpu.memory_space<semaphore_mem>>) {add = true}
      %dma_wait3A_240 = arith.constant 384 : i32
      %dma_wait3A_241 = tpu.memref_slice %arg50[%dma_wait3A_240] : memref<640xf32, #tpu.memory_space<vmem>> -> memref<128xf32, #tpu.memory_space<vmem>>
      %dma_wait3A_242 = arith.constant 0 : i32
      %dma_wait3A_243 = tpu.memref_slice %arg59[%dma_wait3A_242] : memref<64xf32, #tpu.memory_space<vmem_shared>> -> memref<64xf32, #tpu.memory_space<vmem_shared>>
      tpu.wait_indirect_dma semaphore(%run_scoped3A : memref<!tpu.dma_semaphore, #tpu.memory_space<semaphore_mem>>) src(%dma_wait3A_241 : memref<128xf32, #tpu.memory_space<vmem>>) dst(%dma_wait3A_243 : memref<64xf32, #tpu.memory_space<vmem_shared>>)
      tpu.yield
    }) : () -> ()
    %add3A_228 = arith.constant 512 : i32
    %add3A_229 = arith.addi %mul3A_30, %add3A_228 : i32
    "tpu.region"() ({
      %run_scoped3A = tpu.sem_alloc : memref<!tpu.dma_semaphore, #tpu.memory_space<semaphore_mem>>
      %dma_start3A_236 = tpu.memref_slice %arg9[%add3A_229] : memref<10240xi32, #tpu.memory_space<hbm>> -> memref<128xi32, #tpu.memory_space<hbm>>
      %dma_start3A_237 = tpu.memref_slice %arg9[%add3A_229] : memref<10240xi32, #tpu.memory_space<hbm>> -> memref<128xi32, #tpu.memory_space<hbm>>
      tpu.enqueue_dma source(%dma_start3A_237 : memref<128xi32, #tpu.memory_space<hbm>>) target(%arg55 : memref<128xi32, #tpu.memory_space<vmem>>) target_semaphore(%run_scoped3A : memref<!tpu.dma_semaphore, #tpu.memory_space<semaphore_mem>>)
      %dma_wait3A_238 = tpu.memref_slice %arg9[%add3A_229] : memref<10240xi32, #tpu.memory_space<hbm>> -> memref<128xi32, #tpu.memory_space<hbm>>
      %dma_wait3A_239 = tpu.memref_slice %arg9[%add3A_229] : memref<10240xi32, #tpu.memory_space<hbm>> -> memref<128xi32, #tpu.memory_space<hbm>>
      tpu.wait_dma2 semaphore(%run_scoped3A : memref<!tpu.dma_semaphore, #tpu.memory_space<semaphore_mem>>) src(%dma_wait3A_239 : memref<128xi32, #tpu.memory_space<hbm>>) dst(%arg55 : memref<128xi32, #tpu.memory_space<vmem>>)
      tpu.yield
    }) : () -> ()
    "tpu.region"() ({
      %run_scoped3A = tpu.sem_alloc : memref<!tpu.dma_semaphore, #tpu.memory_space<semaphore_mem>>
      %dma_start3A_236 = arith.constant 512 : i32
      %dma_start3A_237 = tpu.memref_slice %arg49[%dma_start3A_236] : memref<640xf32, #tpu.memory_space<vmem>> -> memref<128xf32, #tpu.memory_space<vmem>>
      %dma_start3A_238 = arith.constant 0 : i32
      %dma_start3A_239 = tpu.memref_slice %arg58[%dma_start3A_238] : memref<64xf32, #tpu.memory_space<vmem_shared>> -> memref<64xf32, #tpu.memory_space<vmem_shared>>
      tpu.enqueue_indirect_dma source(%dma_start3A_237 : memref<128xf32, #tpu.memory_space<vmem>>) target(%dma_start3A_239 : memref<64xf32, #tpu.memory_space<vmem_shared>>) offsets(%arg55 : memref<128xi32, #tpu.memory_space<vmem>>) semaphore(%run_scoped3A : memref<!tpu.dma_semaphore, #tpu.memory_space<semaphore_mem>>) {add = true}
      %dma_wait3A_240 = arith.constant 512 : i32
      %dma_wait3A_241 = tpu.memref_slice %arg49[%dma_wait3A_240] : memref<640xf32, #tpu.memory_space<vmem>> -> memref<128xf32, #tpu.memory_space<vmem>>
      %dma_wait3A_242 = arith.constant 0 : i32
      %dma_wait3A_243 = tpu.memref_slice %arg58[%dma_wait3A_242] : memref<64xf32, #tpu.memory_space<vmem_shared>> -> memref<64xf32, #tpu.memory_space<vmem_shared>>
      tpu.wait_indirect_dma semaphore(%run_scoped3A : memref<!tpu.dma_semaphore, #tpu.memory_space<semaphore_mem>>) src(%dma_wait3A_241 : memref<128xf32, #tpu.memory_space<vmem>>) dst(%dma_wait3A_243 : memref<64xf32, #tpu.memory_space<vmem_shared>>)
      tpu.yield
    }) : () -> ()
    "tpu.region"() ({
      %run_scoped3A = tpu.sem_alloc : memref<!tpu.dma_semaphore, #tpu.memory_space<semaphore_mem>>
      %dma_start3A_236 = arith.constant 512 : i32
      %dma_start3A_237 = tpu.memref_slice %arg50[%dma_start3A_236] : memref<640xf32, #tpu.memory_space<vmem>> -> memref<128xf32, #tpu.memory_space<vmem>>
      %dma_start3A_238 = arith.constant 0 : i32
      %dma_start3A_239 = tpu.memref_slice %arg59[%dma_start3A_238] : memref<64xf32, #tpu.memory_space<vmem_shared>> -> memref<64xf32, #tpu.memory_space<vmem_shared>>
      tpu.enqueue_indirect_dma source(%dma_start3A_237 : memref<128xf32, #tpu.memory_space<vmem>>) target(%dma_start3A_239 : memref<64xf32, #tpu.memory_space<vmem_shared>>) offsets(%arg55 : memref<128xi32, #tpu.memory_space<vmem>>) semaphore(%run_scoped3A : memref<!tpu.dma_semaphore, #tpu.memory_space<semaphore_mem>>) {add = true}
      %dma_wait3A_240 = arith.constant 512 : i32
      %dma_wait3A_241 = tpu.memref_slice %arg50[%dma_wait3A_240] : memref<640xf32, #tpu.memory_space<vmem>> -> memref<128xf32, #tpu.memory_space<vmem>>
      %dma_wait3A_242 = arith.constant 0 : i32
      %dma_wait3A_243 = tpu.memref_slice %arg59[%dma_wait3A_242] : memref<64xf32, #tpu.memory_space<vmem_shared>> -> memref<64xf32, #tpu.memory_space<vmem_shared>>
      tpu.wait_indirect_dma semaphore(%run_scoped3A : memref<!tpu.dma_semaphore, #tpu.memory_space<semaphore_mem>>) src(%dma_wait3A_241 : memref<128xf32, #tpu.memory_space<vmem>>) dst(%dma_wait3A_243 : memref<64xf32, #tpu.memory_space<vmem_shared>>)
      tpu.yield
    }) : () -> ()
    %barrier3A_230 = arith.constant 0 : index
    tpu.barrier barrier_id(%barrier3A_230)
    %eq3A_231 = arith.constant 0 : i32
    %eq3A_232 = arith.cmpi eq, %arg1, %eq3A_231 : i32
    %convert_element_type3A_233 = arith.extui %eq3A_232 : i1 to i32
    %cond3A_234 = arith.constant 0 : i32
    %cond3A_235 = arith.cmpi ne, %convert_element_type3A_233, %cond3A_234 : i32
    scf.if %cond3A_235 {
      "tpu.region"() ({
        %run_scoped3A = tpu.sem_alloc : memref<!tpu.dma_semaphore, #tpu.memory_space<semaphore_mem>>
        %dma_start3A_236 = arith.constant 0 : i32
        %dma_start3A_237 = tpu.memref_slice %arg10[%arg0, %dma_start3A_236] : memref<2x64xf32, #tpu.memory_space<hbm>> -> memref<1x64xf32, #tpu.memory_space<hbm>>
        %dma_start3A_238 = tpu.memref_squeeze %dma_start3A_237 : memref<1x64xf32, #tpu.memory_space<hbm>> -> memref<64xf32, #tpu.memory_space<hbm>>
        tpu.enqueue_dma source(%arg58 : memref<64xf32, #tpu.memory_space<vmem_shared>>) target(%dma_start3A_238 : memref<64xf32, #tpu.memory_space<hbm>>) target_semaphore(%run_scoped3A : memref<!tpu.dma_semaphore, #tpu.memory_space<semaphore_mem>>)
        %dma_wait3A_239 = arith.constant 0 : i32
        %dma_wait3A_240 = tpu.memref_slice %arg10[%arg0, %dma_wait3A_239] : memref<2x64xf32, #tpu.memory_space<hbm>> -> memref<1x64xf32, #tpu.memory_space<hbm>>
        %dma_wait3A_241 = tpu.memref_squeeze %dma_wait3A_240 : memref<1x64xf32, #tpu.memory_space<hbm>> -> memref<64xf32, #tpu.memory_space<hbm>>
        tpu.wait_dma2 semaphore(%run_scoped3A : memref<!tpu.dma_semaphore, #tpu.memory_space<semaphore_mem>>) src(%arg58 : memref<64xf32, #tpu.memory_space<vmem_shared>>) dst(%dma_wait3A_241 : memref<64xf32, #tpu.memory_space<hbm>>)
        tpu.yield
      }) : () -> ()
      "tpu.region"() ({
        %run_scoped3A = tpu.sem_alloc : memref<!tpu.dma_semaphore, #tpu.memory_space<semaphore_mem>>
        %dma_start3A_236 = arith.constant 0 : i32
        %dma_start3A_237 = tpu.memref_slice %arg11[%arg0, %dma_start3A_236] : memref<2x64xf32, #tpu.memory_space<hbm>> -> memref<1x64xf32, #tpu.memory_space<hbm>>
        %dma_start3A_238 = tpu.memref_squeeze %dma_start3A_237 : memref<1x64xf32, #tpu.memory_space<hbm>> -> memref<64xf32, #tpu.memory_space<hbm>>
        tpu.enqueue_dma source(%arg59 : memref<64xf32, #tpu.memory_space<vmem_shared>>) target(%dma_start3A_238 : memref<64xf32, #tpu.memory_space<hbm>>) target_semaphore(%run_scoped3A : memref<!tpu.dma_semaphore, #tpu.memory_space<semaphore_mem>>)
        %dma_wait3A_239 = arith.constant 0 : i32
        %dma_wait3A_240 = tpu.memref_slice %arg11[%arg0, %dma_wait3A_239] : memref<2x64xf32, #tpu.memory_space<hbm>> -> memref<1x64xf32, #tpu.memory_space<hbm>>
        %dma_wait3A_241 = tpu.memref_squeeze %dma_wait3A_240 : memref<1x64xf32, #tpu.memory_space<hbm>> -> memref<64xf32, #tpu.memory_space<hbm>>
        tpu.wait_dma2 semaphore(%run_scoped3A : memref<!tpu.dma_semaphore, #tpu.memory_space<semaphore_mem>>) src(%arg59 : memref<64xf32, #tpu.memory_space<vmem_shared>>) dst(%dma_wait3A_241 : memref<64xf32, #tpu.memory_space<hbm>>)
        tpu.yield
      }) : () -> ()
    } else {
    }
    return
  }
}

#map = affine_map<(d0, d1) -> (0)>
#map1 = affine_map<(d0, d1) -> (0, 0)>
module attributes {stable_mosaic.version = 14 : i64} {
  func.func @_deg_kernel(%arg0: i32, %arg1: i32, %arg2: memref<320000xi32, #tpu.memory_space<hbm>>, %arg3: memref<2x10240xf32, #tpu.memory_space<hbm>>, %arg4: memref<80xi32, #tpu.memory_space<vmem>>, %arg5: memref<80xi32, #tpu.memory_space<vmem>>, %arg6: memref<80xi32, #tpu.memory_space<vmem>>, %arg7: memref<80xi32, #tpu.memory_space<vmem>>, %arg8: memref<80xi32, #tpu.memory_space<vmem>>, %arg9: memref<80xi32, #tpu.memory_space<vmem>>, %arg10: memref<80xi32, #tpu.memory_space<vmem>>, %arg11: memref<80xi32, #tpu.memory_space<vmem>>, %arg12: memref<80xi32, #tpu.memory_space<vmem>>, %arg13: memref<80xi32, #tpu.memory_space<vmem>>, %arg14: memref<80xf32, #tpu.memory_space<vmem>>, %arg15: memref<80xf32, #tpu.memory_space<vmem>>, %arg16: memref<10240xf32, #tpu.memory_space<vmem_shared>>, %arg17: memref<!tpu.dma_semaphore, #tpu.memory_space<semaphore_mem>>, %arg18: memref<!tpu.dma_semaphore, #tpu.memory_space<semaphore_mem>>, %arg19: memref<!tpu.dma_semaphore, #tpu.memory_space<semaphore_mem>>, %arg20: memref<!tpu.dma_semaphore, #tpu.memory_space<semaphore_mem>>) attributes {dimension_semantics = [#tpu.dimension_semantics<core_parallel>, #tpu.dimension_semantics<subcore_parallel>], iteration_bounds = array<i64: 2, 16>, scalar_prefetch = 0 : i64, scratch_operands = 17 : i64, tpu.core_type = #tpu.core_type<sc_vector_subcore>, window_params = [{transform_indices = #map}, {transform_indices = #map1}]} {
    %mul3A = arith.constant 2 : i32
    %mul3A_0 = arith.muli %arg1, %mul3A : i32
    %add3A = arith.addi %mul3A_0, %arg0 : i32
    %broadcast_in_dim3A = arith.constant 1.000000e+00 : f32
    %broadcast_in_dim3A_1 = vector.broadcast %broadcast_in_dim3A : f32 to vector<16xf32>
    %swap3A = arith.constant 0 : index
    %swap3A_2 = tpu.vector_load %arg14[%swap3A] {strides = array<i32>} : memref<80xf32, #tpu.memory_space<vmem>>, vector<16xf32>,
    %swap3A_3 = vector.shape_cast %swap3A_2 : vector<16xf32> to vector<16xf32>
    %swap3A_4 = vector.shape_cast %broadcast_in_dim3A_1 : vector<16xf32> to vector<16xf32>
    tpu.vector_store %arg14[%swap3A], %swap3A_4 {strides = array<i32>} : memref<80xf32, #tpu.memory_space<vmem>>, vector<16xf32>,
    %broadcast_in_dim3A_5 = arith.constant 1.000000e+00 : f32
    %broadcast_in_dim3A_6 = vector.broadcast %broadcast_in_dim3A_5 : f32 to vector<16xf32>
    %swap3A_7 = arith.constant 16 : index
    %swap3A_8 = tpu.vector_load %arg14[%swap3A_7] {strides = array<i32>} : memref<80xf32, #tpu.memory_space<vmem>>, vector<16xf32>,
    %swap3A_9 = vector.shape_cast %swap3A_8 : vector<16xf32> to vector<16xf32>
    %swap3A_10 = vector.shape_cast %broadcast_in_dim3A_6 : vector<16xf32> to vector<16xf32>
    tpu.vector_store %arg14[%swap3A_7], %swap3A_10 {strides = array<i32>} : memref<80xf32, #tpu.memory_space<vmem>>, vector<16xf32>,
    %broadcast_in_dim3A_11 = arith.constant 1.000000e+00 : f32
    %broadcast_in_dim3A_12 = vector.broadcast %broadcast_in_dim3A_11 : f32 to vector<16xf32>
    %swap3A_13 = arith.constant 32 : index
    %swap3A_14 = tpu.vector_load %arg14[%swap3A_13] {strides = array<i32>} : memref<80xf32, #tpu.memory_space<vmem>>, vector<16xf32>,
    %swap3A_15 = vector.shape_cast %swap3A_14 : vector<16xf32> to vector<16xf32>
    %swap3A_16 = vector.shape_cast %broadcast_in_dim3A_12 : vector<16xf32> to vector<16xf32>
    tpu.vector_store %arg14[%swap3A_13], %swap3A_16 {strides = array<i32>} : memref<80xf32, #tpu.memory_space<vmem>>, vector<16xf32>,
    %broadcast_in_dim3A_17 = arith.constant 1.000000e+00 : f32
    %broadcast_in_dim3A_18 = vector.broadcast %broadcast_in_dim3A_17 : f32 to vector<16xf32>
    %swap3A_19 = arith.constant 48 : index
    %swap3A_20 = tpu.vector_load %arg14[%swap3A_19] {strides = array<i32>} : memref<80xf32, #tpu.memory_space<vmem>>, vector<16xf32>,
    %swap3A_21 = vector.shape_cast %swap3A_20 : vector<16xf32> to vector<16xf32>
    %swap3A_22 = vector.shape_cast %broadcast_in_dim3A_18 : vector<16xf32> to vector<16xf32>
    tpu.vector_store %arg14[%swap3A_19], %swap3A_22 {strides = array<i32>} : memref<80xf32, #tpu.memory_space<vmem>>, vector<16xf32>,
    %broadcast_in_dim3A_23 = arith.constant 1.000000e+00 : f32
    %broadcast_in_dim3A_24 = vector.broadcast %broadcast_in_dim3A_23 : f32 to vector<16xf32>
    %swap3A_25 = arith.constant 64 : index
    %swap3A_26 = tpu.vector_load %arg14[%swap3A_25] {strides = array<i32>} : memref<80xf32, #tpu.memory_space<vmem>>, vector<16xf32>,
    %swap3A_27 = vector.shape_cast %swap3A_26 : vector<16xf32> to vector<16xf32>
    %swap3A_28 = vector.shape_cast %broadcast_in_dim3A_24 : vector<16xf32> to vector<16xf32>
    tpu.vector_store %arg14[%swap3A_25], %swap3A_28 {strides = array<i32>} : memref<80xf32, #tpu.memory_space<vmem>>, vector<16xf32>,
    %broadcast_in_dim3A_29 = arith.constant 0.000000e+00 : f32
    %broadcast_in_dim3A_30 = vector.broadcast %broadcast_in_dim3A_29 : f32 to vector<16xf32>
    %swap3A_31 = arith.constant 0 : index
    %swap3A_32 = tpu.vector_load %arg15[%swap3A_31] {strides = array<i32>} : memref<80xf32, #tpu.memory_space<vmem>>, vector<16xf32>,
    %swap3A_33 = vector.shape_cast %swap3A_32 : vector<16xf32> to vector<16xf32>
    %swap3A_34 = vector.shape_cast %broadcast_in_dim3A_30 : vector<16xf32> to vector<16xf32>
    tpu.vector_store %arg15[%swap3A_31], %swap3A_34 {strides = array<i32>} : memref<80xf32, #tpu.memory_space<vmem>>, vector<16xf32>,
    %broadcast_in_dim3A_35 = arith.constant 0.000000e+00 : f32
    %broadcast_in_dim3A_36 = vector.broadcast %broadcast_in_dim3A_35 : f32 to vector<16xf32>
    %swap3A_37 = arith.constant 16 : index
    %swap3A_38 = tpu.vector_load %arg15[%swap3A_37] {strides = array<i32>} : memref<80xf32, #tpu.memory_space<vmem>>, vector<16xf32>,
    %swap3A_39 = vector.shape_cast %swap3A_38 : vector<16xf32> to vector<16xf32>
    %swap3A_40 = vector.shape_cast %broadcast_in_dim3A_36 : vector<16xf32> to vector<16xf32>
    tpu.vector_store %arg15[%swap3A_37], %swap3A_40 {strides = array<i32>} : memref<80xf32, #tpu.memory_space<vmem>>, vector<16xf32>,
    %broadcast_in_dim3A_41 = arith.constant 0.000000e+00 : f32
    %broadcast_in_dim3A_42 = vector.broadcast %broadcast_in_dim3A_41 : f32 to vector<16xf32>
    %swap3A_43 = arith.constant 32 : index
    %swap3A_44 = tpu.vector_load %arg15[%swap3A_43] {strides = array<i32>} : memref<80xf32, #tpu.memory_space<vmem>>, vector<16xf32>,
    %swap3A_45 = vector.shape_cast %swap3A_44 : vector<16xf32> to vector<16xf32>
    %swap3A_46 = vector.shape_cast %broadcast_in_dim3A_42 : vector<16xf32> to vector<16xf32>
    tpu.vector_store %arg15[%swap3A_43], %swap3A_46 {strides = array<i32>} : memref<80xf32, #tpu.memory_space<vmem>>, vector<16xf32>,
    %broadcast_in_dim3A_47 = arith.constant 0.000000e+00 : f32
    %broadcast_in_dim3A_48 = vector.broadcast %broadcast_in_dim3A_47 : f32 to vector<16xf32>
    %swap3A_49 = arith.constant 48 : index
    %swap3A_50 = tpu.vector_load %arg15[%swap3A_49] {strides = array<i32>} : memref<80xf32, #tpu.memory_space<vmem>>, vector<16xf32>,
    %swap3A_51 = vector.shape_cast %swap3A_50 : vector<16xf32> to vector<16xf32>
    %swap3A_52 = vector.shape_cast %broadcast_in_dim3A_48 : vector<16xf32> to vector<16xf32>
    tpu.vector_store %arg15[%swap3A_49], %swap3A_52 {strides = array<i32>} : memref<80xf32, #tpu.memory_space<vmem>>, vector<16xf32>,
    %broadcast_in_dim3A_53 = arith.constant 0.000000e+00 : f32
    %broadcast_in_dim3A_54 = vector.broadcast %broadcast_in_dim3A_53 : f32 to vector<16xf32>
    %swap3A_55 = arith.constant 64 : index
    %swap3A_56 = tpu.vector_load %arg15[%swap3A_55] {strides = array<i32>} : memref<80xf32, #tpu.memory_space<vmem>>, vector<16xf32>,
    %swap3A_57 = vector.shape_cast %swap3A_56 : vector<16xf32> to vector<16xf32>
    %swap3A_58 = vector.shape_cast %broadcast_in_dim3A_54 : vector<16xf32> to vector<16xf32>
    tpu.vector_store %arg15[%swap3A_55], %swap3A_58 {strides = array<i32>} : memref<80xf32, #tpu.memory_space<vmem>>, vector<16xf32>,
    %mul3A_59 = arith.constant 640 : i32
    %mul3A_60 = arith.muli %arg1, %mul3A_59 : i32
    %scan3A = arith.constant 0 : i32
    %scan3A_61 = arith.constant 0 : i32
    %scan3A_62 = arith.constant 8 : i32
    %scan3A_63 = arith.addi %scan3A_61, %scan3A_62 : i32
    %scan3A_64 = arith.constant 1 : i32
    scf.for %scan3A_133 = %scan3A_61 to %scan3A_63 step %scan3A_64  : i32 {
      %mul3A_134 = arith.constant 80 : i32
      %mul3A_135 = arith.muli %scan3A_133, %mul3A_134 : i32
      %add3A_136 = arith.addi %mul3A_60, %mul3A_135 : i32
      "tpu.region"() ({
        %run_scoped3A = tpu.sem_alloc : memref<!tpu.dma_semaphore, #tpu.memory_space<semaphore_mem>>
        %dma_start3A_137 = tpu.memref_slice %arg16[%add3A_136] : memref<10240xf32, #tpu.memory_space<vmem_shared>> -> memref<80xf32, #tpu.memory_space<vmem_shared>>
        %dma_start3A_138 = tpu.memref_slice %arg16[%add3A_136] : memref<10240xf32, #tpu.memory_space<vmem_shared>> -> memref<80xf32, #tpu.memory_space<vmem_shared>>
        tpu.enqueue_dma source(%arg15 : memref<80xf32, #tpu.memory_space<vmem>>) target(%dma_start3A_138 : memref<80xf32, #tpu.memory_space<vmem_shared>>) target_semaphore(%run_scoped3A : memref<!tpu.dma_semaphore, #tpu.memory_space<semaphore_mem>>)
        %dma_wait3A_139 = tpu.memref_slice %arg16[%add3A_136] : memref<10240xf32, #tpu.memory_space<vmem_shared>> -> memref<80xf32, #tpu.memory_space<vmem_shared>>
        %dma_wait3A_140 = tpu.memref_slice %arg16[%add3A_136] : memref<10240xf32, #tpu.memory_space<vmem_shared>> -> memref<80xf32, #tpu.memory_space<vmem_shared>>
        tpu.wait_dma2 semaphore(%run_scoped3A : memref<!tpu.dma_semaphore, #tpu.memory_space<semaphore_mem>>) src(%arg15 : memref<80xf32, #tpu.memory_space<vmem>>) dst(%dma_wait3A_140 : memref<80xf32, #tpu.memory_space<vmem_shared>>)
        tpu.yield
      }) : () -> ()
    }
    %scan3A_65 = arith.constant 8 : i32
    %barrier3A = arith.constant 0 : index
    tpu.barrier barrier_id(%barrier3A)
    %mul3A_66 = arith.constant 10000 : i32
    %mul3A_67 = arith.muli %add3A, %mul3A_66 : i32
    %add3A_68 = arith.constant 0 : i32
    %add3A_69 = arith.addi %mul3A_67, %add3A_68 : i32
    %dma_start3A = tpu.memref_slice %arg2[%add3A_69] : memref<320000xi32, #tpu.memory_space<hbm>> -> memref<80xi32, #tpu.memory_space<hbm>>
    %dma_start3A_70 = tpu.memref_slice %arg2[%add3A_69] : memref<320000xi32, #tpu.memory_space<hbm>> -> memref<80xi32, #tpu.memory_space<hbm>>
    tpu.enqueue_dma source(%dma_start3A_70 : memref<80xi32, #tpu.memory_space<hbm>>) target(%arg4 : memref<80xi32, #tpu.memory_space<vmem>>) target_semaphore(%arg17 : memref<!tpu.dma_semaphore, #tpu.memory_space<semaphore_mem>>)
    %add3A_71 = arith.constant 80 : i32
    %add3A_72 = arith.addi %mul3A_67, %add3A_71 : i32
    %dma_start3A_73 = tpu.memref_slice %arg2[%add3A_72] : memref<320000xi32, #tpu.memory_space<hbm>> -> memref<80xi32, #tpu.memory_space<hbm>>
    %dma_start3A_74 = tpu.memref_slice %arg2[%add3A_72] : memref<320000xi32, #tpu.memory_space<hbm>> -> memref<80xi32, #tpu.memory_space<hbm>>
    tpu.enqueue_dma source(%dma_start3A_74 : memref<80xi32, #tpu.memory_space<hbm>>) target(%arg5 : memref<80xi32, #tpu.memory_space<vmem>>) target_semaphore(%arg17 : memref<!tpu.dma_semaphore, #tpu.memory_space<semaphore_mem>>)
    %add3A_75 = arith.constant 160 : i32
    %add3A_76 = arith.addi %mul3A_67, %add3A_75 : i32
    %dma_start3A_77 = tpu.memref_slice %arg2[%add3A_76] : memref<320000xi32, #tpu.memory_space<hbm>> -> memref<80xi32, #tpu.memory_space<hbm>>
    %dma_start3A_78 = tpu.memref_slice %arg2[%add3A_76] : memref<320000xi32, #tpu.memory_space<hbm>> -> memref<80xi32, #tpu.memory_space<hbm>>
    tpu.enqueue_dma source(%dma_start3A_78 : memref<80xi32, #tpu.memory_space<hbm>>) target(%arg6 : memref<80xi32, #tpu.memory_space<vmem>>) target_semaphore(%arg17 : memref<!tpu.dma_semaphore, #tpu.memory_space<semaphore_mem>>)
    %add3A_79 = arith.constant 240 : i32
    %add3A_80 = arith.addi %mul3A_67, %add3A_79 : i32
    %dma_start3A_81 = tpu.memref_slice %arg2[%add3A_80] : memref<320000xi32, #tpu.memory_space<hbm>> -> memref<80xi32, #tpu.memory_space<hbm>>
    %dma_start3A_82 = tpu.memref_slice %arg2[%add3A_80] : memref<320000xi32, #tpu.memory_space<hbm>> -> memref<80xi32, #tpu.memory_space<hbm>>
    tpu.enqueue_dma source(%dma_start3A_82 : memref<80xi32, #tpu.memory_space<hbm>>) target(%arg7 : memref<80xi32, #tpu.memory_space<vmem>>) target_semaphore(%arg17 : memref<!tpu.dma_semaphore, #tpu.memory_space<semaphore_mem>>)
    %add3A_83 = arith.constant 320 : i32
    %add3A_84 = arith.addi %mul3A_67, %add3A_83 : i32
    %dma_start3A_85 = tpu.memref_slice %arg2[%add3A_84] : memref<320000xi32, #tpu.memory_space<hbm>> -> memref<80xi32, #tpu.memory_space<hbm>>
    %dma_start3A_86 = tpu.memref_slice %arg2[%add3A_84] : memref<320000xi32, #tpu.memory_space<hbm>> -> memref<80xi32, #tpu.memory_space<hbm>>
    tpu.enqueue_dma source(%dma_start3A_86 : memref<80xi32, #tpu.memory_space<hbm>>) target(%arg8 : memref<80xi32, #tpu.memory_space<vmem>>) target_semaphore(%arg17 : memref<!tpu.dma_semaphore, #tpu.memory_space<semaphore_mem>>)
    %scan3A_87 = arith.constant 0 : i32
    %scan3A_88 = arith.constant 0 : i32
    %scan3A_89 = arith.constant 12 : i32
    %scan3A_90 = arith.addi %scan3A_88, %scan3A_89 : i32
    %scan3A_91 = arith.constant 1 : i32
    scf.for %scan3A_133 = %scan3A_88 to %scan3A_90 step %scan3A_91  : i32 {
      %mul3A_134 = arith.constant 2 : i32
      %mul3A_135 = arith.muli %mul3A_134, %scan3A_133 : i32
      %mul3A_136 = arith.constant 5 : i32
      %mul3A_137 = arith.muli %mul3A_135, %mul3A_136 : i32
      %mul3A_138 = arith.constant 2 : i32
      %mul3A_139 = arith.muli %mul3A_138, %scan3A_133 : i32
      %add3A_140 = arith.constant 1 : i32
      %add3A_141 = arith.addi %mul3A_139, %add3A_140 : i32
      %mul3A_142 = arith.constant 5 : i32
      %mul3A_143 = arith.muli %add3A_141, %mul3A_142 : i32
      %mul3A_144 = arith.constant 2 : i32
      %mul3A_145 = arith.muli %mul3A_144, %scan3A_133 : i32
      %add3A_146 = arith.constant 2 : i32
      %add3A_147 = arith.addi %mul3A_145, %add3A_146 : i32
      %mul3A_148 = arith.constant 5 : i32
      %mul3A_149 = arith.muli %add3A_147, %mul3A_148 : i32
      %add3A_150 = arith.constant 0 : i32
      %add3A_151 = arith.addi %mul3A_137, %add3A_150 : i32
      %mul3A_152 = arith.constant 80 : i32
      %mul3A_153 = arith.muli %add3A_151, %mul3A_152 : i32
      %add3A_154 = arith.addi %mul3A_67, %mul3A_153 : i32
      %dma_wait3A_155 = tpu.memref_slice %arg2[%add3A_154] : memref<320000xi32, #tpu.memory_space<hbm>> -> memref<80xi32, #tpu.memory_space<hbm>>
      %dma_wait3A_156 = tpu.memref_slice %arg2[%add3A_154] : memref<320000xi32, #tpu.memory_space<hbm>> -> memref<80xi32, #tpu.memory_space<hbm>>
      tpu.wait_dma2 semaphore(%arg17 : memref<!tpu.dma_semaphore, #tpu.memory_space<semaphore_mem>>) src(%dma_wait3A_156 : memref<80xi32, #tpu.memory_space<hbm>>) dst(%arg4 : memref<80xi32, #tpu.memory_space<vmem>>)
      %add3A_157 = arith.constant 1 : i32
      %add3A_158 = arith.addi %mul3A_137, %add3A_157 : i32
      %mul3A_159 = arith.constant 80 : i32
      %mul3A_160 = arith.muli %add3A_158, %mul3A_159 : i32
      %add3A_161 = arith.addi %mul3A_67, %mul3A_160 : i32
      %dma_wait3A_162 = tpu.memref_slice %arg2[%add3A_161] : memref<320000xi32, #tpu.memory_space<hbm>> -> memref<80xi32, #tpu.memory_space<hbm>>
      %dma_wait3A_163 = tpu.memref_slice %arg2[%add3A_161] : memref<320000xi32, #tpu.memory_space<hbm>> -> memref<80xi32, #tpu.memory_space<hbm>>
      tpu.wait_dma2 semaphore(%arg17 : memref<!tpu.dma_semaphore, #tpu.memory_space<semaphore_mem>>) src(%dma_wait3A_163 : memref<80xi32, #tpu.memory_space<hbm>>) dst(%arg5 : memref<80xi32, #tpu.memory_space<vmem>>)
      %add3A_164 = arith.constant 2 : i32
      %add3A_165 = arith.addi %mul3A_137, %add3A_164 : i32
      %mul3A_166 = arith.constant 80 : i32
      %mul3A_167 = arith.muli %add3A_165, %mul3A_166 : i32
      %add3A_168 = arith.addi %mul3A_67, %mul3A_167 : i32
      %dma_wait3A_169 = tpu.memref_slice %arg2[%add3A_168] : memref<320000xi32, #tpu.memory_space<hbm>> -> memref<80xi32, #tpu.memory_space<hbm>>
      %dma_wait3A_170 = tpu.memref_slice %arg2[%add3A_168] : memref<320000xi32, #tpu.memory_space<hbm>> -> memref<80xi32, #tpu.memory_space<hbm>>
      tpu.wait_dma2 semaphore(%arg17 : memref<!tpu.dma_semaphore, #tpu.memory_space<semaphore_mem>>) src(%dma_wait3A_170 : memref<80xi32, #tpu.memory_space<hbm>>) dst(%arg6 : memref<80xi32, #tpu.memory_space<vmem>>)
      %add3A_171 = arith.constant 3 : i32
      %add3A_172 = arith.addi %mul3A_137, %add3A_171 : i32
      %mul3A_173 = arith.constant 80 : i32
      %mul3A_174 = arith.muli %add3A_172, %mul3A_173 : i32
      %add3A_175 = arith.addi %mul3A_67, %mul3A_174 : i32
      %dma_wait3A_176 = tpu.memref_slice %arg2[%add3A_175] : memref<320000xi32, #tpu.memory_space<hbm>> -> memref<80xi32, #tpu.memory_space<hbm>>
      %dma_wait3A_177 = tpu.memref_slice %arg2[%add3A_175] : memref<320000xi32, #tpu.memory_space<hbm>> -> memref<80xi32, #tpu.memory_space<hbm>>
      tpu.wait_dma2 semaphore(%arg17 : memref<!tpu.dma_semaphore, #tpu.memory_space<semaphore_mem>>) src(%dma_wait3A_177 : memref<80xi32, #tpu.memory_space<hbm>>) dst(%arg7 : memref<80xi32, #tpu.memory_space<vmem>>)
      %add3A_178 = arith.constant 4 : i32
      %add3A_179 = arith.addi %mul3A_137, %add3A_178 : i32
      %mul3A_180 = arith.constant 80 : i32
      %mul3A_181 = arith.muli %add3A_179, %mul3A_180 : i32
      %add3A_182 = arith.addi %mul3A_67, %mul3A_181 : i32
      %dma_wait3A_183 = tpu.memref_slice %arg2[%add3A_182] : memref<320000xi32, #tpu.memory_space<hbm>> -> memref<80xi32, #tpu.memory_space<hbm>>
      %dma_wait3A_184 = tpu.memref_slice %arg2[%add3A_182] : memref<320000xi32, #tpu.memory_space<hbm>> -> memref<80xi32, #tpu.memory_space<hbm>>
      tpu.wait_dma2 semaphore(%arg17 : memref<!tpu.dma_semaphore, #tpu.memory_space<semaphore_mem>>) src(%dma_wait3A_184 : memref<80xi32, #tpu.memory_space<hbm>>) dst(%arg8 : memref<80xi32, #tpu.memory_space<vmem>>)
      %add3A_185 = arith.constant 0 : i32
      %add3A_186 = arith.addi %mul3A_137, %add3A_185 : i32
      %dma_start3A_187 = arith.constant 0 : i32
      %dma_start3A_188 = tpu.memref_slice %arg16[%dma_start3A_187] : memref<10240xf32, #tpu.memory_space<vmem_shared>> -> memref<10240xf32, #tpu.memory_space<vmem_shared>>
      tpu.enqueue_indirect_dma source(%arg14 : memref<80xf32, #tpu.memory_space<vmem>>) target(%dma_start3A_188 : memref<10240xf32, #tpu.memory_space<vmem_shared>>) offsets(%arg4 : memref<80xi32, #tpu.memory_space<vmem>>) semaphore(%arg19 : memref<!tpu.dma_semaphore, #tpu.memory_space<semaphore_mem>>) {add = true}
      %add3A_189 = arith.constant 1 : i32
      %add3A_190 = arith.addi %mul3A_137, %add3A_189 : i32
      %dma_start3A_191 = arith.constant 0 : i32
      %dma_start3A_192 = tpu.memref_slice %arg16[%dma_start3A_191] : memref<10240xf32, #tpu.memory_space<vmem_shared>> -> memref<10240xf32, #tpu.memory_space<vmem_shared>>
      tpu.enqueue_indirect_dma source(%arg14 : memref<80xf32, #tpu.memory_space<vmem>>) target(%dma_start3A_192 : memref<10240xf32, #tpu.memory_space<vmem_shared>>) offsets(%arg5 : memref<80xi32, #tpu.memory_space<vmem>>) semaphore(%arg19 : memref<!tpu.dma_semaphore, #tpu.memory_space<semaphore_mem>>) {add = true}
      %add3A_193 = arith.constant 2 : i32
      %add3A_194 = arith.addi %mul3A_137, %add3A_193 : i32
      %dma_start3A_195 = arith.constant 0 : i32
      %dma_start3A_196 = tpu.memref_slice %arg16[%dma_start3A_195] : memref<10240xf32, #tpu.memory_space<vmem_shared>> -> memref<10240xf32, #tpu.memory_space<vmem_shared>>
      tpu.enqueue_indirect_dma source(%arg14 : memref<80xf32, #tpu.memory_space<vmem>>) target(%dma_start3A_196 : memref<10240xf32, #tpu.memory_space<vmem_shared>>) offsets(%arg6 : memref<80xi32, #tpu.memory_space<vmem>>) semaphore(%arg19 : memref<!tpu.dma_semaphore, #tpu.memory_space<semaphore_mem>>) {add = true}
      %add3A_197 = arith.constant 3 : i32
      %add3A_198 = arith.addi %mul3A_137, %add3A_197 : i32
      %dma_start3A_199 = arith.constant 0 : i32
      %dma_start3A_200 = tpu.memref_slice %arg16[%dma_start3A_199] : memref<10240xf32, #tpu.memory_space<vmem_shared>> -> memref<10240xf32, #tpu.memory_space<vmem_shared>>
      tpu.enqueue_indirect_dma source(%arg14 : memref<80xf32, #tpu.memory_space<vmem>>) target(%dma_start3A_200 : memref<10240xf32, #tpu.memory_space<vmem_shared>>) offsets(%arg7 : memref<80xi32, #tpu.memory_space<vmem>>) semaphore(%arg19 : memref<!tpu.dma_semaphore, #tpu.memory_space<semaphore_mem>>) {add = true}
      %add3A_201 = arith.constant 4 : i32
      %add3A_202 = arith.addi %mul3A_137, %add3A_201 : i32
      %dma_start3A_203 = arith.constant 0 : i32
      %dma_start3A_204 = tpu.memref_slice %arg16[%dma_start3A_203] : memref<10240xf32, #tpu.memory_space<vmem_shared>> -> memref<10240xf32, #tpu.memory_space<vmem_shared>>
      tpu.enqueue_indirect_dma source(%arg14 : memref<80xf32, #tpu.memory_space<vmem>>) target(%dma_start3A_204 : memref<10240xf32, #tpu.memory_space<vmem_shared>>) offsets(%arg8 : memref<80xi32, #tpu.memory_space<vmem>>) semaphore(%arg19 : memref<!tpu.dma_semaphore, #tpu.memory_space<semaphore_mem>>) {add = true}
      %add3A_205 = arith.constant 0 : i32
      %add3A_206 = arith.addi %mul3A_143, %add3A_205 : i32
      %mul3A_207 = arith.constant 80 : i32
      %mul3A_208 = arith.muli %add3A_206, %mul3A_207 : i32
      %add3A_209 = arith.addi %mul3A_67, %mul3A_208 : i32
      %dma_start3A_210 = tpu.memref_slice %arg2[%add3A_209] : memref<320000xi32, #tpu.memory_space<hbm>> -> memref<80xi32, #tpu.memory_space<hbm>>
      %dma_start3A_211 = tpu.memref_slice %arg2[%add3A_209] : memref<320000xi32, #tpu.memory_space<hbm>> -> memref<80xi32, #tpu.memory_space<hbm>>
      tpu.enqueue_dma source(%dma_start3A_211 : memref<80xi32, #tpu.memory_space<hbm>>) target(%arg9 : memref<80xi32, #tpu.memory_space<vmem>>) target_semaphore(%arg18 : memref<!tpu.dma_semaphore, #tpu.memory_space<semaphore_mem>>)
      %add3A_212 = arith.constant 1 : i32
      %add3A_213 = arith.addi %mul3A_143, %add3A_212 : i32
      %mul3A_214 = arith.constant 80 : i32
      %mul3A_215 = arith.muli %add3A_213, %mul3A_214 : i32
      %add3A_216 = arith.addi %mul3A_67, %mul3A_215 : i32
      %dma_start3A_217 = tpu.memref_slice %arg2[%add3A_216] : memref<320000xi32, #tpu.memory_space<hbm>> -> memref<80xi32, #tpu.memory_space<hbm>>
      %dma_start3A_218 = tpu.memref_slice %arg2[%add3A_216] : memref<320000xi32, #tpu.memory_space<hbm>> -> memref<80xi32, #tpu.memory_space<hbm>>
      tpu.enqueue_dma source(%dma_start3A_218 : memref<80xi32, #tpu.memory_space<hbm>>) target(%arg10 : memref<80xi32, #tpu.memory_space<vmem>>) target_semaphore(%arg18 : memref<!tpu.dma_semaphore, #tpu.memory_space<semaphore_mem>>)
      %add3A_219 = arith.constant 2 : i32
      %add3A_220 = arith.addi %mul3A_143, %add3A_219 : i32
      %mul3A_221 = arith.constant 80 : i32
      %mul3A_222 = arith.muli %add3A_220, %mul3A_221 : i32
      %add3A_223 = arith.addi %mul3A_67, %mul3A_222 : i32
      %dma_start3A_224 = tpu.memref_slice %arg2[%add3A_223] : memref<320000xi32, #tpu.memory_space<hbm>> -> memref<80xi32, #tpu.memory_space<hbm>>
      %dma_start3A_225 = tpu.memref_slice %arg2[%add3A_223] : memref<320000xi32, #tpu.memory_space<hbm>> -> memref<80xi32, #tpu.memory_space<hbm>>
      tpu.enqueue_dma source(%dma_start3A_225 : memref<80xi32, #tpu.memory_space<hbm>>) target(%arg11 : memref<80xi32, #tpu.memory_space<vmem>>) target_semaphore(%arg18 : memref<!tpu.dma_semaphore, #tpu.memory_space<semaphore_mem>>)
      %add3A_226 = arith.constant 3 : i32
      %add3A_227 = arith.addi %mul3A_143, %add3A_226 : i32
      %mul3A_228 = arith.constant 80 : i32
      %mul3A_229 = arith.muli %add3A_227, %mul3A_228 : i32
      %add3A_230 = arith.addi %mul3A_67, %mul3A_229 : i32
      %dma_start3A_231 = tpu.memref_slice %arg2[%add3A_230] : memref<320000xi32, #tpu.memory_space<hbm>> -> memref<80xi32, #tpu.memory_space<hbm>>
      %dma_start3A_232 = tpu.memref_slice %arg2[%add3A_230] : memref<320000xi32, #tpu.memory_space<hbm>> -> memref<80xi32, #tpu.memory_space<hbm>>
      tpu.enqueue_dma source(%dma_start3A_232 : memref<80xi32, #tpu.memory_space<hbm>>) target(%arg12 : memref<80xi32, #tpu.memory_space<vmem>>) target_semaphore(%arg18 : memref<!tpu.dma_semaphore, #tpu.memory_space<semaphore_mem>>)
      %add3A_233 = arith.constant 4 : i32
      %add3A_234 = arith.addi %mul3A_143, %add3A_233 : i32
      %mul3A_235 = arith.constant 80 : i32
      %mul3A_236 = arith.muli %add3A_234, %mul3A_235 : i32
      %add3A_237 = arith.addi %mul3A_67, %mul3A_236 : i32
      %dma_start3A_238 = tpu.memref_slice %arg2[%add3A_237] : memref<320000xi32, #tpu.memory_space<hbm>> -> memref<80xi32, #tpu.memory_space<hbm>>
      %dma_start3A_239 = tpu.memref_slice %arg2[%add3A_237] : memref<320000xi32, #tpu.memory_space<hbm>> -> memref<80xi32, #tpu.memory_space<hbm>>
      tpu.enqueue_dma source(%dma_start3A_239 : memref<80xi32, #tpu.memory_space<hbm>>) target(%arg13 : memref<80xi32, #tpu.memory_space<vmem>>) target_semaphore(%arg18 : memref<!tpu.dma_semaphore, #tpu.memory_space<semaphore_mem>>)
      %dma_wait3A_240 = arith.constant 0 : i32
      %dma_wait3A_241 = tpu.memref_slice %arg16[%dma_wait3A_240] : memref<10240xf32, #tpu.memory_space<vmem_shared>> -> memref<10240xf32, #tpu.memory_space<vmem_shared>>
      tpu.wait_indirect_dma semaphore(%arg19 : memref<!tpu.dma_semaphore, #tpu.memory_space<semaphore_mem>>) src(%arg14 : memref<80xf32, #tpu.memory_space<vmem>>) dst(%dma_wait3A_241 : memref<10240xf32, #tpu.memory_space<vmem_shared>>)
      %dma_wait3A_242 = arith.constant 0 : i32
      %dma_wait3A_243 = tpu.memref_slice %arg16[%dma_wait3A_242] : memref<10240xf32, #tpu.memory_space<vmem_shared>> -> memref<10240xf32, #tpu.memory_space<vmem_shared>>
      tpu.wait_indirect_dma semaphore(%arg19 : memref<!tpu.dma_semaphore, #tpu.memory_space<semaphore_mem>>) src(%arg14 : memref<80xf32, #tpu.memory_space<vmem>>) dst(%dma_wait3A_243 : memref<10240xf32, #tpu.memory_space<vmem_shared>>)
      %dma_wait3A_244 = arith.constant 0 : i32
      %dma_wait3A_245 = tpu.memref_slice %arg16[%dma_wait3A_244] : memref<10240xf32, #tpu.memory_space<vmem_shared>> -> memref<10240xf32, #tpu.memory_space<vmem_shared>>
      tpu.wait_indirect_dma semaphore(%arg19 : memref<!tpu.dma_semaphore, #tpu.memory_space<semaphore_mem>>) src(%arg14 : memref<80xf32, #tpu.memory_space<vmem>>) dst(%dma_wait3A_245 : memref<10240xf32, #tpu.memory_space<vmem_shared>>)
      %dma_wait3A_246 = arith.constant 0 : i32
      %dma_wait3A_247 = tpu.memref_slice %arg16[%dma_wait3A_246] : memref<10240xf32, #tpu.memory_space<vmem_shared>> -> memref<10240xf32, #tpu.memory_space<vmem_shared>>
      tpu.wait_indirect_dma semaphore(%arg19 : memref<!tpu.dma_semaphore, #tpu.memory_space<semaphore_mem>>) src(%arg14 : memref<80xf32, #tpu.memory_space<vmem>>) dst(%dma_wait3A_247 : memref<10240xf32, #tpu.memory_space<vmem_shared>>)
      %dma_wait3A_248 = arith.constant 0 : i32
      %dma_wait3A_249 = tpu.memref_slice %arg16[%dma_wait3A_248] : memref<10240xf32, #tpu.memory_space<vmem_shared>> -> memref<10240xf32, #tpu.memory_space<vmem_shared>>
      tpu.wait_indirect_dma semaphore(%arg19 : memref<!tpu.dma_semaphore, #tpu.memory_space<semaphore_mem>>) src(%arg14 : memref<80xf32, #tpu.memory_space<vmem>>) dst(%dma_wait3A_249 : memref<10240xf32, #tpu.memory_space<vmem_shared>>)
      %add3A_250 = arith.constant 0 : i32
      %add3A_251 = arith.addi %mul3A_149, %add3A_250 : i32
      %mul3A_252 = arith.constant 80 : i32
      %mul3A_253 = arith.muli %add3A_251, %mul3A_252 : i32
      %add3A_254 = arith.addi %mul3A_67, %mul3A_253 : i32
      %dma_start3A_255 = tpu.memref_slice %arg2[%add3A_254] : memref<320000xi32, #tpu.memory_space<hbm>> -> memref<80xi32, #tpu.memory_space<hbm>>
      %dma_start3A_256 = tpu.memref_slice %arg2[%add3A_254] : memref<320000xi32, #tpu.memory_space<hbm>> -> memref<80xi32, #tpu.memory_space<hbm>>
      tpu.enqueue_dma source(%dma_start3A_256 : memref<80xi32, #tpu.memory_space<hbm>>) target(%arg4 : memref<80xi32, #tpu.memory_space<vmem>>) target_semaphore(%arg17 : memref<!tpu.dma_semaphore, #tpu.memory_space<semaphore_mem>>)
      %add3A_257 = arith.constant 1 : i32
      %add3A_258 = arith.addi %mul3A_149, %add3A_257 : i32
      %mul3A_259 = arith.constant 80 : i32
      %mul3A_260 = arith.muli %add3A_258, %mul3A_259 : i32
      %add3A_261 = arith.addi %mul3A_67, %mul3A_260 : i32
      %dma_start3A_262 = tpu.memref_slice %arg2[%add3A_261] : memref<320000xi32, #tpu.memory_space<hbm>> -> memref<80xi32, #tpu.memory_space<hbm>>
      %dma_start3A_263 = tpu.memref_slice %arg2[%add3A_261] : memref<320000xi32, #tpu.memory_space<hbm>> -> memref<80xi32, #tpu.memory_space<hbm>>
      tpu.enqueue_dma source(%dma_start3A_263 : memref<80xi32, #tpu.memory_space<hbm>>) target(%arg5 : memref<80xi32, #tpu.memory_space<vmem>>) target_semaphore(%arg17 : memref<!tpu.dma_semaphore, #tpu.memory_space<semaphore_mem>>)
      %add3A_264 = arith.constant 2 : i32
      %add3A_265 = arith.addi %mul3A_149, %add3A_264 : i32
      %mul3A_266 = arith.constant 80 : i32
      %mul3A_267 = arith.muli %add3A_265, %mul3A_266 : i32
      %add3A_268 = arith.addi %mul3A_67, %mul3A_267 : i32
      %dma_start3A_269 = tpu.memref_slice %arg2[%add3A_268] : memref<320000xi32, #tpu.memory_space<hbm>> -> memref<80xi32, #tpu.memory_space<hbm>>
      %dma_start3A_270 = tpu.memref_slice %arg2[%add3A_268] : memref<320000xi32, #tpu.memory_space<hbm>> -> memref<80xi32, #tpu.memory_space<hbm>>
      tpu.enqueue_dma source(%dma_start3A_270 : memref<80xi32, #tpu.memory_space<hbm>>) target(%arg6 : memref<80xi32, #tpu.memory_space<vmem>>) target_semaphore(%arg17 : memref<!tpu.dma_semaphore, #tpu.memory_space<semaphore_mem>>)
      %add3A_271 = arith.constant 3 : i32
      %add3A_272 = arith.addi %mul3A_149, %add3A_271 : i32
      %mul3A_273 = arith.constant 80 : i32
      %mul3A_274 = arith.muli %add3A_272, %mul3A_273 : i32
      %add3A_275 = arith.addi %mul3A_67, %mul3A_274 : i32
      %dma_start3A_276 = tpu.memref_slice %arg2[%add3A_275] : memref<320000xi32, #tpu.memory_space<hbm>> -> memref<80xi32, #tpu.memory_space<hbm>>
      %dma_start3A_277 = tpu.memref_slice %arg2[%add3A_275] : memref<320000xi32, #tpu.memory_space<hbm>> -> memref<80xi32, #tpu.memory_space<hbm>>
      tpu.enqueue_dma source(%dma_start3A_277 : memref<80xi32, #tpu.memory_space<hbm>>) target(%arg7 : memref<80xi32, #tpu.memory_space<vmem>>) target_semaphore(%arg17 : memref<!tpu.dma_semaphore, #tpu.memory_space<semaphore_mem>>)
      %add3A_278 = arith.constant 4 : i32
      %add3A_279 = arith.addi %mul3A_149, %add3A_278 : i32
      %mul3A_280 = arith.constant 80 : i32
      %mul3A_281 = arith.muli %add3A_279, %mul3A_280 : i32
      %add3A_282 = arith.addi %mul3A_67, %mul3A_281 : i32
      %dma_start3A_283 = tpu.memref_slice %arg2[%add3A_282] : memref<320000xi32, #tpu.memory_space<hbm>> -> memref<80xi32, #tpu.memory_space<hbm>>
      %dma_start3A_284 = tpu.memref_slice %arg2[%add3A_282] : memref<320000xi32, #tpu.memory_space<hbm>> -> memref<80xi32, #tpu.memory_space<hbm>>
      tpu.enqueue_dma source(%dma_start3A_284 : memref<80xi32, #tpu.memory_space<hbm>>) target(%arg8 : memref<80xi32, #tpu.memory_space<vmem>>) target_semaphore(%arg17 : memref<!tpu.dma_semaphore, #tpu.memory_space<semaphore_mem>>)
      %add3A_285 = arith.constant 0 : i32
      %add3A_286 = arith.addi %mul3A_143, %add3A_285 : i32
      %mul3A_287 = arith.constant 80 : i32
      %mul3A_288 = arith.muli %add3A_286, %mul3A_287 : i32
      %add3A_289 = arith.addi %mul3A_67, %mul3A_288 : i32
      %dma_wait3A_290 = tpu.memref_slice %arg2[%add3A_289] : memref<320000xi32, #tpu.memory_space<hbm>> -> memref<80xi32, #tpu.memory_space<hbm>>
      %dma_wait3A_291 = tpu.memref_slice %arg2[%add3A_289] : memref<320000xi32, #tpu.memory_space<hbm>> -> memref<80xi32, #tpu.memory_space<hbm>>
      tpu.wait_dma2 semaphore(%arg18 : memref<!tpu.dma_semaphore, #tpu.memory_space<semaphore_mem>>) src(%dma_wait3A_291 : memref<80xi32, #tpu.memory_space<hbm>>) dst(%arg9 : memref<80xi32, #tpu.memory_space<vmem>>)
      %add3A_292 = arith.constant 1 : i32
      %add3A_293 = arith.addi %mul3A_143, %add3A_292 : i32
      %mul3A_294 = arith.constant 80 : i32
      %mul3A_295 = arith.muli %add3A_293, %mul3A_294 : i32
      %add3A_296 = arith.addi %mul3A_67, %mul3A_295 : i32
      %dma_wait3A_297 = tpu.memref_slice %arg2[%add3A_296] : memref<320000xi32, #tpu.memory_space<hbm>> -> memref<80xi32, #tpu.memory_space<hbm>>
      %dma_wait3A_298 = tpu.memref_slice %arg2[%add3A_296] : memref<320000xi32, #tpu.memory_space<hbm>> -> memref<80xi32, #tpu.memory_space<hbm>>
      tpu.wait_dma2 semaphore(%arg18 : memref<!tpu.dma_semaphore, #tpu.memory_space<semaphore_mem>>) src(%dma_wait3A_298 : memref<80xi32, #tpu.memory_space<hbm>>) dst(%arg10 : memref<80xi32, #tpu.memory_space<vmem>>)
      %add3A_299 = arith.constant 2 : i32
      %add3A_300 = arith.addi %mul3A_143, %add3A_299 : i32
      %mul3A_301 = arith.constant 80 : i32
      %mul3A_302 = arith.muli %add3A_300, %mul3A_301 : i32
      %add3A_303 = arith.addi %mul3A_67, %mul3A_302 : i32
      %dma_wait3A_304 = tpu.memref_slice %arg2[%add3A_303] : memref<320000xi32, #tpu.memory_space<hbm>> -> memref<80xi32, #tpu.memory_space<hbm>>
      %dma_wait3A_305 = tpu.memref_slice %arg2[%add3A_303] : memref<320000xi32, #tpu.memory_space<hbm>> -> memref<80xi32, #tpu.memory_space<hbm>>
      tpu.wait_dma2 semaphore(%arg18 : memref<!tpu.dma_semaphore, #tpu.memory_space<semaphore_mem>>) src(%dma_wait3A_305 : memref<80xi32, #tpu.memory_space<hbm>>) dst(%arg11 : memref<80xi32, #tpu.memory_space<vmem>>)
      %add3A_306 = arith.constant 3 : i32
      %add3A_307 = arith.addi %mul3A_143, %add3A_306 : i32
      %mul3A_308 = arith.constant 80 : i32
      %mul3A_309 = arith.muli %add3A_307, %mul3A_308 : i32
      %add3A_310 = arith.addi %mul3A_67, %mul3A_309 : i32
      %dma_wait3A_311 = tpu.memref_slice %arg2[%add3A_310] : memref<320000xi32, #tpu.memory_space<hbm>> -> memref<80xi32, #tpu.memory_space<hbm>>
      %dma_wait3A_312 = tpu.memref_slice %arg2[%add3A_310] : memref<320000xi32, #tpu.memory_space<hbm>> -> memref<80xi32, #tpu.memory_space<hbm>>
      tpu.wait_dma2 semaphore(%arg18 : memref<!tpu.dma_semaphore, #tpu.memory_space<semaphore_mem>>) src(%dma_wait3A_312 : memref<80xi32, #tpu.memory_space<hbm>>) dst(%arg12 : memref<80xi32, #tpu.memory_space<vmem>>)
      %add3A_313 = arith.constant 4 : i32
      %add3A_314 = arith.addi %mul3A_143, %add3A_313 : i32
      %mul3A_315 = arith.constant 80 : i32
      %mul3A_316 = arith.muli %add3A_314, %mul3A_315 : i32
      %add3A_317 = arith.addi %mul3A_67, %mul3A_316 : i32
      %dma_wait3A_318 = tpu.memref_slice %arg2[%add3A_317] : memref<320000xi32, #tpu.memory_space<hbm>> -> memref<80xi32, #tpu.memory_space<hbm>>
      %dma_wait3A_319 = tpu.memref_slice %arg2[%add3A_317] : memref<320000xi32, #tpu.memory_space<hbm>> -> memref<80xi32, #tpu.memory_space<hbm>>
      tpu.wait_dma2 semaphore(%arg18 : memref<!tpu.dma_semaphore, #tpu.memory_space<semaphore_mem>>) src(%dma_wait3A_319 : memref<80xi32, #tpu.memory_space<hbm>>) dst(%arg13 : memref<80xi32, #tpu.memory_space<vmem>>)
      %add3A_320 = arith.constant 0 : i32
      %add3A_321 = arith.addi %mul3A_143, %add3A_320 : i32
      %dma_start3A_322 = arith.constant 0 : i32
      %dma_start3A_323 = tpu.memref_slice %arg16[%dma_start3A_322] : memref<10240xf32, #tpu.memory_space<vmem_shared>> -> memref<10240xf32, #tpu.memory_space<vmem_shared>>
      tpu.enqueue_indirect_dma source(%arg14 : memref<80xf32, #tpu.memory_space<vmem>>) target(%dma_start3A_323 : memref<10240xf32, #tpu.memory_space<vmem_shared>>) offsets(%arg9 : memref<80xi32, #tpu.memory_space<vmem>>) semaphore(%arg20 : memref<!tpu.dma_semaphore, #tpu.memory_space<semaphore_mem>>) {add = true}
      %add3A_324 = arith.constant 1 : i32
      %add3A_325 = arith.addi %mul3A_143, %add3A_324 : i32
      %dma_start3A_326 = arith.constant 0 : i32
      %dma_start3A_327 = tpu.memref_slice %arg16[%dma_start3A_326] : memref<10240xf32, #tpu.memory_space<vmem_shared>> -> memref<10240xf32, #tpu.memory_space<vmem_shared>>
      tpu.enqueue_indirect_dma source(%arg14 : memref<80xf32, #tpu.memory_space<vmem>>) target(%dma_start3A_327 : memref<10240xf32, #tpu.memory_space<vmem_shared>>) offsets(%arg10 : memref<80xi32, #tpu.memory_space<vmem>>) semaphore(%arg20 : memref<!tpu.dma_semaphore, #tpu.memory_space<semaphore_mem>>) {add = true}
      %add3A_328 = arith.constant 2 : i32
      %add3A_329 = arith.addi %mul3A_143, %add3A_328 : i32
      %dma_start3A_330 = arith.constant 0 : i32
      %dma_start3A_331 = tpu.memref_slice %arg16[%dma_start3A_330] : memref<10240xf32, #tpu.memory_space<vmem_shared>> -> memref<10240xf32, #tpu.memory_space<vmem_shared>>
      tpu.enqueue_indirect_dma source(%arg14 : memref<80xf32, #tpu.memory_space<vmem>>) target(%dma_start3A_331 : memref<10240xf32, #tpu.memory_space<vmem_shared>>) offsets(%arg11 : memref<80xi32, #tpu.memory_space<vmem>>) semaphore(%arg20 : memref<!tpu.dma_semaphore, #tpu.memory_space<semaphore_mem>>) {add = true}
      %add3A_332 = arith.constant 3 : i32
      %add3A_333 = arith.addi %mul3A_143, %add3A_332 : i32
      %dma_start3A_334 = arith.constant 0 : i32
      %dma_start3A_335 = tpu.memref_slice %arg16[%dma_start3A_334] : memref<10240xf32, #tpu.memory_space<vmem_shared>> -> memref<10240xf32, #tpu.memory_space<vmem_shared>>
      tpu.enqueue_indirect_dma source(%arg14 : memref<80xf32, #tpu.memory_space<vmem>>) target(%dma_start3A_335 : memref<10240xf32, #tpu.memory_space<vmem_shared>>) offsets(%arg12 : memref<80xi32, #tpu.memory_space<vmem>>) semaphore(%arg20 : memref<!tpu.dma_semaphore, #tpu.memory_space<semaphore_mem>>) {add = true}
      %add3A_336 = arith.constant 4 : i32
      %add3A_337 = arith.addi %mul3A_143, %add3A_336 : i32
      %dma_start3A_338 = arith.constant 0 : i32
      %dma_start3A_339 = tpu.memref_slice %arg16[%dma_start3A_338] : memref<10240xf32, #tpu.memory_space<vmem_shared>> -> memref<10240xf32, #tpu.memory_space<vmem_shared>>
      tpu.enqueue_indirect_dma source(%arg14 : memref<80xf32, #tpu.memory_space<vmem>>) target(%dma_start3A_339 : memref<10240xf32, #tpu.memory_space<vmem_shared>>) offsets(%arg13 : memref<80xi32, #tpu.memory_space<vmem>>) semaphore(%arg20 : memref<!tpu.dma_semaphore, #tpu.memory_space<semaphore_mem>>) {add = true}
      %dma_wait3A_340 = arith.constant 0 : i32
      %dma_wait3A_341 = tpu.memref_slice %arg16[%dma_wait3A_340] : memref<10240xf32, #tpu.memory_space<vmem_shared>> -> memref<10240xf32, #tpu.memory_space<vmem_shared>>
      tpu.wait_indirect_dma semaphore(%arg20 : memref<!tpu.dma_semaphore, #tpu.memory_space<semaphore_mem>>) src(%arg14 : memref<80xf32, #tpu.memory_space<vmem>>) dst(%dma_wait3A_341 : memref<10240xf32, #tpu.memory_space<vmem_shared>>)
      %dma_wait3A_342 = arith.constant 0 : i32
      %dma_wait3A_343 = tpu.memref_slice %arg16[%dma_wait3A_342] : memref<10240xf32, #tpu.memory_space<vmem_shared>> -> memref<10240xf32, #tpu.memory_space<vmem_shared>>
      tpu.wait_indirect_dma semaphore(%arg20 : memref<!tpu.dma_semaphore, #tpu.memory_space<semaphore_mem>>) src(%arg14 : memref<80xf32, #tpu.memory_space<vmem>>) dst(%dma_wait3A_343 : memref<10240xf32, #tpu.memory_space<vmem_shared>>)
      %dma_wait3A_344 = arith.constant 0 : i32
      %dma_wait3A_345 = tpu.memref_slice %arg16[%dma_wait3A_344] : memref<10240xf32, #tpu.memory_space<vmem_shared>> -> memref<10240xf32, #tpu.memory_space<vmem_shared>>
      tpu.wait_indirect_dma semaphore(%arg20 : memref<!tpu.dma_semaphore, #tpu.memory_space<semaphore_mem>>) src(%arg14 : memref<80xf32, #tpu.memory_space<vmem>>) dst(%dma_wait3A_345 : memref<10240xf32, #tpu.memory_space<vmem_shared>>)
      %dma_wait3A_346 = arith.constant 0 : i32
      %dma_wait3A_347 = tpu.memref_slice %arg16[%dma_wait3A_346] : memref<10240xf32, #tpu.memory_space<vmem_shared>> -> memref<10240xf32, #tpu.memory_space<vmem_shared>>
      tpu.wait_indirect_dma semaphore(%arg20 : memref<!tpu.dma_semaphore, #tpu.memory_space<semaphore_mem>>) src(%arg14 : memref<80xf32, #tpu.memory_space<vmem>>) dst(%dma_wait3A_347 : memref<10240xf32, #tpu.memory_space<vmem_shared>>)
      %dma_wait3A_348 = arith.constant 0 : i32
      %dma_wait3A_349 = tpu.memref_slice %arg16[%dma_wait3A_348] : memref<10240xf32, #tpu.memory_space<vmem_shared>> -> memref<10240xf32, #tpu.memory_space<vmem_shared>>
      tpu.wait_indirect_dma semaphore(%arg20 : memref<!tpu.dma_semaphore, #tpu.memory_space<semaphore_mem>>) src(%arg14 : memref<80xf32, #tpu.memory_space<vmem>>) dst(%dma_wait3A_349 : memref<10240xf32, #tpu.memory_space<vmem_shared>>)
    }
    %scan3A_92 = arith.constant 12 : i32
    %add3A_93 = arith.constant 9600 : i32
    %add3A_94 = arith.addi %mul3A_67, %add3A_93 : i32
    %dma_wait3A = tpu.memref_slice %arg2[%add3A_94] : memref<320000xi32, #tpu.memory_space<hbm>> -> memref<80xi32, #tpu.memory_space<hbm>>
    %dma_wait3A_95 = tpu.memref_slice %arg2[%add3A_94] : memref<320000xi32, #tpu.memory_space<hbm>> -> memref<80xi32, #tpu.memory_space<hbm>>
    tpu.wait_dma2 semaphore(%arg17 : memref<!tpu.dma_semaphore, #tpu.memory_space<semaphore_mem>>) src(%dma_wait3A_95 : memref<80xi32, #tpu.memory_space<hbm>>) dst(%arg4 : memref<80xi32, #tpu.memory_space<vmem>>)
    %add3A_96 = arith.constant 9680 : i32
    %add3A_97 = arith.addi %mul3A_67, %add3A_96 : i32
    %dma_wait3A_98 = tpu.memref_slice %arg2[%add3A_97] : memref<320000xi32, #tpu.memory_space<hbm>> -> memref<80xi32, #tpu.memory_space<hbm>>
    %dma_wait3A_99 = tpu.memref_slice %arg2[%add3A_97] : memref<320000xi32, #tpu.memory_space<hbm>> -> memref<80xi32, #tpu.memory_space<hbm>>
    tpu.wait_dma2 semaphore(%arg17 : memref<!tpu.dma_semaphore, #tpu.memory_space<semaphore_mem>>) src(%dma_wait3A_99 : memref<80xi32, #tpu.memory_space<hbm>>) dst(%arg5 : memref<80xi32, #tpu.memory_space<vmem>>)
    %add3A_100 = arith.constant 9760 : i32
    %add3A_101 = arith.addi %mul3A_67, %add3A_100 : i32
    %dma_wait3A_102 = tpu.memref_slice %arg2[%add3A_101] : memref<320000xi32, #tpu.memory_space<hbm>> -> memref<80xi32, #tpu.memory_space<hbm>>
    %dma_wait3A_103 = tpu.memref_slice %arg2[%add3A_101] : memref<320000xi32, #tpu.memory_space<hbm>> -> memref<80xi32, #tpu.memory_space<hbm>>
    tpu.wait_dma2 semaphore(%arg17 : memref<!tpu.dma_semaphore, #tpu.memory_space<semaphore_mem>>) src(%dma_wait3A_103 : memref<80xi32, #tpu.memory_space<hbm>>) dst(%arg6 : memref<80xi32, #tpu.memory_space<vmem>>)
    %add3A_104 = arith.constant 9840 : i32
    %add3A_105 = arith.addi %mul3A_67, %add3A_104 : i32
    %dma_wait3A_106 = tpu.memref_slice %arg2[%add3A_105] : memref<320000xi32, #tpu.memory_space<hbm>> -> memref<80xi32, #tpu.memory_space<hbm>>
    %dma_wait3A_107 = tpu.memref_slice %arg2[%add3A_105] : memref<320000xi32, #tpu.memory_space<hbm>> -> memref<80xi32, #tpu.memory_space<hbm>>
    tpu.wait_dma2 semaphore(%arg17 : memref<!tpu.dma_semaphore, #tpu.memory_space<semaphore_mem>>) src(%dma_wait3A_107 : memref<80xi32, #tpu.memory_space<hbm>>) dst(%arg7 : memref<80xi32, #tpu.memory_space<vmem>>)
    %add3A_108 = arith.constant 9920 : i32
    %add3A_109 = arith.addi %mul3A_67, %add3A_108 : i32
    %dma_wait3A_110 = tpu.memref_slice %arg2[%add3A_109] : memref<320000xi32, #tpu.memory_space<hbm>> -> memref<80xi32, #tpu.memory_space<hbm>>
    %dma_wait3A_111 = tpu.memref_slice %arg2[%add3A_109] : memref<320000xi32, #tpu.memory_space<hbm>> -> memref<80xi32, #tpu.memory_space<hbm>>
    tpu.wait_dma2 semaphore(%arg17 : memref<!tpu.dma_semaphore, #tpu.memory_space<semaphore_mem>>) src(%dma_wait3A_111 : memref<80xi32, #tpu.memory_space<hbm>>) dst(%arg8 : memref<80xi32, #tpu.memory_space<vmem>>)
    %dma_start3A_112 = arith.constant 0 : i32
    %dma_start3A_113 = tpu.memref_slice %arg16[%dma_start3A_112] : memref<10240xf32, #tpu.memory_space<vmem_shared>> -> memref<10240xf32, #tpu.memory_space<vmem_shared>>
    tpu.enqueue_indirect_dma source(%arg14 : memref<80xf32, #tpu.memory_space<vmem>>) target(%dma_start3A_113 : memref<10240xf32, #tpu.memory_space<vmem_shared>>) offsets(%arg4 : memref<80xi32, #tpu.memory_space<vmem>>) semaphore(%arg19 : memref<!tpu.dma_semaphore, #tpu.memory_space<semaphore_mem>>) {add = true}
    %dma_start3A_114 = arith.constant 0 : i32
    %dma_start3A_115 = tpu.memref_slice %arg16[%dma_start3A_114] : memref<10240xf32, #tpu.memory_space<vmem_shared>> -> memref<10240xf32, #tpu.memory_space<vmem_shared>>
    tpu.enqueue_indirect_dma source(%arg14 : memref<80xf32, #tpu.memory_space<vmem>>) target(%dma_start3A_115 : memref<10240xf32, #tpu.memory_space<vmem_shared>>) offsets(%arg5 : memref<80xi32, #tpu.memory_space<vmem>>) semaphore(%arg19 : memref<!tpu.dma_semaphore, #tpu.memory_space<semaphore_mem>>) {add = true}
    %dma_start3A_116 = arith.constant 0 : i32
    %dma_start3A_117 = tpu.memref_slice %arg16[%dma_start3A_116] : memref<10240xf32, #tpu.memory_space<vmem_shared>> -> memref<10240xf32, #tpu.memory_space<vmem_shared>>
    tpu.enqueue_indirect_dma source(%arg14 : memref<80xf32, #tpu.memory_space<vmem>>) target(%dma_start3A_117 : memref<10240xf32, #tpu.memory_space<vmem_shared>>) offsets(%arg6 : memref<80xi32, #tpu.memory_space<vmem>>) semaphore(%arg19 : memref<!tpu.dma_semaphore, #tpu.memory_space<semaphore_mem>>) {add = true}
    %dma_start3A_118 = arith.constant 0 : i32
    %dma_start3A_119 = tpu.memref_slice %arg16[%dma_start3A_118] : memref<10240xf32, #tpu.memory_space<vmem_shared>> -> memref<10240xf32, #tpu.memory_space<vmem_shared>>
    tpu.enqueue_indirect_dma source(%arg14 : memref<80xf32, #tpu.memory_space<vmem>>) target(%dma_start3A_119 : memref<10240xf32, #tpu.memory_space<vmem_shared>>) offsets(%arg7 : memref<80xi32, #tpu.memory_space<vmem>>) semaphore(%arg19 : memref<!tpu.dma_semaphore, #tpu.memory_space<semaphore_mem>>) {add = true}
    %dma_start3A_120 = arith.constant 0 : i32
    %dma_start3A_121 = tpu.memref_slice %arg16[%dma_start3A_120] : memref<10240xf32, #tpu.memory_space<vmem_shared>> -> memref<10240xf32, #tpu.memory_space<vmem_shared>>
    tpu.enqueue_indirect_dma source(%arg14 : memref<80xf32, #tpu.memory_space<vmem>>) target(%dma_start3A_121 : memref<10240xf32, #tpu.memory_space<vmem_shared>>) offsets(%arg8 : memref<80xi32, #tpu.memory_space<vmem>>) semaphore(%arg19 : memref<!tpu.dma_semaphore, #tpu.memory_space<semaphore_mem>>) {add = true}
    %dma_wait3A_122 = arith.constant 0 : i32
    %dma_wait3A_123 = tpu.memref_slice %arg16[%dma_wait3A_122] : memref<10240xf32, #tpu.memory_space<vmem_shared>> -> memref<10240xf32, #tpu.memory_space<vmem_shared>>
    tpu.wait_indirect_dma semaphore(%arg19 : memref<!tpu.dma_semaphore, #tpu.memory_space<semaphore_mem>>) src(%arg14 : memref<80xf32, #tpu.memory_space<vmem>>) dst(%dma_wait3A_123 : memref<10240xf32, #tpu.memory_space<vmem_shared>>)
    %dma_wait3A_124 = arith.constant 0 : i32
    %dma_wait3A_125 = tpu.memref_slice %arg16[%dma_wait3A_124] : memref<10240xf32, #tpu.memory_space<vmem_shared>> -> memref<10240xf32, #tpu.memory_space<vmem_shared>>
    tpu.wait_indirect_dma semaphore(%arg19 : memref<!tpu.dma_semaphore, #tpu.memory_space<semaphore_mem>>) src(%arg14 : memref<80xf32, #tpu.memory_space<vmem>>) dst(%dma_wait3A_125 : memref<10240xf32, #tpu.memory_space<vmem_shared>>)
    %dma_wait3A_126 = arith.constant 0 : i32
    %dma_wait3A_127 = tpu.memref_slice %arg16[%dma_wait3A_126] : memref<10240xf32, #tpu.memory_space<vmem_shared>> -> memref<10240xf32, #tpu.memory_space<vmem_shared>>
    tpu.wait_indirect_dma semaphore(%arg19 : memref<!tpu.dma_semaphore, #tpu.memory_space<semaphore_mem>>) src(%arg14 : memref<80xf32, #tpu.memory_space<vmem>>) dst(%dma_wait3A_127 : memref<10240xf32, #tpu.memory_space<vmem_shared>>)
    %dma_wait3A_128 = arith.constant 0 : i32
    %dma_wait3A_129 = tpu.memref_slice %arg16[%dma_wait3A_128] : memref<10240xf32, #tpu.memory_space<vmem_shared>> -> memref<10240xf32, #tpu.memory_space<vmem_shared>>
    tpu.wait_indirect_dma semaphore(%arg19 : memref<!tpu.dma_semaphore, #tpu.memory_space<semaphore_mem>>) src(%arg14 : memref<80xf32, #tpu.memory_space<vmem>>) dst(%dma_wait3A_129 : memref<10240xf32, #tpu.memory_space<vmem_shared>>)
    %dma_wait3A_130 = arith.constant 0 : i32
    %dma_wait3A_131 = tpu.memref_slice %arg16[%dma_wait3A_130] : memref<10240xf32, #tpu.memory_space<vmem_shared>> -> memref<10240xf32, #tpu.memory_space<vmem_shared>>
    tpu.wait_indirect_dma semaphore(%arg19 : memref<!tpu.dma_semaphore, #tpu.memory_space<semaphore_mem>>) src(%arg14 : memref<80xf32, #tpu.memory_space<vmem>>) dst(%dma_wait3A_131 : memref<10240xf32, #tpu.memory_space<vmem_shared>>)
    %barrier3A_132 = arith.constant 0 : index
    tpu.barrier barrier_id(%barrier3A_132)
    "tpu.region"() ({
      %run_scoped3A = tpu.sem_alloc : memref<!tpu.dma_semaphore, #tpu.memory_space<semaphore_mem>>
      %dma_start3A_133 = tpu.memref_slice %arg3[%arg0, %mul3A_60] : memref<2x10240xf32, #tpu.memory_space<hbm>> -> memref<1x640xf32, #tpu.memory_space<hbm>>
      %dma_start3A_134 = tpu.memref_squeeze %dma_start3A_133 : memref<1x640xf32, #tpu.memory_space<hbm>> -> memref<640xf32, #tpu.memory_space<hbm>>
      %dma_start3A_135 = tpu.memref_slice %arg16[%mul3A_60] : memref<10240xf32, #tpu.memory_space<vmem_shared>> -> memref<640xf32, #tpu.memory_space<vmem_shared>>
      tpu.enqueue_dma source(%dma_start3A_135 : memref<640xf32, #tpu.memory_space<vmem_shared>>) target(%dma_start3A_134 : memref<640xf32, #tpu.memory_space<hbm>>) target_semaphore(%run_scoped3A : memref<!tpu.dma_semaphore, #tpu.memory_space<semaphore_mem>>)
      %dma_wait3A_136 = tpu.memref_slice %arg3[%arg0, %mul3A_60] : memref<2x10240xf32, #tpu.memory_space<hbm>> -> memref<1x640xf32, #tpu.memory_space<hbm>>
      %dma_wait3A_137 = tpu.memref_squeeze %dma_wait3A_136 : memref<1x640xf32, #tpu.memory_space<hbm>> -> memref<640xf32, #tpu.memory_space<hbm>>
      %dma_wait3A_138 = tpu.memref_slice %arg16[%mul3A_60] : memref<10240xf32, #tpu.memory_space<vmem_shared>> -> memref<640xf32, #tpu.memory_space<vmem_shared>>
      tpu.wait_dma2 semaphore(%run_scoped3A : memref<!tpu.dma_semaphore, #tpu.memory_space<semaphore_mem>>) src(%dma_wait3A_138 : memref<640xf32, #tpu.memory_space<vmem_shared>>) dst(%dma_wait3A_137 : memref<640xf32, #tpu.memory_space<hbm>>)
      tpu.yield
    }) : () -> ()
    return
  }
}

#map = affine_map<(d0, d1) -> (0, 0)>
#map1 = affine_map<(d0, d1) -> (0)>
#map2 = affine_map<(d0, d1) -> (0, 0, 0)>
module attributes {stable_mosaic.version = 14 : i64} {
  func.func @_acc_kernel(%arg0: i32, %arg1: i32, %arg2: memref<10240x128xf32, #tpu.memory_space<hbm>>, %arg3: memref<320000xi32, #tpu.memory_space<hbm>>, %arg4: memref<320000xi32, #tpu.memory_space<hbm>>, %arg5: memref<2x10240x128xf32, #tpu.memory_space<hbm>>, %arg6: memref<10000xi32, #tpu.memory_space<vmem>>, %arg7: memref<40x128xf32, #tpu.memory_space<vmem>>, %arg8: memref<40x128xf32, #tpu.memory_space<vmem>>, %arg9: memref<40x128xf32, #tpu.memory_space<vmem>>, %arg10: memref<40x128xf32, #tpu.memory_space<vmem>>, %arg11: memref<40x128xf32, #tpu.memory_space<vmem>>, %arg12: memref<40x128xf32, #tpu.memory_space<vmem>>, %arg13: memref<40xi32, #tpu.memory_space<vmem>>, %arg14: memref<40xi32, #tpu.memory_space<vmem>>, %arg15: memref<40xi32, #tpu.memory_space<vmem>>, %arg16: memref<40xi32, #tpu.memory_space<vmem>>, %arg17: memref<40xi32, #tpu.memory_space<vmem>>, %arg18: memref<40xi32, #tpu.memory_space<vmem>>, %arg19: memref<10240x128xf32, #tpu.memory_space<vmem_shared>>, %arg20: memref<!tpu.dma_semaphore, #tpu.memory_space<semaphore_mem>>, %arg21: memref<!tpu.dma_semaphore, #tpu.memory_space<semaphore_mem>>, %arg22: memref<!tpu.dma_semaphore, #tpu.memory_space<semaphore_mem>>, %arg23: memref<!tpu.dma_semaphore, #tpu.memory_space<semaphore_mem>>) attributes {dimension_semantics = [#tpu.dimension_semantics<core_parallel>, #tpu.dimension_semantics<subcore_parallel>], iteration_bounds = array<i64: 2, 16>, scalar_prefetch = 0 : i64, scratch_operands = 18 : i64, tpu.core_type = #tpu.core_type<sc_vector_subcore>, window_params = [{transform_indices = #map}, {transform_indices = #map1}, {transform_indices = #map1}, {transform_indices = #map2}]} {
    %mul3A = arith.constant 2 : i32
    %mul3A_0 = arith.muli %arg1, %mul3A : i32
    %add3A = arith.addi %mul3A_0, %arg0 : i32
    %scan3A = arith.constant 0 : i32
    %scan3A_1 = arith.constant 0 : i32
    %scan3A_2 = arith.constant 320 : i32
    %scan3A_3 = arith.addi %scan3A_1, %scan3A_2 : i32
    %scan3A_4 = arith.constant 1 : i32
    scf.for %scan3A_117 = %scan3A_1 to %scan3A_3 step %scan3A_4  : i32 {
      %jit3A = arith.constant 8 : i32
      %div3A = arith.divsi %scan3A_117, %jit3A : i32
      %sign3A = arith.constant 0 : i32
      %sign3A_118 = arith.cmpi sgt, %scan3A_117, %sign3A : i32
      %sign3A_119 = arith.extui %sign3A_118 : i1 to i32
      %sign3A_120 = arith.constant 0 : i32
      %sign3A_121 = arith.cmpi slt, %scan3A_117, %sign3A_120 : i32
      %sign3A_122 = arith.extui %sign3A_121 : i1 to i32
      %sign3A_123 = arith.subi %sign3A_119, %sign3A_122 : i32
      %sign3A_124 = arith.constant 0 : i32
      %sign3A_125 = arith.cmpi sgt, %jit3A, %sign3A_124 : i32
      %sign3A_126 = arith.extui %sign3A_125 : i1 to i32
      %sign3A_127 = arith.constant 0 : i32
      %sign3A_128 = arith.cmpi slt, %jit3A, %sign3A_127 : i32
      %sign3A_129 = arith.extui %sign3A_128 : i1 to i32
      %sign3A_130 = arith.subi %sign3A_126, %sign3A_129 : i32
      %ne3A = arith.cmpi ne, %sign3A_123, %sign3A_130 : i32
      %rem3A = arith.remsi %scan3A_117, %jit3A : i32
      %ne3A_131 = arith.constant 0 : i32
      %ne3A_132 = arith.cmpi ne, %rem3A, %ne3A_131 : i32
      %and3A = arith.andi %ne3A, %ne3A_132 : i1
      %sub3A = arith.constant 1 : i32
      %sub3A_133 = arith.subi %div3A, %sub3A : i32
      %select_n3A = arith.select %and3A, %sub3A_133, %div3A : i32
      %jit3A_134 = arith.constant 8 : i32
      %eq3A = arith.constant 0 : i32
      %eq3A_135 = arith.cmpi eq, %jit3A_134, %eq3A : i32
      %jit3A_136 = arith.constant 1 : i32
      %select_n3A_137 = arith.select %eq3A_135, %jit3A_136, %jit3A_134 : i32
      %rem3A_138 = arith.remsi %scan3A_117, %select_n3A_137 : i32
      %ne3A_139 = arith.constant 0 : i32
      %ne3A_140 = arith.cmpi ne, %rem3A_138, %ne3A_139 : i32
      %lt3A = arith.constant 0 : i32
      %lt3A_141 = arith.cmpi slt, %rem3A_138, %lt3A : i32
      %lt3A_142 = arith.constant 0 : i32
      %lt3A_143 = arith.cmpi slt, %select_n3A_137, %lt3A_142 : i32
      %ne3A_144 = arith.xori %lt3A_141, %lt3A_143 : i1
      %and3A_145 = arith.andi %ne3A_144, %ne3A_140 : i1
      %add3A_146 = arith.addi %rem3A_138, %select_n3A_137 : i32
      %select_n3A_147 = arith.select %and3A_145, %add3A_146, %rem3A_138 : i32
      %mul3A_148 = arith.constant 16 : i32
      %mul3A_149 = arith.muli %select_n3A_147, %mul3A_148 : i32
      %broadcast_in_dim3A = arith.constant 0.000000e+00 : f32
      %broadcast_in_dim3A_150 = vector.broadcast %broadcast_in_dim3A : f32 to vector<16xf32>
      %swap3A = arith.index_cast %select_n3A : i32 to index
      %swap3A_151 = arith.index_cast %mul3A_149 : i32 to index
      %swap3A_152 = tpu.vector_load %arg7[%swap3A, %swap3A_151] {strides = array<i32>} : memref<40x128xf32, #tpu.memory_space<vmem>>, vector<1x16xf32>,
      %swap3A_153 = vector.shape_cast %swap3A_152 : vector<1x16xf32> to vector<16xf32>
      %swap3A_154 = vector.shape_cast %broadcast_in_dim3A_150 : vector<16xf32> to vector<1x16xf32>
      tpu.vector_store %arg7[%swap3A, %swap3A_151], %swap3A_154 {strides = array<i32>} : memref<40x128xf32, #tpu.memory_space<vmem>>, vector<1x16xf32>,
    }
    %scan3A_5 = arith.constant 320 : i32
    %mul3A_6 = arith.constant 640 : i32
    %mul3A_7 = arith.muli %arg1, %mul3A_6 : i32
    %scan3A_8 = arith.constant 0 : i32
    %scan3A_9 = arith.constant 0 : i32
    %scan3A_10 = arith.constant 16 : i32
    %scan3A_11 = arith.addi %scan3A_9, %scan3A_10 : i32
    %scan3A_12 = arith.constant 1 : i32
    scf.for %scan3A_117 = %scan3A_9 to %scan3A_11 step %scan3A_12  : i32 {
      %mul3A_118 = arith.constant 40 : i32
      %mul3A_119 = arith.muli %scan3A_117, %mul3A_118 : i32
      %add3A_120 = arith.addi %mul3A_7, %mul3A_119 : i32
      "tpu.region"() ({
        %run_scoped3A = tpu.sem_alloc : memref<!tpu.dma_semaphore, #tpu.memory_space<semaphore_mem>>
        %dma_start3A_121 = arith.constant 0 : i32
        %dma_start3A_122 = tpu.memref_slice %arg19[%add3A_120, %dma_start3A_121] : memref<10240x128xf32, #tpu.memory_space<vmem_shared>> -> memref<40x128xf32, #tpu.memory_space<vmem_shared>>
        %dma_start3A_123 = arith.constant 0 : i32
        %dma_start3A_124 = tpu.memref_slice %arg19[%add3A_120, %dma_start3A_123] : memref<10240x128xf32, #tpu.memory_space<vmem_shared>> -> memref<40x128xf32, #tpu.memory_space<vmem_shared>>
        tpu.enqueue_dma source(%arg7 : memref<40x128xf32, #tpu.memory_space<vmem>>) target(%dma_start3A_124 : memref<40x128xf32, #tpu.memory_space<vmem_shared>>) target_semaphore(%run_scoped3A : memref<!tpu.dma_semaphore, #tpu.memory_space<semaphore_mem>>)
        %dma_wait3A_125 = arith.constant 0 : i32
        %dma_wait3A_126 = tpu.memref_slice %arg19[%add3A_120, %dma_wait3A_125] : memref<10240x128xf32, #tpu.memory_space<vmem_shared>> -> memref<40x128xf32, #tpu.memory_space<vmem_shared>>
        %dma_wait3A_127 = arith.constant 0 : i32
        %dma_wait3A_128 = tpu.memref_slice %arg19[%add3A_120, %dma_wait3A_127] : memref<10240x128xf32, #tpu.memory_space<vmem_shared>> -> memref<40x128xf32, #tpu.memory_space<vmem_shared>>
        tpu.wait_dma2 semaphore(%run_scoped3A : memref<!tpu.dma_semaphore, #tpu.memory_space<semaphore_mem>>) src(%arg7 : memref<40x128xf32, #tpu.memory_space<vmem>>) dst(%dma_wait3A_128 : memref<40x128xf32, #tpu.memory_space<vmem_shared>>)
        tpu.yield
      }) : () -> ()
    }
    %scan3A_13 = arith.constant 16 : i32
    %mul3A_14 = arith.constant 10000 : i32
    %mul3A_15 = arith.muli %add3A, %mul3A_14 : i32
    "tpu.region"() ({
      %run_scoped3A = tpu.sem_alloc : memref<!tpu.dma_semaphore, #tpu.memory_space<semaphore_mem>>
      %dma_start3A_117 = tpu.memref_slice %arg3[%mul3A_15] : memref<320000xi32, #tpu.memory_space<hbm>> -> memref<10000xi32, #tpu.memory_space<hbm>>
      %dma_start3A_118 = tpu.memref_slice %arg3[%mul3A_15] : memref<320000xi32, #tpu.memory_space<hbm>> -> memref<10000xi32, #tpu.memory_space<hbm>>
      tpu.enqueue_dma source(%dma_start3A_118 : memref<10000xi32, #tpu.memory_space<hbm>>) target(%arg6 : memref<10000xi32, #tpu.memory_space<vmem>>) target_semaphore(%run_scoped3A : memref<!tpu.dma_semaphore, #tpu.memory_space<semaphore_mem>>)
      %dma_wait3A_119 = tpu.memref_slice %arg3[%mul3A_15] : memref<320000xi32, #tpu.memory_space<hbm>> -> memref<10000xi32, #tpu.memory_space<hbm>>
      %dma_wait3A_120 = tpu.memref_slice %arg3[%mul3A_15] : memref<320000xi32, #tpu.memory_space<hbm>> -> memref<10000xi32, #tpu.memory_space<hbm>>
      tpu.wait_dma2 semaphore(%run_scoped3A : memref<!tpu.dma_semaphore, #tpu.memory_space<semaphore_mem>>) src(%dma_wait3A_120 : memref<10000xi32, #tpu.memory_space<hbm>>) dst(%arg6 : memref<10000xi32, #tpu.memory_space<vmem>>)
      tpu.yield
    }) : () -> ()
    %barrier3A = arith.constant 0 : index
    tpu.barrier barrier_id(%barrier3A)
    %dma_start3A = arith.constant 0 : i32
    %dma_start3A_16 = tpu.memref_slice %arg6[%dma_start3A] : memref<10000xi32, #tpu.memory_space<vmem>> -> memref<40xi32, #tpu.memory_space<vmem>>
    %dma_start3A_17 = arith.constant 0 : i32
    %dma_start3A_18 = arith.constant 0 : i32
    %dma_start3A_19 = tpu.memref_slice %arg2[%dma_start3A_17, %dma_start3A_18] : memref<10240x128xf32, #tpu.memory_space<hbm>> -> memref<10240x128xf32, #tpu.memory_space<hbm>>
    tpu.enqueue_indirect_dma source(%dma_start3A_19 : memref<10240x128xf32, #tpu.memory_space<hbm>>) target(%arg7 : memref<40x128xf32, #tpu.memory_space<vmem>>) offsets(%dma_start3A_16 : memref<40xi32, #tpu.memory_space<vmem>>) semaphore(%arg20 : memref<!tpu.dma_semaphore, #tpu.memory_space<semaphore_mem>>)
    %add3A_20 = arith.constant 0 : i32
    %add3A_21 = arith.addi %mul3A_15, %add3A_20 : i32
    %dma_start3A_22 = tpu.memref_slice %arg4[%add3A_21] : memref<320000xi32, #tpu.memory_space<hbm>> -> memref<40xi32, #tpu.memory_space<hbm>>
    %dma_start3A_23 = tpu.memref_slice %arg4[%add3A_21] : memref<320000xi32, #tpu.memory_space<hbm>> -> memref<40xi32, #tpu.memory_space<hbm>>
    tpu.enqueue_dma source(%dma_start3A_23 : memref<40xi32, #tpu.memory_space<hbm>>) target(%arg13 : memref<40xi32, #tpu.memory_space<vmem>>) target_semaphore(%arg20 : memref<!tpu.dma_semaphore, #tpu.memory_space<semaphore_mem>>)
    %dma_start3A_24 = arith.constant 40 : i32
    %dma_start3A_25 = tpu.memref_slice %arg6[%dma_start3A_24] : memref<10000xi32, #tpu.memory_space<vmem>> -> memref<40xi32, #tpu.memory_space<vmem>>
    %dma_start3A_26 = arith.constant 0 : i32
    %dma_start3A_27 = arith.constant 0 : i32
    %dma_start3A_28 = tpu.memref_slice %arg2[%dma_start3A_26, %dma_start3A_27] : memref<10240x128xf32, #tpu.memory_space<hbm>> -> memref<10240x128xf32, #tpu.memory_space<hbm>>
    tpu.enqueue_indirect_dma source(%dma_start3A_28 : memref<10240x128xf32, #tpu.memory_space<hbm>>) target(%arg8 : memref<40x128xf32, #tpu.memory_space<vmem>>) offsets(%dma_start3A_25 : memref<40xi32, #tpu.memory_space<vmem>>) semaphore(%arg20 : memref<!tpu.dma_semaphore, #tpu.memory_space<semaphore_mem>>)
    %add3A_29 = arith.constant 40 : i32
    %add3A_30 = arith.addi %mul3A_15, %add3A_29 : i32
    %dma_start3A_31 = tpu.memref_slice %arg4[%add3A_30] : memref<320000xi32, #tpu.memory_space<hbm>> -> memref<40xi32, #tpu.memory_space<hbm>>
    %dma_start3A_32 = tpu.memref_slice %arg4[%add3A_30] : memref<320000xi32, #tpu.memory_space<hbm>> -> memref<40xi32, #tpu.memory_space<hbm>>
    tpu.enqueue_dma source(%dma_start3A_32 : memref<40xi32, #tpu.memory_space<hbm>>) target(%arg14 : memref<40xi32, #tpu.memory_space<vmem>>) target_semaphore(%arg20 : memref<!tpu.dma_semaphore, #tpu.memory_space<semaphore_mem>>)
    %dma_start3A_33 = arith.constant 80 : i32
    %dma_start3A_34 = tpu.memref_slice %arg6[%dma_start3A_33] : memref<10000xi32, #tpu.memory_space<vmem>> -> memref<40xi32, #tpu.memory_space<vmem>>
    %dma_start3A_35 = arith.constant 0 : i32
    %dma_start3A_36 = arith.constant 0 : i32
    %dma_start3A_37 = tpu.memref_slice %arg2[%dma_start3A_35, %dma_start3A_36] : memref<10240x128xf32, #tpu.memory_space<hbm>> -> memref<10240x128xf32, #tpu.memory_space<hbm>>
    tpu.enqueue_indirect_dma source(%dma_start3A_37 : memref<10240x128xf32, #tpu.memory_space<hbm>>) target(%arg9 : memref<40x128xf32, #tpu.memory_space<vmem>>) offsets(%dma_start3A_34 : memref<40xi32, #tpu.memory_space<vmem>>) semaphore(%arg20 : memref<!tpu.dma_semaphore, #tpu.memory_space<semaphore_mem>>)
    %add3A_38 = arith.constant 80 : i32
    %add3A_39 = arith.addi %mul3A_15, %add3A_38 : i32
    %dma_start3A_40 = tpu.memref_slice %arg4[%add3A_39] : memref<320000xi32, #tpu.memory_space<hbm>> -> memref<40xi32, #tpu.memory_space<hbm>>
    %dma_start3A_41 = tpu.memref_slice %arg4[%add3A_39] : memref<320000xi32, #tpu.memory_space<hbm>> -> memref<40xi32, #tpu.memory_space<hbm>>
    tpu.enqueue_dma source(%dma_start3A_41 : memref<40xi32, #tpu.memory_space<hbm>>) target(%arg15 : memref<40xi32, #tpu.memory_space<vmem>>) target_semaphore(%arg20 : memref<!tpu.dma_semaphore, #tpu.memory_space<semaphore_mem>>)
    %scan3A_42 = arith.constant 0 : i32
    %scan3A_43 = arith.constant 0 : i32
    %scan3A_44 = arith.constant 41 : i32
    %scan3A_45 = arith.addi %scan3A_43, %scan3A_44 : i32
    %scan3A_46 = arith.constant 1 : i32
    scf.for %scan3A_117 = %scan3A_43 to %scan3A_45 step %scan3A_46  : i32 {
      %mul3A_118 = arith.constant 2 : i32
      %mul3A_119 = arith.muli %mul3A_118, %scan3A_117 : i32
      %mul3A_120 = arith.constant 3 : i32
      %mul3A_121 = arith.muli %mul3A_119, %mul3A_120 : i32
      %mul3A_122 = arith.constant 2 : i32
      %mul3A_123 = arith.muli %mul3A_122, %scan3A_117 : i32
      %add3A_124 = arith.constant 1 : i32
      %add3A_125 = arith.addi %mul3A_123, %add3A_124 : i32
      %mul3A_126 = arith.constant 3 : i32
      %mul3A_127 = arith.muli %add3A_125, %mul3A_126 : i32
      %mul3A_128 = arith.constant 2 : i32
      %mul3A_129 = arith.muli %mul3A_128, %scan3A_117 : i32
      %add3A_130 = arith.constant 2 : i32
      %add3A_131 = arith.addi %mul3A_129, %add3A_130 : i32
      %mul3A_132 = arith.constant 3 : i32
      %mul3A_133 = arith.muli %add3A_131, %mul3A_132 : i32
      %add3A_134 = arith.constant 0 : i32
      %add3A_135 = arith.addi %mul3A_121, %add3A_134 : i32
      %mul3A_136 = arith.constant 40 : i32
      %mul3A_137 = arith.muli %add3A_135, %mul3A_136 : i32
      %dma_wait3A_138 = tpu.memref_slice %arg6[%mul3A_137] : memref<10000xi32, #tpu.memory_space<vmem>> -> memref<40xi32, #tpu.memory_space<vmem>>
      %dma_wait3A_139 = arith.constant 0 : i32
      %dma_wait3A_140 = arith.constant 0 : i32
      %dma_wait3A_141 = tpu.memref_slice %arg2[%dma_wait3A_139, %dma_wait3A_140] : memref<10240x128xf32, #tpu.memory_space<hbm>> -> memref<10240x128xf32, #tpu.memory_space<hbm>>
      tpu.wait_indirect_dma semaphore(%arg20 : memref<!tpu.dma_semaphore, #tpu.memory_space<semaphore_mem>>) src(%dma_wait3A_141 : memref<10240x128xf32, #tpu.memory_space<hbm>>) dst(%arg7 : memref<40x128xf32, #tpu.memory_space<vmem>>)
      %mul3A_142 = arith.constant 40 : i32
      %mul3A_143 = arith.muli %add3A_135, %mul3A_142 : i32
      %add3A_144 = arith.addi %mul3A_15, %mul3A_143 : i32
      %dma_wait3A_145 = tpu.memref_slice %arg4[%add3A_144] : memref<320000xi32, #tpu.memory_space<hbm>> -> memref<40xi32, #tpu.memory_space<hbm>>
      %dma_wait3A_146 = tpu.memref_slice %arg4[%add3A_144] : memref<320000xi32, #tpu.memory_space<hbm>> -> memref<40xi32, #tpu.memory_space<hbm>>
      tpu.wait_dma2 semaphore(%arg20 : memref<!tpu.dma_semaphore, #tpu.memory_space<semaphore_mem>>) src(%dma_wait3A_146 : memref<40xi32, #tpu.memory_space<hbm>>) dst(%arg13 : memref<40xi32, #tpu.memory_space<vmem>>)
      %add3A_147 = arith.constant 1 : i32
      %add3A_148 = arith.addi %mul3A_121, %add3A_147 : i32
      %mul3A_149 = arith.constant 40 : i32
      %mul3A_150 = arith.muli %add3A_148, %mul3A_149 : i32
      %dma_wait3A_151 = tpu.memref_slice %arg6[%mul3A_150] : memref<10000xi32, #tpu.memory_space<vmem>> -> memref<40xi32, #tpu.memory_space<vmem>>
      %dma_wait3A_152 = arith.constant 0 : i32
      %dma_wait3A_153 = arith.constant 0 : i32
      %dma_wait3A_154 = tpu.memref_slice %arg2[%dma_wait3A_152, %dma_wait3A_153] : memref<10240x128xf32, #tpu.memory_space<hbm>> -> memref<10240x128xf32, #tpu.memory_space<hbm>>
      tpu.wait_indirect_dma semaphore(%arg20 : memref<!tpu.dma_semaphore, #tpu.memory_space<semaphore_mem>>) src(%dma_wait3A_154 : memref<10240x128xf32, #tpu.memory_space<hbm>>) dst(%arg8 : memref<40x128xf32, #tpu.memory_space<vmem>>)
      %mul3A_155 = arith.constant 40 : i32
      %mul3A_156 = arith.muli %add3A_148, %mul3A_155 : i32
      %add3A_157 = arith.addi %mul3A_15, %mul3A_156 : i32
      %dma_wait3A_158 = tpu.memref_slice %arg4[%add3A_157] : memref<320000xi32, #tpu.memory_space<hbm>> -> memref<40xi32, #tpu.memory_space<hbm>>
      %dma_wait3A_159 = tpu.memref_slice %arg4[%add3A_157] : memref<320000xi32, #tpu.memory_space<hbm>> -> memref<40xi32, #tpu.memory_space<hbm>>
      tpu.wait_dma2 semaphore(%arg20 : memref<!tpu.dma_semaphore, #tpu.memory_space<semaphore_mem>>) src(%dma_wait3A_159 : memref<40xi32, #tpu.memory_space<hbm>>) dst(%arg14 : memref<40xi32, #tpu.memory_space<vmem>>)
      %add3A_160 = arith.constant 2 : i32
      %add3A_161 = arith.addi %mul3A_121, %add3A_160 : i32
      %mul3A_162 = arith.constant 40 : i32
      %mul3A_163 = arith.muli %add3A_161, %mul3A_162 : i32
      %dma_wait3A_164 = tpu.memref_slice %arg6[%mul3A_163] : memref<10000xi32, #tpu.memory_space<vmem>> -> memref<40xi32, #tpu.memory_space<vmem>>
      %dma_wait3A_165 = arith.constant 0 : i32
      %dma_wait3A_166 = arith.constant 0 : i32
      %dma_wait3A_167 = tpu.memref_slice %arg2[%dma_wait3A_165, %dma_wait3A_166] : memref<10240x128xf32, #tpu.memory_space<hbm>> -> memref<10240x128xf32, #tpu.memory_space<hbm>>
      tpu.wait_indirect_dma semaphore(%arg20 : memref<!tpu.dma_semaphore, #tpu.memory_space<semaphore_mem>>) src(%dma_wait3A_167 : memref<10240x128xf32, #tpu.memory_space<hbm>>) dst(%arg9 : memref<40x128xf32, #tpu.memory_space<vmem>>)
      %mul3A_168 = arith.constant 40 : i32
      %mul3A_169 = arith.muli %add3A_161, %mul3A_168 : i32
      %add3A_170 = arith.addi %mul3A_15, %mul3A_169 : i32
      %dma_wait3A_171 = tpu.memref_slice %arg4[%add3A_170] : memref<320000xi32, #tpu.memory_space<hbm>> -> memref<40xi32, #tpu.memory_space<hbm>>
      %dma_wait3A_172 = tpu.memref_slice %arg4[%add3A_170] : memref<320000xi32, #tpu.memory_space<hbm>> -> memref<40xi32, #tpu.memory_space<hbm>>
      tpu.wait_dma2 semaphore(%arg20 : memref<!tpu.dma_semaphore, #tpu.memory_space<semaphore_mem>>) src(%dma_wait3A_172 : memref<40xi32, #tpu.memory_space<hbm>>) dst(%arg15 : memref<40xi32, #tpu.memory_space<vmem>>)
      %add3A_173 = arith.constant 0 : i32
      %add3A_174 = arith.addi %mul3A_121, %add3A_173 : i32
      %dma_start3A_175 = arith.constant 0 : i32
      %dma_start3A_176 = arith.constant 0 : i32
      %dma_start3A_177 = tpu.memref_slice %arg19[%dma_start3A_175, %dma_start3A_176] : memref<10240x128xf32, #tpu.memory_space<vmem_shared>> -> memref<10240x128xf32, #tpu.memory_space<vmem_shared>>
      tpu.enqueue_indirect_dma source(%arg7 : memref<40x128xf32, #tpu.memory_space<vmem>>) target(%dma_start3A_177 : memref<10240x128xf32, #tpu.memory_space<vmem_shared>>) offsets(%arg13 : memref<40xi32, #tpu.memory_space<vmem>>) semaphore(%arg22 : memref<!tpu.dma_semaphore, #tpu.memory_space<semaphore_mem>>) {add = true}
      %add3A_178 = arith.constant 1 : i32
      %add3A_179 = arith.addi %mul3A_121, %add3A_178 : i32
      %dma_start3A_180 = arith.constant 0 : i32
      %dma_start3A_181 = arith.constant 0 : i32
      %dma_start3A_182 = tpu.memref_slice %arg19[%dma_start3A_180, %dma_start3A_181] : memref<10240x128xf32, #tpu.memory_space<vmem_shared>> -> memref<10240x128xf32, #tpu.memory_space<vmem_shared>>
      tpu.enqueue_indirect_dma source(%arg8 : memref<40x128xf32, #tpu.memory_space<vmem>>) target(%dma_start3A_182 : memref<10240x128xf32, #tpu.memory_space<vmem_shared>>) offsets(%arg14 : memref<40xi32, #tpu.memory_space<vmem>>) semaphore(%arg22 : memref<!tpu.dma_semaphore, #tpu.memory_space<semaphore_mem>>) {add = true}
      %add3A_183 = arith.constant 2 : i32
      %add3A_184 = arith.addi %mul3A_121, %add3A_183 : i32
      %dma_start3A_185 = arith.constant 0 : i32
      %dma_start3A_186 = arith.constant 0 : i32
      %dma_start3A_187 = tpu.memref_slice %arg19[%dma_start3A_185, %dma_start3A_186] : memref<10240x128xf32, #tpu.memory_space<vmem_shared>> -> memref<10240x128xf32, #tpu.memory_space<vmem_shared>>
      tpu.enqueue_indirect_dma source(%arg9 : memref<40x128xf32, #tpu.memory_space<vmem>>) target(%dma_start3A_187 : memref<10240x128xf32, #tpu.memory_space<vmem_shared>>) offsets(%arg15 : memref<40xi32, #tpu.memory_space<vmem>>) semaphore(%arg22 : memref<!tpu.dma_semaphore, #tpu.memory_space<semaphore_mem>>) {add = true}
      %add3A_188 = arith.constant 0 : i32
      %add3A_189 = arith.addi %mul3A_127, %add3A_188 : i32
      %mul3A_190 = arith.constant 40 : i32
      %mul3A_191 = arith.muli %add3A_189, %mul3A_190 : i32
      %dma_start3A_192 = tpu.memref_slice %arg6[%mul3A_191] : memref<10000xi32, #tpu.memory_space<vmem>> -> memref<40xi32, #tpu.memory_space<vmem>>
      %dma_start3A_193 = arith.constant 0 : i32
      %dma_start3A_194 = arith.constant 0 : i32
      %dma_start3A_195 = tpu.memref_slice %arg2[%dma_start3A_193, %dma_start3A_194] : memref<10240x128xf32, #tpu.memory_space<hbm>> -> memref<10240x128xf32, #tpu.memory_space<hbm>>
      tpu.enqueue_indirect_dma source(%dma_start3A_195 : memref<10240x128xf32, #tpu.memory_space<hbm>>) target(%arg10 : memref<40x128xf32, #tpu.memory_space<vmem>>) offsets(%dma_start3A_192 : memref<40xi32, #tpu.memory_space<vmem>>) semaphore(%arg21 : memref<!tpu.dma_semaphore, #tpu.memory_space<semaphore_mem>>)
      %mul3A_196 = arith.constant 40 : i32
      %mul3A_197 = arith.muli %add3A_189, %mul3A_196 : i32
      %add3A_198 = arith.addi %mul3A_15, %mul3A_197 : i32
      %dma_start3A_199 = tpu.memref_slice %arg4[%add3A_198] : memref<320000xi32, #tpu.memory_space<hbm>> -> memref<40xi32, #tpu.memory_space<hbm>>
      %dma_start3A_200 = tpu.memref_slice %arg4[%add3A_198] : memref<320000xi32, #tpu.memory_space<hbm>> -> memref<40xi32, #tpu.memory_space<hbm>>
      tpu.enqueue_dma source(%dma_start3A_200 : memref<40xi32, #tpu.memory_space<hbm>>) target(%arg16 : memref<40xi32, #tpu.memory_space<vmem>>) target_semaphore(%arg21 : memref<!tpu.dma_semaphore, #tpu.memory_space<semaphore_mem>>)
      %add3A_201 = arith.constant 1 : i32
      %add3A_202 = arith.addi %mul3A_127, %add3A_201 : i32
      %mul3A_203 = arith.constant 40 : i32
      %mul3A_204 = arith.muli %add3A_202, %mul3A_203 : i32
      %dma_start3A_205 = tpu.memref_slice %arg6[%mul3A_204] : memref<10000xi32, #tpu.memory_space<vmem>> -> memref<40xi32, #tpu.memory_space<vmem>>
      %dma_start3A_206 = arith.constant 0 : i32
      %dma_start3A_207 = arith.constant 0 : i32
      %dma_start3A_208 = tpu.memref_slice %arg2[%dma_start3A_206, %dma_start3A_207] : memref<10240x128xf32, #tpu.memory_space<hbm>> -> memref<10240x128xf32, #tpu.memory_space<hbm>>
      tpu.enqueue_indirect_dma source(%dma_start3A_208 : memref<10240x128xf32, #tpu.memory_space<hbm>>) target(%arg11 : memref<40x128xf32, #tpu.memory_space<vmem>>) offsets(%dma_start3A_205 : memref<40xi32, #tpu.memory_space<vmem>>) semaphore(%arg21 : memref<!tpu.dma_semaphore, #tpu.memory_space<semaphore_mem>>)
      %mul3A_209 = arith.constant 40 : i32
      %mul3A_210 = arith.muli %add3A_202, %mul3A_209 : i32
      %add3A_211 = arith.addi %mul3A_15, %mul3A_210 : i32
      %dma_start3A_212 = tpu.memref_slice %arg4[%add3A_211] : memref<320000xi32, #tpu.memory_space<hbm>> -> memref<40xi32, #tpu.memory_space<hbm>>
      %dma_start3A_213 = tpu.memref_slice %arg4[%add3A_211] : memref<320000xi32, #tpu.memory_space<hbm>> -> memref<40xi32, #tpu.memory_space<hbm>>
      tpu.enqueue_dma source(%dma_start3A_213 : memref<40xi32, #tpu.memory_space<hbm>>) target(%arg17 : memref<40xi32, #tpu.memory_space<vmem>>) target_semaphore(%arg21 : memref<!tpu.dma_semaphore, #tpu.memory_space<semaphore_mem>>)
      %add3A_214 = arith.constant 2 : i32
      %add3A_215 = arith.addi %mul3A_127, %add3A_214 : i32
      %mul3A_216 = arith.constant 40 : i32
      %mul3A_217 = arith.muli %add3A_215, %mul3A_216 : i32
      %dma_start3A_218 = tpu.memref_slice %arg6[%mul3A_217] : memref<10000xi32, #tpu.memory_space<vmem>> -> memref<40xi32, #tpu.memory_space<vmem>>
      %dma_start3A_219 = arith.constant 0 : i32
      %dma_start3A_220 = arith.constant 0 : i32
      %dma_start3A_221 = tpu.memref_slice %arg2[%dma_start3A_219, %dma_start3A_220] : memref<10240x128xf32, #tpu.memory_space<hbm>> -> memref<10240x128xf32, #tpu.memory_space<hbm>>
      tpu.enqueue_indirect_dma source(%dma_start3A_221 : memref<10240x128xf32, #tpu.memory_space<hbm>>) target(%arg12 : memref<40x128xf32, #tpu.memory_space<vmem>>) offsets(%dma_start3A_218 : memref<40xi32, #tpu.memory_space<vmem>>) semaphore(%arg21 : memref<!tpu.dma_semaphore, #tpu.memory_space<semaphore_mem>>)
      %mul3A_222 = arith.constant 40 : i32
      %mul3A_223 = arith.muli %add3A_215, %mul3A_222 : i32
      %add3A_224 = arith.addi %mul3A_15, %mul3A_223 : i32
      %dma_start3A_225 = tpu.memref_slice %arg4[%add3A_224] : memref<320000xi32, #tpu.memory_space<hbm>> -> memref<40xi32, #tpu.memory_space<hbm>>
      %dma_start3A_226 = tpu.memref_slice %arg4[%add3A_224] : memref<320000xi32, #tpu.memory_space<hbm>> -> memref<40xi32, #tpu.memory_space<hbm>>
      tpu.enqueue_dma source(%dma_start3A_226 : memref<40xi32, #tpu.memory_space<hbm>>) target(%arg18 : memref<40xi32, #tpu.memory_space<vmem>>) target_semaphore(%arg21 : memref<!tpu.dma_semaphore, #tpu.memory_space<semaphore_mem>>)
      %dma_wait3A_227 = arith.constant 0 : i32
      %dma_wait3A_228 = arith.constant 0 : i32
      %dma_wait3A_229 = tpu.memref_slice %arg19[%dma_wait3A_227, %dma_wait3A_228] : memref<10240x128xf32, #tpu.memory_space<vmem_shared>> -> memref<10240x128xf32, #tpu.memory_space<vmem_shared>>
      tpu.wait_indirect_dma semaphore(%arg22 : memref<!tpu.dma_semaphore, #tpu.memory_space<semaphore_mem>>) src(%arg7 : memref<40x128xf32, #tpu.memory_space<vmem>>) dst(%dma_wait3A_229 : memref<10240x128xf32, #tpu.memory_space<vmem_shared>>)
      %dma_wait3A_230 = arith.constant 0 : i32
      %dma_wait3A_231 = arith.constant 0 : i32
      %dma_wait3A_232 = tpu.memref_slice %arg19[%dma_wait3A_230, %dma_wait3A_231] : memref<10240x128xf32, #tpu.memory_space<vmem_shared>> -> memref<10240x128xf32, #tpu.memory_space<vmem_shared>>
      tpu.wait_indirect_dma semaphore(%arg22 : memref<!tpu.dma_semaphore, #tpu.memory_space<semaphore_mem>>) src(%arg8 : memref<40x128xf32, #tpu.memory_space<vmem>>) dst(%dma_wait3A_232 : memref<10240x128xf32, #tpu.memory_space<vmem_shared>>)
      %dma_wait3A_233 = arith.constant 0 : i32
      %dma_wait3A_234 = arith.constant 0 : i32
      %dma_wait3A_235 = tpu.memref_slice %arg19[%dma_wait3A_233, %dma_wait3A_234] : memref<10240x128xf32, #tpu.memory_space<vmem_shared>> -> memref<10240x128xf32, #tpu.memory_space<vmem_shared>>
      tpu.wait_indirect_dma semaphore(%arg22 : memref<!tpu.dma_semaphore, #tpu.memory_space<semaphore_mem>>) src(%arg9 : memref<40x128xf32, #tpu.memory_space<vmem>>) dst(%dma_wait3A_235 : memref<10240x128xf32, #tpu.memory_space<vmem_shared>>)
      %add3A_236 = arith.constant 0 : i32
      %add3A_237 = arith.addi %mul3A_133, %add3A_236 : i32
      %mul3A_238 = arith.constant 40 : i32
      %mul3A_239 = arith.muli %add3A_237, %mul3A_238 : i32
      %dma_start3A_240 = tpu.memref_slice %arg6[%mul3A_239] : memref<10000xi32, #tpu.memory_space<vmem>> -> memref<40xi32, #tpu.memory_space<vmem>>
      %dma_start3A_241 = arith.constant 0 : i32
      %dma_start3A_242 = arith.constant 0 : i32
      %dma_start3A_243 = tpu.memref_slice %arg2[%dma_start3A_241, %dma_start3A_242] : memref<10240x128xf32, #tpu.memory_space<hbm>> -> memref<10240x128xf32, #tpu.memory_space<hbm>>
      tpu.enqueue_indirect_dma source(%dma_start3A_243 : memref<10240x128xf32, #tpu.memory_space<hbm>>) target(%arg7 : memref<40x128xf32, #tpu.memory_space<vmem>>) offsets(%dma_start3A_240 : memref<40xi32, #tpu.memory_space<vmem>>) semaphore(%arg20 : memref<!tpu.dma_semaphore, #tpu.memory_space<semaphore_mem>>)
      %mul3A_244 = arith.constant 40 : i32
      %mul3A_245 = arith.muli %add3A_237, %mul3A_244 : i32
      %add3A_246 = arith.addi %mul3A_15, %mul3A_245 : i32
      %dma_start3A_247 = tpu.memref_slice %arg4[%add3A_246] : memref<320000xi32, #tpu.memory_space<hbm>> -> memref<40xi32, #tpu.memory_space<hbm>>
      %dma_start3A_248 = tpu.memref_slice %arg4[%add3A_246] : memref<320000xi32, #tpu.memory_space<hbm>> -> memref<40xi32, #tpu.memory_space<hbm>>
      tpu.enqueue_dma source(%dma_start3A_248 : memref<40xi32, #tpu.memory_space<hbm>>) target(%arg13 : memref<40xi32, #tpu.memory_space<vmem>>) target_semaphore(%arg20 : memref<!tpu.dma_semaphore, #tpu.memory_space<semaphore_mem>>)
      %add3A_249 = arith.constant 1 : i32
      %add3A_250 = arith.addi %mul3A_133, %add3A_249 : i32
      %mul3A_251 = arith.constant 40 : i32
      %mul3A_252 = arith.muli %add3A_250, %mul3A_251 : i32
      %dma_start3A_253 = tpu.memref_slice %arg6[%mul3A_252] : memref<10000xi32, #tpu.memory_space<vmem>> -> memref<40xi32, #tpu.memory_space<vmem>>
      %dma_start3A_254 = arith.constant 0 : i32
      %dma_start3A_255 = arith.constant 0 : i32
      %dma_start3A_256 = tpu.memref_slice %arg2[%dma_start3A_254, %dma_start3A_255] : memref<10240x128xf32, #tpu.memory_space<hbm>> -> memref<10240x128xf32, #tpu.memory_space<hbm>>
      tpu.enqueue_indirect_dma source(%dma_start3A_256 : memref<10240x128xf32, #tpu.memory_space<hbm>>) target(%arg8 : memref<40x128xf32, #tpu.memory_space<vmem>>) offsets(%dma_start3A_253 : memref<40xi32, #tpu.memory_space<vmem>>) semaphore(%arg20 : memref<!tpu.dma_semaphore, #tpu.memory_space<semaphore_mem>>)
      %mul3A_257 = arith.constant 40 : i32
      %mul3A_258 = arith.muli %add3A_250, %mul3A_257 : i32
      %add3A_259 = arith.addi %mul3A_15, %mul3A_258 : i32
      %dma_start3A_260 = tpu.memref_slice %arg4[%add3A_259] : memref<320000xi32, #tpu.memory_space<hbm>> -> memref<40xi32, #tpu.memory_space<hbm>>
      %dma_start3A_261 = tpu.memref_slice %arg4[%add3A_259] : memref<320000xi32, #tpu.memory_space<hbm>> -> memref<40xi32, #tpu.memory_space<hbm>>
      tpu.enqueue_dma source(%dma_start3A_261 : memref<40xi32, #tpu.memory_space<hbm>>) target(%arg14 : memref<40xi32, #tpu.memory_space<vmem>>) target_semaphore(%arg20 : memref<!tpu.dma_semaphore, #tpu.memory_space<semaphore_mem>>)
      %add3A_262 = arith.constant 2 : i32
      %add3A_263 = arith.addi %mul3A_133, %add3A_262 : i32
      %mul3A_264 = arith.constant 40 : i32
      %mul3A_265 = arith.muli %add3A_263, %mul3A_264 : i32
      %dma_start3A_266 = tpu.memref_slice %arg6[%mul3A_265] : memref<10000xi32, #tpu.memory_space<vmem>> -> memref<40xi32, #tpu.memory_space<vmem>>
      %dma_start3A_267 = arith.constant 0 : i32
      %dma_start3A_268 = arith.constant 0 : i32
      %dma_start3A_269 = tpu.memref_slice %arg2[%dma_start3A_267, %dma_start3A_268] : memref<10240x128xf32, #tpu.memory_space<hbm>> -> memref<10240x128xf32, #tpu.memory_space<hbm>>
      tpu.enqueue_indirect_dma source(%dma_start3A_269 : memref<10240x128xf32, #tpu.memory_space<hbm>>) target(%arg9 : memref<40x128xf32, #tpu.memory_space<vmem>>) offsets(%dma_start3A_266 : memref<40xi32, #tpu.memory_space<vmem>>) semaphore(%arg20 : memref<!tpu.dma_semaphore, #tpu.memory_space<semaphore_mem>>)
      %mul3A_270 = arith.constant 40 : i32
      %mul3A_271 = arith.muli %add3A_263, %mul3A_270 : i32
      %add3A_272 = arith.addi %mul3A_15, %mul3A_271 : i32
      %dma_start3A_273 = tpu.memref_slice %arg4[%add3A_272] : memref<320000xi32, #tpu.memory_space<hbm>> -> memref<40xi32, #tpu.memory_space<hbm>>
      %dma_start3A_274 = tpu.memref_slice %arg4[%add3A_272] : memref<320000xi32, #tpu.memory_space<hbm>> -> memref<40xi32, #tpu.memory_space<hbm>>
      tpu.enqueue_dma source(%dma_start3A_274 : memref<40xi32, #tpu.memory_space<hbm>>) target(%arg15 : memref<40xi32, #tpu.memory_space<vmem>>) target_semaphore(%arg20 : memref<!tpu.dma_semaphore, #tpu.memory_space<semaphore_mem>>)
      %add3A_275 = arith.constant 0 : i32
      %add3A_276 = arith.addi %mul3A_127, %add3A_275 : i32
      %mul3A_277 = arith.constant 40 : i32
      %mul3A_278 = arith.muli %add3A_276, %mul3A_277 : i32
      %dma_wait3A_279 = tpu.memref_slice %arg6[%mul3A_278] : memref<10000xi32, #tpu.memory_space<vmem>> -> memref<40xi32, #tpu.memory_space<vmem>>
      %dma_wait3A_280 = arith.constant 0 : i32
      %dma_wait3A_281 = arith.constant 0 : i32
      %dma_wait3A_282 = tpu.memref_slice %arg2[%dma_wait3A_280, %dma_wait3A_281] : memref<10240x128xf32, #tpu.memory_space<hbm>> -> memref<10240x128xf32, #tpu.memory_space<hbm>>
      tpu.wait_indirect_dma semaphore(%arg21 : memref<!tpu.dma_semaphore, #tpu.memory_space<semaphore_mem>>) src(%dma_wait3A_282 : memref<10240x128xf32, #tpu.memory_space<hbm>>) dst(%arg10 : memref<40x128xf32, #tpu.memory_space<vmem>>)
      %mul3A_283 = arith.constant 40 : i32
      %mul3A_284 = arith.muli %add3A_276, %mul3A_283 : i32
      %add3A_285 = arith.addi %mul3A_15, %mul3A_284 : i32
      %dma_wait3A_286 = tpu.memref_slice %arg4[%add3A_285] : memref<320000xi32, #tpu.memory_space<hbm>> -> memref<40xi32, #tpu.memory_space<hbm>>
      %dma_wait3A_287 = tpu.memref_slice %arg4[%add3A_285] : memref<320000xi32, #tpu.memory_space<hbm>> -> memref<40xi32, #tpu.memory_space<hbm>>
      tpu.wait_dma2 semaphore(%arg21 : memref<!tpu.dma_semaphore, #tpu.memory_space<semaphore_mem>>) src(%dma_wait3A_287 : memref<40xi32, #tpu.memory_space<hbm>>) dst(%arg16 : memref<40xi32, #tpu.memory_space<vmem>>)
      %add3A_288 = arith.constant 1 : i32
      %add3A_289 = arith.addi %mul3A_127, %add3A_288 : i32
      %mul3A_290 = arith.constant 40 : i32
      %mul3A_291 = arith.muli %add3A_289, %mul3A_290 : i32
      %dma_wait3A_292 = tpu.memref_slice %arg6[%mul3A_291] : memref<10000xi32, #tpu.memory_space<vmem>> -> memref<40xi32, #tpu.memory_space<vmem>>
      %dma_wait3A_293 = arith.constant 0 : i32
      %dma_wait3A_294 = arith.constant 0 : i32
      %dma_wait3A_295 = tpu.memref_slice %arg2[%dma_wait3A_293, %dma_wait3A_294] : memref<10240x128xf32, #tpu.memory_space<hbm>> -> memref<10240x128xf32, #tpu.memory_space<hbm>>
      tpu.wait_indirect_dma semaphore(%arg21 : memref<!tpu.dma_semaphore, #tpu.memory_space<semaphore_mem>>) src(%dma_wait3A_295 : memref<10240x128xf32, #tpu.memory_space<hbm>>) dst(%arg11 : memref<40x128xf32, #tpu.memory_space<vmem>>)
      %mul3A_296 = arith.constant 40 : i32
      %mul3A_297 = arith.muli %add3A_289, %mul3A_296 : i32
      %add3A_298 = arith.addi %mul3A_15, %mul3A_297 : i32
      %dma_wait3A_299 = tpu.memref_slice %arg4[%add3A_298] : memref<320000xi32, #tpu.memory_space<hbm>> -> memref<40xi32, #tpu.memory_space<hbm>>
      %dma_wait3A_300 = tpu.memref_slice %arg4[%add3A_298] : memref<320000xi32, #tpu.memory_space<hbm>> -> memref<40xi32, #tpu.memory_space<hbm>>
      tpu.wait_dma2 semaphore(%arg21 : memref<!tpu.dma_semaphore, #tpu.memory_space<semaphore_mem>>) src(%dma_wait3A_300 : memref<40xi32, #tpu.memory_space<hbm>>) dst(%arg17 : memref<40xi32, #tpu.memory_space<vmem>>)
      %add3A_301 = arith.constant 2 : i32
      %add3A_302 = arith.addi %mul3A_127, %add3A_301 : i32
      %mul3A_303 = arith.constant 40 : i32
      %mul3A_304 = arith.muli %add3A_302, %mul3A_303 : i32
      %dma_wait3A_305 = tpu.memref_slice %arg6[%mul3A_304] : memref<10000xi32, #tpu.memory_space<vmem>> -> memref<40xi32, #tpu.memory_space<vmem>>
      %dma_wait3A_306 = arith.constant 0 : i32
      %dma_wait3A_307 = arith.constant 0 : i32
      %dma_wait3A_308 = tpu.memref_slice %arg2[%dma_wait3A_306, %dma_wait3A_307] : memref<10240x128xf32, #tpu.memory_space<hbm>> -> memref<10240x128xf32, #tpu.memory_space<hbm>>
      tpu.wait_indirect_dma semaphore(%arg21 : memref<!tpu.dma_semaphore, #tpu.memory_space<semaphore_mem>>) src(%dma_wait3A_308 : memref<10240x128xf32, #tpu.memory_space<hbm>>) dst(%arg12 : memref<40x128xf32, #tpu.memory_space<vmem>>)
      %mul3A_309 = arith.constant 40 : i32
      %mul3A_310 = arith.muli %add3A_302, %mul3A_309 : i32
      %add3A_311 = arith.addi %mul3A_15, %mul3A_310 : i32
      %dma_wait3A_312 = tpu.memref_slice %arg4[%add3A_311] : memref<320000xi32, #tpu.memory_space<hbm>> -> memref<40xi32, #tpu.memory_space<hbm>>
      %dma_wait3A_313 = tpu.memref_slice %arg4[%add3A_311] : memref<320000xi32, #tpu.memory_space<hbm>> -> memref<40xi32, #tpu.memory_space<hbm>>
      tpu.wait_dma2 semaphore(%arg21 : memref<!tpu.dma_semaphore, #tpu.memory_space<semaphore_mem>>) src(%dma_wait3A_313 : memref<40xi32, #tpu.memory_space<hbm>>) dst(%arg18 : memref<40xi32, #tpu.memory_space<vmem>>)
      %add3A_314 = arith.constant 0 : i32
      %add3A_315 = arith.addi %mul3A_127, %add3A_314 : i32
      %dma_start3A_316 = arith.constant 0 : i32
      %dma_start3A_317 = arith.constant 0 : i32
      %dma_start3A_318 = tpu.memref_slice %arg19[%dma_start3A_316, %dma_start3A_317] : memref<10240x128xf32, #tpu.memory_space<vmem_shared>> -> memref<10240x128xf32, #tpu.memory_space<vmem_shared>>
      tpu.enqueue_indirect_dma source(%arg10 : memref<40x128xf32, #tpu.memory_space<vmem>>) target(%dma_start3A_318 : memref<10240x128xf32, #tpu.memory_space<vmem_shared>>) offsets(%arg16 : memref<40xi32, #tpu.memory_space<vmem>>) semaphore(%arg23 : memref<!tpu.dma_semaphore, #tpu.memory_space<semaphore_mem>>) {add = true}
      %add3A_319 = arith.constant 1 : i32
      %add3A_320 = arith.addi %mul3A_127, %add3A_319 : i32
      %dma_start3A_321 = arith.constant 0 : i32
      %dma_start3A_322 = arith.constant 0 : i32
      %dma_start3A_323 = tpu.memref_slice %arg19[%dma_start3A_321, %dma_start3A_322] : memref<10240x128xf32, #tpu.memory_space<vmem_shared>> -> memref<10240x128xf32, #tpu.memory_space<vmem_shared>>
      tpu.enqueue_indirect_dma source(%arg11 : memref<40x128xf32, #tpu.memory_space<vmem>>) target(%dma_start3A_323 : memref<10240x128xf32, #tpu.memory_space<vmem_shared>>) offsets(%arg17 : memref<40xi32, #tpu.memory_space<vmem>>) semaphore(%arg23 : memref<!tpu.dma_semaphore, #tpu.memory_space<semaphore_mem>>) {add = true}
      %add3A_324 = arith.constant 2 : i32
      %add3A_325 = arith.addi %mul3A_127, %add3A_324 : i32
      %dma_start3A_326 = arith.constant 0 : i32
      %dma_start3A_327 = arith.constant 0 : i32
      %dma_start3A_328 = tpu.memref_slice %arg19[%dma_start3A_326, %dma_start3A_327] : memref<10240x128xf32, #tpu.memory_space<vmem_shared>> -> memref<10240x128xf32, #tpu.memory_space<vmem_shared>>
      tpu.enqueue_indirect_dma source(%arg12 : memref<40x128xf32, #tpu.memory_space<vmem>>) target(%dma_start3A_328 : memref<10240x128xf32, #tpu.memory_space<vmem_shared>>) offsets(%arg18 : memref<40xi32, #tpu.memory_space<vmem>>) semaphore(%arg23 : memref<!tpu.dma_semaphore, #tpu.memory_space<semaphore_mem>>) {add = true}
      %dma_wait3A_329 = arith.constant 0 : i32
      %dma_wait3A_330 = arith.constant 0 : i32
      %dma_wait3A_331 = tpu.memref_slice %arg19[%dma_wait3A_329, %dma_wait3A_330] : memref<10240x128xf32, #tpu.memory_space<vmem_shared>> -> memref<10240x128xf32, #tpu.memory_space<vmem_shared>>
      tpu.wait_indirect_dma semaphore(%arg23 : memref<!tpu.dma_semaphore, #tpu.memory_space<semaphore_mem>>) src(%arg10 : memref<40x128xf32, #tpu.memory_space<vmem>>) dst(%dma_wait3A_331 : memref<10240x128xf32, #tpu.memory_space<vmem_shared>>)
      %dma_wait3A_332 = arith.constant 0 : i32
      %dma_wait3A_333 = arith.constant 0 : i32
      %dma_wait3A_334 = tpu.memref_slice %arg19[%dma_wait3A_332, %dma_wait3A_333] : memref<10240x128xf32, #tpu.memory_space<vmem_shared>> -> memref<10240x128xf32, #tpu.memory_space<vmem_shared>>
      tpu.wait_indirect_dma semaphore(%arg23 : memref<!tpu.dma_semaphore, #tpu.memory_space<semaphore_mem>>) src(%arg11 : memref<40x128xf32, #tpu.memory_space<vmem>>) dst(%dma_wait3A_334 : memref<10240x128xf32, #tpu.memory_space<vmem_shared>>)
      %dma_wait3A_335 = arith.constant 0 : i32
      %dma_wait3A_336 = arith.constant 0 : i32
      %dma_wait3A_337 = tpu.memref_slice %arg19[%dma_wait3A_335, %dma_wait3A_336] : memref<10240x128xf32, #tpu.memory_space<vmem_shared>> -> memref<10240x128xf32, #tpu.memory_space<vmem_shared>>
      tpu.wait_indirect_dma semaphore(%arg23 : memref<!tpu.dma_semaphore, #tpu.memory_space<semaphore_mem>>) src(%arg12 : memref<40x128xf32, #tpu.memory_space<vmem>>) dst(%dma_wait3A_337 : memref<10240x128xf32, #tpu.memory_space<vmem_shared>>)
    }
    %scan3A_47 = arith.constant 41 : i32
    %dma_wait3A = arith.constant 9840 : i32
    %dma_wait3A_48 = tpu.memref_slice %arg6[%dma_wait3A] : memref<10000xi32, #tpu.memory_space<vmem>> -> memref<40xi32, #tpu.memory_space<vmem>>
    %dma_wait3A_49 = arith.constant 0 : i32
    %dma_wait3A_50 = arith.constant 0 : i32
    %dma_wait3A_51 = tpu.memref_slice %arg2[%dma_wait3A_49, %dma_wait3A_50] : memref<10240x128xf32, #tpu.memory_space<hbm>> -> memref<10240x128xf32, #tpu.memory_space<hbm>>
    tpu.wait_indirect_dma semaphore(%arg20 : memref<!tpu.dma_semaphore, #tpu.memory_space<semaphore_mem>>) src(%dma_wait3A_51 : memref<10240x128xf32, #tpu.memory_space<hbm>>) dst(%arg7 : memref<40x128xf32, #tpu.memory_space<vmem>>)
    %add3A_52 = arith.constant 9840 : i32
    %add3A_53 = arith.addi %mul3A_15, %add3A_52 : i32
    %dma_wait3A_54 = tpu.memref_slice %arg4[%add3A_53] : memref<320000xi32, #tpu.memory_space<hbm>> -> memref<40xi32, #tpu.memory_space<hbm>>
    %dma_wait3A_55 = tpu.memref_slice %arg4[%add3A_53] : memref<320000xi32, #tpu.memory_space<hbm>> -> memref<40xi32, #tpu.memory_space<hbm>>
    tpu.wait_dma2 semaphore(%arg20 : memref<!tpu.dma_semaphore, #tpu.memory_space<semaphore_mem>>) src(%dma_wait3A_55 : memref<40xi32, #tpu.memory_space<hbm>>) dst(%arg13 : memref<40xi32, #tpu.memory_space<vmem>>)
    %dma_wait3A_56 = arith.constant 9880 : i32
    %dma_wait3A_57 = tpu.memref_slice %arg6[%dma_wait3A_56] : memref<10000xi32, #tpu.memory_space<vmem>> -> memref<40xi32, #tpu.memory_space<vmem>>
    %dma_wait3A_58 = arith.constant 0 : i32
    %dma_wait3A_59 = arith.constant 0 : i32
    %dma_wait3A_60 = tpu.memref_slice %arg2[%dma_wait3A_58, %dma_wait3A_59] : memref<10240x128xf32, #tpu.memory_space<hbm>> -> memref<10240x128xf32, #tpu.memory_space<hbm>>
    tpu.wait_indirect_dma semaphore(%arg20 : memref<!tpu.dma_semaphore, #tpu.memory_space<semaphore_mem>>) src(%dma_wait3A_60 : memref<10240x128xf32, #tpu.memory_space<hbm>>) dst(%arg8 : memref<40x128xf32, #tpu.memory_space<vmem>>)
    %add3A_61 = arith.constant 9880 : i32
    %add3A_62 = arith.addi %mul3A_15, %add3A_61 : i32
    %dma_wait3A_63 = tpu.memref_slice %arg4[%add3A_62] : memref<320000xi32, #tpu.memory_space<hbm>> -> memref<40xi32, #tpu.memory_space<hbm>>
    %dma_wait3A_64 = tpu.memref_slice %arg4[%add3A_62] : memref<320000xi32, #tpu.memory_space<hbm>> -> memref<40xi32, #tpu.memory_space<hbm>>
    tpu.wait_dma2 semaphore(%arg20 : memref<!tpu.dma_semaphore, #tpu.memory_space<semaphore_mem>>) src(%dma_wait3A_64 : memref<40xi32, #tpu.memory_space<hbm>>) dst(%arg14 : memref<40xi32, #tpu.memory_space<vmem>>)
    %dma_wait3A_65 = arith.constant 9920 : i32
    %dma_wait3A_66 = tpu.memref_slice %arg6[%dma_wait3A_65] : memref<10000xi32, #tpu.memory_space<vmem>> -> memref<40xi32, #tpu.memory_space<vmem>>
    %dma_wait3A_67 = arith.constant 0 : i32
    %dma_wait3A_68 = arith.constant 0 : i32
    %dma_wait3A_69 = tpu.memref_slice %arg2[%dma_wait3A_67, %dma_wait3A_68] : memref<10240x128xf32, #tpu.memory_space<hbm>> -> memref<10240x128xf32, #tpu.memory_space<hbm>>
    tpu.wait_indirect_dma semaphore(%arg20 : memref<!tpu.dma_semaphore, #tpu.memory_space<semaphore_mem>>) src(%dma_wait3A_69 : memref<10240x128xf32, #tpu.memory_space<hbm>>) dst(%arg9 : memref<40x128xf32, #tpu.memory_space<vmem>>)
    %add3A_70 = arith.constant 9920 : i32
    %add3A_71 = arith.addi %mul3A_15, %add3A_70 : i32
    %dma_wait3A_72 = tpu.memref_slice %arg4[%add3A_71] : memref<320000xi32, #tpu.memory_space<hbm>> -> memref<40xi32, #tpu.memory_space<hbm>>
    %dma_wait3A_73 = tpu.memref_slice %arg4[%add3A_71] : memref<320000xi32, #tpu.memory_space<hbm>> -> memref<40xi32, #tpu.memory_space<hbm>>
    tpu.wait_dma2 semaphore(%arg20 : memref<!tpu.dma_semaphore, #tpu.memory_space<semaphore_mem>>) src(%dma_wait3A_73 : memref<40xi32, #tpu.memory_space<hbm>>) dst(%arg15 : memref<40xi32, #tpu.memory_space<vmem>>)
    %dma_start3A_74 = arith.constant 0 : i32
    %dma_start3A_75 = arith.constant 0 : i32
    %dma_start3A_76 = tpu.memref_slice %arg19[%dma_start3A_74, %dma_start3A_75] : memref<10240x128xf32, #tpu.memory_space<vmem_shared>> -> memref<10240x128xf32, #tpu.memory_space<vmem_shared>>
    tpu.enqueue_indirect_dma source(%arg7 : memref<40x128xf32, #tpu.memory_space<vmem>>) target(%dma_start3A_76 : memref<10240x128xf32, #tpu.memory_space<vmem_shared>>) offsets(%arg13 : memref<40xi32, #tpu.memory_space<vmem>>) semaphore(%arg22 : memref<!tpu.dma_semaphore, #tpu.memory_space<semaphore_mem>>) {add = true}
    %dma_start3A_77 = arith.constant 0 : i32
    %dma_start3A_78 = arith.constant 0 : i32
    %dma_start3A_79 = tpu.memref_slice %arg19[%dma_start3A_77, %dma_start3A_78] : memref<10240x128xf32, #tpu.memory_space<vmem_shared>> -> memref<10240x128xf32, #tpu.memory_space<vmem_shared>>
    tpu.enqueue_indirect_dma source(%arg8 : memref<40x128xf32, #tpu.memory_space<vmem>>) target(%dma_start3A_79 : memref<10240x128xf32, #tpu.memory_space<vmem_shared>>) offsets(%arg14 : memref<40xi32, #tpu.memory_space<vmem>>) semaphore(%arg22 : memref<!tpu.dma_semaphore, #tpu.memory_space<semaphore_mem>>) {add = true}
    %dma_start3A_80 = arith.constant 0 : i32
    %dma_start3A_81 = arith.constant 0 : i32
    %dma_start3A_82 = tpu.memref_slice %arg19[%dma_start3A_80, %dma_start3A_81] : memref<10240x128xf32, #tpu.memory_space<vmem_shared>> -> memref<10240x128xf32, #tpu.memory_space<vmem_shared>>
    tpu.enqueue_indirect_dma source(%arg9 : memref<40x128xf32, #tpu.memory_space<vmem>>) target(%dma_start3A_82 : memref<10240x128xf32, #tpu.memory_space<vmem_shared>>) offsets(%arg15 : memref<40xi32, #tpu.memory_space<vmem>>) semaphore(%arg22 : memref<!tpu.dma_semaphore, #tpu.memory_space<semaphore_mem>>) {add = true}
    %dma_wait3A_83 = arith.constant 0 : i32
    %dma_wait3A_84 = arith.constant 0 : i32
    %dma_wait3A_85 = tpu.memref_slice %arg19[%dma_wait3A_83, %dma_wait3A_84] : memref<10240x128xf32, #tpu.memory_space<vmem_shared>> -> memref<10240x128xf32, #tpu.memory_space<vmem_shared>>
    tpu.wait_indirect_dma semaphore(%arg22 : memref<!tpu.dma_semaphore, #tpu.memory_space<semaphore_mem>>) src(%arg7 : memref<40x128xf32, #tpu.memory_space<vmem>>) dst(%dma_wait3A_85 : memref<10240x128xf32, #tpu.memory_space<vmem_shared>>)
    %dma_wait3A_86 = arith.constant 0 : i32
    %dma_wait3A_87 = arith.constant 0 : i32
    %dma_wait3A_88 = tpu.memref_slice %arg19[%dma_wait3A_86, %dma_wait3A_87] : memref<10240x128xf32, #tpu.memory_space<vmem_shared>> -> memref<10240x128xf32, #tpu.memory_space<vmem_shared>>
    tpu.wait_indirect_dma semaphore(%arg22 : memref<!tpu.dma_semaphore, #tpu.memory_space<semaphore_mem>>) src(%arg8 : memref<40x128xf32, #tpu.memory_space<vmem>>) dst(%dma_wait3A_88 : memref<10240x128xf32, #tpu.memory_space<vmem_shared>>)
    %dma_wait3A_89 = arith.constant 0 : i32
    %dma_wait3A_90 = arith.constant 0 : i32
    %dma_wait3A_91 = tpu.memref_slice %arg19[%dma_wait3A_89, %dma_wait3A_90] : memref<10240x128xf32, #tpu.memory_space<vmem_shared>> -> memref<10240x128xf32, #tpu.memory_space<vmem_shared>>
    tpu.wait_indirect_dma semaphore(%arg22 : memref<!tpu.dma_semaphore, #tpu.memory_space<semaphore_mem>>) src(%arg9 : memref<40x128xf32, #tpu.memory_space<vmem>>) dst(%dma_wait3A_91 : memref<10240x128xf32, #tpu.memory_space<vmem_shared>>)
    %dma_start3A_92 = arith.constant 9960 : i32
    %dma_start3A_93 = tpu.memref_slice %arg6[%dma_start3A_92] : memref<10000xi32, #tpu.memory_space<vmem>> -> memref<40xi32, #tpu.memory_space<vmem>>
    %dma_start3A_94 = arith.constant 0 : i32
    %dma_start3A_95 = arith.constant 0 : i32
    %dma_start3A_96 = tpu.memref_slice %arg2[%dma_start3A_94, %dma_start3A_95] : memref<10240x128xf32, #tpu.memory_space<hbm>> -> memref<10240x128xf32, #tpu.memory_space<hbm>>
    tpu.enqueue_indirect_dma source(%dma_start3A_96 : memref<10240x128xf32, #tpu.memory_space<hbm>>) target(%arg7 : memref<40x128xf32, #tpu.memory_space<vmem>>) offsets(%dma_start3A_93 : memref<40xi32, #tpu.memory_space<vmem>>) semaphore(%arg20 : memref<!tpu.dma_semaphore, #tpu.memory_space<semaphore_mem>>)
    %add3A_97 = arith.constant 9960 : i32
    %add3A_98 = arith.addi %mul3A_15, %add3A_97 : i32
    %dma_start3A_99 = tpu.memref_slice %arg4[%add3A_98] : memref<320000xi32, #tpu.memory_space<hbm>> -> memref<40xi32, #tpu.memory_space<hbm>>
    %dma_start3A_100 = tpu.memref_slice %arg4[%add3A_98] : memref<320000xi32, #tpu.memory_space<hbm>> -> memref<40xi32, #tpu.memory_space<hbm>>
    tpu.enqueue_dma source(%dma_start3A_100 : memref<40xi32, #tpu.memory_space<hbm>>) target(%arg13 : memref<40xi32, #tpu.memory_space<vmem>>) target_semaphore(%arg20 : memref<!tpu.dma_semaphore, #tpu.memory_space<semaphore_mem>>)
    %dma_wait3A_101 = arith.constant 9960 : i32
    %dma_wait3A_102 = tpu.memref_slice %arg6[%dma_wait3A_101] : memref<10000xi32, #tpu.memory_space<vmem>> -> memref<40xi32, #tpu.memory_space<vmem>>
    %dma_wait3A_103 = arith.constant 0 : i32
    %dma_wait3A_104 = arith.constant 0 : i32
    %dma_wait3A_105 = tpu.memref_slice %arg2[%dma_wait3A_103, %dma_wait3A_104] : memref<10240x128xf32, #tpu.memory_space<hbm>> -> memref<10240x128xf32, #tpu.memory_space<hbm>>
    tpu.wait_indirect_dma semaphore(%arg20 : memref<!tpu.dma_semaphore, #tpu.memory_space<semaphore_mem>>) src(%dma_wait3A_105 : memref<10240x128xf32, #tpu.memory_space<hbm>>) dst(%arg7 : memref<40x128xf32, #tpu.memory_space<vmem>>)
    %add3A_106 = arith.constant 9960 : i32
    %add3A_107 = arith.addi %mul3A_15, %add3A_106 : i32
    %dma_wait3A_108 = tpu.memref_slice %arg4[%add3A_107] : memref<320000xi32, #tpu.memory_space<hbm>> -> memref<40xi32, #tpu.memory_space<hbm>>
    %dma_wait3A_109 = tpu.memref_slice %arg4[%add3A_107] : memref<320000xi32, #tpu.memory_space<hbm>> -> memref<40xi32, #tpu.memory_space<hbm>>
    tpu.wait_dma2 semaphore(%arg20 : memref<!tpu.dma_semaphore, #tpu.memory_space<semaphore_mem>>) src(%dma_wait3A_109 : memref<40xi32, #tpu.memory_space<hbm>>) dst(%arg13 : memref<40xi32, #tpu.memory_space<vmem>>)
    %dma_start3A_110 = arith.constant 0 : i32
    %dma_start3A_111 = arith.constant 0 : i32
    %dma_start3A_112 = tpu.memref_slice %arg19[%dma_start3A_110, %dma_start3A_111] : memref<10240x128xf32, #tpu.memory_space<vmem_shared>> -> memref<10240x128xf32, #tpu.memory_space<vmem_shared>>
    tpu.enqueue_indirect_dma source(%arg7 : memref<40x128xf32, #tpu.memory_space<vmem>>) target(%dma_start3A_112 : memref<10240x128xf32, #tpu.memory_space<vmem_shared>>) offsets(%arg13 : memref<40xi32, #tpu.memory_space<vmem>>) semaphore(%arg22 : memref<!tpu.dma_semaphore, #tpu.memory_space<semaphore_mem>>) {add = true}
    %dma_wait3A_113 = arith.constant 0 : i32
    %dma_wait3A_114 = arith.constant 0 : i32
    %dma_wait3A_115 = tpu.memref_slice %arg19[%dma_wait3A_113, %dma_wait3A_114] : memref<10240x128xf32, #tpu.memory_space<vmem_shared>> -> memref<10240x128xf32, #tpu.memory_space<vmem_shared>>
    tpu.wait_indirect_dma semaphore(%arg22 : memref<!tpu.dma_semaphore, #tpu.memory_space<semaphore_mem>>) src(%arg7 : memref<40x128xf32, #tpu.memory_space<vmem>>) dst(%dma_wait3A_115 : memref<10240x128xf32, #tpu.memory_space<vmem_shared>>)
    %barrier3A_116 = arith.constant 0 : index
    tpu.barrier barrier_id(%barrier3A_116)
    "tpu.region"() ({
      %run_scoped3A = tpu.sem_alloc : memref<!tpu.dma_semaphore, #tpu.memory_space<semaphore_mem>>
      %dma_start3A_117 = arith.constant 0 : i32
      %dma_start3A_118 = tpu.memref_slice %arg5[%arg0, %mul3A_7, %dma_start3A_117] : memref<2x10240x128xf32, #tpu.memory_space<hbm>> -> memref<1x640x128xf32, #tpu.memory_space<hbm>>
      %dma_start3A_119 = tpu.memref_squeeze %dma_start3A_118 : memref<1x640x128xf32, #tpu.memory_space<hbm>> -> memref<640x128xf32, #tpu.memory_space<hbm>>
      %dma_start3A_120 = arith.constant 0 : i32
      %dma_start3A_121 = tpu.memref_slice %arg19[%mul3A_7, %dma_start3A_120] : memref<10240x128xf32, #tpu.memory_space<vmem_shared>> -> memref<640x128xf32, #tpu.memory_space<vmem_shared>>
      tpu.enqueue_dma source(%dma_start3A_121 : memref<640x128xf32, #tpu.memory_space<vmem_shared>>) target(%dma_start3A_119 : memref<640x128xf32, #tpu.memory_space<hbm>>) target_semaphore(%run_scoped3A : memref<!tpu.dma_semaphore, #tpu.memory_space<semaphore_mem>>)
      %dma_wait3A_122 = arith.constant 0 : i32
      %dma_wait3A_123 = tpu.memref_slice %arg5[%arg0, %mul3A_7, %dma_wait3A_122] : memref<2x10240x128xf32, #tpu.memory_space<hbm>> -> memref<1x640x128xf32, #tpu.memory_space<hbm>>
      %dma_wait3A_124 = tpu.memref_squeeze %dma_wait3A_123 : memref<1x640x128xf32, #tpu.memory_space<hbm>> -> memref<640x128xf32, #tpu.memory_space<hbm>>
      %dma_wait3A_125 = arith.constant 0 : i32
      %dma_wait3A_126 = tpu.memref_slice %arg19[%mul3A_7, %dma_wait3A_125] : memref<10240x128xf32, #tpu.memory_space<vmem_shared>> -> memref<640x128xf32, #tpu.memory_space<vmem_shared>>
      tpu.wait_dma2 semaphore(%run_scoped3A : memref<!tpu.dma_semaphore, #tpu.memory_space<semaphore_mem>>) src(%dma_wait3A_126 : memref<640x128xf32, #tpu.memory_space<vmem_shared>>) dst(%dma_wait3A_124 : memref<640x128xf32, #tpu.memory_space<hbm>>)
      tpu.yield
    }) : () -> ()
    return
  }
}

module attributes {stable_mosaic.version = 14 : i64} {
  func.func @_tc0_body(%arg0: i32, %arg1: memref<1024x128xf32, #tpu.memory_space<vmem>>, %arg2: memref<128x128xf32, #tpu.memory_space<vmem>>, %arg3: memref<2x1024xf32, #tpu.memory_space<vmem>>, %arg4: memref<1024x128xf32, #tpu.memory_space<vmem>>, %arg5: memref<1024xf32, #tpu.memory_space<vmem>>) attributes {dimension_semantics = [#tpu.dimension_semantics<arbitrary>], iteration_bounds = array<i64: 10>, scalar_prefetch = 0 : i64, scratch_operands = 0 : i64, tpu.core_type = #tpu.core_type<tc>, window_params = [{transform_indices = @transform_0, window_bounds = array<i64: 1024, 128>}, {pipeline_mode = #tpu.pipeline_mode<synchronous>, transform_indices = @transform_1, window_bounds = array<i64: 128, 128>}, {transform_indices = @transform_2, window_bounds = array<i64: 2, 1024>}, {transform_indices = @transform_3, window_bounds = array<i64: 1024, 128>}, {transform_indices = @transform_4, window_bounds = array<i64: 1024>}]} {
    %get3A = arith.constant 0 : index
    %get3A_0 = arith.constant 0 : index
    %get3A_1 = vector.load %arg3[%get3A, %get3A_0] : memref<2x1024xf32, #tpu.memory_space<vmem>>, vector<1x1024xf32>
    %get3A_2 = vector.shape_cast %get3A_1 : vector<1x1024xf32> to vector<1024xf32>
    %get3A_3 = arith.constant 1 : index
    %get3A_4 = arith.constant 0 : index
    %get3A_5 = vector.load %arg3[%get3A_3, %get3A_4] : memref<2x1024xf32, #tpu.memory_space<vmem>>, vector<1x1024xf32>
    %get3A_6 = vector.shape_cast %get3A_5 : vector<1x1024xf32> to vector<1024xf32>
    %add3A = arith.addf %get3A_2, %get3A_6 : vector<1024xf32>
    %add3A_7 = arith.constant 1.000000e+00 : f32
    %add3A_8 = vector.broadcast %add3A_7 : f32 to vector<1024xf32>
    %add3A_9 = arith.addf %add3A, %add3A_8 : vector<1024xf32>
    %rsqrt3A = math.rsqrt %add3A_9 : vector<1024xf32>
    %get3A_10 = arith.constant 0 : index
    %get3A_11 = arith.constant 0 : index
    %get3A_12 = vector.load %arg1[%get3A_10, %get3A_11] : memref<1024x128xf32, #tpu.memory_space<vmem>>, vector<1024x128xf32>
    %get3A_13 = arith.constant 0 : index
    %get3A_14 = arith.constant 0 : index
    %get3A_15 = vector.load %arg2[%get3A_13, %get3A_14] : memref<128x128xf32, #tpu.memory_space<vmem>>, vector<128x128xf32>
    %dot_general3A = arith.constant dense<0.000000e+00> : vector<1024x128xf32>
    %dot_general3A_16 = tpu.matmul %get3A_12, %get3A_15, %dot_general3A {dimension_numbers = #tpu.dot_dimension_numbers<[1], [0], [0], [1], [0, 0, 1, 1], [], []>, transpose_lhs_hint = false} : vector<1024x128xf32>, vector<128x128xf32>, vector<1024x128xf32> -> vector<1024x128xf32>
    %broadcast_in_dim3A = vector.shape_cast %rsqrt3A : vector<1024xf32> to vector<1024x1xf32>
    %mul3A = vector.broadcast %broadcast_in_dim3A : vector<1024x1xf32> to vector<1024x128xf32>
    %mul3A_17 = arith.mulf %dot_general3A_16, %mul3A : vector<1024x128xf32>
    %swap3A = arith.constant 0 : index
    %swap3A_18 = arith.constant 0 : index
    %swap3A_19 = vector.load %arg4[%swap3A, %swap3A_18] : memref<1024x128xf32, #tpu.memory_space<vmem>>, vector<1024x128xf32>
    tpu.vector_store %arg4[%swap3A, %swap3A_18], %mul3A_17 {strides = array<i32>} : memref<1024x128xf32, #tpu.memory_space<vmem>>, vector<1024x128xf32>,
    %swap3A_20 = arith.constant 0 : index
    %swap3A_21 = vector.load %arg5[%swap3A_20] : memref<1024xf32, #tpu.memory_space<vmem>>, vector<1024xf32>
    tpu.vector_store %arg5[%swap3A_20], %rsqrt3A {strides = array<i32>} : memref<1024xf32, #tpu.memory_space<vmem>>, vector<1024xf32>,
    return
  }
  func.func @transform_0(%arg0: i32) -> (i32, i32) {
    %c0_i32 = arith.constant 0 : i32
    %c0_i32_0 = arith.constant 0 : i32
    return %arg0, %c0_i32 : i32, i32
  }
  func.func @transform_1(%arg0: i32) -> (i32, i32) {
    %c0_i32 = arith.constant 0 : i32
    %c0_i32_0 = arith.constant 0 : i32
    %c0_i32_1 = arith.constant 0 : i32
    return %c0_i32, %c0_i32_0 : i32, i32
  }
  func.func @transform_2(%arg0: i32) -> (i32, i32) {
    %c0_i32 = arith.constant 0 : i32
    %c0_i32_0 = arith.constant 0 : i32
    return %c0_i32, %arg0 : i32, i32
  }
  func.func @transform_3(%arg0: i32) -> (i32, i32) {
    %c0_i32 = arith.constant 0 : i32
    %c0_i32_0 = arith.constant 0 : i32
    return %arg0, %c0_i32 : i32, i32
  }
  func.func @transform_4(%arg0: i32) -> i32 {
    %c0_i32 = arith.constant 0 : i32
    return %arg0 : i32
  }
}

module attributes {stable_mosaic.version = 14 : i64} {
  func.func @_tc2_body(%arg0: i32, %arg1: memref<2x1024x128xf32, #tpu.memory_space<vmem>>, %arg2: memref<1024x128xf32, #tpu.memory_space<vmem>>, %arg3: memref<1024xf32, #tpu.memory_space<vmem>>, %arg4: memref<128xf32, #tpu.memory_space<vmem>>, %arg5: memref<128x2xf32, #tpu.memory_space<vmem>>, %arg6: memref<2xf32, #tpu.memory_space<vmem>>, %arg7: memref<1024xf32, #tpu.memory_space<vmem>>, %arg8: memref<1024xf32, #tpu.memory_space<vmem>>, %arg9: memref<1024xf32, #tpu.memory_space<vmem>>, %arg10: memref<1024xf32, #tpu.memory_space<vmem>>) attributes {dimension_semantics = [#tpu.dimension_semantics<arbitrary>], iteration_bounds = array<i64: 10>, scalar_prefetch = 0 : i64, scratch_operands = 0 : i64, tpu.core_type = #tpu.core_type<tc>, window_params = [{transform_indices = @transform_0, window_bounds = array<i64: 2, 1024, 128>}, {transform_indices = @transform_1, window_bounds = array<i64: 1024, 128>}, {transform_indices = @transform_2, window_bounds = array<i64: 1024>}, {pipeline_mode = #tpu.pipeline_mode<synchronous>, transform_indices = @transform_3, window_bounds = array<i64: 128>}, {pipeline_mode = #tpu.pipeline_mode<synchronous>, transform_indices = @transform_4, window_bounds = array<i64: 128, 2>}, {pipeline_mode = #tpu.pipeline_mode<synchronous>, transform_indices = @transform_5, window_bounds = array<i64: 2>}, {transform_indices = @transform_6, window_bounds = array<i64: 1024>}, {transform_indices = @transform_7, window_bounds = array<i64: 1024>}, {transform_indices = @transform_8, window_bounds = array<i64: 1024>}, {transform_indices = @transform_9, window_bounds = array<i64: 1024>}]} {
    %get3A = arith.constant 0 : index
    %get3A_0 = vector.load %arg3[%get3A] : memref<1024xf32, #tpu.memory_space<vmem>>, vector<1024xf32>
    %get3A_1 = arith.constant 0 : index
    %get3A_2 = arith.constant 0 : index
    %get3A_3 = arith.constant 0 : index
    %get3A_4 = vector.load %arg1[%get3A_1, %get3A_2, %get3A_3] : memref<2x1024x128xf32, #tpu.memory_space<vmem>>, vector<1x1024x128xf32>
    %get3A_5 = vector.shape_cast %get3A_4 : vector<1x1024x128xf32> to vector<1024x128xf32>
    %get3A_6 = arith.constant 1 : index
    %get3A_7 = arith.constant 0 : index
    %get3A_8 = arith.constant 0 : index
    %get3A_9 = vector.load %arg1[%get3A_6, %get3A_7, %get3A_8] : memref<2x1024x128xf32, #tpu.memory_space<vmem>>, vector<1x1024x128xf32>
    %get3A_10 = vector.shape_cast %get3A_9 : vector<1x1024x128xf32> to vector<1024x128xf32>
    %add3A = arith.addf %get3A_5, %get3A_10 : vector<1024x128xf32>
    %get3A_11 = arith.constant 0 : index
    %get3A_12 = arith.constant 0 : index
    %get3A_13 = vector.load %arg2[%get3A_11, %get3A_12] : memref<1024x128xf32, #tpu.memory_space<vmem>>, vector<1024x128xf32>
    %add3A_14 = arith.addf %add3A, %get3A_13 : vector<1024x128xf32>
    %broadcast_in_dim3A = vector.shape_cast %get3A_0 : vector<1024xf32> to vector<1024x1xf32>
    %mul3A = vector.broadcast %broadcast_in_dim3A : vector<1024x1xf32> to vector<1024x128xf32>
    %mul3A_15 = arith.mulf %add3A_14, %mul3A : vector<1024x128xf32>
    %get3A_16 = arith.constant 0 : index
    %get3A_17 = vector.load %arg4[%get3A_16] : memref<128xf32, #tpu.memory_space<vmem>>, vector<128xf32>
    %broadcast_in_dim3A_18 = vector.shape_cast %get3A_17 : vector<128xf32> to vector<1x128xf32>
    %add3A_19 = vector.broadcast %broadcast_in_dim3A_18 : vector<1x128xf32> to vector<1024x128xf32>
    %add3A_20 = arith.addf %mul3A_15, %add3A_19 : vector<1024x128xf32>
    %max3A = arith.constant 0.000000e+00 : f32
    %max3A_21 = vector.broadcast %max3A : f32 to vector<1024x128xf32>
    %max3A_22 = arith.maximumf %add3A_20, %max3A_21 : vector<1024x128xf32>
    %get3A_23 = arith.constant 0 : index
    %get3A_24 = arith.constant 0 : index
    %get3A_25 = vector.load %arg5[%get3A_23, %get3A_24] : memref<128x2xf32, #tpu.memory_space<vmem>>, vector<128x2xf32>
    %dot_general3A = arith.constant dense<0.000000e+00> : vector<1024x2xf32>
    %dot_general3A_26 = tpu.matmul %max3A_22, %get3A_25, %dot_general3A {dimension_numbers = #tpu.dot_dimension_numbers<[1], [0], [0], [1], [0, 0, 1, 1], [], []>, transpose_lhs_hint = false} : vector<1024x128xf32>, vector<128x2xf32>, vector<1024x2xf32> -> vector<1024x2xf32>
    %broadcast_in_dim3A_27 = vector.shape_cast %get3A_0 : vector<1024xf32> to vector<1024x1xf32>
    %mul3A_28 = vector.broadcast %broadcast_in_dim3A_27 : vector<1024x1xf32> to vector<1024x2xf32>
    %mul3A_29 = arith.mulf %dot_general3A_26, %mul3A_28 : vector<1024x2xf32>
    %mul3A_30 = arith.constant 1024 : i32
    %mul3A_31 = arith.muli %arg0, %mul3A_30 : i32
    %iota3A = tpu.iota {dimensions = array<i32: 1>} : vector<1x1024xi32>
    %iota3A_32 = vector.shape_cast %iota3A : vector<1x1024xi32> to vector<1024xi32>
    %add3A_33 = vector.broadcast %mul3A_31 : i32 to vector<1024xi32>
    %add3A_34 = arith.addi %add3A_33, %iota3A_32 : vector<1024xi32>
    %lt3A = arith.constant 10000 : i32
    %lt3A_35 = vector.broadcast %lt3A : i32 to vector<1024xi32>
    %lt3A_36 = arith.cmpi slt, %add3A_34, %lt3A_35 : vector<1024xi32>
    %convert_element_type3A = arith.extui %lt3A_36 : vector<1024xi1> to vector<1024xi32>
    %convert_element_type3A_37 = arith.sitofp %convert_element_type3A : vector<1024xi32> to vector<1024xf32>
    %div3A = arith.constant 1.000000e+00 : f32
    %div3A_38 = vector.broadcast %div3A : f32 to vector<1024xf32>
    %div3A_39 = arith.divf %div3A_38, %get3A_0 : vector<1024xf32>
    %slice3A = vector.extract_strided_slice %mul3A_29 {offsets = [0, 0], sizes = [1024, 1], strides = [1, 1]} : vector<1024x2xf32> to vector<1024x1xf32>
    %squeeze3A = vector.shape_cast %slice3A : vector<1024x1xf32> to vector<1024xf32>
    %mul3A_40 = arith.mulf %squeeze3A, %convert_element_type3A_37 : vector<1024xf32>
    %swap3A = arith.constant 0 : index
    %swap3A_41 = vector.load %arg7[%swap3A] : memref<1024xf32, #tpu.memory_space<vmem>>, vector<1024xf32>
    tpu.vector_store %arg7[%swap3A], %mul3A_40 {strides = array<i32>} : memref<1024xf32, #tpu.memory_space<vmem>>, vector<1024xf32>,
    %slice3A_42 = vector.extract_strided_slice %mul3A_29 {offsets = [0, 1], sizes = [1024, 1], strides = [1, 1]} : vector<1024x2xf32> to vector<1024x1xf32>
    %squeeze3A_43 = vector.shape_cast %slice3A_42 : vector<1024x1xf32> to vector<1024xf32>
    %mul3A_44 = arith.mulf %squeeze3A_43, %convert_element_type3A_37 : vector<1024xf32>
    %swap3A_45 = arith.constant 0 : index
    %swap3A_46 = vector.load %arg8[%swap3A_45] : memref<1024xf32, #tpu.memory_space<vmem>>, vector<1024xf32>
    tpu.vector_store %arg8[%swap3A_45], %mul3A_44 {strides = array<i32>} : memref<1024xf32, #tpu.memory_space<vmem>>, vector<1024xf32>,
    %slice3A_47 = vector.extract_strided_slice %mul3A_29 {offsets = [0, 0], sizes = [1024, 1], strides = [1, 1]} : vector<1024x2xf32> to vector<1024x1xf32>
    %squeeze3A_48 = vector.shape_cast %slice3A_47 : vector<1024x1xf32> to vector<1024xf32>
    %get3A_49 = arith.constant 0 : index
    %get3A_50 = vector.load %arg6[%get3A_49] : memref<2xf32, #tpu.memory_space<vmem>>, vector<1xf32>
    %get3A_51 = vector.extract %get3A_50[0] : f32 from vector<1xf32>
    %mul3A_52 = vector.broadcast %get3A_51 : f32 to vector<1024xf32>
    %mul3A_53 = arith.mulf %mul3A_52, %div3A_39 : vector<1024xf32>
    %add3A_54 = arith.addf %squeeze3A_48, %mul3A_53 : vector<1024xf32>
    %mul3A_55 = arith.mulf %add3A_54, %convert_element_type3A_37 : vector<1024xf32>
    %swap3A_56 = arith.constant 0 : index
    %swap3A_57 = vector.load %arg9[%swap3A_56] : memref<1024xf32, #tpu.memory_space<vmem>>, vector<1024xf32>
    tpu.vector_store %arg9[%swap3A_56], %mul3A_55 {strides = array<i32>} : memref<1024xf32, #tpu.memory_space<vmem>>, vector<1024xf32>,
    %slice3A_58 = vector.extract_strided_slice %mul3A_29 {offsets = [0, 1], sizes = [1024, 1], strides = [1, 1]} : vector<1024x2xf32> to vector<1024x1xf32>
    %squeeze3A_59 = vector.shape_cast %slice3A_58 : vector<1024x1xf32> to vector<1024xf32>
    %get3A_60 = arith.constant 1 : index
    %get3A_61 = vector.load %arg6[%get3A_60] : memref<2xf32, #tpu.memory_space<vmem>>, vector<1xf32>
    %get3A_62 = vector.extract %get3A_61[0] : f32 from vector<1xf32>
    %mul3A_63 = vector.broadcast %get3A_62 : f32 to vector<1024xf32>
    %mul3A_64 = arith.mulf %mul3A_63, %div3A_39 : vector<1024xf32>
    %add3A_65 = arith.addf %squeeze3A_59, %mul3A_64 : vector<1024xf32>
    %mul3A_66 = arith.mulf %add3A_65, %convert_element_type3A_37 : vector<1024xf32>
    %swap3A_67 = arith.constant 0 : index
    %swap3A_68 = vector.load %arg10[%swap3A_67] : memref<1024xf32, #tpu.memory_space<vmem>>, vector<1024xf32>
    tpu.vector_store %arg10[%swap3A_67], %mul3A_66 {strides = array<i32>} : memref<1024xf32, #tpu.memory_space<vmem>>, vector<1024xf32>,
    return
  }
  func.func @transform_0(%arg0: i32) -> (i32, i32, i32) {
    %c0_i32 = arith.constant 0 : i32
    %c0_i32_0 = arith.constant 0 : i32
    %c0_i32_1 = arith.constant 0 : i32
    return %c0_i32, %arg0, %c0_i32_0 : i32, i32, i32
  }
  func.func @transform_1(%arg0: i32) -> (i32, i32) {
    %c0_i32 = arith.constant 0 : i32
    %c0_i32_0 = arith.constant 0 : i32
    return %arg0, %c0_i32 : i32, i32
  }
  func.func @transform_2(%arg0: i32) -> i32 {
    %c0_i32 = arith.constant 0 : i32
    return %arg0 : i32
  }
  func.func @transform_3(%arg0: i32) -> i32 {
    %c0_i32 = arith.constant 0 : i32
    %c0_i32_0 = arith.constant 0 : i32
    return %c0_i32 : i32
  }
  func.func @transform_4(%arg0: i32) -> (i32, i32) {
    %c0_i32 = arith.constant 0 : i32
    %c0_i32_0 = arith.constant 0 : i32
    %c0_i32_1 = arith.constant 0 : i32
    return %c0_i32, %c0_i32_0 : i32, i32
  }
  func.func @transform_5(%arg0: i32) -> i32 {
    %c0_i32 = arith.constant 0 : i32
    %c0_i32_0 = arith.constant 0 : i32
    return %c0_i32 : i32
  }
  func.func @transform_6(%arg0: i32) -> i32 {
    %c0_i32 = arith.constant 0 : i32
    return %arg0 : i32
  }
  func.func @transform_7(%arg0: i32) -> i32 {
    %c0_i32 = arith.constant 0 : i32
    return %arg0 : i32
  }
  func.func @transform_8(%arg0: i32) -> i32 {
    %c0_i32 = arith.constant 0 : i32
    return %arg0 : i32
  }
  func.func @transform_9(%arg0: i32) -> i32 {
    %c0_i32 = arith.constant 0 : i32
    return %arg0 : i32
  }
}

</mosaic_0001>

<sc_bundles>
// kernel: kernel.10.cloned.1.call-start
scs
__scs_entry_jumppad:
0x0: {  	(pc) =	sbr.rel $0x88, $3  }
0x1: {  	(tag) =	ssettag $0x0;
	lr =	simm.s32 $0x1  }
0x2: {  	[smem:$0x3F9A] =	sst lr;
	_ =	strace $0xD0000000  }
0x3: {  	_ = 	snop  }
0x4: {  	_ = 	snop  }
0x5: {  	_ = 	snop  }
0x6: {  	_ = 	snop  }
0x7: {  	_ = 	snop  }
__scs_overlays_trampoline_lowered:
0x8: {  	[smem:$0x3FA9] =	sst s0  }
0x9: {  	[smem:$0x3FAA] =	sst s1  }
0xa: {  	[smem:$0x3FAB] =	sst s2  }
0xb: {  	[smem:$0x3FAC] =	sst s3  }
0xc: {  	[smem:$0x3FAD] =	sst s4  }
0xd: {  	[smem:$0x3FAE] =	sst s5  }
0xe: {  	[smem:$0x3FAF] =	sst s6  }
0xf: {  	[smem:$0x3FB0] =	sst s7  }
0x10: {  	[smem:$0x3FB1] =	sst s8  }
0x11: {  	[smem:$0x3FB2] =	sst s9;
	s0 =	simm.s32 @!p0 $0x0  }
0x12: {  	s1 =	sld [smem:$0x3F98];
	s0 =	simm.s32 @p0 $0x1  }
0x13: {  	[smem:$0x3FB3] =	sst s0;
	s0 =	simm.s32 @!p1 $0x0  }
0x14: {  	s2 =	sld [smem:$0x3F97];
	s0 =	simm.s32 @p1 $0x1  }
0x15: {  	[smem:$0x3FB4] =	sst s0;
	s0 =	simm.s32 @!p2 $0x0  }
0x16: {  	s3 =	sld [smem:$0x3FDB];
	s0 =	simm.s32 @p2 $0x1  }
0x17: {  	s4 =	simm.s32 $0x1BF5;
	[smem:$0x3FB6] =	sst s0  }
0x18: {  	s0 =	sld [smem:$0x3F99];
	_ =	swait.ge [sflag:s4], $0x0  }
0x19: {  	s7 =	sld [smem:$0x3F9A]  }
0x1a: {  	s8 =	sadd.s32 $0xFFFFE003, lr  }
0x1b: {  	s9 =	sadd.s32 $0xFFFFFEF7, lr;
	s5 =	simm.s32 $0xFFFFFFFF;
	p2 =	slt.u32 s8, $0xFFFFF086  }
0x1c: {  	p1 =	slt.u32 s9, $0xF7A;
	s5 =	simm.s32 @!p2 $0x0  }
0x1d: {  	s5 =	simm.s32 @p1 $0x1;
	p0 =	seq.s32 s7, s2  }
0x1e: {  	s7 =	smul.u32 @!p0 $0xF7A, s2;
	p2 =	seq.s32 @!p0 s5, $0x0  }
0x1f: {  	s9 =	smul.u32 $0xF7A, s1;
	s8 =	simm.s32 @!p0 $0x1BF5;
	p2 =	por !p2, p0  }
0x20: {  	[sflag:s8] =	ssyncset.s32 @!p0 $0xFFFFF086;
	s6 =	sadd.s32 @!p0 s3, s7;
	s7 =	simm.s32 @!p0 $0x108  }
0x21: {  	s3 =	sadd.s32 s3, s9;
	s6 =	sadd.s32 @!p0 $0x88, s6;
	s7 =	simm.s32 @p2 $0x1082  }
0x22: {  	[simem:s7], [sflag:s8] =	dma.local @!p0 [hbm:s6], $0xF7A  }
0x23: {  	s9 =	sor.u32 $0xD0000000, s2;
	s6 =	simm.s32 $0x108;
	_ =	swait.ge @!p0 [sflag:s8], $0x0  }
0x24: {  	s3 =	sadd.s32 $0x88, s3;
	s6 =	simm.s32 @!p1 $0x1082;
	[sflag:s4] =	ssyncset.s32 $0xFFFFF086  }
0x25: {  	[simem:s6], [sflag:s4] =	dma.local [hbm:s3], $0xF7A  }
0x26: {  	[smem:$0x3F9A] =	sst s1;
	(tag) =	ssettag s2;
	_ =	strace s9  }
0x27: {  	s1 =	sld [smem:$0x3FAA]  }
0x28: {  	s2 =	sld [smem:$0x3FAB]  }
0x29: {  	s4 =	sld [smem:$0x3FAD]  }
0x2a: {  	p0 =	seq.s32 s5, $0x0;
	s5 =	sld [smem:$0x3FAE]  }
0x2b: {  	s6 =	sld [smem:$0x3FAF]  }
0x2c: {  	s7 =	sld [smem:$0x3FB0]  }
0x2d: {  	s3 =	simm.s32 $0x108;
	s8 =	sld [smem:$0x3FB1]  }
0x2e: {  	s3 =	simm.s32 @!p0 $0x1082;
	s9 =	sld [smem:$0x3FB2]  }
0x2f: {  	lr =	sadd.s32 s0, s3;
	s0 =	sld [smem:$0x3FA9]  }
0x30: {  	s3 =	sld [smem:$0x3FAC]  }
0x31: {  	[smem:$0x3FB5] =	sst s10  }
0x32: {  	s10 =	sld [smem:$0x3FB3];
	_ =	sdelay $0x3  }
0x33: {  	p0 =	seq.s32 s10, $0x1;
	s10 =	sld [smem:$0x3FB5];
	_ =	sdelay $0x3  }
0x34: {  	[smem:$0x3FB5] =	sst s10  }
0x35: {  	s10 =	sld [smem:$0x3FB4];
	_ =	sdelay $0x3  }
0x36: {  	p1 =	seq.s32 s10, $0x1;
	s10 =	sld [smem:$0x3FB5];
	_ =	sdelay $0x3  }
0x37: {  	[smem:$0x3FB5] =	sst s10  }
0x38: {  	s10 =	sld [smem:$0x3FB6]  }
0x39: {  	_ = 	snop;
	(pc) =	sbr.ind lr, $3  }
0x3a: {  	_ = 	snop  }
0x3b: {  	_ = 	snop  }
0x3c: {  	p2 =	seq.s32 s10, $0x1;
	s10 =	sld [smem:$0x3FB5]  }
0x3d: {  	_ =	shalt  }
0x3e: {  	_ =	shalt  }
0x3f: {  	_ =	shalt  }
0x40: {  	_ =	shalt  }
0x41: {  	_ =	shalt  }
0x42: {  	_ =	shalt  }
0x43: {  	_ =	shalt  }
0x44: {  	_ =	shalt  }
0x45: {  	_ =	shalt  }
0x46: {  	_ =	shalt  }
0x47: {  	_ =	shalt  }
0x48: {  	_ =	shalt  }
0x49: {  	_ =	shalt  }
0x4a: {  	_ =	shalt  }
0x4b: {  	_ =	shalt  }
0x4c: {  	_ =	shalt  }
0x4d: {  	_ =	shalt  }
0x4e: {  	_ =	shalt  }
0x4f: {  	_ =	shalt  }
0x50: {  	_ =	shalt  }
0x51: {  	_ =	shalt  }
0x52: {  	_ =	shalt  }
0x53: {  	_ =	shalt  }
0x54: {  	_ =	shalt  }
0x55: {  	_ =	shalt  }
0x56: {  	_ =	shalt  }
0x57: {  	_ =	shalt  }
0x58: {  	_ =	shalt  }
0x59: {  	_ =	shalt  }
0x5a: {  	_ =	shalt  }
0x5b: {  	_ =	shalt  }
0x5c: {  	_ =	shalt  }
0x5d: {  	_ =	shalt  }
0x5e: {  	_ =	shalt  }
0x5f: {  	_ =	shalt  }
0x60: {  	_ =	shalt  }
0x61: {  	_ =	shalt  }
0x62: {  	_ =	shalt  }
0x63: {  	_ =	shalt  }
0x64: {  	_ =	shalt  }
0x65: {  	_ =	shalt  }
0x66: {  	_ =	shalt  }
0x67: {  	_ =	shalt  }
0x68: {  	_ =	shalt  }
0x69: {  	_ =	shalt  }
0x6a: {  	_ =	shalt  }
0x6b: {  	_ =	shalt  }
0x6c: {  	_ =	shalt  }
0x6d: {  	_ =	shalt  }
0x6e: {  	_ =	shalt  }
0x6f: {  	_ =	shalt  }
0x70: {  	_ =	shalt  }
0x71: {  	_ =	shalt  }
0x72: {  	_ =	shalt  }
0x73: {  	_ =	shalt  }
0x74: {  	_ =	shalt  }
0x75: {  	_ =	shalt  }
0x76: {  	_ =	shalt  }
0x77: {  	_ =	shalt  }
0x78: {  	_ =	shalt  }
0x79: {  	_ =	shalt  }
0x7a: {  	_ =	shalt  }
0x7b: {  	_ =	shalt  }
0x7c: {  	_ =	shalt  }
0x7d: {  	_ =	shalt  }
0x7e: {  	_ =	shalt  }
0x7f: {  	_ =	shalt  }
0x80: {  	_ =	shalt  }
0x81: {  	_ =	shalt  }
0x82: {  	_ =	shalt  }
0x83: {  	_ =	shalt  }
0x84: {  	_ =	shalt  }
0x85: {  	_ =	shalt  }
0x86: {  	_ =	shalt  }
0x87: {  	_ =	shalt  }
.Lfunc_end0:
.L_simem_size_0:
called_computation.1_lowered:
.L_overlay_start_0:
0x88: {  	s2 =	sld [smem:$0x3FD9]  }
0x89: {  	s3 =	sld [smem:$0x3FFE];
	_ =	sdelay $0x1  }
0x8a: {  	s1 =	srdreg.scid  }
0x8b: {  	s0 =	sand.u32 $0x1, s1  }
0x8c: {  	s16 =	sshll.u32 s0, $0xA;
	s2 =	sadd.s32 s3, s2  }
0x8d: {  	s2 =	sadd.s32 s2, s16  }
0x8e: {  	[smem:$0x3FC1] =	sst s2  }
0x8f: {  	_ = 	snop  }
0x90: {  	(tm) =	ssettm $0x1  }
0x91: {  	s17 =	sld [smem:$0x3FFB];
	_ =	sdelay $0x3  }
0x92: {  	_ =	strace s17  }
0x93: {  	s2 =	sld [smem:$0x3FFC];
	_ =	sdelay $0x3  }
0x94: {  	_ =	strace s2  }
0x95: {  	s2 =	sld [smem:$0x3FFD];
	_ =	sdelay $0x3  }
0x96: {  	_ =	strace s2  }
0x97: {  	_ =	strace $0x8FFFFFFF  }
0x98: {  	s18 =	sld [smem:$0x3FDB];
	_ =	sdelay $0x1  }
0x99: {  	s19 =	simm.s32 $_scs_section_size  }
0x9a: {  	s4 =	simm.s32 $_size__tile_overlayer_lowered;
	s5 =	simm.s32 $_tile_overlayer_lowered  }
0x9b: {  	s22 =	simm.s32 $0x1BFF;
	s21 =	sshll.u32 s5, $0x1;
	s2 =	sadd.s32 s19, s18  }
0x9c: {  	s6 =	simm.s32 $0x0;
	s20 =	sshll.u32 s4, $0x1;
	s4 =	sadd.s32 s21, s2  }
0x9d: {  	[timem:s6], [sflag:s22] =	dma.local [hbm:s4], s20  }
0x9e: {  	_ =	swait.ge [sflag:s22], s20  }
0x9f: {  	s3 =	ssub.s32 $0x0, s20;
	[sflag:s22] =	ssyncset.done $0x0  }
0xa0: {  	[sflag:s22] =	ssyncadd.s32 s3;
	_ =	sdelay $0x1  }
0xa1: {  	s23 =	simm.s32 $0x1B8B  }
0xa2: {  	_ =	swait.ge [sflag:s23], $0x1  }
0xa3: {  	[sflag:s23] =	ssyncset.done $0x0  }
0xa4: {  	s25 =	simm.s32 $0x1B8E;
	s24 =	sld [smem:$0x3FFE];
	[sflag:s23] =	ssyncadd.s32 $0xFFFFFFFF  }
0xa5: {  	s26 =	simm.s32 $execute0_lowered;
	[smem:$0x3FD2] =	sst s25  }
0xa6: {  	s4 =	sshll.u32 s26, $0x1;
	_ =	strace $0x80000049;
	[dreg:$0x1] =	wrdreg $0xFFFFFFFF  }
0xa7: {  	s28 =	simm.s32 $_size_execute0_lowered;
	s2 =	sadd.s32 s2, s4;
	[dreg:$0x0] =	wrdreg $0x0  }
0xa8: {  	s4 =	sshll.u32 s28, $0x1;
	[dreg:$0x2] =	wrdreg s2  }
0xa9: {  	[dreg:$0x3] =	wrdreg s4  }
0xaa: {  	[dreg:$0x4] =	wrdreg $0xC0  }
0xab: {  	_ =	task [dreg:s6], $0x5FFFF  }
0xac: {  	[dreg:$0x1] =	wrdreg $0xFFFFFFFF  }
0xad: {  	[dreg:$0x0] =	wrdreg $0x60  }
0xae: {  	[dreg:$0x2] =	wrdreg s24  }
0xaf: {  	[dreg:$0x3] =	wrdreg $0xA2800  }
0xb0: {  	[dreg:$0x4] =	wrdreg $0x9  }
0xb1: {  	_ =	task.clear_ibuf [dreg:s6], $0x5FFFF;
	_ =	strace $0x90000049  }
0xb2: {  	s29 =	simm.s32 $0x9;
	_ =	strace $0x8000004B  }
0xb3: {  	_ =	swait.ge [sflag:s29], $0x1  }
0xb4: {  	[sflag:s29] =	ssyncadd.s32 $0xFFFFFFFF  }
0xb5: {  	_ =	strace $0x9000004B  }
0xb6: {  	_ =	sfence  }
0xb7: {  	s30 =	sld [smem:$0x0];
	_ =	sdelay $0x2  }
0xb8: {  	s31 =	sshll.u32 s1, $0xD;
	s1 =	sshrl.u32 s1, $0x2  }
0xb9: {  	s3 =	sand.u32 $0x4000, s31;
	s1 =	sadd.s32 s1, s30  }
0xba: {  	s0 =	sor.u32 s3, s0;
	s1 =	sshll.u32 s1, $0x11  }
0xbb: {  	s0 =	sor.u32 s1, s0  }
0xbc: {  	s0 =	sadd.s32 $0x8F2B, s0  }
0xbd: {  	[sflag:s0] =	ssyncadd.remote.s32 $0x1  }
0xbe: {  	_ =	sfence.sel $0xFFFF  }
0xbf: {  	[dreg:$0x0] =	wrdreg $0xFFFFFFFF;
	(pc) =	sbr.abs _section_cstart, $3  }
0xc0: {  	[dreg:$0x1] =	wrdreg $0xFFFFFFFF  }
0xc1: {  	_ =	task.clear_ibuf [dreg:s6], $0x2FFFF;
	_ =	strace $0x9FFFFFFF  }
0xc2: {  	(tm) =	ssettm $0x7FFFFFFF  }
0xc3: {  	_ =	shalt  }
tec
execute0_lowered:
.L_overlay_start_1:
0x0: {  	(tag) =	ssettag $0x1  }
0x1: {  	s0 =	srdreg.scid;
	s6 =	rddreg [dreg:$0x0]  }
0x2: {  	s12 =	stileid.u32;
	s2 =	rddreg [dreg:$0x1];
	s3 =	simm.s32 $0x0  }
0x3: {  	s28 =	simm.s32 $0xA180;
	s29 =	simm.s32 $0x8B80;
	s30 =	simm.s32 $0xA200  }
0x4: {  	s31 =	simm.s32 $0x3;
	s0 =	sand.u32 $0x1, s0;
	s7 =	smul.u32 $0x14000, s12  }
0x5: {  	s1 =	sshll.u32 s12, $0x1;
	[smem:$0x7FF] =	sst s3;
	s20 =	smul.u32 $0x50000, s12  }
0x6: {  	s4 =	sadd.s32 $0x16600, s6;
	s23 =	smul.u32 $0x4E20, s12;
	s1 =	sor.u32 s0, s1  }
0x7: {  	s5 =	smul.u32 $0x140000, s0;
	_ =	strace $0x8000004A;
	s17 =	ssub.s32 $0x2, s0  }
0x8: {  	s0 =	smul.u32 $0x2710, s0;
	s11 =	sshrl.u32 s17, $0x1;
	s22 =	sshrl.u32 s20, $0x2  }
0x9: {  	s5 =	sadd.s32 s7, s5;
	s7 =	ssub.s32 s17, s11;
	s12 =	sadd.s32 s22, s2  }
0xa: {  	s1 =	smul.u32 $0x2710, s1;
	s24 =	smax.u32 s7, $0x1;
	[dreg:$0x9] =	wrdreg s12  }
0xb: {  	s0 =	sadd.s32 s0, s23;
	s25 =	sadd.s32 $0x1400, s12;
	[dreg:$0xa] =	wrdreg s24  }
0xc: {  	s8 =	sshrl.u32 s1, $0x3;
	s26 =	sadd.s32 $0x2800, s12;
	[dreg:$0xb] =	wrdreg s25  }
0xd: {  	s10 =	sshrl.u32 s5, $0x3;
	s7 =	sadd.s32 $0x5000, s12;
	[dreg:$0xc] =	wrdreg s26  }
0xe: {  	s5 =	sadd.s32 $0x2A00, s6;
	s11 =	sadd.s32 $0x7800, s12;
	[dreg:$0xe] =	wrdreg s7  }
0xf: {  	s19 =	sadd.s32 $0x28, s1;
	s13 =	sadd.s32 $0xF0, s0;
	[dreg:$0x10] =	wrdreg s11  }
0x10: {  	s1 =	sadd.s32 $0x26E8, s1;
	s20 =	sadd.s32 $0xB400, s12;
	[dreg:$0x11] =	wrdreg s13  }
0x11: {  	s15 =	sadd.s32 $0xC8, s0;
	s22 =	sadd.s32 $0xDC00, s12;
	[dreg:$0x19] =	wrdreg s20  }
0x12: {  	s16 =	sadd.s32 $0xA0, s0;
	s23 =	sadd.s32 $0xF000, s12;
	[dreg:$0x1b] =	wrdreg s22  }
0x13: {  	s9 =	sadd.s32 s8, s6;
	s18 =	sadd.s32 s5, s8;
	[dreg:$0x1c] =	wrdreg s23  }
0x14: {  	s8 =	sshrl.u32 s19, $0x3;
	s19 =	sadd.s32 $0xA000, s12;
	[dreg:$0x4] =	wrdreg s18  }
0x15: {  	s6 =	sadd.s32 s10, s6;
	s24 =	sadd.s32 $0x10400, s12;
	[dreg:$0x18] =	wrdreg s19  }
0x16: {  	s1 =	sshrl.u32 s1, $0x3;
	s25 =	sadd.s32 $0x11800, s12;
	[dreg:$0x1d] =	wrdreg s24  }
0x17: {  	s10 =	sadd.s32 $0x140, s0;
	s26 =	sadd.s32 $0x12C00, s12;
	[dreg:$0x1e] =	wrdreg s25  }
0x18: {  	s11 =	simm.s32 $0x28;
	s9 =	sadd.s32 $0xC800, s9;
	[dreg:$0x1f] =	wrdreg s26  }
0x19: {  	s13 =	simm.s32 $0x9F80;
	s8 =	sadd.s32 s5, s8;
	[dreg:$0x3] =	wrdreg s9  }
0x1a: {  	s7 =	simm.s32 $0xA000;
	s21 =	sadd.s32 $0xA, s18;
	[dreg:$0x5] =	wrdreg s8  }
0x1b: {  	s1 =	sadd.s32 s5, s1;
	s6 =	sadd.s32 $0x3EC00, s6;
	[dreg:$0x6] =	wrdreg s21  }
0x1c: {  	s18 =	sadd.s32 $0x8C00, s12;
	s19 =	simm.s32 $0xA100;
	[dreg:$0x7] =	wrdreg s1  }
0x1d: {  	s26 =	simm.s32 $0x7780;
	[dreg:$0x8] =	wrdreg s6;
	s6 =	sadd.s32 $0x3C00, s12  }
0x1e: {  	s8 =	sadd.s32 $0x6400, s12;
	s9 =	sadd.s32 $0x118, s0;
	[dreg:$0x17] =	wrdreg s18  }
0x1f: {  	s0 =	sadd.s32 $0x78, s0;
	s21 =	sadd.s32 $0xC800, s12;
	[dreg:$0xd] =	wrdreg s6  }
0x20: {  	s18 =	simm.s32 $0x6380;
	[dreg:$0xf] =	wrdreg s8;
	s1 =	sshrl.u32 s9, $0x3  }
0x21: {  	s6 =	sshrl.u32 s10, $0x3;
	s0 =	sshrl.u32 s0, $0x3;
	[dreg:$0x1a] =	wrdreg s21  }
0x22: {  	s9 =	simm.s32 $0x2780;
	s10 =	simm.s32 $0x5;
	s8 =	simm.s32 $0x0  }
0x23: {  	s1 =	sadd.s32 s1, s5;
	s14 =	sadd.s32 s6, s5;
	s6 =	sshrl.u32 s16, $0x3  }
0x24: {  	s0 =	sadd.s32 s0, s5;
	s16 =	simm.s32 $0xA080;
	[dreg:$0x12] =	wrdreg s1  }
0x25: {  	[dreg:$0x13] =	wrdreg s14;
	s1 =	sshrl.u32 s15, $0x3;
	s17 =	sadd.s32 s6, s5  }
0x26: {  	[dreg:$0x16] =	wrdreg s0;
	s14 =	simm.s32 $0x3B80;
	s15 =	simm.s32 $0x4F80  }
0x27: {  	s0 =	simm.s32 $0x4;
	s1 =	sadd.s32 s1, s5;
	[dreg:$0x15] =	wrdreg s17  }
0x28: {  	v0 =	vimm.f32 $0.0e+00;
	s17 =	simm.s32 $0x1;
	[dreg:$0x14] =	wrdreg s1;
	s1 =	simm.s32 $0x2  }
.LBB2_1:
0x29: {  	s25 =	sand.u32 $0x7E00, s3  }
0x2a: {  	[smem:$0x7FD] =	sst s8;
	s20 =	sand.u32 $0x70, s3;
	s21 =	sshrl.u32 s25, $0x2  }
0x2b: {  	s8 =	simm.s32 $0x40;
	s21 =	sor.u32 s20, s21;
	s20 =	simm.s32 $0x0  }
.LBB2_2:
0x2c: {  	p0 =	sne.s32 s8, $0x4FC0  }
0x2d: {  	[tilespmem:s21+$0x2780] =	vst v0;
	s20 =	sadd.s32 $0x10, s20;
	s21 =	smov.u32 s8;
	s8 =	sadd.s32 $0x40, s8  }
.Ltmp0:
0x2e: {  	(pc) =	sbr.rel @p0 .LBB2_2-.Ltmp0, $4  }
0x2f: {  	_ = 	snop  }
0x30: {  	s21 =	sand.u32 $0x7E00, s21  }
0x31: {  	s22 =	sand.u32 $0x70, s20;
	s21 =	sshrl.u32 s21, $0x2  }
0x32: {  	s21 =	sor.u32 s22, s21  }
0x33: {  	[tilespmem:s21+$0x2780] =	vst v0  }
0x34: {  	[spmem:s12] =	stream.linear.scatter [tilespmem:s9], [sflag:$0x5], $0x1400, $0x38;
	[tilespmem:$0x1E280] =	vst v63  }
0x35: {  	_ =	swait.ge [sflag:s10], $0x1400  }
0x36: {  	[sflag:s10] =	ssyncset.done $0x0  }
0x37: {  	s6 =	rddreg [dreg:$0xb];
	[sflag:s10] =	ssyncadd.s32 $0xFFFFEC00  }
0x38: {  	[spmem:s6] =	stream.linear.scatter [tilespmem:s9], [sflag:$0x5], $0x1400, $0x38;
	[tilespmem:$0x1E280] =	vst v63  }
0x39: {  	_ =	swait.ge [sflag:s10], $0x1400  }
0x3a: {  	[sflag:s10] =	ssyncset.done $0x0  }
0x3b: {  	s12 =	rddreg [dreg:$0xc];
	[sflag:s10] =	ssyncadd.s32 $0xFFFFEC00  }
0x3c: {  	[spmem:s12] =	stream.linear.scatter [tilespmem:s9], [sflag:$0x5], $0x1400, $0x38;
	[tilespmem:$0x1E280] =	vst v63  }
0x3d: {  	_ =	swait.ge [sflag:s10], $0x1400  }
0x3e: {  	[sflag:s10] =	ssyncset.done $0x0  }
0x3f: {  	s20 =	rddreg [dreg:$0xd];
	[sflag:s10] =	ssyncadd.s32 $0xFFFFEC00  }
0x40: {  	[spmem:s20] =	stream.linear.scatter [tilespmem:s9], [sflag:$0x5], $0x1400, $0x38;
	[tilespmem:$0x1E280] =	vst v63  }
0x41: {  	_ =	swait.ge [sflag:s10], $0x1400  }
0x42: {  	[sflag:s10] =	ssyncset.done $0x0  }
0x43: {  	s21 =	rddreg [dreg:$0xe];
	[sflag:s10] =	ssyncadd.s32 $0xFFFFEC00  }
0x44: {  	[spmem:s21] =	stream.linear.scatter [tilespmem:s9], [sflag:$0x5], $0x1400, $0x38;
	[tilespmem:$0x1E280] =	vst v63  }
0x45: {  	_ =	swait.ge [sflag:s10], $0x1400  }
0x46: {  	[sflag:s10] =	ssyncset.done $0x0  }
0x47: {  	s22 =	rddreg [dreg:$0xf];
	[sflag:s10] =	ssyncadd.s32 $0xFFFFEC00  }
0x48: {  	[spmem:s22] =	stream.linear.scatter [tilespmem:s9], [sflag:$0x5], $0x1400, $0x38;
	[tilespmem:$0x1E280] =	vst v63  }
0x49: {  	_ =	swait.ge [sflag:s10], $0x1400  }
0x4a: {  	[sflag:s10] =	ssyncset.done $0x0  }
0x4b: {  	s23 =	rddreg [dreg:$0x10];
	[sflag:s10] =	ssyncadd.s32 $0xFFFFEC00  }
0x4c: {  	[spmem:s23] =	stream.linear.scatter [tilespmem:s9], [sflag:$0x5], $0x1400, $0x38;
	[tilespmem:$0x1E280] =	vst v63  }
0x4d: {  	_ =	swait.ge [sflag:s10], $0x1400  }
0x4e: {  	[sflag:s10] =	ssyncset.done $0x0  }
0x4f: {  	s24 =	rddreg [dreg:$0x17];
	[sflag:s10] =	ssyncadd.s32 $0xFFFFEC00  }
0x50: {  	[spmem:s24] =	stream.linear.scatter [tilespmem:s9], [sflag:$0x5], $0x1400, $0x38;
	[tilespmem:$0x1E280] =	vst v63  }
0x51: {  	_ =	swait.ge [sflag:s10], $0x1400  }
0x52: {  	[sflag:s10] =	ssyncset.done $0x0  }
0x53: {  	s25 =	rddreg [dreg:$0x18];
	[sflag:s10] =	ssyncadd.s32 $0xFFFFEC00  }
0x54: {  	[spmem:s25] =	stream.linear.scatter [tilespmem:s9], [sflag:$0x5], $0x1400, $0x38;
	[tilespmem:$0x1E280] =	vst v63  }
0x55: {  	_ =	swait.ge [sflag:s10], $0x1400  }
0x56: {  	[sflag:s10] =	ssyncset.done $0x0  }
0x57: {  	s8 =	rddreg [dreg:$0x19];
	[sflag:s10] =	ssyncadd.s32 $0xFFFFEC00  }
0x58: {  	[spmem:s8] =	stream.linear.scatter [tilespmem:s9], [sflag:$0x5], $0x1400, $0x38;
	[tilespmem:$0x1E280] =	vst v63  }
0x59: {  	_ =	swait.ge [sflag:s10], $0x1400  }
0x5a: {  	[sflag:s10] =	ssyncset.done $0x0  }
0x5b: {  	s12 =	rddreg [dreg:$0x1a];
	[sflag:s10] =	ssyncadd.s32 $0xFFFFEC00  }
0x5c: {  	[spmem:s12] =	stream.linear.scatter [tilespmem:s9], [sflag:$0x5], $0x1400, $0x38;
	[tilespmem:$0x1E280] =	vst v63  }
0x5d: {  	_ =	swait.ge [sflag:s10], $0x1400  }
0x5e: {  	[sflag:s10] =	ssyncset.done $0x0  }
0x5f: {  	s20 =	rddreg [dreg:$0x1b];
	[sflag:s10] =	ssyncadd.s32 $0xFFFFEC00  }
0x60: {  	[spmem:s20] =	stream.linear.scatter [tilespmem:s9], [sflag:$0x5], $0x1400, $0x38;
	[tilespmem:$0x1E280] =	vst v63  }
0x61: {  	_ =	swait.ge [sflag:s10], $0x1400  }
0x62: {  	[sflag:s10] =	ssyncset.done $0x0  }
0x63: {  	s21 =	rddreg [dreg:$0x1c];
	[sflag:s10] =	ssyncadd.s32 $0xFFFFEC00  }
0x64: {  	[spmem:s21] =	stream.linear.scatter [tilespmem:s9], [sflag:$0x5], $0x1400, $0x38;
	[tilespmem:$0x1E280] =	vst v63  }
0x65: {  	_ =	swait.ge [sflag:s10], $0x1400  }
0x66: {  	[sflag:s10] =	ssyncset.done $0x0  }
0x67: {  	s22 =	rddreg [dreg:$0x1d];
	[sflag:s10] =	ssyncadd.s32 $0xFFFFEC00  }
0x68: {  	[spmem:s22] =	stream.linear.scatter [tilespmem:s9], [sflag:$0x5], $0x1400, $0x38;
	[tilespmem:$0x1E280] =	vst v63  }
0x69: {  	_ =	swait.ge [sflag:s10], $0x1400  }
0x6a: {  	[sflag:s10] =	ssyncset.done $0x0  }
0x6b: {  	s23 =	rddreg [dreg:$0x1e];
	[sflag:s10] =	ssyncadd.s32 $0xFFFFEC00  }
0x6c: {  	[spmem:s23] =	stream.linear.scatter [tilespmem:s9], [sflag:$0x5], $0x1400, $0x38;
	[tilespmem:$0x1E280] =	vst v63  }
0x6d: {  	_ =	swait.ge [sflag:s10], $0x1400  }
0x6e: {  	[sflag:s10] =	ssyncset.done $0x0  }
0x6f: {  	s24 =	rddreg [dreg:$0x1f];
	[sflag:s10] =	ssyncadd.s32 $0xFFFFEC00  }
0x70: {  	[spmem:s24] =	stream.linear.scatter [tilespmem:s9], [sflag:$0x5], $0x1400, $0x38;
	[tilespmem:$0x1E280] =	vst v63  }
0x71: {  	_ =	swait.ge [sflag:s10], $0x1400  }
0x72: {  	[sflag:s10] =	ssyncset.done $0x0  }
0x73: {  	s8 =	simm.s32 $0x0;
	s25 =	rddreg [dreg:$0x3];
	[sflag:s10] =	ssyncadd.s32 $0xFFFFEC00  }
0x74: {  	[tilespmem:s8], [sflag:$0x5] =	stream.linear.gather [hbm4b:s25+s8], $0x2710, $0x38;
	[tilespmem:$0x1E280] =	vst v63  }
0x75: {  	_ =	swait.ge [sflag:s10], $0x2710  }
0x76: {  	[sflag:s10] =	ssyncset.done $0x0  }
0x77: {  	[sflag:s10] =	ssyncadd.s32 $0xFFFFD8F0  }
0x78: {  	[bflag:$0x0] =	sbarrier.arrive $0xFFFF  }
0x79: {  	[tilespmem:s9], [sflag:$0x1] =	stream.indirect.gather [hbm4b:s4+s11], $0x80, s8, s11, $0xb8;
	[tilespmem:$0x1E280] =	vst v63  }
0x7a: {  	s10 =	rddreg [dreg:$0x4]  }
0x7b: {  	[tilespmem:s13], [sflag:$0x1] =	stream.linear.gather [hbm4b:s10+s8], $0x28, $0x38;
	[tilespmem:$0x1E280] =	vst v63  }
0x7c: {  	_ = 	snop  }
0x7d: {  	[tilespmem:s14], [sflag:$0x1] =	stream.indirect.gather [hbm4b:s4+s11], $0x80, s11, s11, $0xb8;
	[tilespmem:$0x1E280] =	vst v63  }
0x7e: {  	s12 =	rddreg [dreg:$0x5]  }
0x7f: {  	[tilespmem:s7], [sflag:$0x1] =	stream.linear.gather [hbm4b:s12+s8], $0x28, $0x38;
	[tilespmem:$0x1E280] =	vst v63  }
0x80: {  	s20 =	simm.s32 $0x50  }
0x81: {  	[tilespmem:s15], [sflag:$0x1] =	stream.indirect.gather [hbm4b:s4+s11], $0x80, s20, s11, $0xb8;
	[tilespmem:$0x1E280] =	vst v63  }
0x82: {  	s21 =	rddreg [dreg:$0x6]  }
0x83: {  	[tilespmem:s16], [sflag:$0x1] =	stream.linear.gather [hbm4b:s21+s8], $0x28, $0x38;
	[tilespmem:$0x1E280] =	vst v63  }
0x84: {  	_ =	swait.ge [sflag:s17], $0x1400  }
0x85: {  	[sflag:s17] =	ssyncset.done $0x0  }
0x86: {  	[sflag:s17] =	ssyncadd.s32 $0xFFFFEC00  }
0x87: {  	_ =	swait.ge [sflag:s17], $0x28  }
0x88: {  	[sflag:s17] =	ssyncset.done $0x0  }
0x89: {  	[sflag:s17] =	ssyncadd.s32 $0xFFFFFFD8  }
0x8a: {  	_ =	swait.ge [sflag:s17], $0x1400  }
0x8b: {  	[sflag:s17] =	ssyncset.done $0x0  }
0x8c: {  	[sflag:s17] =	ssyncadd.s32 $0xFFFFEC00  }
0x8d: {  	_ =	swait.ge [sflag:s17], $0x28  }
0x8e: {  	[sflag:s17] =	ssyncset.done $0x0  }
0x8f: {  	[sflag:s17] =	ssyncadd.s32 $0xFFFFFFD8  }
0x90: {  	_ =	swait.ge [sflag:s17], $0x1400  }
0x91: {  	[sflag:s17] =	ssyncset.done $0x0  }
0x92: {  	[sflag:s17] =	ssyncadd.s32 $0xFFFFEC00  }
0x93: {  	_ =	swait.ge [sflag:s17], $0x28  }
0x94: {  	[sflag:s17] =	ssyncset.done $0x0  }
0x95: {  	[sflag:s17] =	ssyncadd.s32 $0xFFFFFFD8  }
0x96: {  	[spmem:s2] =	stream.indirect.scatter.add.f32 [tilespmem:s9], [sflag:$0x3], $0x80, s13, s11, $0xb8;
	[tilespmem:$0x1E280] =	vst v63  }
0x97: {  	_ = 	snop  }
0x98: {  	[spmem:s2] =	stream.indirect.scatter.add.f32 [tilespmem:s14], [sflag:$0x3], $0x80, s7, s11, $0xb8;
	[tilespmem:$0x1E280] =	vst v63  }
0x99: {  	_ = 	snop  }
0x9a: {  	[spmem:s2] =	stream.indirect.scatter.add.f32 [tilespmem:s15], [sflag:$0x3], $0x80, s16, s11, $0xb8;
	[tilespmem:$0x1E280] =	vst v63  }
0x9b: {  	s22 =	simm.s32 $0x78  }
0x9c: {  	[tilespmem:s18], [sflag:$0x2] =	stream.indirect.gather [hbm4b:s4+s11], $0x80, s22, s11, $0xb8;
	[tilespmem:$0x1E280] =	vst v63  }
0x9d: {  	s21 =	rddreg [dreg:$0x16]  }
0x9e: {  	[tilespmem:s19], [sflag:$0x2] =	stream.linear.gather [hbm4b:s21+s3], $0x28, $0x38;
	[tilespmem:$0x1E280] =	vst v63  }
0x9f: {  	s23 =	simm.s32 $0xA0  }
0xa0: {  	[tilespmem:s26], [sflag:$0x2] =	stream.indirect.gather [hbm4b:s4+s11], $0x80, s23, s11, $0xb8;
	[tilespmem:$0x1E280] =	vst v63  }
0xa1: {  	s12 =	rddreg [dreg:$0x15]  }
0xa2: {  	[tilespmem:s28], [sflag:$0x2] =	stream.linear.gather [hbm4b:s12+s3], $0x28, $0x38;
	[tilespmem:$0x1E280] =	vst v63  }
0xa3: {  	s24 =	simm.s32 $0xC8  }
0xa4: {  	[tilespmem:s29], [sflag:$0x2] =	stream.indirect.gather [hbm4b:s4+s11], $0x80, s24, s11, $0xb8;
	[tilespmem:$0x1E280] =	vst v63  }
0xa5: {  	s10 =	rddreg [dreg:$0x14]  }
0xa6: {  	[tilespmem:s30], [sflag:$0x2] =	stream.linear.gather [hbm4b:s10+s3], $0x28, $0x38;
	[tilespmem:$0x1E280] =	vst v63  }
0xa7: {  	_ =	swait.ge [sflag:s31], $0x1400  }
0xa8: {  	[sflag:s31] =	ssyncset.done $0x0  }
0xa9: {  	[sflag:s31] =	ssyncadd.s32 $0xFFFFEC00  }
0xaa: {  	_ =	swait.ge [sflag:s31], $0x1400  }
0xab: {  	[sflag:s31] =	ssyncset.done $0x0  }
0xac: {  	[sflag:s31] =	ssyncadd.s32 $0xFFFFEC00  }
0xad: {  	_ =	swait.ge [sflag:s31], $0x1400  }
0xae: {  	[sflag:s31] =	ssyncset.done $0x0;
	s24 =	rddreg [dreg:$0x11]  }
0xaf: {  	s25 =	simm.s32 $0xF0;
	[sflag:s31] =	ssyncadd.s32 $0xFFFFEC00;
	s20 =	sshrl.u32 s24, $0x3  }
0xb0: {  	[tilespmem:s9], [sflag:$0x1] =	stream.indirect.gather [hbm4b:s4+s11], $0x80, s25, s11, $0xb8;
	[tilespmem:$0x1E280] =	vst v63  }
0xb1: {  	s6 =	sadd.s32 s5, s20  }
0xb2: {  	[tilespmem:s13], [sflag:$0x1] =	stream.linear.gather [hbm4b:s6+s3], $0x28, $0x38;
	[tilespmem:$0x1E280] =	vst v63  }
0xb3: {  	s20 =	simm.s32 $0x118  }
0xb4: {  	[tilespmem:s14], [sflag:$0x1] =	stream.indirect.gather [hbm4b:s4+s11], $0x80, s20, s11, $0xb8;
	[tilespmem:$0x1E280] =	vst v63  }
0xb5: {  	s25 =	rddreg [dreg:$0x12]  }
0xb6: {  	[tilespmem:s7], [sflag:$0x1] =	stream.linear.gather [hbm4b:s25+s3], $0x28, $0x38;
	[tilespmem:$0x1E280] =	vst v63  }
0xb7: {  	s22 =	simm.s32 $0x140  }
0xb8: {  	[tilespmem:s15], [sflag:$0x1] =	stream.indirect.gather [hbm4b:s4+s11], $0x80, s22, s11, $0xb8;
	[tilespmem:$0x1E280] =	vst v63  }
0xb9: {  	s23 =	rddreg [dreg:$0x13]  }
0xba: {  	[tilespmem:s16], [sflag:$0x1] =	stream.linear.gather [hbm4b:s23+s3], $0x28, $0x38;
	[tilespmem:$0x1E280] =	vst v63  }
0xbb: {  	_ =	swait.ge [sflag:s1], $0x1400  }
0xbc: {  	[sflag:s1] =	ssyncset.done $0x0  }
0xbd: {  	[sflag:s1] =	ssyncadd.s32 $0xFFFFEC00  }
0xbe: {  	_ =	swait.ge [sflag:s1], $0x28  }
0xbf: {  	[sflag:s1] =	ssyncset.done $0x0  }
0xc0: {  	[sflag:s1] =	ssyncadd.s32 $0xFFFFFFD8  }
0xc1: {  	_ =	swait.ge [sflag:s1], $0x1400  }
0xc2: {  	[sflag:s1] =	ssyncset.done $0x0  }
0xc3: {  	[sflag:s1] =	ssyncadd.s32 $0xFFFFEC00  }
0xc4: {  	_ =	swait.ge [sflag:s1], $0x28  }
0xc5: {  	[sflag:s1] =	ssyncset.done $0x0  }
0xc6: {  	[sflag:s1] =	ssyncadd.s32 $0xFFFFFFD8  }
0xc7: {  	_ =	swait.ge [sflag:s1], $0x1400  }
0xc8: {  	[sflag:s1] =	ssyncset.done $0x0  }
0xc9: {  	[sflag:s1] =	ssyncadd.s32 $0xFFFFEC00  }
0xca: {  	_ =	swait.ge [sflag:s1], $0x28  }
0xcb: {  	[sflag:s1] =	ssyncset.done $0x0  }
0xcc: {  	[sflag:s1] =	ssyncadd.s32 $0xFFFFFFD8  }
0xcd: {  	[spmem:s2] =	stream.indirect.scatter.add.f32 [tilespmem:s18], [sflag:$0x4], $0x80, s19, s11, $0xb8;
	[tilespmem:$0x1E280] =	vst v63  }
0xce: {  	_ = 	snop  }
0xcf: {  	[spmem:s2] =	stream.indirect.scatter.add.f32 [tilespmem:s26], [sflag:$0x4], $0x80, s28, s11, $0xb8;
	[tilespmem:$0x1E280] =	vst v63  }
0xd0: {  	_ = 	snop  }
0xd1: {  	[spmem:s2] =	stream.indirect.scatter.add.f32 [tilespmem:s29], [sflag:$0x4], $0x80, s30, s11, $0xb8;
	[tilespmem:$0x1E280] =	vst v63  }
0xd2: {  	_ =	swait.ge [sflag:s0], $0x1400  }
0xd3: {  	[sflag:s0] =	ssyncset.done $0x0  }
0xd4: {  	[sflag:s0] =	ssyncadd.s32 $0xFFFFEC00  }
0xd5: {  	_ =	swait.ge [sflag:s0], $0x1400  }
0xd6: {  	[sflag:s0] =	ssyncset.done $0x0  }
0xd7: {  	s8 =	simm.s32 $0x3C0;
	[sflag:s0] =	ssyncadd.s32 $0xFFFFEC00  }
0xd8: {  	s20 =	sadd.s32 $0x1E, s21;
	s21 =	sadd.s32 $0x1E, s23;
	_ =	swait.ge [sflag:s0], $0x1400  }
0xd9: {  	s22 =	sadd.s32 $0x1E, s12;
	s23 =	sadd.s32 $0x1E, s10;
	[sflag:s0] =	ssyncset.done $0x0  }
.LBB2_4:
0xda: {  	[sflag:s0] =	ssyncadd.s32 $0xFFFFEC00  }
0xdb: {  	s24 =	sadd.s32 $0xF0, s24;
	s25 =	sadd.s32 $0x1E, s25;
	s12 =	smov.u32 s8  }
0xdc: {  	p0 =	sne.s32 s8, $0x9600;
	s8 =	sadd.s32 $0x3C0, s8;
	_ =	swait.ge [sflag:s17], $0x1400  }
0xdd: {  	[sflag:s17] =	ssyncset.done $0x0  }
0xde: {  	[sflag:s17] =	ssyncadd.s32 $0xFFFFEC00  }
0xdf: {  	_ =	swait.ge [sflag:s17], $0x28  }
0xe0: {  	[sflag:s17] =	ssyncset.done $0x0  }
0xe1: {  	[sflag:s17] =	ssyncadd.s32 $0xFFFFFFD8  }
0xe2: {  	_ =	swait.ge [sflag:s17], $0x1400  }
0xe3: {  	[sflag:s17] =	ssyncset.done $0x0  }
0xe4: {  	[sflag:s17] =	ssyncadd.s32 $0xFFFFEC00  }
0xe5: {  	_ =	swait.ge [sflag:s17], $0x28  }
0xe6: {  	[sflag:s17] =	ssyncset.done $0x0  }
0xe7: {  	[sflag:s17] =	ssyncadd.s32 $0xFFFFFFD8  }
0xe8: {  	_ =	swait.ge [sflag:s17], $0x1400  }
0xe9: {  	[sflag:s17] =	ssyncset.done $0x0  }
0xea: {  	[sflag:s17] =	ssyncadd.s32 $0xFFFFEC00  }
0xeb: {  	_ =	swait.ge [sflag:s17], $0x28  }
0xec: {  	[sflag:s17] =	ssyncset.done $0x0  }
0xed: {  	[sflag:s17] =	ssyncadd.s32 $0xFFFFFFD8  }
0xee: {  	[spmem:s2] =	stream.indirect.scatter.add.f32 [tilespmem:s9], [sflag:$0x3], $0x80, s13, s11, $0xb8;
	[tilespmem:$0x1E280] =	vst v63  }
0xef: {  	_ = 	snop  }
0xf0: {  	[spmem:s2] =	stream.indirect.scatter.add.f32 [tilespmem:s14], [sflag:$0x3], $0x80, s7, s11, $0xb8;
	[tilespmem:$0x1E280] =	vst v63  }
0xf1: {  	s12 =	sshra.s32 s12, $0x2  }
0xf2: {  	[spmem:s2] =	stream.indirect.scatter.add.f32 [tilespmem:s15], [sflag:$0x3], $0x80, s16, s11, $0xb8;
	[tilespmem:$0x1E280] =	vst v63  }
0xf3: {  	s6 =	sadd.s32 $0x78, s12  }
0xf4: {  	[tilespmem:s18], [sflag:$0x2] =	stream.indirect.gather [hbm4b:s4+s11], $0x80, s6, s11, $0xb8;
	[tilespmem:$0x1E280] =	vst v63  }
0xf5: {  	_ = 	snop  }
0xf6: {  	[tilespmem:s19], [sflag:$0x2] =	stream.linear.gather [hbm4b:s20+s3], $0x28, $0x38;
	[tilespmem:$0x1E280] =	vst v63  }
0xf7: {  	s6 =	sadd.s32 $0xA0, s12  }
0xf8: {  	[tilespmem:s26], [sflag:$0x2] =	stream.indirect.gather [hbm4b:s4+s11], $0x80, s6, s11, $0xb8;
	[tilespmem:$0x1E280] =	vst v63  }
0xf9: {  	_ = 	snop  }
0xfa: {  	[tilespmem:s28], [sflag:$0x2] =	stream.linear.gather [hbm4b:s22+s3], $0x28, $0x38;
	[tilespmem:$0x1E280] =	vst v63  }
0xfb: {  	s6 =	sadd.s32 $0xC8, s12  }
0xfc: {  	[tilespmem:s29], [sflag:$0x2] =	stream.indirect.gather [hbm4b:s4+s11], $0x80, s6, s11, $0xb8;
	[tilespmem:$0x1E280] =	vst v63  }
0xfd: {  	_ = 	snop  }
0xfe: {  	[tilespmem:s30], [sflag:$0x2] =	stream.linear.gather [hbm4b:s23+s3], $0x28, $0x38;
	[tilespmem:$0x1E280] =	vst v63  }
0xff: {  	_ =	swait.ge [sflag:s31], $0x1400  }
0x100: {  	[sflag:s31] =	ssyncset.done $0x0  }
0x101: {  	[sflag:s31] =	ssyncadd.s32 $0xFFFFEC00  }
0x102: {  	_ =	swait.ge [sflag:s31], $0x1400  }
0x103: {  	[sflag:s31] =	ssyncset.done $0x0  }
0x104: {  	[sflag:s31] =	ssyncadd.s32 $0xFFFFEC00  }
0x105: {  	_ =	swait.ge [sflag:s31], $0x1400  }
0x106: {  	[sflag:s31] =	ssyncset.done $0x0  }
0x107: {  	s10 =	sshrl.u32 s24, $0x3;
	s6 =	sadd.s32 $0xF0, s12;
	[sflag:s31] =	ssyncadd.s32 $0xFFFFEC00  }
0x108: {  	[tilespmem:s9], [sflag:$0x1] =	stream.indirect.gather [hbm4b:s4+s11], $0x80, s6, s11, $0xb8;
	[tilespmem:$0x1E280] =	vst v63  }
0x109: {  	s6 =	sadd.s32 s5, s10  }
0x10a: {  	[tilespmem:s13], [sflag:$0x1] =	stream.linear.gather [hbm4b:s6+s3], $0x28, $0x38;
	[tilespmem:$0x1E280] =	vst v63  }
0x10b: {  	s6 =	sadd.s32 $0x118, s12  }
0x10c: {  	[tilespmem:s14], [sflag:$0x1] =	stream.indirect.gather [hbm4b:s4+s11], $0x80, s6, s11, $0xb8;
	[tilespmem:$0x1E280] =	vst v63  }
0x10d: {  	_ = 	snop  }
0x10e: {  	[tilespmem:s7], [sflag:$0x1] =	stream.linear.gather [hbm4b:s25+s3], $0x28, $0x38;
	[tilespmem:$0x1E280] =	vst v63  }
0x10f: {  	s6 =	sadd.s32 $0x140, s12  }
0x110: {  	[tilespmem:s15], [sflag:$0x1] =	stream.indirect.gather [hbm4b:s4+s11], $0x80, s6, s11, $0xb8;
	[tilespmem:$0x1E280] =	vst v63  }
0x111: {  	_ = 	snop  }
0x112: {  	[tilespmem:s16], [sflag:$0x1] =	stream.linear.gather [hbm4b:s21+s3], $0x28, $0x38;
	[tilespmem:$0x1E280] =	vst v63  }
0x113: {  	_ =	swait.ge [sflag:s1], $0x1400  }
0x114: {  	[sflag:s1] =	ssyncset.done $0x0  }
0x115: {  	[sflag:s1] =	ssyncadd.s32 $0xFFFFEC00  }
0x116: {  	_ =	swait.ge [sflag:s1], $0x28  }
0x117: {  	[sflag:s1] =	ssyncset.done $0x0  }
0x118: {  	[sflag:s1] =	ssyncadd.s32 $0xFFFFFFD8  }
0x119: {  	_ =	swait.ge [sflag:s1], $0x1400  }
0x11a: {  	[sflag:s1] =	ssyncset.done $0x0  }
0x11b: {  	[sflag:s1] =	ssyncadd.s32 $0xFFFFEC00  }
0x11c: {  	_ =	swait.ge [sflag:s1], $0x28  }
0x11d: {  	[sflag:s1] =	ssyncset.done $0x0  }
0x11e: {  	[sflag:s1] =	ssyncadd.s32 $0xFFFFFFD8  }
0x11f: {  	_ =	swait.ge [sflag:s1], $0x1400  }
0x120: {  	[sflag:s1] =	ssyncset.done $0x0  }
0x121: {  	[sflag:s1] =	ssyncadd.s32 $0xFFFFEC00  }
0x122: {  	_ =	swait.ge [sflag:s1], $0x28  }
0x123: {  	[sflag:s1] =	ssyncset.done $0x0  }
0x124: {  	[sflag:s1] =	ssyncadd.s32 $0xFFFFFFD8  }
0x125: {  	[spmem:s2] =	stream.indirect.scatter.add.f32 [tilespmem:s18], [sflag:$0x4], $0x80, s19, s11, $0xb8;
	[tilespmem:$0x1E280] =	vst v63  }
0x126: {  	_ = 	snop  }
0x127: {  	[spmem:s2] =	stream.indirect.scatter.add.f32 [tilespmem:s26], [sflag:$0x4], $0x80, s28, s11, $0xb8;
	[tilespmem:$0x1E280] =	vst v63  }
0x128: {  	_ = 	snop  }
0x129: {  	[spmem:s2] =	stream.indirect.scatter.add.f32 [tilespmem:s29], [sflag:$0x4], $0x80, s30, s11, $0xb8;
	[tilespmem:$0x1E280] =	vst v63  }
0x12a: {  	_ =	swait.ge [sflag:s0], $0x1400  }
0x12b: {  	[sflag:s0] =	ssyncset.done $0x0  }
0x12c: {  	[sflag:s0] =	ssyncadd.s32 $0xFFFFEC00  }
.Ltmp1:
0x12d: {  	_ =	swait.ge [sflag:s0], $0x1400;
	(pc) =	sbr.rel @p0 .LBB2_4-.Ltmp1, $4  }
0x12e: {  	[sflag:s0] =	ssyncset.done $0x0  }
0x12f: {  	[sflag:s0] =	ssyncadd.s32 $0xFFFFEC00  }
0x130: {  	s20 =	sadd.s32 $0x1E, s20;
	s22 =	sadd.s32 $0x1E, s22;
	_ =	swait.ge [sflag:s0], $0x1400  }
0x131: {  	s23 =	sadd.s32 $0x1E, s23;
	s21 =	sadd.s32 $0x1E, s21;
	[sflag:s0] =	ssyncset.done $0x0  }
0x132: {  	[sflag:s0] =	ssyncadd.s32 $0xFFFFEC00  }
0x133: {  	_ =	swait.ge [sflag:s17], $0x1400  }
0x134: {  	[sflag:s17] =	ssyncset.done $0x0  }
0x135: {  	[sflag:s17] =	ssyncadd.s32 $0xFFFFEC00  }
0x136: {  	_ =	swait.ge [sflag:s17], $0x28  }
0x137: {  	[sflag:s17] =	ssyncset.done $0x0  }
0x138: {  	[sflag:s17] =	ssyncadd.s32 $0xFFFFFFD8  }
0x139: {  	_ =	swait.ge [sflag:s17], $0x1400  }
0x13a: {  	[sflag:s17] =	ssyncset.done $0x0  }
0x13b: {  	[sflag:s17] =	ssyncadd.s32 $0xFFFFEC00  }
0x13c: {  	_ =	swait.ge [sflag:s17], $0x28  }
0x13d: {  	[sflag:s17] =	ssyncset.done $0x0  }
0x13e: {  	[sflag:s17] =	ssyncadd.s32 $0xFFFFFFD8  }
0x13f: {  	_ =	swait.ge [sflag:s17], $0x1400  }
0x140: {  	[sflag:s17] =	ssyncset.done $0x0  }
0x141: {  	[sflag:s17] =	ssyncadd.s32 $0xFFFFEC00  }
0x142: {  	_ =	swait.ge [sflag:s17], $0x28  }
0x143: {  	[sflag:s17] =	ssyncset.done $0x0  }
0x144: {  	[sflag:s17] =	ssyncadd.s32 $0xFFFFFFD8  }
0x145: {  	[spmem:s2] =	stream.indirect.scatter.add.f32 [tilespmem:s9], [sflag:$0x3], $0x80, s13, s11, $0xb8;
	[tilespmem:$0x1E280] =	vst v63  }
0x146: {  	_ = 	snop  }
0x147: {  	[spmem:s2] =	stream.indirect.scatter.add.f32 [tilespmem:s14], [sflag:$0x3], $0x80, s7, s11, $0xb8;
	[tilespmem:$0x1E280] =	vst v63  }
0x148: {  	_ = 	snop  }
0x149: {  	[spmem:s2] =	stream.indirect.scatter.add.f32 [tilespmem:s15], [sflag:$0x3], $0x80, s16, s11, $0xb8;
	[tilespmem:$0x1E280] =	vst v63  }
0x14a: {  	_ =	swait.ge [sflag:s31], $0x1400  }
0x14b: {  	[sflag:s31] =	ssyncset.done $0x0  }
0x14c: {  	[sflag:s31] =	ssyncadd.s32 $0xFFFFEC00  }
0x14d: {  	_ =	swait.ge [sflag:s31], $0x1400  }
0x14e: {  	[sflag:s31] =	ssyncset.done $0x0  }
0x14f: {  	[sflag:s31] =	ssyncadd.s32 $0xFFFFEC00  }
0x150: {  	_ =	swait.ge [sflag:s31], $0x1400  }
0x151: {  	[sflag:s31] =	ssyncset.done $0x0  }
0x152: {  	s6 =	simm.s32 $0x26E8;
	[sflag:s31] =	ssyncadd.s32 $0xFFFFEC00  }
0x153: {  	[tilespmem:s9], [sflag:$0x1] =	stream.indirect.gather [hbm4b:s4+s11], $0x80, s6, s11, $0xb8;
	[tilespmem:$0x1E280] =	vst v63  }
0x154: {  	s22 =	rddreg [dreg:$0x7]  }
0x155: {  	[tilespmem:s13], [sflag:$0x1] =	stream.linear.gather [hbm4b:s22+s3], $0x28, $0x38;
	[tilespmem:$0x1E280] =	vst v63  }
0x156: {  	_ =	swait.ge [sflag:s17], $0x1400  }
0x157: {  	[sflag:s17] =	ssyncset.done $0x0  }
0x158: {  	[sflag:s17] =	ssyncadd.s32 $0xFFFFEC00  }
0x159: {  	_ =	swait.ge [sflag:s17], $0x28  }
0x15a: {  	[sflag:s17] =	ssyncset.done $0x0  }
0x15b: {  	[sflag:s17] =	ssyncadd.s32 $0xFFFFFFD8  }
0x15c: {  	[spmem:s2] =	stream.indirect.scatter.add.f32 [tilespmem:s9], [sflag:$0x3], $0x80, s13, s11, $0xb8;
	[tilespmem:$0x1E280] =	vst v63  }
0x15d: {  	_ =	swait.ge [sflag:s31], $0x1400  }
0x15e: {  	[sflag:s31] =	ssyncset.done $0x0  }
0x15f: {  	[sflag:s31] =	ssyncadd.s32 $0xFFFFEC00  }
0x160: {  	s23 =	stileid.u32;
	[bflag:$0x0] =	sbarrier.arrive $0xFFFF  }
0x161: {  	s6 =	sshll.u32 s23, $0x6;
	s12 =	rddreg [dreg:$0x9]  }
0x162: {  	s6 =	sor.u32 $0x1C05, s6;
	s10 =	rddreg [dreg:$0x8];
	s8 =	sshrl.u32 s12, $0x3  }
0x163: {  	[hbm:s10], [sflag:s6] =	dma.local [spmem:s8], $0x2800  }
0x164: {  	s10 =	simm.s32 $0x5  }
0x165: {  	_ =	swait.ge [sflag:s10], $0x2800  }
0x166: {  	s24 =	sld [smem:$0x7FD];
	_ =	sdelay $0x2  }
0x167: {  	s25 =	rddreg [dreg:$0xa];
	s8 =	sadd.s32 $0x1, s24  }
0x168: {  	p0 =	sne.s32 s8, s25  }
.Ltmp2:
0x169: {  	_ = 	snop;
	(pc) =	sbr.rel @p0 .LBB2_1-.Ltmp2, $3  }
0x16a: {  	_ =	sdelay $0x1  }
0x16b: {  	[sflag:s10] =	ssyncset.done $0x0  }
0x16c: {  	[sflag:s10] =	ssyncadd.s32 $0xFFFFD800  }
0x16d: {  	_ =	sfence.sel $0x180000  }
0x16e: {  	[bflag:$0x0] =	sbarrier.arrive $0xFFFF  }
0x16f: {  	_ =	strace $0x9000004A  }
0x170: {  	s0 =	stileid.u32;
	[bflag:$0x2] =	sbarrier.arrive $0xFFFF  }
0x171: {  	p0 =	sne.s32 s0, $0x0;
	s0 =	rddreg [dreg:$0x2]  }
0x172: {  	s0 =	sadd.s32 @!p0 $0x100000, s0  }
0x173: {  	[sflag:s0] =	ssyncadd.tile.s32 @!p0 $0x1;
	_ =	shalt  }
.Lfunc_end2:
_tile_overlayer_lowered:
.L_overlay_start_2:
0x174: {  	(tag) =	ssettag $0x2  }
0x175: {  	s0 =	rddreg [dreg:$0x0];
	s2 =	stileid.u32  }
0x176: {  	s1 =	rddreg [dreg:$0x1];
	p0 =	sne.s32 s2, $0x0  }
0x177: {  	s3 =	rddreg [dreg:$0x2];
	[bflag:$0x3] =	sbarrier.arrive $0xFFFF;
	s2 =	simm.s32 @!p0 $0x1C05  }
0x178: {  	[timem:s3], [sflag:s2] =	dma.local @!p0 [hbm:s0], s1  }
0x179: {  	s0 =	simm.s32 @!p0 $0x5  }
0x17a: {  	_ =	swait.ge @!p0 [sflag:s0], s1  }
0x17b: {  	s1 =	ssub.s32 @!p0 $0x0, s1;
	[sflag:s0] =	ssyncset.done @!p0 $0x0  }
0x17c: {  	[sflag:s0] =	ssyncadd.s32 @!p0 s1  }
0x17d: {  	[bflag:$0x3] =	sbarrier.arrive $0xFFFF  }
0x17e: {  	_ =	shalt  }

// kernel: kernel.13.cloned.1.call-start
scs
__scs_entry_jumppad:
0x0: {  	(pc) =	sbr.rel $0x88, $3  }
0x1: {  	(tag) =	ssettag $0x0;
	lr =	simm.s32 $0x1  }
0x2: {  	[smem:$0x3F9A] =	sst lr;
	_ =	strace $0xD0000000  }
0x3: {  	_ = 	snop  }
0x4: {  	_ = 	snop  }
0x5: {  	_ = 	snop  }
0x6: {  	_ = 	snop  }
0x7: {  	_ = 	snop  }
__scs_overlays_trampoline_lowered:
0x8: {  	[smem:$0x3FA9] =	sst s0  }
0x9: {  	[smem:$0x3FAA] =	sst s1  }
0xa: {  	[smem:$0x3FAB] =	sst s2  }
0xb: {  	[smem:$0x3FAC] =	sst s3  }
0xc: {  	[smem:$0x3FAD] =	sst s4  }
0xd: {  	[smem:$0x3FAE] =	sst s5  }
0xe: {  	[smem:$0x3FAF] =	sst s6  }
0xf: {  	[smem:$0x3FB0] =	sst s7  }
0x10: {  	[smem:$0x3FB1] =	sst s8  }
0x11: {  	[smem:$0x3FB2] =	sst s9;
	s0 =	simm.s32 @!p0 $0x0  }
0x12: {  	s1 =	sld [smem:$0x3F98];
	s0 =	simm.s32 @p0 $0x1  }
0x13: {  	[smem:$0x3FB3] =	sst s0;
	s0 =	simm.s32 @!p1 $0x0  }
0x14: {  	s2 =	sld [smem:$0x3F97];
	s0 =	simm.s32 @p1 $0x1  }
0x15: {  	[smem:$0x3FB4] =	sst s0;
	s0 =	simm.s32 @!p2 $0x0  }
0x16: {  	s3 =	sld [smem:$0x3FDB];
	s0 =	simm.s32 @p2 $0x1  }
0x17: {  	s4 =	simm.s32 $0x1BF5;
	[smem:$0x3FB6] =	sst s0  }
0x18: {  	s0 =	sld [smem:$0x3F99];
	_ =	swait.ge [sflag:s4], $0x0  }
0x19: {  	s7 =	sld [smem:$0x3F9A]  }
0x1a: {  	s8 =	sadd.s32 $0xFFFFE003, lr  }
0x1b: {  	s9 =	sadd.s32 $0xFFFFFEF7, lr;
	s5 =	simm.s32 $0xFFFFFFFF;
	p2 =	slt.u32 s8, $0xFFFFF086  }
0x1c: {  	p1 =	slt.u32 s9, $0xF7A;
	s5 =	simm.s32 @!p2 $0x0  }
0x1d: {  	s5 =	simm.s32 @p1 $0x1;
	p0 =	seq.s32 s7, s2  }
0x1e: {  	s7 =	smul.u32 @!p0 $0xF7A, s2;
	p2 =	seq.s32 @!p0 s5, $0x0  }
0x1f: {  	s9 =	smul.u32 $0xF7A, s1;
	s8 =	simm.s32 @!p0 $0x1BF5;
	p2 =	por !p2, p0  }
0x20: {  	[sflag:s8] =	ssyncset.s32 @!p0 $0xFFFFF086;
	s6 =	sadd.s32 @!p0 s3, s7;
	s7 =	simm.s32 @!p0 $0x108  }
0x21: {  	s3 =	sadd.s32 s3, s9;
	s6 =	sadd.s32 @!p0 $0x88, s6;
	s7 =	simm.s32 @p2 $0x1082  }
0x22: {  	[simem:s7], [sflag:s8] =	dma.local @!p0 [hbm:s6], $0xF7A  }
0x23: {  	s9 =	sor.u32 $0xD0000000, s2;
	s6 =	simm.s32 $0x108;
	_ =	swait.ge @!p0 [sflag:s8], $0x0  }
0x24: {  	s3 =	sadd.s32 $0x88, s3;
	s6 =	simm.s32 @!p1 $0x1082;
	[sflag:s4] =	ssyncset.s32 $0xFFFFF086  }
0x25: {  	[simem:s6], [sflag:s4] =	dma.local [hbm:s3], $0xF7A  }
0x26: {  	[smem:$0x3F9A] =	sst s1;
	(tag) =	ssettag s2;
	_ =	strace s9  }
0x27: {  	s1 =	sld [smem:$0x3FAA]  }
0x28: {  	s2 =	sld [smem:$0x3FAB]  }
0x29: {  	s4 =	sld [smem:$0x3FAD]  }
0x2a: {  	p0 =	seq.s32 s5, $0x0;
	s5 =	sld [smem:$0x3FAE]  }
0x2b: {  	s6 =	sld [smem:$0x3FAF]  }
0x2c: {  	s7 =	sld [smem:$0x3FB0]  }
0x2d: {  	s3 =	simm.s32 $0x108;
	s8 =	sld [smem:$0x3FB1]  }
0x2e: {  	s3 =	simm.s32 @!p0 $0x1082;
	s9 =	sld [smem:$0x3FB2]  }
0x2f: {  	lr =	sadd.s32 s0, s3;
	s0 =	sld [smem:$0x3FA9]  }
0x30: {  	s3 =	sld [smem:$0x3FAC]  }
0x31: {  	[smem:$0x3FB5] =	sst s10  }
0x32: {  	s10 =	sld [smem:$0x3FB3];
	_ =	sdelay $0x3  }
0x33: {  	p0 =	seq.s32 s10, $0x1;
	s10 =	sld [smem:$0x3FB5];
	_ =	sdelay $0x3  }
0x34: {  	[smem:$0x3FB5] =	sst s10  }
0x35: {  	s10 =	sld [smem:$0x3FB4];
	_ =	sdelay $0x3  }
0x36: {  	p1 =	seq.s32 s10, $0x1;
	s10 =	sld [smem:$0x3FB5];
	_ =	sdelay $0x3  }
0x37: {  	[smem:$0x3FB5] =	sst s10  }
0x38: {  	s10 =	sld [smem:$0x3FB6]  }
0x39: {  	_ = 	snop;
	(pc) =	sbr.ind lr, $3  }
0x3a: {  	_ = 	snop  }
0x3b: {  	_ = 	snop  }
0x3c: {  	p2 =	seq.s32 s10, $0x1;
	s10 =	sld [smem:$0x3FB5]  }
0x3d: {  	_ =	shalt  }
0x3e: {  	_ =	shalt  }
0x3f: {  	_ =	shalt  }
0x40: {  	_ =	shalt  }
0x41: {  	_ =	shalt  }
0x42: {  	_ =	shalt  }
0x43: {  	_ =	shalt  }
0x44: {  	_ =	shalt  }
0x45: {  	_ =	shalt  }
0x46: {  	_ =	shalt  }
0x47: {  	_ =	shalt  }
0x48: {  	_ =	shalt  }
0x49: {  	_ =	shalt  }
0x4a: {  	_ =	shalt  }
0x4b: {  	_ =	shalt  }
0x4c: {  	_ =	shalt  }
0x4d: {  	_ =	shalt  }
0x4e: {  	_ =	shalt  }
0x4f: {  	_ =	shalt  }
0x50: {  	_ =	shalt  }
0x51: {  	_ =	shalt  }
0x52: {  	_ =	shalt  }
0x53: {  	_ =	shalt  }
0x54: {  	_ =	shalt  }
0x55: {  	_ =	shalt  }
0x56: {  	_ =	shalt  }
0x57: {  	_ =	shalt  }
0x58: {  	_ =	shalt  }
0x59: {  	_ =	shalt  }
0x5a: {  	_ =	shalt  }
0x5b: {  	_ =	shalt  }
0x5c: {  	_ =	shalt  }
0x5d: {  	_ =	shalt  }
0x5e: {  	_ =	shalt  }
0x5f: {  	_ =	shalt  }
0x60: {  	_ =	shalt  }
0x61: {  	_ =	shalt  }
0x62: {  	_ =	shalt  }
0x63: {  	_ =	shalt  }
0x64: {  	_ =	shalt  }
0x65: {  	_ =	shalt  }
0x66: {  	_ =	shalt  }
0x67: {  	_ =	shalt  }
0x68: {  	_ =	shalt  }
0x69: {  	_ =	shalt  }
0x6a: {  	_ =	shalt  }
0x6b: {  	_ =	shalt  }
0x6c: {  	_ =	shalt  }
0x6d: {  	_ =	shalt  }
0x6e: {  	_ =	shalt  }
0x6f: {  	_ =	shalt  }
0x70: {  	_ =	shalt  }
0x71: {  	_ =	shalt  }
0x72: {  	_ =	shalt  }
0x73: {  	_ =	shalt  }
0x74: {  	_ =	shalt  }
0x75: {  	_ =	shalt  }
0x76: {  	_ =	shalt  }
0x77: {  	_ =	shalt  }
0x78: {  	_ =	shalt  }
0x79: {  	_ =	shalt  }
0x7a: {  	_ =	shalt  }
0x7b: {  	_ =	shalt  }
0x7c: {  	_ =	shalt  }
0x7d: {  	_ =	shalt  }
0x7e: {  	_ =	shalt  }
0x7f: {  	_ =	shalt  }
0x80: {  	_ =	shalt  }
0x81: {  	_ =	shalt  }
0x82: {  	_ =	shalt  }
0x83: {  	_ =	shalt  }
0x84: {  	_ =	shalt  }
0x85: {  	_ =	shalt  }
0x86: {  	_ =	shalt  }
0x87: {  	_ =	shalt  }
.Lfunc_end0:
.L_simem_size_0:
called_computation.2_lowered:
.L_overlay_start_0:
0x88: {  	s2 =	sld [smem:$0x3FD9]  }
0x89: {  	s3 =	sld [smem:$0x3FFE];
	_ =	sdelay $0x1  }
0x8a: {  	s1 =	srdreg.scid  }
0x8b: {  	s0 =	sand.u32 $0x1, s1  }
0x8c: {  	s17 =	sshll.u32 s0, $0xA;
	s2 =	sadd.s32 s3, s2  }
0x8d: {  	s2 =	sadd.s32 s2, s17  }
0x8e: {  	[smem:$0x3FC1] =	sst s2  }
0x8f: {  	_ = 	snop  }
0x90: {  	s2 =	sld [smem:$0x3FD0];
	(tm) =	ssettm $0x1  }
0x91: {  	s18 =	sld [smem:$0x3FFB];
	_ =	sdelay $0x3  }
0x92: {  	_ =	strace s18  }
0x93: {  	s3 =	sld [smem:$0x3FFC];
	_ =	sdelay $0x3  }
0x94: {  	_ =	strace s3  }
0x95: {  	s3 =	sld [smem:$0x3FFD];
	_ =	sdelay $0x3  }
0x96: {  	_ =	strace s3  }
0x97: {  	_ =	strace $0x8FFFFFFF  }
0x98: {  	s19 =	sld [smem:$0x3FDB];
	_ =	sdelay $0x1  }
0x99: {  	s4 =	simm.s32 $_scs_section_size  }
0x9a: {  	s5 =	simm.s32 $_size__tile_overlayer_lowered;
	s6 =	simm.s32 $_tile_overlayer_lowered  }
0x9b: {  	s22 =	simm.s32 $0x1BFF;
	s21 =	sshll.u32 s6, $0x1;
	s3 =	sadd.s32 s4, s19  }
0x9c: {  	s7 =	simm.s32 $0x0;
	s20 =	sshll.u32 s5, $0x1;
	s5 =	sadd.s32 s21, s3  }
0x9d: {  	[timem:s7], [sflag:s22] =	dma.local [hbm:s5], s20  }
0x9e: {  	_ =	swait.ge [sflag:s22], s20  }
0x9f: {  	s4 =	ssub.s32 $0x0, s20;
	[sflag:s22] =	ssyncset.done $0x0  }
0xa0: {  	[sflag:s22] =	ssyncadd.s32 s4;
	_ =	sdelay $0x1  }
0xa1: {  	s23 =	simm.s32 $0x1B8B  }
0xa2: {  	_ =	swait.ge [sflag:s23], $0x1  }
0xa3: {  	[sflag:s23] =	ssyncset.done $0x0  }
0xa4: {  	s25 =	simm.s32 $0x1B8E;
	s24 =	sld [smem:$0x3FFE];
	[sflag:s23] =	ssyncadd.s32 $0xFFFFFFFF  }
0xa5: {  	s26 =	simm.s32 $execute0_lowered;
	[smem:$0x3FD2] =	sst s25  }
0xa6: {  	s5 =	sshll.u32 s26, $0x1;
	_ =	strace $0x8000004C;
	[dreg:$0x1] =	wrdreg $0xFFFFFFFF  }
0xa7: {  	s28 =	simm.s32 $_size_execute0_lowered;
	s3 =	sadd.s32 s3, s5;
	[dreg:$0x0] =	wrdreg $0x0  }
0xa8: {  	s5 =	sshll.u32 s28, $0x1;
	[dreg:$0x2] =	wrdreg s3  }
0xa9: {  	[dreg:$0x3] =	wrdreg s5  }
0xaa: {  	[dreg:$0x4] =	wrdreg $0xC0  }
0xab: {  	_ =	task [dreg:s7], $0x5FFFF  }
0xac: {  	[dreg:$0x1] =	wrdreg $0xFFFFFFFF  }
0xad: {  	[dreg:$0x0] =	wrdreg $0x60  }
0xae: {  	[dreg:$0x2] =	wrdreg s24  }
0xaf: {  	[dreg:$0x3] =	wrdreg s2  }
0xb0: {  	[dreg:$0x4] =	wrdreg $0x4B000  }
0xb1: {  	[dreg:$0x5] =	wrdreg $0x4D800  }
0xb2: {  	[dreg:$0x6] =	wrdreg $0x50000  }
0xb3: {  	[dreg:$0x7] =	wrdreg $0x50080  }
0xb4: {  	[dreg:$0x8] =	wrdreg $0x9  }
0xb5: {  	_ =	task.clear_ibuf [dreg:s7], $0x9FFFF;
	_ =	strace $0x9000004C  }
0xb6: {  	s29 =	simm.s32 $0x9;
	_ =	strace $0x8000004E  }
0xb7: {  	_ =	swait.ge [sflag:s29], $0x1  }
0xb8: {  	[sflag:s29] =	ssyncadd.s32 $0xFFFFFFFF  }
0xb9: {  	_ =	strace $0x9000004E  }
0xba: {  	_ =	sfence  }
0xbb: {  	s30 =	sld [smem:$0x0];
	_ =	sdelay $0x2  }
0xbc: {  	s31 =	sshll.u32 s1, $0xD;
	s1 =	sshrl.u32 s1, $0x2  }
0xbd: {  	s3 =	sand.u32 $0x4000, s31;
	s1 =	sadd.s32 s1, s30  }
0xbe: {  	s0 =	sor.u32 s3, s0;
	s1 =	sshll.u32 s1, $0x11  }
0xbf: {  	s0 =	sor.u32 s1, s0  }
0xc0: {  	s0 =	sadd.s32 $0x8F2B, s0  }
0xc1: {  	[sflag:s0] =	ssyncadd.remote.s32 $0x1  }
0xc2: {  	_ =	sfence.sel $0xFFFF  }
0xc3: {  	[dreg:$0x0] =	wrdreg $0xFFFFFFFF;
	(pc) =	sbr.abs _section_cstart, $3  }
0xc4: {  	[dreg:$0x1] =	wrdreg $0xFFFFFFFF  }
0xc5: {  	_ =	task.clear_ibuf [dreg:s7], $0x2FFFF;
	_ =	strace $0x9FFFFFFF  }
0xc6: {  	(tm) =	ssettm $0x7FFFFFFF  }
0xc7: {  	_ =	shalt  }
tec
execute0_lowered:
.L_overlay_start_1:
0x0: {  	(tag) =	ssettag $0x1  }
0x1: {  	s9 =	rddreg [dreg:$0x0]  }
0x2: {  	s6 =	rddreg [dreg:$0x1]  }
0x3: {  	s1 =	rddreg [dreg:$0x2]  }
0x4: {  	s21 =	rddreg [dreg:$0x3]  }
0x5: {  	s2 =	srdreg.scid;
	s20 =	rddreg [dreg:$0x4]  }
0x6: {  	s3 =	stileid.u32;
	s22 =	rddreg [dreg:$0x5];
	s0 =	simm.s32 $0x0  }
0x7: {  	s4 =	sand.u32 $0x1, s2;
	s25 =	sshll.u32 s3, $0x1;
	[smem:$0x7FF] =	sst s0  }
0x8: {  	s19 =	sadd.s32 $0x2A00, s9;
	s30 =	sadd.s32 $0x16600, s9;
	s2 =	sor.u32 s4, s25  }
0x9: {  	_ =	strace $0x8000004D;
	s13 =	ssub.s32 $0x2, s4;
	s2 =	smul.u32 $0x2710, s2  }
0xa: {  	s15 =	sshll.u32 s4, $0x4;
	[dreg:$0x10] =	wrdreg s19;
	s16 =	sshrl.u32 s13, $0x1  }
0xb: {  	s6 =	sadd.s32 s6, s15;
	s10 =	sshrl.u32 s2, $0x3;
	s2 =	smul.u32 $0x280, s3  }
0xc: {  	s8 =	sadd.s32 $0x16C00, s9;
	s13 =	ssub.s32 s13, s16;
	[dreg:$0x18] =	wrdreg s6  }
0xd: {  	s11 =	sadd.s32 s10, s9;
	s16 =	sadd.s32 s19, s10;
	s12 =	sshrl.u32 s2, $0x3  }
0xe: {  	s26 =	sadd.s32 $0xC800, s11;
	[dreg:$0x12] =	wrdreg s16;
	s12 =	sadd.s32 s12, s9  }
0xf: {  	s14 =	smul.u32 $0x4E20, s3;
	[dreg:$0x11] =	wrdreg s26;
	s5 =	sadd.s32 $0x3E600, s12  }
0x10: {  	s17 =	smul.u32 $0x2710, s4;
	s7 =	sadd.s32 $0x17200, s12;
	[dreg:$0x13] =	wrdreg s5  }
0x11: {  	s18 =	sadd.s32 s15, s9;
	s11 =	sadd.s32 $0x17800, s12;
	[dreg:$0x14] =	wrdreg s7  }
0x12: {  	s9 =	sadd.s32 s17, s14;
	s17 =	sadd.s32 $0x8EC00, s12;
	[dreg:$0x15] =	wrdreg s11  }
0x13: {  	s14 =	sadd.s32 $0x370, s9;
	s15 =	sadd.s32 $0x8EC40, s12;
	[dreg:$0x16] =	wrdreg s17  }
0x14: {  	s19 =	sadd.s32 $0x3C0, s9;
	s10 =	sshrl.u32 s14, $0x3;
	[dreg:$0x1b] =	wrdreg s15  }
0x15: {  	s24 =	sadd.s32 $0x410, s9;
	s23 =	sshrl.u32 s19, $0x3;
	[dreg:$0x7] =	wrdreg s10  }
0x16: {  	s26 =	sadd.s32 $0x460, s9;
	s25 =	sshrl.u32 s24, $0x3;
	[dreg:$0x8] =	wrdreg s23  }
0x17: {  	s28 =	simm.s32 $0x3200;
	s5 =	sshrl.u32 s26, $0x3;
	[dreg:$0x9] =	wrdreg s25  }
0x18: {  	s7 =	sadd.s32 $0x2D0, s9;
	s15 =	sadd.s32 s2, s1;
	[dreg:$0xa] =	wrdreg s5  }
0x19: {  	s14 =	sadd.s32 $0x280, s9;
	s11 =	sshrl.u32 s7, $0x3;
	[smem:$0x7F5] =	sst s15  }
0x1a: {  	s19 =	sadd.s32 $0x230, s9;
	s17 =	sshrl.u32 s14, $0x3;
	[dreg:$0xb] =	wrdreg s11  }
0x1b: {  	s24 =	sadd.s32 $0x1E0, s9;
	s23 =	sshrl.u32 s19, $0x3;
	[dreg:$0xc] =	wrdreg s17  }
0x1c: {  	s29 =	simm.s32 $0x2800;
	s25 =	sshrl.u32 s24, $0x3;
	[dreg:$0xd] =	wrdreg s23  }
0x1d: {  	s26 =	sadd.s32 $0x190, s9;
	s5 =	sadd.s32 $0x8EC10, s12;
	[dreg:$0xe] =	wrdreg s25  }
0x1e: {  	s31 =	simm.s32 $0x3280;
	s7 =	sshrl.u32 s26, $0x3;
	[dreg:$0x17] =	wrdreg s5  }
0x1f: {  	p0 =	sne.s32 s3, $0x0;
	s14 =	sadd.s32 $0x8EC30, s12;
	[dreg:$0xf] =	wrdreg s7  }
0x20: {  	p1 =	sne.s32 s4, $0x0;
	s11 =	sadd.s32 $0x8EC20, s12;
	[dreg:$0x1a] =	wrdreg s14  }
0x21: {  	s6 =	sadd.s32 $0x140, s2;
	s17 =	sadd.s32 $0x17E00, s18;
	[dreg:$0x19] =	wrdreg s11  }
0x22: {  	s19 =	sor.u32 $0x50, s2;
	s18 =	smax.u32 s13, $0x1;
	[dreg:$0x1c] =	wrdreg s17  }
0x23: {  	s24 =	sadd.s32 $0xA0, s2;
	s23 =	sadd.s32 s19, s1;
	[dreg:$0x1d] =	wrdreg s18  }
0x24: {  	s26 =	sadd.s32 $0xF0, s2;
	s3 =	sadd.s32 s19, s21;
	[dreg:$0x1e] =	wrdreg s23  }
0x25: {  	s10 =	sadd.s32 $0x190, s2;
	s25 =	sadd.s32 s24, s1;
	[dreg:$0x1f] =	wrdreg s3  }
0x26: {  	s15 =	simm.s32 $0x3;
	s4 =	sadd.s32 s24, s21;
	[smem:$0x7EB] =	sst s25  }
0x27: {  	s5 =	sadd.s32 s26, s1;
	s7 =	sadd.s32 s6, s1;
	[smem:$0x7EC] =	sst s4  }
0x28: {  	s12 =	sadd.s32 $0x1E0, s2;
	s19 =	sadd.s32 $0x320, s9;
	[smem:$0x7ED] =	sst s5  }
0x29: {  	s24 =	sadd.s32 $0x14, s16;
	s9 =	simm.s32 $0x0;
	[smem:$0x7EF] =	sst s7  }
0x2a: {  	s3 =	sadd.s32 s26, s21;
	s4 =	sadd.s32 s6, s21;
	[smem:$0x7F9] =	sst s19  }
0x2b: {  	s11 =	sadd.s32 s10, s1;
	s13 =	sadd.s32 s12, s1;
	[smem:$0x7FB] =	sst s24  }
0x2c: {  	s14 =	sadd.s32 s12, s21;
	s17 =	sadd.s32 s2, s21;
	[smem:$0x7EE] =	sst s3  }
0x2d: {  	s2 =	sadd.s32 $0x230, s2;
	s23 =	sadd.s32 $0xA, s16;
	[smem:$0x7F0] =	sst s4  }
0x2e: {  	s25 =	sadd.s32 $0x1E, s16;
	s26 =	sadd.s32 $0x28, s16;
	[smem:$0x7F1] =	sst s11  }
0x2f: {  	s6 =	simm.s32 $0x5;
	s24 =	simm.s32 $0x50;
	[smem:$0x7F3] =	sst s13  }
0x30: {  	s5 =	simm.s32 $0x2780;
	s12 =	simm.s32 $0x2880;
	[smem:$0x7F4] =	sst s14  }
0x31: {  	s7 =	simm.s32 $0x2900;
	s16 =	simm.s32 $0x2980;
	[smem:$0x7F6] =	sst s17  }
0x32: {  	s19 =	simm.s32 $0x4;
	s3 =	sadd.s32 s10, s21;
	[smem:$0x7FA] =	sst s23  }
0x33: {  	s18 =	sadd.s32 s2, s1;
	s2 =	sadd.s32 s2, s21;
	[smem:$0x7FC] =	sst s25  }
0x34: {  	[smem:$0x7FD] =	sst s26;
	s26 =	simm.s32 $0x2D00;
	s25 =	simm.s32 $0x2D80  }
0x35: {  	s10 =	simm.s32 $0x3300;
	s14 =	simm.s32 $0x2E00;
	[smem:$0x7F2] =	sst s3  }
0x36: {  	s23 =	simm.s32 $0x3380;
	s13 =	simm.s32 $0x2E80;
	[smem:$0x7F7] =	sst s18  }
0x37: {  	v0 =	vimm.f32 $0.0e+00;
	s17 =	simm.s32 $0x2;
	[smem:$0x7F8] =	sst s2;
	s18 =	simm.s32 $0x1  }
.LBB2_1:
0x38: {  	[tilespmem:$0x3680] =	vst v0  }
0x39: {  	[tilespmem:$0x3690] =	vst v0  }
0x3a: {  	[tilespmem:$0x36A0] =	vst v0;
	s3 =	sld [smem:$0x7F5]  }
0x3b: {  	[tilespmem:$0x36B0] =	vst v0  }
0x3c: {  	[smem:$0x7EA] =	sst s9;
	[tilespmem:$0x36C0] =	vst v0;
	s4 =	simm.s32 $0x3680  }
0x3d: {  	[spmem:s3] =	stream.linear.scatter [tilespmem:s4], [sflag:$0x5], $0x50, $0x38;
	[tilespmem:$0x5010] =	vst v63  }
0x3e: {  	_ =	swait.ge [sflag:s6], $0x50  }
0x3f: {  	s9 =	sld [smem:$0x7F6]  }
0x40: {  	[sflag:s6] =	ssyncset.done $0x0  }
0x41: {  	[sflag:s6] =	ssyncadd.s32 $0xFFFFFFB0  }
0x42: {  	[spmem:s9] =	stream.linear.scatter [tilespmem:s4], [sflag:$0x5], $0x50, $0x38;
	[tilespmem:$0x5010] =	vst v63  }
0x43: {  	_ =	swait.ge [sflag:s6], $0x50  }
0x44: {  	[sflag:s6] =	ssyncset.done $0x0  }
0x45: {  	s11 =	rddreg [dreg:$0x1e];
	[sflag:s6] =	ssyncadd.s32 $0xFFFFFFB0  }
0x46: {  	[spmem:s11] =	stream.linear.scatter [tilespmem:s4], [sflag:$0x5], $0x50, $0x38;
	[tilespmem:$0x5010] =	vst v63  }
0x47: {  	_ =	swait.ge [sflag:s6], $0x50  }
0x48: {  	[sflag:s6] =	ssyncset.done $0x0  }
0x49: {  	s2 =	rddreg [dreg:$0x1f];
	[sflag:s6] =	ssyncadd.s32 $0xFFFFFFB0  }
0x4a: {  	[spmem:s2] =	stream.linear.scatter [tilespmem:s4], [sflag:$0x5], $0x50, $0x38;
	[tilespmem:$0x5010] =	vst v63  }
0x4b: {  	_ =	swait.ge [sflag:s6], $0x50  }
0x4c: {  	s9 =	sld [smem:$0x7EB]  }
0x4d: {  	[sflag:s6] =	ssyncset.done $0x0  }
0x4e: {  	[sflag:s6] =	ssyncadd.s32 $0xFFFFFFB0  }
0x4f: {  	[spmem:s9] =	stream.linear.scatter [tilespmem:s4], [sflag:$0x5], $0x50, $0x38;
	[tilespmem:$0x5010] =	vst v63  }
0x50: {  	_ =	swait.ge [sflag:s6], $0x50  }
0x51: {  	s11 =	sld [smem:$0x7EC]  }
0x52: {  	[sflag:s6] =	ssyncset.done $0x0  }
0x53: {  	[sflag:s6] =	ssyncadd.s32 $0xFFFFFFB0  }
0x54: {  	[spmem:s11] =	stream.linear.scatter [tilespmem:s4], [sflag:$0x5], $0x50, $0x38;
	[tilespmem:$0x5010] =	vst v63  }
0x55: {  	_ =	swait.ge [sflag:s6], $0x50  }
0x56: {  	s2 =	sld [smem:$0x7ED]  }
0x57: {  	[sflag:s6] =	ssyncset.done $0x0  }
0x58: {  	[sflag:s6] =	ssyncadd.s32 $0xFFFFFFB0  }
0x59: {  	[spmem:s2] =	stream.linear.scatter [tilespmem:s4], [sflag:$0x5], $0x50, $0x38;
	[tilespmem:$0x5010] =	vst v63  }
0x5a: {  	_ =	swait.ge [sflag:s6], $0x50  }
0x5b: {  	s9 =	sld [smem:$0x7EE]  }
0x5c: {  	[sflag:s6] =	ssyncset.done $0x0  }
0x5d: {  	[sflag:s6] =	ssyncadd.s32 $0xFFFFFFB0  }
0x5e: {  	[spmem:s9] =	stream.linear.scatter [tilespmem:s4], [sflag:$0x5], $0x50, $0x38;
	[tilespmem:$0x5010] =	vst v63  }
0x5f: {  	_ =	swait.ge [sflag:s6], $0x50  }
0x60: {  	s11 =	sld [smem:$0x7EF]  }
0x61: {  	[sflag:s6] =	ssyncset.done $0x0  }
0x62: {  	[sflag:s6] =	ssyncadd.s32 $0xFFFFFFB0  }
0x63: {  	[spmem:s11] =	stream.linear.scatter [tilespmem:s4], [sflag:$0x5], $0x50, $0x38;
	[tilespmem:$0x5010] =	vst v63  }
0x64: {  	_ =	swait.ge [sflag:s6], $0x50  }
0x65: {  	s2 =	sld [smem:$0x7F0]  }
0x66: {  	[sflag:s6] =	ssyncset.done $0x0  }
0x67: {  	[sflag:s6] =	ssyncadd.s32 $0xFFFFFFB0  }
0x68: {  	[spmem:s2] =	stream.linear.scatter [tilespmem:s4], [sflag:$0x5], $0x50, $0x38;
	[tilespmem:$0x5010] =	vst v63  }
0x69: {  	_ =	swait.ge [sflag:s6], $0x50  }
0x6a: {  	s9 =	sld [smem:$0x7F1]  }
0x6b: {  	[sflag:s6] =	ssyncset.done $0x0  }
0x6c: {  	[sflag:s6] =	ssyncadd.s32 $0xFFFFFFB0  }
0x6d: {  	[spmem:s9] =	stream.linear.scatter [tilespmem:s4], [sflag:$0x5], $0x50, $0x38;
	[tilespmem:$0x5010] =	vst v63  }
0x6e: {  	_ =	swait.ge [sflag:s6], $0x50  }
0x6f: {  	s11 =	sld [smem:$0x7F2]  }
0x70: {  	[sflag:s6] =	ssyncset.done $0x0  }
0x71: {  	[sflag:s6] =	ssyncadd.s32 $0xFFFFFFB0  }
0x72: {  	[spmem:s11] =	stream.linear.scatter [tilespmem:s4], [sflag:$0x5], $0x50, $0x38;
	[tilespmem:$0x5010] =	vst v63  }
0x73: {  	_ =	swait.ge [sflag:s6], $0x50  }
0x74: {  	s2 =	sld [smem:$0x7F3]  }
0x75: {  	[sflag:s6] =	ssyncset.done $0x0  }
0x76: {  	[sflag:s6] =	ssyncadd.s32 $0xFFFFFFB0  }
0x77: {  	[spmem:s2] =	stream.linear.scatter [tilespmem:s4], [sflag:$0x5], $0x50, $0x38;
	[tilespmem:$0x5010] =	vst v63  }
0x78: {  	_ =	swait.ge [sflag:s6], $0x50  }
0x79: {  	s9 =	sld [smem:$0x7F4]  }
0x7a: {  	[sflag:s6] =	ssyncset.done $0x0  }
0x7b: {  	[sflag:s6] =	ssyncadd.s32 $0xFFFFFFB0  }
0x7c: {  	[spmem:s9] =	stream.linear.scatter [tilespmem:s4], [sflag:$0x5], $0x50, $0x38;
	[tilespmem:$0x5010] =	vst v63  }
0x7d: {  	_ =	swait.ge [sflag:s6], $0x50  }
0x7e: {  	s11 =	sld [smem:$0x7F7]  }
0x7f: {  	[sflag:s6] =	ssyncset.done $0x0  }
0x80: {  	[sflag:s6] =	ssyncadd.s32 $0xFFFFFFB0  }
0x81: {  	[spmem:s11] =	stream.linear.scatter [tilespmem:s4], [sflag:$0x5], $0x50, $0x38;
	[tilespmem:$0x5010] =	vst v63  }
0x82: {  	_ =	swait.ge [sflag:s6], $0x50  }
0x83: {  	s2 =	sld [smem:$0x7F8]  }
0x84: {  	[sflag:s6] =	ssyncset.done $0x0  }
0x85: {  	[sflag:s6] =	ssyncadd.s32 $0xFFFFFFB0  }
0x86: {  	[spmem:s2] =	stream.linear.scatter [tilespmem:s4], [sflag:$0x5], $0x50, $0x38;
	[tilespmem:$0x5010] =	vst v63  }
0x87: {  	_ =	swait.ge [sflag:s6], $0x50  }
0x88: {  	[sflag:s6] =	ssyncset.done $0x0  }
0x89: {  	s4 =	rddreg [dreg:$0x11];
	[sflag:s6] =	ssyncadd.s32 $0xFFFFFFB0  }
0x8a: {  	[tilespmem:s0], [sflag:$0x5] =	stream.linear.gather [hbm4b:s4+s0], $0x2710, $0x38;
	[tilespmem:$0x5010] =	vst v63  }
0x8b: {  	_ =	swait.ge [sflag:s6], $0x2710  }
0x8c: {  	[sflag:s6] =	ssyncset.done $0x0  }
0x8d: {  	s3 =	simm.s32 @!p0 $0x3680;
	s9 =	simm.s32 @!p0 $0x5;
	[sflag:s6] =	ssyncadd.s32 $0xFFFFD8F0  }
0x8e: {  	[spmem:s20] =	stream.linear.scatter @!p0 [tilespmem:s3], [sflag:$0x5], $0x40, $0x38;
	[tilespmem:$0x5010] =	vst v63  }
0x8f: {  	_ =	swait.ge @!p0 [sflag:s9], $0x40  }
0x90: {  	[sflag:s9] =	ssyncset.done @!p0 $0x0  }
0x91: {  	[sflag:s9] =	ssyncadd.s32 @!p0 $0xFFFFFFC0  }
0x92: {  	[spmem:s22] =	stream.linear.scatter @!p0 [tilespmem:s3], [sflag:$0x5], $0x40, $0x38;
	[tilespmem:$0x5010] =	vst v63  }
0x93: {  	_ =	swait.ge @!p0 [sflag:s9], $0x40  }
0x94: {  	[sflag:s9] =	ssyncset.done @!p0 $0x0  }
0x95: {  	[sflag:s9] =	ssyncadd.s32 @!p0 $0xFFFFFFC0  }
0x96: {  	[bflag:$0x0] =	sbarrier.arrive $0xFFFF  }
0x97: {  	s2 =	simm.s32 $0x3180;
	s6 =	rddreg [dreg:$0x12]  }
0x98: {  	[tilespmem:s2], [sflag:$0x1] =	stream.linear.gather [hbm4b:s6+s0], $0x50, $0x38;
	[tilespmem:$0x5010] =	vst v63  }
0x99: {  	_ = 	snop  }
0x9a: {  	[tilespmem:s5], [sflag:$0x1] =	stream.indirect.gather [hbm4b:s30+s24], $0x1, s0, s24, $0xb8;
	[tilespmem:$0x5010] =	vst v63  }
0x9b: {  	s4 =	simm.s32 $0x2C80;
	s9 =	sld [smem:$0x7FA]  }
0x9c: {  	[tilespmem:s4], [sflag:$0x1] =	stream.indirect.gather [hbm4b:s8+s24], $0x1, s0, s24, $0xb8;
	[tilespmem:$0x5010] =	vst v63  }
0x9d: {  	_ = 	snop  }
0x9e: {  	[tilespmem:s28], [sflag:$0x1] =	stream.linear.gather [hbm4b:s9+s0], $0x50, $0x38;
	[tilespmem:$0x5010] =	vst v63  }
0x9f: {  	_ = 	snop  }
0xa0: {  	[tilespmem:s29], [sflag:$0x1] =	stream.indirect.gather [hbm4b:s30+s24], $0x1, s24, s24, $0xb8;
	[tilespmem:$0x5010] =	vst v63  }
0xa1: {  	s11 =	sld [smem:$0x7FB]  }
0xa2: {  	[tilespmem:s26], [sflag:$0x1] =	stream.indirect.gather [hbm4b:s8+s24], $0x1, s24, s24, $0xb8;
	[tilespmem:$0x5010] =	vst v63  }
0xa3: {  	_ = 	snop  }
0xa4: {  	[tilespmem:s31], [sflag:$0x1] =	stream.linear.gather [hbm4b:s11+s0], $0x50, $0x38;
	[tilespmem:$0x5010] =	vst v63  }
0xa5: {  	s20 =	simm.s32 $0xA0  }
0xa6: {  	[tilespmem:s12], [sflag:$0x1] =	stream.indirect.gather [hbm4b:s30+s24], $0x1, s20, s24, $0xb8;
	[tilespmem:$0x5010] =	vst v63  }
0xa7: {  	s22 =	sld [smem:$0x7FC]  }
0xa8: {  	[tilespmem:s25], [sflag:$0x1] =	stream.indirect.gather [hbm4b:s8+s24], $0x1, s20, s24, $0xb8;
	[tilespmem:$0x5010] =	vst v63  }
0xa9: {  	_ = 	snop  }
0xaa: {  	[tilespmem:s10], [sflag:$0x1] =	stream.linear.gather [hbm4b:s22+s0], $0x50, $0x38;
	[tilespmem:$0x5010] =	vst v63  }
0xab: {  	s6 =	simm.s32 $0xF0  }
0xac: {  	[tilespmem:s7], [sflag:$0x1] =	stream.indirect.gather [hbm4b:s30+s24], $0x1, s6, s24, $0xb8;
	[tilespmem:$0x5010] =	vst v63  }
0xad: {  	s9 =	sld [smem:$0x7FD]  }
0xae: {  	[tilespmem:s14], [sflag:$0x1] =	stream.indirect.gather [hbm4b:s8+s24], $0x1, s6, s24, $0xb8;
	[tilespmem:$0x5010] =	vst v63  }
0xaf: {  	_ = 	snop  }
0xb0: {  	[tilespmem:s23], [sflag:$0x1] =	stream.linear.gather [hbm4b:s9+s0], $0x50, $0x38;
	[tilespmem:$0x5010] =	vst v63  }
0xb1: {  	s11 =	simm.s32 $0x140  }
0xb2: {  	[tilespmem:s16], [sflag:$0x1] =	stream.indirect.gather [hbm4b:s30+s24], $0x1, s11, s24, $0xb8;
	[tilespmem:$0x5010] =	vst v63  }
0xb3: {  	_ = 	snop  }
0xb4: {  	[tilespmem:s13], [sflag:$0x1] =	stream.indirect.gather [hbm4b:s8+s24], $0x1, s11, s24, $0xb8;
	[tilespmem:$0x5010] =	vst v63  }
0xb5: {  	_ =	swait.ge [sflag:s18], $0x50  }
0xb6: {  	[sflag:s18] =	ssyncset.done $0x0  }
0xb7: {  	[sflag:s18] =	ssyncadd.s32 $0xFFFFFFB0  }
0xb8: {  	_ =	swait.ge [sflag:s18], $0x50  }
0xb9: {  	[sflag:s18] =	ssyncset.done $0x0  }
0xba: {  	[sflag:s18] =	ssyncadd.s32 $0xFFFFFFB0  }
0xbb: {  	_ =	swait.ge [sflag:s18], $0x50  }
0xbc: {  	[sflag:s18] =	ssyncset.done $0x0  }
0xbd: {  	[sflag:s18] =	ssyncadd.s32 $0xFFFFFFB0  }
0xbe: {  	_ =	swait.ge [sflag:s18], $0x50  }
0xbf: {  	[sflag:s18] =	ssyncset.done $0x0  }
0xc0: {  	[sflag:s18] =	ssyncadd.s32 $0xFFFFFFB0  }
0xc1: {  	_ =	swait.ge [sflag:s18], $0x50  }
0xc2: {  	[sflag:s18] =	ssyncset.done $0x0  }
0xc3: {  	[sflag:s18] =	ssyncadd.s32 $0xFFFFFFB0  }
0xc4: {  	_ =	swait.ge [sflag:s18], $0x50  }
0xc5: {  	[sflag:s18] =	ssyncset.done $0x0  }
0xc6: {  	[sflag:s18] =	ssyncadd.s32 $0xFFFFFFB0  }
0xc7: {  	_ =	swait.ge [sflag:s18], $0x50  }
0xc8: {  	[sflag:s18] =	ssyncset.done $0x0  }
0xc9: {  	[sflag:s18] =	ssyncadd.s32 $0xFFFFFFB0  }
0xca: {  	_ =	swait.ge [sflag:s18], $0x50  }
0xcb: {  	[sflag:s18] =	ssyncset.done $0x0  }
0xcc: {  	[sflag:s18] =	ssyncadd.s32 $0xFFFFFFB0  }
0xcd: {  	_ =	swait.ge [sflag:s18], $0x50  }
0xce: {  	[sflag:s18] =	ssyncset.done $0x0  }
0xcf: {  	[sflag:s18] =	ssyncadd.s32 $0xFFFFFFB0  }
0xd0: {  	_ =	swait.ge [sflag:s18], $0x50  }
0xd1: {  	[sflag:s18] =	ssyncset.done $0x0  }
0xd2: {  	[sflag:s18] =	ssyncadd.s32 $0xFFFFFFB0  }
0xd3: {  	_ =	swait.ge [sflag:s18], $0x50  }
0xd4: {  	[sflag:s18] =	ssyncset.done $0x0  }
0xd5: {  	[sflag:s18] =	ssyncadd.s32 $0xFFFFFFB0  }
0xd6: {  	_ =	swait.ge [sflag:s18], $0x50  }
0xd7: {  	[sflag:s18] =	ssyncset.done $0x0  }
0xd8: {  	[sflag:s18] =	ssyncadd.s32 $0xFFFFFFB0  }
0xd9: {  	_ =	swait.ge [sflag:s18], $0x50  }
0xda: {  	[sflag:s18] =	ssyncset.done $0x0  }
0xdb: {  	[sflag:s18] =	ssyncadd.s32 $0xFFFFFFB0  }
0xdc: {  	_ =	swait.ge [sflag:s18], $0x50  }
0xdd: {  	[sflag:s18] =	ssyncset.done $0x0  }
0xde: {  	[sflag:s18] =	ssyncadd.s32 $0xFFFFFFB0  }
0xdf: {  	_ =	swait.ge [sflag:s18], $0x50  }
0xe0: {  	[sflag:s18] =	ssyncset.done $0x0  }
0xe1: {  	[sflag:s18] =	ssyncadd.s32 $0xFFFFFFB0  }
0xe2: {  	[spmem:s1] =	stream.indirect.scatter.add.f32 [tilespmem:s5], [sflag:$0x3], $0x1, s2, s24, $0xb8;
	[tilespmem:$0x5010] =	vst v63  }
0xe3: {  	_ = 	snop  }
0xe4: {  	[spmem:s21] =	stream.indirect.scatter.add.f32 [tilespmem:s4], [sflag:$0x3], $0x1, s2, s24, $0xb8;
	[tilespmem:$0x5010] =	vst v63  }
0xe5: {  	_ = 	snop  }
0xe6: {  	[spmem:s1] =	stream.indirect.scatter.add.f32 [tilespmem:s29], [sflag:$0x3], $0x1, s28, s24, $0xb8;
	[tilespmem:$0x5010] =	vst v63  }
0xe7: {  	_ = 	snop  }
0xe8: {  	[spmem:s21] =	stream.indirect.scatter.add.f32 [tilespmem:s26], [sflag:$0x3], $0x1, s28, s24, $0xb8;
	[tilespmem:$0x5010] =	vst v63  }
0xe9: {  	_ = 	snop  }
0xea: {  	[spmem:s1] =	stream.indirect.scatter.add.f32 [tilespmem:s12], [sflag:$0x3], $0x1, s31, s24, $0xb8;
	[tilespmem:$0x5010] =	vst v63  }
0xeb: {  	_ = 	snop  }
0xec: {  	[spmem:s21] =	stream.indirect.scatter.add.f32 [tilespmem:s25], [sflag:$0x3], $0x1, s31, s24, $0xb8;
	[tilespmem:$0x5010] =	vst v63  }
0xed: {  	_ = 	snop  }
0xee: {  	[spmem:s1] =	stream.indirect.scatter.add.f32 [tilespmem:s7], [sflag:$0x3], $0x1, s10, s24, $0xb8;
	[tilespmem:$0x5010] =	vst v63  }
0xef: {  	_ = 	snop  }
0xf0: {  	[spmem:s21] =	stream.indirect.scatter.add.f32 [tilespmem:s14], [sflag:$0x3], $0x1, s10, s24, $0xb8;
	[tilespmem:$0x5010] =	vst v63  }
0xf1: {  	s11 =	rddreg [dreg:$0x10]  }
0xf2: {  	[spmem:s1] =	stream.indirect.scatter.add.f32 [tilespmem:s16], [sflag:$0x3], $0x1, s23, s24, $0xb8;
	[tilespmem:$0x5010] =	vst v63  }
0xf3: {  	s14 =	rddreg [dreg:$0xf]  }
0xf4: {  	[spmem:s21] =	stream.indirect.scatter.add.f32 [tilespmem:s13], [sflag:$0x3], $0x1, s23, s24, $0xb8;
	[tilespmem:$0x5010] =	vst v63  }
0xf5: {  	s22 =	simm.s32 $0x3400;
	s3 =	sadd.s32 s11, s14  }
0xf6: {  	[tilespmem:s22], [sflag:$0x2] =	stream.linear.gather [hbm4b:s3+s0], $0x50, $0x38;
	[tilespmem:$0x5010] =	vst v63  }
0xf7: {  	s16 =	simm.s32 $0x190;
	s21 =	simm.s32 $0x2A00  }
0xf8: {  	[tilespmem:s21], [sflag:$0x2] =	stream.indirect.gather [hbm4b:s30+s24], $0x1, s16, s24, $0xb8;
	[tilespmem:$0x5010] =	vst v63  }
0xf9: {  	s20 =	rddreg [dreg:$0xe];
	s23 =	simm.s32 $0x2F00  }
0xfa: {  	[tilespmem:s23], [sflag:$0x2] =	stream.indirect.gather [hbm4b:s8+s24], $0x1, s16, s24, $0xb8;
	[tilespmem:$0x5010] =	vst v63  }
0xfb: {  	s25 =	sadd.s32 s11, s20;
	s13 =	simm.s32 $0x3480  }
0xfc: {  	[tilespmem:s13], [sflag:$0x2] =	stream.linear.gather [hbm4b:s25+s0], $0x50, $0x38;
	[tilespmem:$0x5010] =	vst v63  }
0xfd: {  	s29 =	simm.s32 $0x2A80;
	s26 =	simm.s32 $0x1E0  }
0xfe: {  	[tilespmem:s29], [sflag:$0x2] =	stream.indirect.gather [hbm4b:s30+s24], $0x1, s26, s24, $0xb8;
	[tilespmem:$0x5010] =	vst v63  }
0xff: {  	s28 =	rddreg [dreg:$0xd];
	s31 =	simm.s32 $0x2F80  }
0x100: {  	[tilespmem:s31], [sflag:$0x2] =	stream.indirect.gather [hbm4b:s8+s24], $0x1, s26, s24, $0xb8;
	[tilespmem:$0x5010] =	vst v63  }
0x101: {  	s4 =	sadd.s32 s11, s28;
	s21 =	simm.s32 $0x3500  }
0x102: {  	[tilespmem:s21], [sflag:$0x2] =	stream.linear.gather [hbm4b:s4+s0], $0x50, $0x38;
	[tilespmem:$0x5010] =	vst v63  }
0x103: {  	s6 =	simm.s32 $0x230;
	s10 =	simm.s32 $0x2B00  }
0x104: {  	[tilespmem:s10], [sflag:$0x2] =	stream.indirect.gather [hbm4b:s30+s24], $0x1, s6, s24, $0xb8;
	[tilespmem:$0x5010] =	vst v63  }
0x105: {  	s12 =	simm.s32 $0x3000;
	s7 =	rddreg [dreg:$0xc]  }
0x106: {  	[tilespmem:s12], [sflag:$0x2] =	stream.indirect.gather [hbm4b:s8+s24], $0x1, s6, s24, $0xb8;
	[tilespmem:$0x5010] =	vst v63  }
0x107: {  	s14 =	sadd.s32 s11, s7;
	s16 =	simm.s32 $0x3580  }
0x108: {  	[tilespmem:s16], [sflag:$0x2] =	stream.linear.gather [hbm4b:s14+s0], $0x50, $0x38;
	[tilespmem:$0x5010] =	vst v63  }
0x109: {  	s20 =	simm.s32 $0x280;
	s25 =	simm.s32 $0x2B80  }
0x10a: {  	[tilespmem:s25], [sflag:$0x2] =	stream.indirect.gather [hbm4b:s30+s24], $0x1, s20, s24, $0xb8;
	[tilespmem:$0x5010] =	vst v63  }
0x10b: {  	s23 =	rddreg [dreg:$0xb];
	s26 =	simm.s32 $0x3080  }
0x10c: {  	[tilespmem:s26], [sflag:$0x2] =	stream.indirect.gather [hbm4b:s8+s24], $0x1, s20, s24, $0xb8;
	[tilespmem:$0x5010] =	vst v63  }
0x10d: {  	s7 =	sadd.s32 s11, s23;
	s12 =	simm.s32 $0x3600  }
0x10e: {  	[tilespmem:s12], [sflag:$0x2] =	stream.linear.gather [hbm4b:s7+s0], $0x50, $0x38;
	[tilespmem:$0x5010] =	vst v63  }
0x10f: {  	s9 =	simm.s32 $0x2C00;
	s3 =	simm.s32 $0x2D0  }
0x110: {  	[tilespmem:s9], [sflag:$0x2] =	stream.indirect.gather [hbm4b:s30+s24], $0x1, s3, s24, $0xb8;
	[tilespmem:$0x5010] =	vst v63  }
0x111: {  	s9 =	simm.s32 $0x3100  }
0x112: {  	[tilespmem:s9], [sflag:$0x2] =	stream.indirect.gather [hbm4b:s8+s24], $0x1, s3, s24, $0xb8;
	[tilespmem:$0x5010] =	vst v63  }
0x113: {  	_ =	swait.ge [sflag:s15], $0x50  }
0x114: {  	[sflag:s15] =	ssyncset.done $0x0  }
0x115: {  	[sflag:s15] =	ssyncadd.s32 $0xFFFFFFB0  }
0x116: {  	_ =	swait.ge [sflag:s15], $0x50  }
0x117: {  	[sflag:s15] =	ssyncset.done $0x0  }
0x118: {  	[sflag:s15] =	ssyncadd.s32 $0xFFFFFFB0  }
0x119: {  	_ =	swait.ge [sflag:s15], $0x50  }
0x11a: {  	[sflag:s15] =	ssyncset.done $0x0  }
0x11b: {  	[sflag:s15] =	ssyncadd.s32 $0xFFFFFFB0  }
0x11c: {  	_ =	swait.ge [sflag:s15], $0x50  }
0x11d: {  	[sflag:s15] =	ssyncset.done $0x0  }
0x11e: {  	[sflag:s15] =	ssyncadd.s32 $0xFFFFFFB0  }
0x11f: {  	_ =	swait.ge [sflag:s15], $0x50  }
0x120: {  	[sflag:s15] =	ssyncset.done $0x0  }
0x121: {  	[sflag:s15] =	ssyncadd.s32 $0xFFFFFFB0  }
0x122: {  	_ =	swait.ge [sflag:s15], $0x50  }
0x123: {  	[sflag:s15] =	ssyncset.done $0x0  }
0x124: {  	[sflag:s15] =	ssyncadd.s32 $0xFFFFFFB0  }
0x125: {  	_ =	swait.ge [sflag:s15], $0x50  }
0x126: {  	[sflag:s15] =	ssyncset.done $0x0  }
0x127: {  	[sflag:s15] =	ssyncadd.s32 $0xFFFFFFB0  }
0x128: {  	_ =	swait.ge [sflag:s15], $0x50  }
0x129: {  	[sflag:s15] =	ssyncset.done $0x0  }
0x12a: {  	[sflag:s15] =	ssyncadd.s32 $0xFFFFFFB0  }
0x12b: {  	_ =	swait.ge [sflag:s15], $0x50  }
0x12c: {  	[sflag:s15] =	ssyncset.done $0x0  }
0x12d: {  	[sflag:s15] =	ssyncadd.s32 $0xFFFFFFB0  }
0x12e: {  	_ =	swait.ge [sflag:s15], $0x50  }
0x12f: {  	s4 =	sld [smem:$0x7F9];
	_ =	sdelay $0x2  }
0x130: {  	[sflag:s15] =	ssyncset.done $0x0;
	s9 =	sshrl.u32 s4, $0x3  }
0x131: {  	[sflag:s15] =	ssyncadd.s32 $0xFFFFFFB0;
	s3 =	sadd.s32 s11, s9  }
0x132: {  	[tilespmem:s2], [sflag:$0x1] =	stream.linear.gather [hbm4b:s3+s0], $0x50, $0x38;
	[tilespmem:$0x5010] =	vst v63  }
0x133: {  	s9 =	simm.s32 $0x320  }
0x134: {  	[tilespmem:s5], [sflag:$0x1] =	stream.indirect.gather [hbm4b:s30+s24], $0x1, s9, s24, $0xb8;
	[tilespmem:$0x5010] =	vst v63  }
0x135: {  	s28 =	simm.s32 $0x2C80;
	s2 =	rddreg [dreg:$0x7]  }
0x136: {  	[tilespmem:s28], [sflag:$0x1] =	stream.indirect.gather [hbm4b:s8+s24], $0x1, s9, s24, $0xb8;
	[tilespmem:$0x5010] =	vst v63  }
0x137: {  	s6 =	simm.s32 $0x3200;
	s5 =	sadd.s32 s11, s2  }
0x138: {  	[tilespmem:s6], [sflag:$0x1] =	stream.linear.gather [hbm4b:s5+s0], $0x50, $0x38;
	[tilespmem:$0x5010] =	vst v63  }
0x139: {  	s23 =	simm.s32 $0x2800;
	s9 =	simm.s32 $0x370  }
0x13a: {  	[tilespmem:s23], [sflag:$0x1] =	stream.indirect.gather [hbm4b:s30+s24], $0x1, s9, s24, $0xb8;
	[tilespmem:$0x5010] =	vst v63  }
0x13b: {  	s25 =	simm.s32 $0x2D00;
	s28 =	rddreg [dreg:$0x8]  }
0x13c: {  	[tilespmem:s25], [sflag:$0x1] =	stream.indirect.gather [hbm4b:s8+s24], $0x1, s9, s24, $0xb8;
	[tilespmem:$0x5010] =	vst v63  }
0x13d: {  	s29 =	simm.s32 $0x3280;
	s2 =	sadd.s32 s11, s28  }
0x13e: {  	[tilespmem:s29], [sflag:$0x1] =	stream.linear.gather [hbm4b:s2+s0], $0x50, $0x38;
	[tilespmem:$0x5010] =	vst v63  }
0x13f: {  	s14 =	simm.s32 $0x2880;
	s5 =	simm.s32 $0x3C0  }
0x140: {  	[tilespmem:s14], [sflag:$0x1] =	stream.indirect.gather [hbm4b:s30+s24], $0x1, s5, s24, $0xb8;
	[tilespmem:$0x5010] =	vst v63  }
0x141: {  	s10 =	simm.s32 $0x2D80;
	s6 =	rddreg [dreg:$0x9]  }
0x142: {  	[tilespmem:s10], [sflag:$0x1] =	stream.indirect.gather [hbm4b:s8+s24], $0x1, s5, s24, $0xb8;
	[tilespmem:$0x5010] =	vst v63  }
0x143: {  	s7 =	simm.s32 $0x3300;
	s14 =	sadd.s32 s11, s6  }
0x144: {  	[tilespmem:s7], [sflag:$0x1] =	stream.linear.gather [hbm4b:s14+s0], $0x50, $0x38;
	[tilespmem:$0x5010] =	vst v63  }
0x145: {  	s28 =	simm.s32 $0x2900;
	s23 =	simm.s32 $0x410  }
0x146: {  	[tilespmem:s28], [sflag:$0x1] =	stream.indirect.gather [hbm4b:s30+s24], $0x1, s23, s24, $0xb8;
	[tilespmem:$0x5010] =	vst v63  }
0x147: {  	s26 =	simm.s32 $0x2E00;
	s25 =	rddreg [dreg:$0xa]  }
0x148: {  	[tilespmem:s26], [sflag:$0x1] =	stream.indirect.gather [hbm4b:s8+s24], $0x1, s23, s24, $0xb8;
	[tilespmem:$0x5010] =	vst v63  }
0x149: {  	s20 =	simm.s32 $0x3380;
	s29 =	sadd.s32 s11, s25  }
0x14a: {  	[tilespmem:s20], [sflag:$0x1] =	stream.linear.gather [hbm4b:s29+s0], $0x50, $0x38;
	[tilespmem:$0x5010] =	vst v63  }
0x14b: {  	s31 =	simm.s32 $0x2980;
	s0 =	simm.s32 $0x460  }
0x14c: {  	[tilespmem:s31], [sflag:$0x1] =	stream.indirect.gather [hbm4b:s30+s24], $0x1, s0, s24, $0xb8;
	[tilespmem:$0x5010] =	vst v63  }
0x14d: {  	s2 =	simm.s32 $0x2E80  }
0x14e: {  	[tilespmem:s2], [sflag:$0x1] =	stream.indirect.gather [hbm4b:s8+s24], $0x1, s0, s24, $0xb8;
	[tilespmem:$0x5010] =	vst v63  }
0x14f: {  	_ =	swait.ge [sflag:s17], $0x50  }
0x150: {  	[sflag:s17] =	ssyncset.done $0x0  }
0x151: {  	[sflag:s17] =	ssyncadd.s32 $0xFFFFFFB0  }
0x152: {  	_ =	swait.ge [sflag:s17], $0x50  }
0x153: {  	[sflag:s17] =	ssyncset.done $0x0  }
0x154: {  	[sflag:s17] =	ssyncadd.s32 $0xFFFFFFB0  }
0x155: {  	_ =	swait.ge [sflag:s17], $0x50  }
0x156: {  	[sflag:s17] =	ssyncset.done $0x0  }
0x157: {  	[sflag:s17] =	ssyncadd.s32 $0xFFFFFFB0  }
0x158: {  	_ =	swait.ge [sflag:s17], $0x50  }
0x159: {  	[sflag:s17] =	ssyncset.done $0x0  }
0x15a: {  	[sflag:s17] =	ssyncadd.s32 $0xFFFFFFB0  }
0x15b: {  	_ =	swait.ge [sflag:s17], $0x50  }
0x15c: {  	[sflag:s17] =	ssyncset.done $0x0  }
0x15d: {  	[sflag:s17] =	ssyncadd.s32 $0xFFFFFFB0  }
0x15e: {  	_ =	swait.ge [sflag:s17], $0x50  }
0x15f: {  	[sflag:s17] =	ssyncset.done $0x0  }
0x160: {  	[sflag:s17] =	ssyncadd.s32 $0xFFFFFFB0  }
0x161: {  	_ =	swait.ge [sflag:s17], $0x50  }
0x162: {  	[sflag:s17] =	ssyncset.done $0x0  }
0x163: {  	[sflag:s17] =	ssyncadd.s32 $0xFFFFFFB0  }
0x164: {  	_ =	swait.ge [sflag:s17], $0x50  }
0x165: {  	[sflag:s17] =	ssyncset.done $0x0  }
0x166: {  	[sflag:s17] =	ssyncadd.s32 $0xFFFFFFB0  }
0x167: {  	_ =	swait.ge [sflag:s17], $0x50  }
0x168: {  	[sflag:s17] =	ssyncset.done $0x0  }
0x169: {  	[sflag:s17] =	ssyncadd.s32 $0xFFFFFFB0  }
0x16a: {  	_ =	swait.ge [sflag:s17], $0x50  }
0x16b: {  	[sflag:s17] =	ssyncset.done $0x0  }
0x16c: {  	[sflag:s17] =	ssyncadd.s32 $0xFFFFFFB0  }
0x16d: {  	_ =	swait.ge [sflag:s17], $0x50  }
0x16e: {  	[sflag:s17] =	ssyncset.done $0x0  }
0x16f: {  	[sflag:s17] =	ssyncadd.s32 $0xFFFFFFB0  }
0x170: {  	_ =	swait.ge [sflag:s17], $0x50  }
0x171: {  	[sflag:s17] =	ssyncset.done $0x0  }
0x172: {  	[sflag:s17] =	ssyncadd.s32 $0xFFFFFFB0  }
0x173: {  	_ =	swait.ge [sflag:s17], $0x50  }
0x174: {  	[sflag:s17] =	ssyncset.done $0x0  }
0x175: {  	[sflag:s17] =	ssyncadd.s32 $0xFFFFFFB0  }
0x176: {  	_ =	swait.ge [sflag:s17], $0x50  }
0x177: {  	[sflag:s17] =	ssyncset.done $0x0  }
0x178: {  	[sflag:s17] =	ssyncadd.s32 $0xFFFFFFB0  }
0x179: {  	_ =	swait.ge [sflag:s17], $0x50  }
0x17a: {  	[sflag:s17] =	ssyncset.done $0x0  }
0x17b: {  	s5 =	simm.s32 $0x2A00;
	[sflag:s17] =	ssyncadd.s32 $0xFFFFFFB0  }
0x17c: {  	[spmem:s1] =	stream.indirect.scatter.add.f32 [tilespmem:s5], [sflag:$0x4], $0x1, s22, s24, $0xb8;
	[tilespmem:$0x5010] =	vst v63  }
0x17d: {  	s7 =	simm.s32 $0x2F00;
	s6 =	rddreg [dreg:$0x3]  }
0x17e: {  	[spmem:s6] =	stream.indirect.scatter.add.f32 [tilespmem:s7], [sflag:$0x4], $0x1, s22, s24, $0xb8;
	[tilespmem:$0x5010] =	vst v63  }
0x17f: {  	s9 =	simm.s32 $0x2A80  }
0x180: {  	[spmem:s1] =	stream.indirect.scatter.add.f32 [tilespmem:s9], [sflag:$0x4], $0x1, s13, s24, $0xb8;
	[tilespmem:$0x5010] =	vst v63  }
0x181: {  	s14 =	simm.s32 $0x2F80;
	s10 =	rddreg [dreg:$0x3]  }
0x182: {  	[spmem:s10] =	stream.indirect.scatter.add.f32 [tilespmem:s14], [sflag:$0x4], $0x1, s13, s24, $0xb8;
	[tilespmem:$0x5010] =	vst v63  }
0x183: {  	s20 =	simm.s32 $0x2B00  }
0x184: {  	[spmem:s1] =	stream.indirect.scatter.add.f32 [tilespmem:s20], [sflag:$0x4], $0x1, s21, s24, $0xb8;
	[tilespmem:$0x5010] =	vst v63  }
0x185: {  	s25 =	simm.s32 $0x3000;
	s23 =	rddreg [dreg:$0x3]  }
0x186: {  	[spmem:s23] =	stream.indirect.scatter.add.f32 [tilespmem:s25], [sflag:$0x4], $0x1, s21, s24, $0xb8;
	[tilespmem:$0x5010] =	vst v63  }
0x187: {  	s26 =	simm.s32 $0x2B80  }
0x188: {  	[spmem:s1] =	stream.indirect.scatter.add.f32 [tilespmem:s26], [sflag:$0x4], $0x1, s16, s24, $0xb8;
	[tilespmem:$0x5010] =	vst v63  }
0x189: {  	s28 =	simm.s32 $0x3080;
	s21 =	rddreg [dreg:$0x3]  }
0x18a: {  	[spmem:s21] =	stream.indirect.scatter.add.f32 [tilespmem:s28], [sflag:$0x4], $0x1, s16, s24, $0xb8;
	[tilespmem:$0x5010] =	vst v63  }
0x18b: {  	s29 =	simm.s32 $0x2C00  }
0x18c: {  	[spmem:s1] =	stream.indirect.scatter.add.f32 [tilespmem:s29], [sflag:$0x4], $0x1, s12, s24, $0xb8;
	[tilespmem:$0x5010] =	vst v63  }
0x18d: {  	s31 =	simm.s32 $0x3100  }
0x18e: {  	[spmem:s21] =	stream.indirect.scatter.add.f32 [tilespmem:s31], [sflag:$0x4], $0x1, s12, s24, $0xb8;
	[tilespmem:$0x5010] =	vst v63  }
0x18f: {  	_ =	swait.ge [sflag:s19], $0x50  }
0x190: {  	[sflag:s19] =	ssyncset.done $0x0  }
0x191: {  	[sflag:s19] =	ssyncadd.s32 $0xFFFFFFB0  }
0x192: {  	_ =	swait.ge [sflag:s19], $0x50  }
0x193: {  	[sflag:s19] =	ssyncset.done $0x0  }
0x194: {  	[sflag:s19] =	ssyncadd.s32 $0xFFFFFFB0  }
0x195: {  	_ =	swait.ge [sflag:s19], $0x50  }
0x196: {  	[sflag:s19] =	ssyncset.done $0x0  }
0x197: {  	[sflag:s19] =	ssyncadd.s32 $0xFFFFFFB0  }
0x198: {  	_ =	swait.ge [sflag:s19], $0x50  }
0x199: {  	[sflag:s19] =	ssyncset.done $0x0  }
0x19a: {  	[sflag:s19] =	ssyncadd.s32 $0xFFFFFFB0  }
0x19b: {  	_ =	swait.ge [sflag:s19], $0x50  }
0x19c: {  	[sflag:s19] =	ssyncset.done $0x0  }
0x19d: {  	[sflag:s19] =	ssyncadd.s32 $0xFFFFFFB0  }
0x19e: {  	_ =	swait.ge [sflag:s19], $0x50  }
0x19f: {  	[sflag:s19] =	ssyncset.done $0x0  }
0x1a0: {  	[sflag:s19] =	ssyncadd.s32 $0xFFFFFFB0  }
0x1a1: {  	_ =	swait.ge [sflag:s19], $0x50  }
0x1a2: {  	[sflag:s19] =	ssyncset.done $0x0  }
0x1a3: {  	[sflag:s19] =	ssyncadd.s32 $0xFFFFFFB0  }
0x1a4: {  	_ =	swait.ge [sflag:s19], $0x50  }
0x1a5: {  	[sflag:s19] =	ssyncset.done $0x0  }
0x1a6: {  	[sflag:s19] =	ssyncadd.s32 $0xFFFFFFB0  }
0x1a7: {  	_ =	swait.ge [sflag:s19], $0x50  }
0x1a8: {  	[sflag:s19] =	ssyncset.done $0x0  }
0x1a9: {  	[sflag:s19] =	ssyncadd.s32 $0xFFFFFFB0  }
0x1aa: {  	s9 =	smov.u32 s4;
	_ =	swait.ge [sflag:s19], $0x50  }
0x1ab: {  	s13 =	simm.s32 $0x0;
	s20 =	simm.s32 $0xC80;
	[sflag:s19] =	ssyncset.done $0x0  }
.LBB2_2:
0x1ac: {  	[sflag:s19] =	ssyncadd.s32 $0xFFFFFFB0  }
0x1ad: {  	_ =	swait.ge [sflag:s18], $0x50  }
0x1ae: {  	[sflag:s18] =	ssyncset.done $0x0  }
0x1af: {  	[sflag:s18] =	ssyncadd.s32 $0xFFFFFFB0  }
0x1b0: {  	_ =	swait.ge [sflag:s18], $0x50  }
0x1b1: {  	[sflag:s18] =	ssyncset.done $0x0  }
0x1b2: {  	[sflag:s18] =	ssyncadd.s32 $0xFFFFFFB0  }
0x1b3: {  	_ =	swait.ge [sflag:s18], $0x50  }
0x1b4: {  	[sflag:s18] =	ssyncset.done $0x0  }
0x1b5: {  	[sflag:s18] =	ssyncadd.s32 $0xFFFFFFB0  }
0x1b6: {  	_ =	swait.ge [sflag:s18], $0x50  }
0x1b7: {  	[sflag:s18] =	ssyncset.done $0x0  }
0x1b8: {  	[sflag:s18] =	ssyncadd.s32 $0xFFFFFFB0  }
0x1b9: {  	_ =	swait.ge [sflag:s18], $0x50  }
0x1ba: {  	[sflag:s18] =	ssyncset.done $0x0  }
0x1bb: {  	[sflag:s18] =	ssyncadd.s32 $0xFFFFFFB0  }
0x1bc: {  	_ =	swait.ge [sflag:s18], $0x50  }
0x1bd: {  	[sflag:s18] =	ssyncset.done $0x0  }
0x1be: {  	[sflag:s18] =	ssyncadd.s32 $0xFFFFFFB0  }
0x1bf: {  	_ =	swait.ge [sflag:s18], $0x50  }
0x1c0: {  	[sflag:s18] =	ssyncset.done $0x0  }
0x1c1: {  	[sflag:s18] =	ssyncadd.s32 $0xFFFFFFB0  }
0x1c2: {  	_ =	swait.ge [sflag:s18], $0x50  }
0x1c3: {  	[sflag:s18] =	ssyncset.done $0x0  }
0x1c4: {  	[sflag:s18] =	ssyncadd.s32 $0xFFFFFFB0  }
0x1c5: {  	_ =	swait.ge [sflag:s18], $0x50  }
0x1c6: {  	[sflag:s18] =	ssyncset.done $0x0  }
0x1c7: {  	[sflag:s18] =	ssyncadd.s32 $0xFFFFFFB0  }
0x1c8: {  	_ =	swait.ge [sflag:s18], $0x50  }
0x1c9: {  	[sflag:s18] =	ssyncset.done $0x0  }
0x1ca: {  	[sflag:s18] =	ssyncadd.s32 $0xFFFFFFB0  }
0x1cb: {  	_ =	swait.ge [sflag:s18], $0x50  }
0x1cc: {  	[sflag:s18] =	ssyncset.done $0x0  }
0x1cd: {  	[sflag:s18] =	ssyncadd.s32 $0xFFFFFFB0  }
0x1ce: {  	_ =	swait.ge [sflag:s18], $0x50  }
0x1cf: {  	[sflag:s18] =	ssyncset.done $0x0  }
0x1d0: {  	[sflag:s18] =	ssyncadd.s32 $0xFFFFFFB0  }
0x1d1: {  	_ =	swait.ge [sflag:s18], $0x50  }
0x1d2: {  	[sflag:s18] =	ssyncset.done $0x0  }
0x1d3: {  	[sflag:s18] =	ssyncadd.s32 $0xFFFFFFB0  }
0x1d4: {  	_ =	swait.ge [sflag:s18], $0x50  }
0x1d5: {  	[sflag:s18] =	ssyncset.done $0x0  }
0x1d6: {  	[sflag:s18] =	ssyncadd.s32 $0xFFFFFFB0  }
0x1d7: {  	_ =	swait.ge [sflag:s18], $0x50  }
0x1d8: {  	[sflag:s18] =	ssyncset.done $0x0  }
0x1d9: {  	s31 =	simm.s32 $0x3180;
	s7 =	simm.s32 $0x2780;
	[sflag:s18] =	ssyncadd.s32 $0xFFFFFFB0  }
0x1da: {  	[spmem:s1] =	stream.indirect.scatter.add.f32 [tilespmem:s7], [sflag:$0x3], $0x1, s31, s24, $0xb8;
	[tilespmem:$0x5010] =	vst v63  }
0x1db: {  	s5 =	simm.s32 $0x2C80  }
0x1dc: {  	[spmem:s21] =	stream.indirect.scatter.add.f32 [tilespmem:s5], [sflag:$0x3], $0x1, s31, s24, $0xb8;
	[tilespmem:$0x5010] =	vst v63  }
0x1dd: {  	s6 =	simm.s32 $0x2800;
	s2 =	simm.s32 $0x3200  }
0x1de: {  	[spmem:s1] =	stream.indirect.scatter.add.f32 [tilespmem:s6], [sflag:$0x3], $0x1, s2, s24, $0xb8;
	[tilespmem:$0x5010] =	vst v63  }
0x1df: {  	s25 =	simm.s32 $0x2D00  }
0x1e0: {  	[spmem:s21] =	stream.indirect.scatter.add.f32 [tilespmem:s25], [sflag:$0x3], $0x1, s2, s24, $0xb8;
	[tilespmem:$0x5010] =	vst v63  }
0x1e1: {  	s14 =	simm.s32 $0x3280;
	s23 =	simm.s32 $0x2880  }
0x1e2: {  	[spmem:s1] =	stream.indirect.scatter.add.f32 [tilespmem:s23], [sflag:$0x3], $0x1, s14, s24, $0xb8;
	[tilespmem:$0x5010] =	vst v63  }
0x1e3: {  	s12 =	simm.s32 $0x2D80  }
0x1e4: {  	[spmem:s21] =	stream.indirect.scatter.add.f32 [tilespmem:s12], [sflag:$0x3], $0x1, s14, s24, $0xb8;
	[tilespmem:$0x5010] =	vst v63  }
0x1e5: {  	s0 =	smov.u32 s1;
	s26 =	simm.s32 $0x2900;
	s1 =	simm.s32 $0x3300  }
0x1e6: {  	[spmem:s0] =	stream.indirect.scatter.add.f32 [tilespmem:s26], [sflag:$0x3], $0x1, s1, s24, $0xb8;
	[tilespmem:$0x5010] =	vst v63  }
0x1e7: {  	s29 =	simm.s32 $0x2E00  }
0x1e8: {  	[spmem:s21] =	stream.indirect.scatter.add.f32 [tilespmem:s29], [sflag:$0x3], $0x1, s1, s24, $0xb8;
	[tilespmem:$0x5010] =	vst v63  }
0x1e9: {  	s11 =	sadd.s32 $0x64, s11;
	s28 =	simm.s32 $0x3380;
	s16 =	simm.s32 $0x2980  }
0x1ea: {  	[spmem:s0] =	stream.indirect.scatter.add.f32 [tilespmem:s16], [sflag:$0x3], $0x1, s28, s24, $0xb8;
	[tilespmem:$0x5010] =	vst v63  }
0x1eb: {  	s3 =	smov.u32 s20;
	s10 =	simm.s32 $0x2E80;
	s4 =	rddreg [dreg:$0xf]  }
0x1ec: {  	[spmem:s21] =	stream.indirect.scatter.add.f32 [tilespmem:s10], [sflag:$0x3], $0x1, s28, s24, $0xb8;
	[tilespmem:$0x5010] =	vst v63  }
0x1ed: {  	s3 =	sshra.s32 s3, $0x2;
	s4 =	sadd.s32 s11, s4  }
0x1ee: {  	[tilespmem:s22], [sflag:$0x2] =	stream.linear.gather [hbm4b:s4+s13], $0x50, $0x38;
	[tilespmem:$0x5010] =	vst v63  }
0x1ef: {  	s21 =	simm.s32 $0x2A00;
	s4 =	sadd.s32 $0x190, s3  }
0x1f0: {  	[tilespmem:s21], [sflag:$0x2] =	stream.indirect.gather [hbm4b:s30+s24], $0x1, s4, s24, $0xb8;
	[tilespmem:$0x5010] =	vst v63  }
0x1f1: {  	s22 =	rddreg [dreg:$0xe];
	s21 =	simm.s32 $0x2F00  }
0x1f2: {  	[tilespmem:s21], [sflag:$0x2] =	stream.indirect.gather [hbm4b:s8+s24], $0x1, s4, s24, $0xb8;
	[tilespmem:$0x5010] =	vst v63  }
0x1f3: {  	s21 =	sadd.s32 s11, s22;
	s22 =	simm.s32 $0x3480  }
0x1f4: {  	[tilespmem:s22], [sflag:$0x2] =	stream.linear.gather [hbm4b:s21+s13], $0x50, $0x38;
	[tilespmem:$0x5010] =	vst v63  }
0x1f5: {  	s4 =	sadd.s32 $0x1E0, s3;
	s21 =	simm.s32 $0x2A80  }
0x1f6: {  	[tilespmem:s21], [sflag:$0x2] =	stream.indirect.gather [hbm4b:s30+s24], $0x1, s4, s24, $0xb8;
	[tilespmem:$0x5010] =	vst v63  }
0x1f7: {  	s22 =	rddreg [dreg:$0xd];
	s21 =	simm.s32 $0x2F80  }
0x1f8: {  	[tilespmem:s21], [sflag:$0x2] =	stream.indirect.gather [hbm4b:s8+s24], $0x1, s4, s24, $0xb8;
	[tilespmem:$0x5010] =	vst v63  }
0x1f9: {  	s22 =	sadd.s32 s11, s22;
	s21 =	simm.s32 $0x3500  }
0x1fa: {  	[tilespmem:s21], [sflag:$0x2] =	stream.linear.gather [hbm4b:s22+s13], $0x50, $0x38;
	[tilespmem:$0x5010] =	vst v63  }
0x1fb: {  	s10 =	simm.s32 $0x2B00;
	s4 =	sadd.s32 $0x230, s3  }
0x1fc: {  	[tilespmem:s10], [sflag:$0x2] =	stream.indirect.gather [hbm4b:s30+s24], $0x1, s4, s24, $0xb8;
	[tilespmem:$0x5010] =	vst v63  }
0x1fd: {  	s22 =	rddreg [dreg:$0xc];
	s10 =	simm.s32 $0x3000  }
0x1fe: {  	[tilespmem:s10], [sflag:$0x2] =	stream.indirect.gather [hbm4b:s8+s24], $0x1, s4, s24, $0xb8;
	[tilespmem:$0x5010] =	vst v63  }
0x1ff: {  	s10 =	sadd.s32 s11, s22;
	s22 =	simm.s32 $0x3580  }
0x200: {  	[tilespmem:s22], [sflag:$0x2] =	stream.linear.gather [hbm4b:s10+s13], $0x50, $0x38;
	[tilespmem:$0x5010] =	vst v63  }
0x201: {  	s4 =	sadd.s32 $0x280, s3;
	s10 =	simm.s32 $0x2B80  }
0x202: {  	[tilespmem:s10], [sflag:$0x2] =	stream.indirect.gather [hbm4b:s30+s24], $0x1, s4, s24, $0xb8;
	[tilespmem:$0x5010] =	vst v63  }
0x203: {  	s22 =	rddreg [dreg:$0xb];
	s10 =	simm.s32 $0x3080  }
0x204: {  	[tilespmem:s10], [sflag:$0x2] =	stream.indirect.gather [hbm4b:s8+s24], $0x1, s4, s24, $0xb8;
	[tilespmem:$0x5010] =	vst v63  }
0x205: {  	s22 =	sadd.s32 s11, s22;
	s10 =	simm.s32 $0x3600  }
0x206: {  	[tilespmem:s10], [sflag:$0x2] =	stream.linear.gather [hbm4b:s22+s13], $0x50, $0x38;
	[tilespmem:$0x5010] =	vst v63  }
0x207: {  	s4 =	sadd.s32 $0x2D0, s3;
	s22 =	simm.s32 $0x2C00  }
0x208: {  	[tilespmem:s22], [sflag:$0x2] =	stream.indirect.gather [hbm4b:s30+s24], $0x1, s4, s24, $0xb8;
	[tilespmem:$0x5010] =	vst v63  }
0x209: {  	s22 =	simm.s32 $0x3100  }
0x20a: {  	[tilespmem:s22], [sflag:$0x2] =	stream.indirect.gather [hbm4b:s8+s24], $0x1, s4, s24, $0xb8;
	[tilespmem:$0x5010] =	vst v63  }
0x20b: {  	_ =	swait.ge [sflag:s15], $0x50  }
0x20c: {  	[sflag:s15] =	ssyncset.done $0x0  }
0x20d: {  	[sflag:s15] =	ssyncadd.s32 $0xFFFFFFB0  }
0x20e: {  	_ =	swait.ge [sflag:s15], $0x50  }
0x20f: {  	[sflag:s15] =	ssyncset.done $0x0  }
0x210: {  	[sflag:s15] =	ssyncadd.s32 $0xFFFFFFB0  }
0x211: {  	_ =	swait.ge [sflag:s15], $0x50  }
0x212: {  	[sflag:s15] =	ssyncset.done $0x0  }
0x213: {  	[sflag:s15] =	ssyncadd.s32 $0xFFFFFFB0  }
0x214: {  	_ =	swait.ge [sflag:s15], $0x50  }
0x215: {  	[sflag:s15] =	ssyncset.done $0x0  }
0x216: {  	[sflag:s15] =	ssyncadd.s32 $0xFFFFFFB0  }
0x217: {  	_ =	swait.ge [sflag:s15], $0x50  }
0x218: {  	[sflag:s15] =	ssyncset.done $0x0  }
0x219: {  	[sflag:s15] =	ssyncadd.s32 $0xFFFFFFB0  }
0x21a: {  	_ =	swait.ge [sflag:s15], $0x50  }
0x21b: {  	[sflag:s15] =	ssyncset.done $0x0  }
0x21c: {  	[sflag:s15] =	ssyncadd.s32 $0xFFFFFFB0  }
0x21d: {  	_ =	swait.ge [sflag:s15], $0x50  }
0x21e: {  	[sflag:s15] =	ssyncset.done $0x0  }
0x21f: {  	[sflag:s15] =	ssyncadd.s32 $0xFFFFFFB0  }
0x220: {  	_ =	swait.ge [sflag:s15], $0x50  }
0x221: {  	[sflag:s15] =	ssyncset.done $0x0  }
0x222: {  	[sflag:s15] =	ssyncadd.s32 $0xFFFFFFB0  }
0x223: {  	_ =	swait.ge [sflag:s15], $0x50  }
0x224: {  	[sflag:s15] =	ssyncset.done $0x0  }
0x225: {  	[sflag:s15] =	ssyncadd.s32 $0xFFFFFFB0  }
0x226: {  	s9 =	sadd.s32 $0x320, s9;
	_ =	swait.ge [sflag:s15], $0x50  }
0x227: {  	s4 =	sshrl.u32 s9, $0x3;
	[sflag:s15] =	ssyncset.done $0x0;
	s22 =	rddreg [dreg:$0x10]  }
0x228: {  	[sflag:s15] =	ssyncadd.s32 $0xFFFFFFB0;
	s4 =	sadd.s32 s22, s4  }
0x229: {  	[tilespmem:s31], [sflag:$0x1] =	stream.linear.gather [hbm4b:s4+s13], $0x50, $0x38;
	[tilespmem:$0x5010] =	vst v63  }
0x22a: {  	s4 =	sadd.s32 $0x320, s3  }
0x22b: {  	[tilespmem:s7], [sflag:$0x1] =	stream.indirect.gather [hbm4b:s30+s24], $0x1, s4, s24, $0xb8;
	[tilespmem:$0x5010] =	vst v63  }
0x22c: {  	s22 =	rddreg [dreg:$0x7]  }
0x22d: {  	[tilespmem:s5], [sflag:$0x1] =	stream.indirect.gather [hbm4b:s8+s24], $0x1, s4, s24, $0xb8;
	[tilespmem:$0x5010] =	vst v63  }
0x22e: {  	s7 =	sadd.s32 s11, s22  }
0x22f: {  	[tilespmem:s2], [sflag:$0x1] =	stream.linear.gather [hbm4b:s7+s13], $0x50, $0x38;
	[tilespmem:$0x5010] =	vst v63  }
0x230: {  	s22 =	sadd.s32 $0x370, s3  }
0x231: {  	[tilespmem:s6], [sflag:$0x1] =	stream.indirect.gather [hbm4b:s30+s24], $0x1, s22, s24, $0xb8;
	[tilespmem:$0x5010] =	vst v63  }
0x232: {  	s2 =	rddreg [dreg:$0x8]  }
0x233: {  	[tilespmem:s25], [sflag:$0x1] =	stream.indirect.gather [hbm4b:s8+s24], $0x1, s22, s24, $0xb8;
	[tilespmem:$0x5010] =	vst v63  }
0x234: {  	s5 =	sadd.s32 s11, s2  }
0x235: {  	[tilespmem:s14], [sflag:$0x1] =	stream.linear.gather [hbm4b:s5+s13], $0x50, $0x38;
	[tilespmem:$0x5010] =	vst v63  }
0x236: {  	s6 =	sadd.s32 $0x3C0, s3  }
0x237: {  	[tilespmem:s23], [sflag:$0x1] =	stream.indirect.gather [hbm4b:s30+s24], $0x1, s6, s24, $0xb8;
	[tilespmem:$0x5010] =	vst v63  }
0x238: {  	s7 =	rddreg [dreg:$0x9]  }
0x239: {  	[tilespmem:s12], [sflag:$0x1] =	stream.indirect.gather [hbm4b:s8+s24], $0x1, s6, s24, $0xb8;
	[tilespmem:$0x5010] =	vst v63  }
0x23a: {  	s14 =	sadd.s32 s11, s7  }
0x23b: {  	[tilespmem:s1], [sflag:$0x1] =	stream.linear.gather [hbm4b:s14+s13], $0x50, $0x38;
	[tilespmem:$0x5010] =	vst v63  }
0x23c: {  	s22 =	sadd.s32 $0x410, s3  }
0x23d: {  	[tilespmem:s26], [sflag:$0x1] =	stream.indirect.gather [hbm4b:s30+s24], $0x1, s22, s24, $0xb8;
	[tilespmem:$0x5010] =	vst v63  }
0x23e: {  	s25 =	rddreg [dreg:$0xa]  }
0x23f: {  	[tilespmem:s29], [sflag:$0x1] =	stream.indirect.gather [hbm4b:s8+s24], $0x1, s22, s24, $0xb8;
	[tilespmem:$0x5010] =	vst v63  }
0x240: {  	s2 =	sadd.s32 s11, s25  }
0x241: {  	[tilespmem:s28], [sflag:$0x1] =	stream.linear.gather [hbm4b:s2+s13], $0x50, $0x38;
	[tilespmem:$0x5010] =	vst v63  }
0x242: {  	s3 =	sadd.s32 $0x460, s3  }
0x243: {  	[tilespmem:s16], [sflag:$0x1] =	stream.indirect.gather [hbm4b:s30+s24], $0x1, s3, s24, $0xb8;
	[tilespmem:$0x5010] =	vst v63  }
0x244: {  	s5 =	simm.s32 $0x2E80  }
0x245: {  	[tilespmem:s5], [sflag:$0x1] =	stream.indirect.gather [hbm4b:s8+s24], $0x1, s3, s24, $0xb8;
	[tilespmem:$0x5010] =	vst v63  }
0x246: {  	_ =	swait.ge [sflag:s17], $0x50  }
0x247: {  	[sflag:s17] =	ssyncset.done $0x0  }
0x248: {  	[sflag:s17] =	ssyncadd.s32 $0xFFFFFFB0  }
0x249: {  	_ =	swait.ge [sflag:s17], $0x50  }
0x24a: {  	[sflag:s17] =	ssyncset.done $0x0  }
0x24b: {  	[sflag:s17] =	ssyncadd.s32 $0xFFFFFFB0  }
0x24c: {  	_ =	swait.ge [sflag:s17], $0x50  }
0x24d: {  	[sflag:s17] =	ssyncset.done $0x0  }
0x24e: {  	[sflag:s17] =	ssyncadd.s32 $0xFFFFFFB0  }
0x24f: {  	_ =	swait.ge [sflag:s17], $0x50  }
0x250: {  	[sflag:s17] =	ssyncset.done $0x0  }
0x251: {  	[sflag:s17] =	ssyncadd.s32 $0xFFFFFFB0  }
0x252: {  	_ =	swait.ge [sflag:s17], $0x50  }
0x253: {  	[sflag:s17] =	ssyncset.done $0x0  }
0x254: {  	[sflag:s17] =	ssyncadd.s32 $0xFFFFFFB0  }
0x255: {  	_ =	swait.ge [sflag:s17], $0x50  }
0x256: {  	[sflag:s17] =	ssyncset.done $0x0  }
0x257: {  	[sflag:s17] =	ssyncadd.s32 $0xFFFFFFB0  }
0x258: {  	_ =	swait.ge [sflag:s17], $0x50  }
0x259: {  	[sflag:s17] =	ssyncset.done $0x0  }
0x25a: {  	[sflag:s17] =	ssyncadd.s32 $0xFFFFFFB0  }
0x25b: {  	_ =	swait.ge [sflag:s17], $0x50  }
0x25c: {  	[sflag:s17] =	ssyncset.done $0x0  }
0x25d: {  	[sflag:s17] =	ssyncadd.s32 $0xFFFFFFB0  }
0x25e: {  	_ =	swait.ge [sflag:s17], $0x50  }
0x25f: {  	[sflag:s17] =	ssyncset.done $0x0  }
0x260: {  	[sflag:s17] =	ssyncadd.s32 $0xFFFFFFB0  }
0x261: {  	_ =	swait.ge [sflag:s17], $0x50  }
0x262: {  	[sflag:s17] =	ssyncset.done $0x0  }
0x263: {  	[sflag:s17] =	ssyncadd.s32 $0xFFFFFFB0  }
0x264: {  	_ =	swait.ge [sflag:s17], $0x50  }
0x265: {  	[sflag:s17] =	ssyncset.done $0x0  }
0x266: {  	[sflag:s17] =	ssyncadd.s32 $0xFFFFFFB0  }
0x267: {  	_ =	swait.ge [sflag:s17], $0x50  }
0x268: {  	[sflag:s17] =	ssyncset.done $0x0  }
0x269: {  	[sflag:s17] =	ssyncadd.s32 $0xFFFFFFB0  }
0x26a: {  	_ =	swait.ge [sflag:s17], $0x50  }
0x26b: {  	[sflag:s17] =	ssyncset.done $0x0  }
0x26c: {  	[sflag:s17] =	ssyncadd.s32 $0xFFFFFFB0  }
0x26d: {  	_ =	swait.ge [sflag:s17], $0x50  }
0x26e: {  	[sflag:s17] =	ssyncset.done $0x0  }
0x26f: {  	[sflag:s17] =	ssyncadd.s32 $0xFFFFFFB0  }
0x270: {  	_ =	swait.ge [sflag:s17], $0x50  }
0x271: {  	[sflag:s17] =	ssyncset.done $0x0  }
0x272: {  	s6 =	simm.s32 $0x2A00;
	s22 =	simm.s32 $0x3400;
	[sflag:s17] =	ssyncadd.s32 $0xFFFFFFB0  }
0x273: {  	[spmem:s0] =	stream.indirect.scatter.add.f32 [tilespmem:s6], [sflag:$0x4], $0x1, s22, s24, $0xb8;
	[tilespmem:$0x5010] =	vst v63  }
0x274: {  	s12 =	simm.s32 $0x2F00;
	s7 =	rddreg [dreg:$0x3]  }
0x275: {  	[spmem:s7] =	stream.indirect.scatter.add.f32 [tilespmem:s12], [sflag:$0x4], $0x1, s22, s24, $0xb8;
	[tilespmem:$0x5010] =	vst v63  }
0x276: {  	s25 =	simm.s32 $0x2A80;
	s16 =	simm.s32 $0x3480  }
0x277: {  	[spmem:s0] =	stream.indirect.scatter.add.f32 [tilespmem:s25], [sflag:$0x4], $0x1, s16, s24, $0xb8;
	[tilespmem:$0x5010] =	vst v63  }
0x278: {  	s29 =	simm.s32 $0x2F80;
	s26 =	rddreg [dreg:$0x3]  }
0x279: {  	[spmem:s26] =	stream.indirect.scatter.add.f32 [tilespmem:s29], [sflag:$0x4], $0x1, s16, s24, $0xb8;
	[tilespmem:$0x5010] =	vst v63  }
0x27a: {  	s5 =	simm.s32 $0x2B00  }
0x27b: {  	[spmem:s0] =	stream.indirect.scatter.add.f32 [tilespmem:s5], [sflag:$0x4], $0x1, s21, s24, $0xb8;
	[tilespmem:$0x5010] =	vst v63  }
0x27c: {  	s6 =	rddreg [dreg:$0x3];
	s7 =	simm.s32 $0x3000  }
0x27d: {  	[spmem:s6] =	stream.indirect.scatter.add.f32 [tilespmem:s7], [sflag:$0x4], $0x1, s21, s24, $0xb8;
	[tilespmem:$0x5010] =	vst v63  }
0x27e: {  	s12 =	simm.s32 $0x3580;
	s16 =	simm.s32 $0x2B80  }
0x27f: {  	[spmem:s0] =	stream.indirect.scatter.add.f32 [tilespmem:s16], [sflag:$0x4], $0x1, s12, s24, $0xb8;
	[tilespmem:$0x5010] =	vst v63  }
0x280: {  	s25 =	simm.s32 $0x3080;
	s21 =	rddreg [dreg:$0x3]  }
0x281: {  	[spmem:s21] =	stream.indirect.scatter.add.f32 [tilespmem:s25], [sflag:$0x4], $0x1, s12, s24, $0xb8;
	[tilespmem:$0x5010] =	vst v63  }
0x282: {  	s26 =	simm.s32 $0x2C00  }
0x283: {  	[spmem:s0] =	stream.indirect.scatter.add.f32 [tilespmem:s26], [sflag:$0x4], $0x1, s10, s24, $0xb8;
	[tilespmem:$0x5010] =	vst v63  }
0x284: {  	s29 =	simm.s32 $0x3100  }
0x285: {  	[spmem:s21] =	stream.indirect.scatter.add.f32 [tilespmem:s29], [sflag:$0x4], $0x1, s10, s24, $0xb8;
	[tilespmem:$0x5010] =	vst v63  }
0x286: {  	_ =	swait.ge [sflag:s19], $0x50  }
0x287: {  	[sflag:s19] =	ssyncset.done $0x0  }
0x288: {  	[sflag:s19] =	ssyncadd.s32 $0xFFFFFFB0  }
0x289: {  	_ =	swait.ge [sflag:s19], $0x50  }
0x28a: {  	[sflag:s19] =	ssyncset.done $0x0  }
0x28b: {  	[sflag:s19] =	ssyncadd.s32 $0xFFFFFFB0  }
0x28c: {  	_ =	swait.ge [sflag:s19], $0x50  }
0x28d: {  	[sflag:s19] =	ssyncset.done $0x0  }
0x28e: {  	[sflag:s19] =	ssyncadd.s32 $0xFFFFFFB0  }
0x28f: {  	_ =	swait.ge [sflag:s19], $0x50  }
0x290: {  	[sflag:s19] =	ssyncset.done $0x0  }
0x291: {  	[sflag:s19] =	ssyncadd.s32 $0xFFFFFFB0  }
0x292: {  	_ =	swait.ge [sflag:s19], $0x50  }
0x293: {  	[sflag:s19] =	ssyncset.done $0x0  }
0x294: {  	[sflag:s19] =	ssyncadd.s32 $0xFFFFFFB0  }
0x295: {  	_ =	swait.ge [sflag:s19], $0x50  }
0x296: {  	[sflag:s19] =	ssyncset.done $0x0  }
0x297: {  	[sflag:s19] =	ssyncadd.s32 $0xFFFFFFB0  }
0x298: {  	_ =	swait.ge [sflag:s19], $0x50  }
0x299: {  	[sflag:s19] =	ssyncset.done $0x0  }
0x29a: {  	[sflag:s19] =	ssyncadd.s32 $0xFFFFFFB0  }
0x29b: {  	_ =	swait.ge [sflag:s19], $0x50  }
0x29c: {  	[sflag:s19] =	ssyncset.done $0x0  }
0x29d: {  	p2 =	sne.s32 s20, $0x8980;
	[sflag:s19] =	ssyncadd.s32 $0xFFFFFFB0  }
.Ltmp0:
0x29e: {  	_ =	swait.ge [sflag:s19], $0x50;
	(pc) =	sbr.rel @p2 .LBB2_2-.Ltmp0, $4  }
0x29f: {  	s20 =	sadd.s32 $0xC80, s20;
	[sflag:s19] =	ssyncset.done $0x0  }
0x2a0: {  	s31 =	simm.s32 $0x2C80;
	s4 =	simm.s32 $0x2E80;
	[sflag:s19] =	ssyncadd.s32 $0xFFFFFFB0  }
0x2a1: {  	s23 =	simm.s32 $0x2D80;
	s1 =	smov.u32 s0;
	_ =	swait.ge [sflag:s19], $0x50  }
0x2a2: {  	s14 =	simm.s32 $0x2E00;
	s28 =	simm.s32 $0x2980;
	[sflag:s19] =	ssyncset.done $0x0  }
0x2a3: {  	[sflag:s19] =	ssyncadd.s32 $0xFFFFFFB0  }
0x2a4: {  	_ =	swait.ge [sflag:s18], $0x50  }
0x2a5: {  	[sflag:s18] =	ssyncset.done $0x0  }
0x2a6: {  	[sflag:s18] =	ssyncadd.s32 $0xFFFFFFB0  }
0x2a7: {  	_ =	swait.ge [sflag:s18], $0x50  }
0x2a8: {  	[sflag:s18] =	ssyncset.done $0x0  }
0x2a9: {  	[sflag:s18] =	ssyncadd.s32 $0xFFFFFFB0  }
0x2aa: {  	_ =	swait.ge [sflag:s18], $0x50  }
0x2ab: {  	[sflag:s18] =	ssyncset.done $0x0  }
0x2ac: {  	[sflag:s18] =	ssyncadd.s32 $0xFFFFFFB0  }
0x2ad: {  	_ =	swait.ge [sflag:s18], $0x50  }
0x2ae: {  	[sflag:s18] =	ssyncset.done $0x0  }
0x2af: {  	[sflag:s18] =	ssyncadd.s32 $0xFFFFFFB0  }
0x2b0: {  	_ =	swait.ge [sflag:s18], $0x50  }
0x2b1: {  	[sflag:s18] =	ssyncset.done $0x0  }
0x2b2: {  	[sflag:s18] =	ssyncadd.s32 $0xFFFFFFB0  }
0x2b3: {  	_ =	swait.ge [sflag:s18], $0x50  }
0x2b4: {  	[sflag:s18] =	ssyncset.done $0x0  }
0x2b5: {  	[sflag:s18] =	ssyncadd.s32 $0xFFFFFFB0  }
0x2b6: {  	_ =	swait.ge [sflag:s18], $0x50  }
0x2b7: {  	[sflag:s18] =	ssyncset.done $0x0  }
0x2b8: {  	[sflag:s18] =	ssyncadd.s32 $0xFFFFFFB0  }
0x2b9: {  	_ =	swait.ge [sflag:s18], $0x50  }
0x2ba: {  	[sflag:s18] =	ssyncset.done $0x0  }
0x2bb: {  	[sflag:s18] =	ssyncadd.s32 $0xFFFFFFB0  }
0x2bc: {  	_ =	swait.ge [sflag:s18], $0x50  }
0x2bd: {  	[sflag:s18] =	ssyncset.done $0x0  }
0x2be: {  	[sflag:s18] =	ssyncadd.s32 $0xFFFFFFB0  }
0x2bf: {  	_ =	swait.ge [sflag:s18], $0x50  }
0x2c0: {  	[sflag:s18] =	ssyncset.done $0x0  }
0x2c1: {  	[sflag:s18] =	ssyncadd.s32 $0xFFFFFFB0  }
0x2c2: {  	_ =	swait.ge [sflag:s18], $0x50  }
0x2c3: {  	[sflag:s18] =	ssyncset.done $0x0  }
0x2c4: {  	[sflag:s18] =	ssyncadd.s32 $0xFFFFFFB0  }
0x2c5: {  	_ =	swait.ge [sflag:s18], $0x50  }
0x2c6: {  	[sflag:s18] =	ssyncset.done $0x0  }
0x2c7: {  	[sflag:s18] =	ssyncadd.s32 $0xFFFFFFB0  }
0x2c8: {  	_ =	swait.ge [sflag:s18], $0x50  }
0x2c9: {  	[sflag:s18] =	ssyncset.done $0x0  }
0x2ca: {  	[sflag:s18] =	ssyncadd.s32 $0xFFFFFFB0  }
0x2cb: {  	_ =	swait.ge [sflag:s18], $0x50  }
0x2cc: {  	[sflag:s18] =	ssyncset.done $0x0  }
0x2cd: {  	[sflag:s18] =	ssyncadd.s32 $0xFFFFFFB0  }
0x2ce: {  	_ =	swait.ge [sflag:s18], $0x50  }
0x2cf: {  	[sflag:s18] =	ssyncset.done $0x0  }
0x2d0: {  	s2 =	simm.s32 $0x3180;
	s3 =	simm.s32 $0x2780;
	[sflag:s18] =	ssyncadd.s32 $0xFFFFFFB0  }
0x2d1: {  	[spmem:s1] =	stream.indirect.scatter.add.f32 [tilespmem:s3], [sflag:$0x3], $0x1, s2, s24, $0xb8;
	[tilespmem:$0x5010] =	vst v63  }
0x2d2: {  	_ = 	snop  }
0x2d3: {  	[spmem:s21] =	stream.indirect.scatter.add.f32 [tilespmem:s31], [sflag:$0x3], $0x1, s2, s24, $0xb8;
	[tilespmem:$0x5010] =	vst v63  }
0x2d4: {  	s5 =	simm.s32 $0x2800;
	s6 =	simm.s32 $0x3200  }
0x2d5: {  	[spmem:s1] =	stream.indirect.scatter.add.f32 [tilespmem:s5], [sflag:$0x3], $0x1, s6, s24, $0xb8;
	[tilespmem:$0x5010] =	vst v63  }
0x2d6: {  	s7 =	simm.s32 $0x2D00  }
0x2d7: {  	[spmem:s21] =	stream.indirect.scatter.add.f32 [tilespmem:s7], [sflag:$0x3], $0x1, s6, s24, $0xb8;
	[tilespmem:$0x5010] =	vst v63  }
0x2d8: {  	s9 =	simm.s32 $0x3280;
	s10 =	simm.s32 $0x2880  }
0x2d9: {  	[spmem:s1] =	stream.indirect.scatter.add.f32 [tilespmem:s10], [sflag:$0x3], $0x1, s9, s24, $0xb8;
	[tilespmem:$0x5010] =	vst v63  }
0x2da: {  	_ = 	snop  }
0x2db: {  	[spmem:s21] =	stream.indirect.scatter.add.f32 [tilespmem:s23], [sflag:$0x3], $0x1, s9, s24, $0xb8;
	[tilespmem:$0x5010] =	vst v63  }
0x2dc: {  	s11 =	simm.s32 $0x3300;
	s12 =	simm.s32 $0x2900  }
0x2dd: {  	[spmem:s0] =	stream.indirect.scatter.add.f32 [tilespmem:s12], [sflag:$0x3], $0x1, s11, s24, $0xb8;
	[tilespmem:$0x5010] =	vst v63  }
0x2de: {  	_ = 	snop  }
0x2df: {  	[spmem:s21] =	stream.indirect.scatter.add.f32 [tilespmem:s14], [sflag:$0x3], $0x1, s11, s24, $0xb8;
	[tilespmem:$0x5010] =	vst v63  }
0x2e0: {  	s13 =	simm.s32 $0x3380  }
0x2e1: {  	[spmem:s0] =	stream.indirect.scatter.add.f32 [tilespmem:s28], [sflag:$0x3], $0x1, s13, s24, $0xb8;
	[tilespmem:$0x5010] =	vst v63  }
0x2e2: {  	_ = 	snop  }
0x2e3: {  	[spmem:s21] =	stream.indirect.scatter.add.f32 [tilespmem:s4], [sflag:$0x3], $0x1, s13, s24, $0xb8;
	[tilespmem:$0x5010] =	vst v63  }
0x2e4: {  	_ =	swait.ge [sflag:s15], $0x50  }
0x2e5: {  	[sflag:s15] =	ssyncset.done $0x0  }
0x2e6: {  	[sflag:s15] =	ssyncadd.s32 $0xFFFFFFB0  }
0x2e7: {  	_ =	swait.ge [sflag:s15], $0x50  }
0x2e8: {  	[sflag:s15] =	ssyncset.done $0x0  }
0x2e9: {  	[sflag:s15] =	ssyncadd.s32 $0xFFFFFFB0  }
0x2ea: {  	_ =	swait.ge [sflag:s15], $0x50  }
0x2eb: {  	[sflag:s15] =	ssyncset.done $0x0  }
0x2ec: {  	[sflag:s15] =	ssyncadd.s32 $0xFFFFFFB0  }
0x2ed: {  	_ =	swait.ge [sflag:s15], $0x50  }
0x2ee: {  	[sflag:s15] =	ssyncset.done $0x0  }
0x2ef: {  	[sflag:s15] =	ssyncadd.s32 $0xFFFFFFB0  }
0x2f0: {  	_ =	swait.ge [sflag:s15], $0x50  }
0x2f1: {  	[sflag:s15] =	ssyncset.done $0x0  }
0x2f2: {  	[sflag:s15] =	ssyncadd.s32 $0xFFFFFFB0  }
0x2f3: {  	_ =	swait.ge [sflag:s15], $0x50  }
0x2f4: {  	[sflag:s15] =	ssyncset.done $0x0  }
0x2f5: {  	[sflag:s15] =	ssyncadd.s32 $0xFFFFFFB0  }
0x2f6: {  	_ =	swait.ge [sflag:s15], $0x50  }
0x2f7: {  	[sflag:s15] =	ssyncset.done $0x0  }
0x2f8: {  	[sflag:s15] =	ssyncadd.s32 $0xFFFFFFB0  }
0x2f9: {  	_ =	swait.ge [sflag:s15], $0x50  }
0x2fa: {  	[sflag:s15] =	ssyncset.done $0x0  }
0x2fb: {  	[sflag:s15] =	ssyncadd.s32 $0xFFFFFFB0  }
0x2fc: {  	_ =	swait.ge [sflag:s15], $0x50  }
0x2fd: {  	[sflag:s15] =	ssyncset.done $0x0  }
0x2fe: {  	[sflag:s15] =	ssyncadd.s32 $0xFFFFFFB0  }
0x2ff: {  	_ =	swait.ge [sflag:s15], $0x50  }
0x300: {  	[sflag:s15] =	ssyncset.done $0x0  }
0x301: {  	[sflag:s15] =	ssyncadd.s32 $0xFFFFFFB0  }
0x302: {  	[bflag:$0x0] =	sbarrier.arrive $0xFFFF  }
0x303: {  	s14 =	sld [smem:$0x7F5];
	_ =	sdelay $0x1  }
0x304: {  	s16 =	simm.s32 $0x3700;
	s6 =	simm.s32 $0x5  }
0x305: {  	[tilespmem:s16], [sflag:$0x5] =	stream.linear.gather [spmem:s14], $0x280, $0x38;
	[tilespmem:$0x5010] =	vst v63  }
0x306: {  	_ =	swait.ge [sflag:s6], $0x280  }
0x307: {  	s22 =	simm.s32 $0x3980;
	s26 =	simm.s32 $0x4100;
	s20 =	sld [smem:$0x7F6]  }
0x308: {  	s29 =	simm.s32 $0x2800;
	s31 =	simm.s32 $0x3280;
	[sflag:s6] =	ssyncset.done $0x0  }
0x309: {  	s7 =	simm.s32 $0x2900;
	s1 =	smov.u32 s0;
	[sflag:s6] =	ssyncadd.s32 $0xFFFFFD80  }
0x30a: {  	[tilespmem:s22], [sflag:$0x5] =	stream.linear.gather [spmem:s20], $0x280, $0x38;
	[tilespmem:$0x5010] =	vst v63  }
0x30b: {  	s10 =	simm.s32 $0x3300;
	s23 =	simm.s32 $0x0;
	_ =	swait.ge [sflag:s6], $0x280  }
0x30c: {  	s12 =	simm.s32 $0x2880;
	s28 =	simm.s32 $0x3200;
	[sflag:s6] =	ssyncset.done $0x0  }
.Ltmp1:
0x30d: {  	s25 =	rddreg [dreg:$0x13];
	[sflag:s6] =	ssyncadd.s32 $0xFFFFFD80;
	(pc) =	sbr.rel @p1 .LBB2_5-.Ltmp1, $4  }
0x30e: {  	[tilespmem:s26], [sflag:$0x5] =	stream.linear.gather [hbm4b:s25+s23], $0x280, $0x38;
	[tilespmem:$0x5010] =	vst v63  }
0x30f: {  	s13 =	simm.s32 $0x2E80;
	s14 =	simm.s32 $0x2E00;
	_ =	swait.ge [sflag:s6], $0x280  }
0x310: {  	s16 =	simm.s32 $0x2980;
	s26 =	simm.s32 $0x2D00;
	[sflag:s6] =	ssyncset.done $0x0  }
0x311: {  	s25 =	simm.s32 $0x2D80;
	s23 =	simm.s32 $0x3380;
	[sflag:s6] =	ssyncadd.s32 $0xFFFFFD80  }
0x312: {  	s3 =	rddreg [dreg:$0x14];
	s4 =	simm.s32 $0x3C00;
	s0 =	simm.s32 $0x0  }
0x313: {  	[tilespmem:s4], [sflag:$0x5] =	stream.linear.gather [hbm4b:s3+s0], $0x280, $0x38;
	[tilespmem:$0x5010] =	vst v63  }
0x314: {  	_ =	swait.ge [sflag:s6], $0x280  }
0x315: {  	[sflag:s6] =	ssyncset.done $0x0  }
0x316: {  	s22 =	simm.s32 $0x3E80;
	s20 =	rddreg [dreg:$0x15];
	[sflag:s6] =	ssyncadd.s32 $0xFFFFFD80  }
0x317: {  	[tilespmem:s22], [sflag:$0x5] =	stream.linear.gather [hbm4b:s20+s0], $0x280, $0x38;
	[tilespmem:$0x5010] =	vst v63  }
.Ltmp2:
0x318: {  	_ =	swait.ge [sflag:s6], $0x280;
	(pc) =	sbr.rel .LBB2_8-.Ltmp2, $4  }
0x319: {  	[sflag:s6] =	ssyncset.done $0x0  }
0x31a: {  	[sflag:s6] =	ssyncadd.s32 $0xFFFFFD80  }
0x31b: {  	s20 =	rddreg [dreg:$0x4]  }
0x31c: {  	s22 =	rddreg [dreg:$0x5]  }
.LBB2_5:
0x31d: {  	s3 =	simm.s32 $0x40  }
0x31e: {  	s9 =	simm.s32 $0x0;
	s20 =	rddreg [dreg:$0x4];
	s0 =	simm.s32 $0x0  }
.LBB2_6:
0x31f: {  	p2 =	sne.s32 s3, $0x9C0;
	[tilespmem:s9+$0x3C00] =	vst v0;
	s4 =	smov.u32 s3;
	s3 =	sadd.s32 $0x40, s3  }
.Ltmp3:
0x320: {  	[tilespmem:s9+$0x3E80] =	vst v0;
	(pc) =	sbr.rel @p2 .LBB2_6-.Ltmp3, $2  }
0x321: {  	_ =	sdelay $0x2  }
0x322: {  	s9 =	sshra.s32 s4, $0x2  }
0x323: {  	[tilespmem:s9+$0x3C00] =	vst v0  }
0x324: {  	[tilespmem:s9+$0x3E80] =	vst v0;
	s22 =	rddreg [dreg:$0x5]  }
.LBB2_8:
0x325: {  	s3 =	simm.s32 $0x0  }
0x326: {  	v2 =	vld [tilespmem:s3+$0x3980]  }
0x327: {  	v3 =	vld [tilespmem:s3+$0x3E80]  }
0x328: {  	v7 =	vld [tilespmem:s3+$0x3700]  }
0x329: {  	v6 =	vld [tilespmem:s3+$0x4100]  }
0x32a: {  	v8 =	vld [tilespmem:s3+$0x3C00]  }
0x32b: {  	s9 =	simm.s32 $0x10  }
0x32c: {  	v1 =	vld [tilespmem:s9+$0x3980];
	v2 =	vadd.f32 v3, v2  }
0x32d: {  	v3 =	vld [tilespmem:s9+$0x3E80]  }
0x32e: {  	v4 =	vld [tilespmem:s9+$0x3700];
	v9 =	vmul.f32 v2, v6  }
0x32f: {  	v7 =	vadd.f32 v8, v7;
	v2 =	vld [tilespmem:s9+$0x4100]  }
0x330: {  	s11 =	simm.s32 $0x80;
	v5 =	vld [tilespmem:s9+$0x3C00];
	[tilespmem:s3+$0x4600] =	vst v9  }
.LBB2_9:
0x331: {  	s4 =	sshra.s32 s11, $0x2;
	v10 =	vmul.f32 v7, v6;
	p2 =	sne.s32 s11, $0x9C0  }
.Ltmp4:
0x332: {  	s11 =	sadd.s32 $0x40, s11;
	v7 =	vadd.f32 v3, v1;
	v1 =	vld [tilespmem:s4+$0x3980];
	(pc) =	sbr.rel @p2 .LBB2_9-.Ltmp4, $4  }
0x333: {  	v3 =	vld [tilespmem:s4+$0x3E80];
	[tilespmem:s3+$0x4380] =	vst v10;
	v8 =	vmov v4;
	s3 =	smov.u32 s9;
	s9 =	smov.u32 s4  }
0x334: {  	v4 =	vld [tilespmem:s9+$0x3700];
	v9 =	vmul.f32 v7, v2;
	v6 =	vmov v2  }
0x335: {  	v2 =	vld [tilespmem:s9+$0x4100];
	v7 =	vadd.f32 v5, v8  }
0x336: {  	v5 =	vld [tilespmem:s9+$0x3C00];
	[tilespmem:s3+$0x4600] =	vst v9  }
0x337: {  	_ =	sdelay $0x2  }
0x338: {  	v1 =	vadd.f32 v3, v1  }
0x339: {  	v3 =	vmul.f32 v7, v6;
	v4 =	vadd.f32 v5, v4  }
0x33a: {  	v1 =	vmul.f32 v1, v2  }
0x33b: {  	[tilespmem:s3+$0x4380] =	vst v3;
	v2 =	vmul.f32 v4, v2  }
0x33c: {  	[tilespmem:s9+$0x4600] =	vst v1  }
0x33d: {  	s4 =	simm.s32 $0x4880;
	[tilespmem:s9+$0x4380] =	vst v2;
	s9 =	rddreg [dreg:$0x16]  }
0x33e: {  	[tilespmem:s4], [sflag:$0x5] =	stream.linear.gather [hbm4b:s9+s0], $0x80, $0x38;
	[tilespmem:$0x5010] =	vst v63  }
0x33f: {  	_ =	swait.ge [sflag:s6], $0x80  }
0x340: {  	[sflag:s6] =	ssyncset.done $0x0  }
0x341: {  	s11 =	simm.s32 $0x4380;
	s9 =	simm.s32 $0x80;
	[sflag:s6] =	ssyncadd.s32 $0xFFFFFF80  }
0x342: {  	[spmem:s20] =	stream.indirect.scatter.add.f32 [tilespmem:s11], [sflag:$0x5], $0x1, s4, s9, $0xb8;
	[tilespmem:$0x5010] =	vst v63  }
0x343: {  	_ =	swait.ge [sflag:s6], $0x80  }
0x344: {  	[sflag:s6] =	ssyncset.done $0x0  }
0x345: {  	s2 =	simm.s32 $0x4600;
	[sflag:s6] =	ssyncadd.s32 $0xFFFFFF80  }
0x346: {  	[spmem:s22] =	stream.indirect.scatter.add.f32 [tilespmem:s2], [sflag:$0x5], $0x1, s4, s9, $0xb8;
	[tilespmem:$0x5010] =	vst v63  }
0x347: {  	_ =	swait.ge [sflag:s6], $0x80  }
0x348: {  	[sflag:s6] =	ssyncset.done $0x0  }
0x349: {  	s5 =	simm.s32 $0x4900;
	s4 =	rddreg [dreg:$0x17];
	[sflag:s6] =	ssyncadd.s32 $0xFFFFFF80  }
0x34a: {  	[tilespmem:s5], [sflag:$0x5] =	stream.linear.gather [hbm4b:s4+s0], $0x80, $0x38;
	[tilespmem:$0x5010] =	vst v63  }
0x34b: {  	_ =	swait.ge [sflag:s6], $0x80  }
0x34c: {  	[sflag:s6] =	ssyncset.done $0x0  }
0x34d: {  	s11 =	simm.s32 $0x4400;
	[sflag:s6] =	ssyncadd.s32 $0xFFFFFF80  }
0x34e: {  	[spmem:s20] =	stream.indirect.scatter.add.f32 [tilespmem:s11], [sflag:$0x5], $0x1, s5, s9, $0xb8;
	[tilespmem:$0x5010] =	vst v63  }
0x34f: {  	_ =	swait.ge [sflag:s6], $0x80  }
0x350: {  	[sflag:s6] =	ssyncset.done $0x0  }
0x351: {  	s2 =	simm.s32 $0x4680;
	[sflag:s6] =	ssyncadd.s32 $0xFFFFFF80  }
0x352: {  	[spmem:s22] =	stream.indirect.scatter.add.f32 [tilespmem:s2], [sflag:$0x5], $0x1, s5, s9, $0xb8;
	[tilespmem:$0x5010] =	vst v63  }
0x353: {  	_ =	swait.ge [sflag:s6], $0x80  }
0x354: {  	[sflag:s6] =	ssyncset.done $0x0  }
0x355: {  	s5 =	simm.s32 $0x4980;
	s4 =	rddreg [dreg:$0x19];
	[sflag:s6] =	ssyncadd.s32 $0xFFFFFF80  }
0x356: {  	[tilespmem:s5], [sflag:$0x5] =	stream.linear.gather [hbm4b:s4+s0], $0x80, $0x38;
	[tilespmem:$0x5010] =	vst v63  }
0x357: {  	_ =	swait.ge [sflag:s6], $0x80  }
0x358: {  	[sflag:s6] =	ssyncset.done $0x0  }
0x359: {  	s11 =	simm.s32 $0x4480;
	[sflag:s6] =	ssyncadd.s32 $0xFFFFFF80  }
0x35a: {  	[spmem:s20] =	stream.indirect.scatter.add.f32 [tilespmem:s11], [sflag:$0x5], $0x1, s5, s9, $0xb8;
	[tilespmem:$0x5010] =	vst v63  }
0x35b: {  	_ =	swait.ge [sflag:s6], $0x80  }
0x35c: {  	[sflag:s6] =	ssyncset.done $0x0  }
0x35d: {  	s2 =	simm.s32 $0x4700;
	[sflag:s6] =	ssyncadd.s32 $0xFFFFFF80  }
0x35e: {  	[spmem:s22] =	stream.indirect.scatter.add.f32 [tilespmem:s2], [sflag:$0x5], $0x1, s5, s9, $0xb8;
	[tilespmem:$0x5010] =	vst v63  }
0x35f: {  	_ =	swait.ge [sflag:s6], $0x80  }
0x360: {  	[sflag:s6] =	ssyncset.done $0x0  }
0x361: {  	s5 =	simm.s32 $0x4A00;
	s4 =	rddreg [dreg:$0x1a];
	[sflag:s6] =	ssyncadd.s32 $0xFFFFFF80  }
0x362: {  	[tilespmem:s5], [sflag:$0x5] =	stream.linear.gather [hbm4b:s4+s0], $0x80, $0x38;
	[tilespmem:$0x5010] =	vst v63  }
0x363: {  	_ =	swait.ge [sflag:s6], $0x80  }
0x364: {  	[sflag:s6] =	ssyncset.done $0x0  }
0x365: {  	s11 =	simm.s32 $0x4500;
	[sflag:s6] =	ssyncadd.s32 $0xFFFFFF80  }
0x366: {  	[spmem:s20] =	stream.indirect.scatter.add.f32 [tilespmem:s11], [sflag:$0x5], $0x1, s5, s9, $0xb8;
	[tilespmem:$0x5010] =	vst v63  }
0x367: {  	_ =	swait.ge [sflag:s6], $0x80  }
0x368: {  	[sflag:s6] =	ssyncset.done $0x0  }
0x369: {  	s2 =	simm.s32 $0x4780;
	[sflag:s6] =	ssyncadd.s32 $0xFFFFFF80  }
0x36a: {  	[spmem:s22] =	stream.indirect.scatter.add.f32 [tilespmem:s2], [sflag:$0x5], $0x1, s5, s9, $0xb8;
	[tilespmem:$0x5010] =	vst v63  }
0x36b: {  	_ =	swait.ge [sflag:s6], $0x80  }
0x36c: {  	[sflag:s6] =	ssyncset.done $0x0  }
0x36d: {  	s5 =	simm.s32 $0x4A80;
	s4 =	rddreg [dreg:$0x1b];
	[sflag:s6] =	ssyncadd.s32 $0xFFFFFF80  }
0x36e: {  	[tilespmem:s5], [sflag:$0x5] =	stream.linear.gather [hbm4b:s4+s0], $0x80, $0x38;
	[tilespmem:$0x5010] =	vst v63  }
0x36f: {  	_ =	swait.ge [sflag:s6], $0x80  }
0x370: {  	[sflag:s6] =	ssyncset.done $0x0  }
0x371: {  	s11 =	simm.s32 $0x4580;
	[sflag:s6] =	ssyncadd.s32 $0xFFFFFF80  }
0x372: {  	[spmem:s20] =	stream.indirect.scatter.add.f32 [tilespmem:s11], [sflag:$0x5], $0x1, s5, s9, $0xb8;
	[tilespmem:$0x5010] =	vst v63  }
0x373: {  	_ =	swait.ge [sflag:s6], $0x80  }
0x374: {  	[sflag:s6] =	ssyncset.done $0x0  }
0x375: {  	s2 =	simm.s32 $0x4800;
	[sflag:s6] =	ssyncadd.s32 $0xFFFFFF80  }
0x376: {  	[spmem:s22] =	stream.indirect.scatter.add.f32 [tilespmem:s2], [sflag:$0x5], $0x1, s5, s9, $0xb8;
	[tilespmem:$0x5010] =	vst v63  }
0x377: {  	_ =	swait.ge [sflag:s6], $0x80  }
0x378: {  	[sflag:s6] =	ssyncset.done $0x0  }
0x379: {  	[sflag:s6] =	ssyncadd.s32 $0xFFFFFF80  }
0x37a: {  	[bflag:$0x0] =	sbarrier.arrive $0xFFFF  }
0x37b: {  	s3 =	sshrl.u32 @!p0 s20, $0x3;
	s4 =	simm.s32 @!p0 $0x1C05;
	s6 =	rddreg [dreg:$0x18]  }
0x37c: {  	[hbm:s6], [sflag:s4] =	dma.local @!p0 [spmem:s3], $0x10  }
0x37d: {  	s3 =	simm.s32 @!p0 $0x5  }
0x37e: {  	_ =	swait.ge @!p0 [sflag:s3], $0x10  }
0x37f: {  	[sflag:s3] =	ssyncset.done @!p0 $0x0  }
0x380: {  	s9 =	sshrl.u32 @!p0 s22, $0x3;
	s6 =	rddreg [dreg:$0x1c];
	[sflag:s3] =	ssyncadd.s32 @!p0 $0xFFFFFFF0  }
0x381: {  	[hbm:s6], [sflag:s4] =	dma.local @!p0 [spmem:s9], $0x10  }
0x382: {  	_ =	swait.ge @!p0 [sflag:s3], $0x10  }
0x383: {  	s5 =	sld [smem:$0x7EA];
	_ =	sdelay $0x2  }
0x384: {  	s11 =	rddreg [dreg:$0x1d];
	s9 =	sadd.s32 $0x1, s5  }
0x385: {  	p2 =	sne.s32 s9, s11  }
.Ltmp5:
0x386: {  	_ = 	snop;
	(pc) =	sbr.rel @p2 .LBB2_1-.Ltmp5, $3  }
0x387: {  	_ =	sdelay $0x1  }
0x388: {  	[sflag:s3] =	ssyncset.done @!p0 $0x0  }
0x389: {  	s6 =	simm.s32 $0x5;
	[sflag:s3] =	ssyncadd.s32 @!p0 $0xFFFFFFF0;
	s5 =	simm.s32 $0x2780  }
0x38a: {  	_ =	sfence.sel $0x180000  }
0x38b: {  	[bflag:$0x0] =	sbarrier.arrive $0xFFFF  }
0x38c: {  	_ =	strace $0x9000004D  }
0x38d: {  	[bflag:$0x2] =	sbarrier.arrive $0xFFFF  }
0x38e: {  	s0 =	rddreg [dreg:$0x6]  }
0x38f: {  	s0 =	sadd.s32 @!p0 $0x100000, s0  }
0x390: {  	[sflag:s0] =	ssyncadd.tile.s32 @!p0 $0x1;
	_ =	shalt  }
.Lfunc_end2:
_tile_overlayer_lowered:
.L_overlay_start_2:
0x391: {  	(tag) =	ssettag $0x2  }
0x392: {  	s0 =	rddreg [dreg:$0x0];
	s2 =	stileid.u32  }
0x393: {  	s1 =	rddreg [dreg:$0x1];
	p0 =	sne.s32 s2, $0x0  }
0x394: {  	s3 =	rddreg [dreg:$0x2];
	[bflag:$0x3] =	sbarrier.arrive $0xFFFF;
	s2 =	simm.s32 @!p0 $0x1C05  }
0x395: {  	[timem:s3], [sflag:s2] =	dma.local @!p0 [hbm:s0], s1  }
0x396: {  	s0 =	simm.s32 @!p0 $0x5  }
0x397: {  	_ =	swait.ge @!p0 [sflag:s0], s1  }
0x398: {  	s1 =	ssub.s32 @!p0 $0x0, s1;
	[sflag:s0] =	ssyncset.done @!p0 $0x0  }
0x399: {  	[sflag:s0] =	ssyncadd.s32 @!p0 s1  }
0x39a: {  	[bflag:$0x3] =	sbarrier.arrive $0xFFFF  }
0x39b: {  	_ =	shalt  }

// kernel: kernel.7.cloned.1.call-start
scs
__scs_entry_jumppad:
0x0: {  	(pc) =	sbr.rel $0x88, $3  }
0x1: {  	(tag) =	ssettag $0x0;
	lr =	simm.s32 $0x1  }
0x2: {  	[smem:$0x3F9A] =	sst lr;
	_ =	strace $0xD0000000  }
0x3: {  	_ = 	snop  }
0x4: {  	_ = 	snop  }
0x5: {  	_ = 	snop  }
0x6: {  	_ = 	snop  }
0x7: {  	_ = 	snop  }
__scs_overlays_trampoline_lowered:
0x8: {  	[smem:$0x3FA9] =	sst s0  }
0x9: {  	[smem:$0x3FAA] =	sst s1  }
0xa: {  	[smem:$0x3FAB] =	sst s2  }
0xb: {  	[smem:$0x3FAC] =	sst s3  }
0xc: {  	[smem:$0x3FAD] =	sst s4  }
0xd: {  	[smem:$0x3FAE] =	sst s5  }
0xe: {  	[smem:$0x3FAF] =	sst s6  }
0xf: {  	[smem:$0x3FB0] =	sst s7  }
0x10: {  	[smem:$0x3FB1] =	sst s8  }
0x11: {  	[smem:$0x3FB2] =	sst s9;
	s0 =	simm.s32 @!p0 $0x0  }
0x12: {  	s1 =	sld [smem:$0x3F98];
	s0 =	simm.s32 @p0 $0x1  }
0x13: {  	[smem:$0x3FB3] =	sst s0;
	s0 =	simm.s32 @!p1 $0x0  }
0x14: {  	s2 =	sld [smem:$0x3F97];
	s0 =	simm.s32 @p1 $0x1  }
0x15: {  	[smem:$0x3FB4] =	sst s0;
	s0 =	simm.s32 @!p2 $0x0  }
0x16: {  	s3 =	sld [smem:$0x3FDB];
	s0 =	simm.s32 @p2 $0x1  }
0x17: {  	s4 =	simm.s32 $0x1BF5;
	[smem:$0x3FB6] =	sst s0  }
0x18: {  	s0 =	sld [smem:$0x3F99];
	_ =	swait.ge [sflag:s4], $0x0  }
0x19: {  	s7 =	sld [smem:$0x3F9A]  }
0x1a: {  	s8 =	sadd.s32 $0xFFFFE003, lr  }
0x1b: {  	s9 =	sadd.s32 $0xFFFFFEF7, lr;
	s5 =	simm.s32 $0xFFFFFFFF;
	p2 =	slt.u32 s8, $0xFFFFF086  }
0x1c: {  	p1 =	slt.u32 s9, $0xF7A;
	s5 =	simm.s32 @!p2 $0x0  }
0x1d: {  	s5 =	simm.s32 @p1 $0x1;
	p0 =	seq.s32 s7, s2  }
0x1e: {  	s7 =	smul.u32 @!p0 $0xF7A, s2;
	p2 =	seq.s32 @!p0 s5, $0x0  }
0x1f: {  	s9 =	smul.u32 $0xF7A, s1;
	s8 =	simm.s32 @!p0 $0x1BF5;
	p2 =	por !p2, p0  }
0x20: {  	[sflag:s8] =	ssyncset.s32 @!p0 $0xFFFFF086;
	s6 =	sadd.s32 @!p0 s3, s7;
	s7 =	simm.s32 @!p0 $0x108  }
0x21: {  	s3 =	sadd.s32 s3, s9;
	s6 =	sadd.s32 @!p0 $0x88, s6;
	s7 =	simm.s32 @p2 $0x1082  }
0x22: {  	[simem:s7], [sflag:s8] =	dma.local @!p0 [hbm:s6], $0xF7A  }
0x23: {  	s9 =	sor.u32 $0xD0000000, s2;
	s6 =	simm.s32 $0x108;
	_ =	swait.ge @!p0 [sflag:s8], $0x0  }
0x24: {  	s3 =	sadd.s32 $0x88, s3;
	s6 =	simm.s32 @!p1 $0x1082;
	[sflag:s4] =	ssyncset.s32 $0xFFFFF086  }
0x25: {  	[simem:s6], [sflag:s4] =	dma.local [hbm:s3], $0xF7A  }
0x26: {  	[smem:$0x3F9A] =	sst s1;
	(tag) =	ssettag s2;
	_ =	strace s9  }
0x27: {  	s1 =	sld [smem:$0x3FAA]  }
0x28: {  	s2 =	sld [smem:$0x3FAB]  }
0x29: {  	s4 =	sld [smem:$0x3FAD]  }
0x2a: {  	p0 =	seq.s32 s5, $0x0;
	s5 =	sld [smem:$0x3FAE]  }
0x2b: {  	s6 =	sld [smem:$0x3FAF]  }
0x2c: {  	s7 =	sld [smem:$0x3FB0]  }
0x2d: {  	s3 =	simm.s32 $0x108;
	s8 =	sld [smem:$0x3FB1]  }
0x2e: {  	s3 =	simm.s32 @!p0 $0x1082;
	s9 =	sld [smem:$0x3FB2]  }
0x2f: {  	lr =	sadd.s32 s0, s3;
	s0 =	sld [smem:$0x3FA9]  }
0x30: {  	s3 =	sld [smem:$0x3FAC]  }
0x31: {  	[smem:$0x3FB5] =	sst s10  }
0x32: {  	s10 =	sld [smem:$0x3FB3];
	_ =	sdelay $0x3  }
0x33: {  	p0 =	seq.s32 s10, $0x1;
	s10 =	sld [smem:$0x3FB5];
	_ =	sdelay $0x3  }
0x34: {  	[smem:$0x3FB5] =	sst s10  }
0x35: {  	s10 =	sld [smem:$0x3FB4];
	_ =	sdelay $0x3  }
0x36: {  	p1 =	seq.s32 s10, $0x1;
	s10 =	sld [smem:$0x3FB5];
	_ =	sdelay $0x3  }
0x37: {  	[smem:$0x3FB5] =	sst s10  }
0x38: {  	s10 =	sld [smem:$0x3FB6]  }
0x39: {  	_ = 	snop;
	(pc) =	sbr.ind lr, $3  }
0x3a: {  	_ = 	snop  }
0x3b: {  	_ = 	snop  }
0x3c: {  	p2 =	seq.s32 s10, $0x1;
	s10 =	sld [smem:$0x3FB5]  }
0x3d: {  	_ =	shalt  }
0x3e: {  	_ =	shalt  }
0x3f: {  	_ =	shalt  }
0x40: {  	_ =	shalt  }
0x41: {  	_ =	shalt  }
0x42: {  	_ =	shalt  }
0x43: {  	_ =	shalt  }
0x44: {  	_ =	shalt  }
0x45: {  	_ =	shalt  }
0x46: {  	_ =	shalt  }
0x47: {  	_ =	shalt  }
0x48: {  	_ =	shalt  }
0x49: {  	_ =	shalt  }
0x4a: {  	_ =	shalt  }
0x4b: {  	_ =	shalt  }
0x4c: {  	_ =	shalt  }
0x4d: {  	_ =	shalt  }
0x4e: {  	_ =	shalt  }
0x4f: {  	_ =	shalt  }
0x50: {  	_ =	shalt  }
0x51: {  	_ =	shalt  }
0x52: {  	_ =	shalt  }
0x53: {  	_ =	shalt  }
0x54: {  	_ =	shalt  }
0x55: {  	_ =	shalt  }
0x56: {  	_ =	shalt  }
0x57: {  	_ =	shalt  }
0x58: {  	_ =	shalt  }
0x59: {  	_ =	shalt  }
0x5a: {  	_ =	shalt  }
0x5b: {  	_ =	shalt  }
0x5c: {  	_ =	shalt  }
0x5d: {  	_ =	shalt  }
0x5e: {  	_ =	shalt  }
0x5f: {  	_ =	shalt  }
0x60: {  	_ =	shalt  }
0x61: {  	_ =	shalt  }
0x62: {  	_ =	shalt  }
0x63: {  	_ =	shalt  }
0x64: {  	_ =	shalt  }
0x65: {  	_ =	shalt  }
0x66: {  	_ =	shalt  }
0x67: {  	_ =	shalt  }
0x68: {  	_ =	shalt  }
0x69: {  	_ =	shalt  }
0x6a: {  	_ =	shalt  }
0x6b: {  	_ =	shalt  }
0x6c: {  	_ =	shalt  }
0x6d: {  	_ =	shalt  }
0x6e: {  	_ =	shalt  }
0x6f: {  	_ =	shalt  }
0x70: {  	_ =	shalt  }
0x71: {  	_ =	shalt  }
0x72: {  	_ =	shalt  }
0x73: {  	_ =	shalt  }
0x74: {  	_ =	shalt  }
0x75: {  	_ =	shalt  }
0x76: {  	_ =	shalt  }
0x77: {  	_ =	shalt  }
0x78: {  	_ =	shalt  }
0x79: {  	_ =	shalt  }
0x7a: {  	_ =	shalt  }
0x7b: {  	_ =	shalt  }
0x7c: {  	_ =	shalt  }
0x7d: {  	_ =	shalt  }
0x7e: {  	_ =	shalt  }
0x7f: {  	_ =	shalt  }
0x80: {  	_ =	shalt  }
0x81: {  	_ =	shalt  }
0x82: {  	_ =	shalt  }
0x83: {  	_ =	shalt  }
0x84: {  	_ =	shalt  }
0x85: {  	_ =	shalt  }
0x86: {  	_ =	shalt  }
0x87: {  	_ =	shalt  }
.Lfunc_end0:
.L_simem_size_0:
called_computation_lowered:
.L_overlay_start_0:
0x88: {  	s2 =	sld [smem:$0x3FD9]  }
0x89: {  	s3 =	sld [smem:$0x3FFE];
	_ =	sdelay $0x1  }
0x8a: {  	s1 =	srdreg.scid  }
0x8b: {  	s0 =	sand.u32 $0x1, s1  }
0x8c: {  	s16 =	sshll.u32 s0, $0xA;
	s2 =	sadd.s32 s3, s2  }
0x8d: {  	s2 =	sadd.s32 s2, s16  }
0x8e: {  	[smem:$0x3FC1] =	sst s2  }
0x8f: {  	_ = 	snop  }
0x90: {  	(tm) =	ssettm $0x1  }
0x91: {  	s17 =	sld [smem:$0x3FFB];
	_ =	sdelay $0x3  }
0x92: {  	_ =	strace s17  }
0x93: {  	s2 =	sld [smem:$0x3FFC];
	_ =	sdelay $0x3  }
0x94: {  	_ =	strace s2  }
0x95: {  	s2 =	sld [smem:$0x3FFD];
	_ =	sdelay $0x3  }
0x96: {  	_ =	strace s2  }
0x97: {  	_ =	strace $0x8FFFFFFF  }
0x98: {  	s18 =	sld [smem:$0x3FDB];
	_ =	sdelay $0x1  }
0x99: {  	s19 =	simm.s32 $_scs_section_size  }
0x9a: {  	s4 =	simm.s32 $_size__tile_overlayer_lowered;
	s5 =	simm.s32 $_tile_overlayer_lowered  }
0x9b: {  	s22 =	simm.s32 $0x1BFF;
	s21 =	sshll.u32 s5, $0x1;
	s2 =	sadd.s32 s19, s18  }
0x9c: {  	s6 =	simm.s32 $0x0;
	s20 =	sshll.u32 s4, $0x1;
	s4 =	sadd.s32 s21, s2  }
0x9d: {  	[timem:s6], [sflag:s22] =	dma.local [hbm:s4], s20  }
0x9e: {  	_ =	swait.ge [sflag:s22], s20  }
0x9f: {  	s3 =	ssub.s32 $0x0, s20;
	[sflag:s22] =	ssyncset.done $0x0  }
0xa0: {  	[sflag:s22] =	ssyncadd.s32 s3;
	_ =	sdelay $0x1  }
0xa1: {  	s23 =	simm.s32 $0x1B8B  }
0xa2: {  	_ =	swait.ge [sflag:s23], $0x1  }
0xa3: {  	[sflag:s23] =	ssyncset.done $0x0  }
0xa4: {  	s25 =	simm.s32 $0x1B8E;
	s24 =	sld [smem:$0x3FFE];
	[sflag:s23] =	ssyncadd.s32 $0xFFFFFFFF  }
0xa5: {  	s26 =	simm.s32 $execute0_lowered;
	[smem:$0x3FD2] =	sst s25  }
0xa6: {  	s4 =	sshll.u32 s26, $0x1;
	_ =	strace $0x80000046;
	[dreg:$0x1] =	wrdreg $0xFFFFFFFF  }
0xa7: {  	s28 =	simm.s32 $_size_execute0_lowered;
	s2 =	sadd.s32 s2, s4;
	[dreg:$0x0] =	wrdreg $0x0  }
0xa8: {  	s4 =	sshll.u32 s28, $0x1;
	[dreg:$0x2] =	wrdreg s2  }
0xa9: {  	[dreg:$0x3] =	wrdreg s4  }
0xaa: {  	[dreg:$0x4] =	wrdreg $0xC0  }
0xab: {  	_ =	task [dreg:s6], $0x5FFFF  }
0xac: {  	[dreg:$0x1] =	wrdreg $0xFFFFFFFF  }
0xad: {  	[dreg:$0x0] =	wrdreg $0x60  }
0xae: {  	[dreg:$0x2] =	wrdreg s24  }
0xaf: {  	[dreg:$0x3] =	wrdreg $0x6000  }
0xb0: {  	[dreg:$0x4] =	wrdreg $0x9  }
0xb1: {  	_ =	task.clear_ibuf [dreg:s6], $0x5FFFF;
	_ =	strace $0x90000046  }
0xb2: {  	s29 =	simm.s32 $0x9;
	_ =	strace $0x80000048  }
0xb3: {  	_ =	swait.ge [sflag:s29], $0x1  }
0xb4: {  	[sflag:s29] =	ssyncadd.s32 $0xFFFFFFFF  }
0xb5: {  	_ =	strace $0x90000048  }
0xb6: {  	_ =	sfence  }
0xb7: {  	s30 =	sld [smem:$0x0];
	_ =	sdelay $0x2  }
0xb8: {  	s31 =	sshll.u32 s1, $0xD;
	s1 =	sshrl.u32 s1, $0x2  }
0xb9: {  	s3 =	sand.u32 $0x4000, s31;
	s1 =	sadd.s32 s1, s30  }
0xba: {  	s0 =	sor.u32 s3, s0;
	s1 =	sshll.u32 s1, $0x11  }
0xbb: {  	s0 =	sor.u32 s1, s0  }
0xbc: {  	s0 =	sadd.s32 $0x8F2B, s0  }
0xbd: {  	[sflag:s0] =	ssyncadd.remote.s32 $0x1  }
0xbe: {  	_ =	sfence.sel $0xFFFF  }
0xbf: {  	[dreg:$0x0] =	wrdreg $0xFFFFFFFF;
	(pc) =	sbr.abs _section_cstart, $3  }
0xc0: {  	[dreg:$0x1] =	wrdreg $0xFFFFFFFF  }
0xc1: {  	_ =	task.clear_ibuf [dreg:s6], $0x2FFFF;
	_ =	strace $0x9FFFFFFF  }
0xc2: {  	(tm) =	ssettm $0x7FFFFFFF  }
0xc3: {  	_ =	shalt  }
tec
execute0_lowered:
.L_overlay_start_1:
0x0: {  	(tag) =	ssettag $0x1  }
0x1: {  	s0 =	rddreg [dreg:$0x0]  }
0x2: {  	s2 =	rddreg [dreg:$0x1];
	s3 =	simm.s32 $0x0  }
0x3: {  	s1 =	srdreg.scid;
	s9 =	stileid.u32;
	s28 =	simm.s32 $0x1  }
0x4: {  	s29 =	simm.s32 $0x50;
	s30 =	simm.s32 $0x500;
	s31 =	simm.s32 $0x280  }
0x5: {  	s1 =	sand.u32 $0x1, s1;
	s4 =	smul.u32 $0x500, s9;
	[smem:$0x7FF] =	sst s3  }
0x6: {  	s7 =	smul.u32 $0xA00, s9;
	s6 =	sshll.u32 s1, $0x7;
	s11 =	ssub.s32 $0x2, s1  }
0x7: {  	_ =	strace $0x80000047;
	s6 =	sor.u32 s6, s4;
	s8 =	sshrl.u32 s11, $0x1  }
0x8: {  	s4 =	sadd.s32 $0x2A00, s0;
	s6 =	sshrl.u32 s6, $0x3;
	s8 =	ssub.s32 s11, s8  }
0x9: {  	s7 =	sshrl.u32 s7, $0x2;
	s0 =	sadd.s32 s6, s0;
	s18 =	smax.u32 s8, $0x1  }
0xa: {  	s6 =	sadd.s32 s7, s2;
	s0 =	sadd.s32 $0x16600, s0;
	[dreg:$0x11] =	wrdreg s18  }
0xb: {  	s5 =	sshll.u32 s9, $0x1;
	s19 =	sadd.s32 $0x50, s6;
	[dreg:$0x10] =	wrdreg s0  }
0xc: {  	s5 =	sor.u32 s1, s5;
	s20 =	sadd.s32 $0xA0, s6;
	[dreg:$0x12] =	wrdreg s19  }
0xd: {  	s5 =	smul.u32 $0x2710, s5;
	s21 =	sadd.s32 $0xF0, s6;
	[dreg:$0x13] =	wrdreg s20  }
0xe: {  	s15 =	smul.u32 $0x4E20, s9;
	s22 =	sadd.s32 $0x140, s6;
	[dreg:$0x14] =	wrdreg s21  }
0xf: {  	s5 =	sshrl.u32 s5, $0x3;
	s23 =	sadd.s32 $0x190, s6;
	[dreg:$0x15] =	wrdreg s22  }
0x10: {  	s5 =	sadd.s32 s4, s5;
	s24 =	sadd.s32 $0x1E0, s6;
	[dreg:$0x16] =	wrdreg s23  }
0x11: {  	s17 =	smul.u32 $0x2710, s1;
	s12 =	sadd.s32 $0xA, s5;
	[dreg:$0x17] =	wrdreg s24  }
0x12: {  	s8 =	simm.s32 $0x480;
	s13 =	sadd.s32 $0x14, s5;
	[dreg:$0xc] =	wrdreg s12  }
0x13: {  	s14 =	sadd.s32 $0x1E, s5;
	s16 =	sadd.s32 $0x28, s5;
	[dreg:$0xd] =	wrdreg s13  }
0x14: {  	s0 =	sadd.s32 s17, s15;
	s19 =	sadd.s32 $0x230, s6;
	[dreg:$0xe] =	wrdreg s14  }
0x15: {  	[dreg:$0xf] =	wrdreg s16;
	s25 =	sadd.s32 $0x370, s0;
	s7 =	sadd.s32 $0x3C0, s0  }
0x16: {  	s26 =	sadd.s32 $0x410, s0;
	s12 =	sadd.s32 $0x460, s0;
	s14 =	sadd.s32 $0x2D0, s0  }
0x17: {  	s15 =	sadd.s32 $0x280, s0;
	s20 =	sadd.s32 $0x230, s0;
	s22 =	sadd.s32 $0x1E0, s0  }
0x18: {  	s23 =	sadd.s32 $0x190, s0;
	s1 =	sshrl.u32 s25, $0x3;
	s7 =	sshrl.u32 s7, $0x3  }
0x19: {  	s10 =	sshrl.u32 s26, $0x3;
	s13 =	sshrl.u32 s12, $0x3;
	s17 =	sshrl.u32 s15, $0x3  }
0x1a: {  	s21 =	sshrl.u32 s20, $0x3;
	s25 =	sshrl.u32 s23, $0x3;
	s23 =	simm.s32 $0x80  }
0x1b: {  	s12 =	simm.s32 $0x0;
	s1 =	sadd.s32 s1, s4;
	s9 =	sadd.s32 s7, s4  }
0x1c: {  	s11 =	sadd.s32 s10, s4;
	s7 =	sshrl.u32 s14, $0x3;
	s18 =	sadd.s32 s17, s4  }
0x1d: {  	s14 =	sadd.s32 $0x320, s0;
	s26 =	sadd.s32 s25, s4;
	[dreg:$0x3] =	wrdreg s1  }
0x1e: {  	s25 =	simm.s32 $0x180;
	s0 =	simm.s32 $0x300;
	[dreg:$0x4] =	wrdreg s9  }
0x1f: {  	s10 =	simm.s32 $0x2;
	[dreg:$0x5] =	wrdreg s11;
	s1 =	sadd.s32 s13, s4  }
0x20: {  	s16 =	sadd.s32 s7, s4;
	[dreg:$0x8] =	wrdreg s18;
	s7 =	sshrl.u32 s22, $0x3  }
0x21: {  	[dreg:$0xb] =	wrdreg s26;
	s22 =	simm.s32 $0x5;
	s26 =	simm.s32 $0x200  }
0x22: {  	s9 =	simm.s32 $0x3;
	s11 =	simm.s32 $0x4;
	[dreg:$0x6] =	wrdreg s1  }
0x23: {  	[dreg:$0x7] =	wrdreg s16;
	s1 =	sadd.s32 s21, s4;
	s24 =	sadd.s32 s7, s4  }
0x24: {  	s21 =	simm.s32 $0x580;
	s7 =	simm.s32 $0x400;
	[dreg:$0x9] =	wrdreg s1  }
0x25: {  	v0 =	vimm.f32 $1.000000000e+00;
	v1 =	vimm.f32 $0.0e+00;
	[dreg:$0xa] =	wrdreg s24;
	s24 =	simm.s32 $0x100;
	s1 =	simm.s32 $0x380  }
.LBB2_1:
0x26: {  	[tilespmem:$0x500] =	vst v0  }
0x27: {  	[tilespmem:$0x510] =	vst v0  }
0x28: {  	[tilespmem:$0x520] =	vst v0  }
0x29: {  	[tilespmem:$0x530] =	vst v0  }
0x2a: {  	[tilespmem:$0x540] =	vst v0  }
0x2b: {  	[tilespmem:$0x580] =	vst v1  }
0x2c: {  	[tilespmem:$0x590] =	vst v1  }
0x2d: {  	[tilespmem:$0x5A0] =	vst v1  }
0x2e: {  	[tilespmem:$0x5B0] =	vst v1  }
0x2f: {  	[tilespmem:$0x5C0] =	vst v1  }
0x30: {  	[spmem:s6] =	stream.linear.scatter [tilespmem:s21], [sflag:$0x5], $0x50, $0x38;
	[tilespmem:$0x880] =	vst v63  }
0x31: {  	_ =	swait.ge [sflag:s22], $0x50  }
0x32: {  	[sflag:s22] =	ssyncset.done $0x0  }
0x33: {  	s13 =	rddreg [dreg:$0x12];
	[sflag:s22] =	ssyncadd.s32 $0xFFFFFFB0  }
0x34: {  	[spmem:s13] =	stream.linear.scatter [tilespmem:s21], [sflag:$0x5], $0x50, $0x38;
	[tilespmem:$0x880] =	vst v63  }
0x35: {  	_ =	swait.ge [sflag:s22], $0x50  }
0x36: {  	[sflag:s22] =	ssyncset.done $0x0  }
0x37: {  	s17 =	rddreg [dreg:$0x13];
	[sflag:s22] =	ssyncadd.s32 $0xFFFFFFB0  }
0x38: {  	[spmem:s17] =	stream.linear.scatter [tilespmem:s21], [sflag:$0x5], $0x50, $0x38;
	[tilespmem:$0x880] =	vst v63  }
0x39: {  	_ =	swait.ge [sflag:s22], $0x50  }
0x3a: {  	[sflag:s22] =	ssyncset.done $0x0  }
0x3b: {  	s18 =	rddreg [dreg:$0x14];
	[sflag:s22] =	ssyncadd.s32 $0xFFFFFFB0  }
0x3c: {  	[spmem:s18] =	stream.linear.scatter [tilespmem:s21], [sflag:$0x5], $0x50, $0x38;
	[tilespmem:$0x880] =	vst v63  }
0x3d: {  	_ =	swait.ge [sflag:s22], $0x50  }
0x3e: {  	[sflag:s22] =	ssyncset.done $0x0  }
0x3f: {  	s20 =	rddreg [dreg:$0x15];
	[sflag:s22] =	ssyncadd.s32 $0xFFFFFFB0  }
0x40: {  	[spmem:s20] =	stream.linear.scatter [tilespmem:s21], [sflag:$0x5], $0x50, $0x38;
	[tilespmem:$0x880] =	vst v63  }
0x41: {  	_ =	swait.ge [sflag:s22], $0x50  }
0x42: {  	[sflag:s22] =	ssyncset.done $0x0  }
0x43: {  	s15 =	rddreg [dreg:$0x16];
	[sflag:s22] =	ssyncadd.s32 $0xFFFFFFB0  }
0x44: {  	[spmem:s15] =	stream.linear.scatter [tilespmem:s21], [sflag:$0x5], $0x50, $0x38;
	[tilespmem:$0x880] =	vst v63  }
0x45: {  	_ =	swait.ge [sflag:s22], $0x50  }
0x46: {  	[sflag:s22] =	ssyncset.done $0x0  }
0x47: {  	s16 =	rddreg [dreg:$0x17];
	[sflag:s22] =	ssyncadd.s32 $0xFFFFFFB0  }
0x48: {  	[spmem:s16] =	stream.linear.scatter [tilespmem:s21], [sflag:$0x5], $0x50, $0x38;
	[tilespmem:$0x880] =	vst v63  }
0x49: {  	_ =	swait.ge [sflag:s22], $0x50  }
0x4a: {  	[sflag:s22] =	ssyncset.done $0x0  }
0x4b: {  	[sflag:s22] =	ssyncadd.s32 $0xFFFFFFB0  }
0x4c: {  	[spmem:s19] =	stream.linear.scatter [tilespmem:s21], [sflag:$0x5], $0x50, $0x38;
	[tilespmem:$0x880] =	vst v63  }
0x4d: {  	_ =	swait.ge [sflag:s22], $0x50  }
0x4e: {  	[sflag:s22] =	ssyncset.done $0x0  }
0x4f: {  	[sflag:s22] =	ssyncadd.s32 $0xFFFFFFB0  }
0x50: {  	[bflag:$0x0] =	sbarrier.arrive $0xFFFF  }
0x51: {  	[tilespmem:s3], [sflag:$0x1] =	stream.linear.gather [hbm4b:s5+s3], $0x50, $0x38;
	[tilespmem:$0x880] =	vst v63  }
0x52: {  	s17 =	rddreg [dreg:$0xc]  }
0x53: {  	[tilespmem:s23], [sflag:$0x1] =	stream.linear.gather [hbm4b:s17+s3], $0x50, $0x38;
	[tilespmem:$0x880] =	vst v63  }
0x54: {  	s18 =	rddreg [dreg:$0xd]  }
0x55: {  	[tilespmem:s24], [sflag:$0x1] =	stream.linear.gather [hbm4b:s18+s3], $0x50, $0x38;
	[tilespmem:$0x880] =	vst v63  }
0x56: {  	s20 =	rddreg [dreg:$0xe]  }
0x57: {  	[tilespmem:s25], [sflag:$0x1] =	stream.linear.gather [hbm4b:s20+s3], $0x50, $0x38;
	[tilespmem:$0x880] =	vst v63  }
0x58: {  	s15 =	rddreg [dreg:$0xf]  }
0x59: {  	[tilespmem:s26], [sflag:$0x1] =	stream.linear.gather [hbm4b:s15+s3], $0x50, $0x38;
	[tilespmem:$0x880] =	vst v63  }
0x5a: {  	_ =	swait.ge [sflag:s28], $0x50  }
0x5b: {  	[sflag:s28] =	ssyncset.done $0x0  }
0x5c: {  	[sflag:s28] =	ssyncadd.s32 $0xFFFFFFB0  }
0x5d: {  	_ =	swait.ge [sflag:s28], $0x50  }
0x5e: {  	[sflag:s28] =	ssyncset.done $0x0  }
0x5f: {  	[sflag:s28] =	ssyncadd.s32 $0xFFFFFFB0  }
0x60: {  	_ =	swait.ge [sflag:s28], $0x50  }
0x61: {  	[sflag:s28] =	ssyncset.done $0x0  }
0x62: {  	[sflag:s28] =	ssyncadd.s32 $0xFFFFFFB0  }
0x63: {  	_ =	swait.ge [sflag:s28], $0x50  }
0x64: {  	[sflag:s28] =	ssyncset.done $0x0  }
0x65: {  	[sflag:s28] =	ssyncadd.s32 $0xFFFFFFB0  }
0x66: {  	_ =	swait.ge [sflag:s28], $0x50  }
0x67: {  	[sflag:s28] =	ssyncset.done $0x0  }
0x68: {  	[sflag:s28] =	ssyncadd.s32 $0xFFFFFFB0  }
0x69: {  	[spmem:s2] =	stream.indirect.scatter.add.f32 [tilespmem:s30], [sflag:$0x3], $0x1, s3, s29, $0xb8;
	[tilespmem:$0x880] =	vst v63  }
0x6a: {  	_ = 	snop  }
0x6b: {  	[spmem:s2] =	stream.indirect.scatter.add.f32 [tilespmem:s30], [sflag:$0x3], $0x1, s23, s29, $0xb8;
	[tilespmem:$0x880] =	vst v63  }
0x6c: {  	_ = 	snop  }
0x6d: {  	[spmem:s2] =	stream.indirect.scatter.add.f32 [tilespmem:s30], [sflag:$0x3], $0x1, s24, s29, $0xb8;
	[tilespmem:$0x880] =	vst v63  }
0x6e: {  	_ = 	snop  }
0x6f: {  	[spmem:s2] =	stream.indirect.scatter.add.f32 [tilespmem:s30], [sflag:$0x3], $0x1, s25, s29, $0xb8;
	[tilespmem:$0x880] =	vst v63  }
0x70: {  	s16 =	rddreg [dreg:$0xb]  }
0x71: {  	[spmem:s2] =	stream.indirect.scatter.add.f32 [tilespmem:s30], [sflag:$0x3], $0x1, s26, s29, $0xb8;
	[tilespmem:$0x880] =	vst v63  }
0x72: {  	s15 =	rddreg [dreg:$0xa];
	s13 =	sadd.s32 $0x0, s16  }
0x73: {  	[tilespmem:s31], [sflag:$0x2] =	stream.linear.gather [hbm4b:s13+s3], $0x50, $0x38;
	[tilespmem:$0x880] =	vst v63  }
0x74: {  	s17 =	rddreg [dreg:$0x9];
	s15 =	sadd.s32 $0x0, s15  }
0x75: {  	[tilespmem:s0], [sflag:$0x2] =	stream.linear.gather [hbm4b:s15+s3], $0x50, $0x38;
	[tilespmem:$0x880] =	vst v63  }
0x76: {  	s18 =	rddreg [dreg:$0x8];
	s13 =	sadd.s32 $0x0, s17  }
0x77: {  	[tilespmem:s1], [sflag:$0x2] =	stream.linear.gather [hbm4b:s13+s3], $0x50, $0x38;
	[tilespmem:$0x880] =	vst v63  }
0x78: {  	s20 =	rddreg [dreg:$0x7];
	s15 =	sadd.s32 $0x0, s18  }
0x79: {  	[tilespmem:s7], [sflag:$0x2] =	stream.linear.gather [hbm4b:s15+s3], $0x50, $0x38;
	[tilespmem:$0x880] =	vst v63  }
0x7a: {  	s13 =	sadd.s32 $0x0, s20  }
0x7b: {  	[tilespmem:s8], [sflag:$0x2] =	stream.linear.gather [hbm4b:s13+s3], $0x50, $0x38;
	[tilespmem:$0x880] =	vst v63  }
0x7c: {  	_ =	swait.ge [sflag:s9], $0x50  }
0x7d: {  	[sflag:s9] =	ssyncset.done $0x0  }
0x7e: {  	[sflag:s9] =	ssyncadd.s32 $0xFFFFFFB0  }
0x7f: {  	_ =	swait.ge [sflag:s9], $0x50  }
0x80: {  	[sflag:s9] =	ssyncset.done $0x0  }
0x81: {  	[sflag:s9] =	ssyncadd.s32 $0xFFFFFFB0  }
0x82: {  	_ =	swait.ge [sflag:s9], $0x50  }
0x83: {  	[sflag:s9] =	ssyncset.done $0x0  }
0x84: {  	[sflag:s9] =	ssyncadd.s32 $0xFFFFFFB0  }
0x85: {  	_ =	swait.ge [sflag:s9], $0x50  }
0x86: {  	[sflag:s9] =	ssyncset.done $0x0  }
0x87: {  	[sflag:s9] =	ssyncadd.s32 $0xFFFFFFB0  }
0x88: {  	_ =	swait.ge [sflag:s9], $0x50  }
0x89: {  	s15 =	sshrl.u32 s14, $0x3;
	[sflag:s9] =	ssyncset.done $0x0  }
0x8a: {  	s13 =	sadd.s32 s4, s15;
	s16 =	rddreg [dreg:$0x3];
	[sflag:s9] =	ssyncadd.s32 $0xFFFFFFB0  }
0x8b: {  	[tilespmem:s3], [sflag:$0x1] =	stream.linear.gather [hbm4b:s13+s3], $0x50, $0x38;
	[tilespmem:$0x880] =	vst v63  }
0x8c: {  	s17 =	rddreg [dreg:$0x4];
	s15 =	sadd.s32 $0x0, s16  }
0x8d: {  	[tilespmem:s23], [sflag:$0x1] =	stream.linear.gather [hbm4b:s15+s3], $0x50, $0x38;
	[tilespmem:$0x880] =	vst v63  }
0x8e: {  	s18 =	rddreg [dreg:$0x5];
	s13 =	sadd.s32 $0x0, s17  }
0x8f: {  	[tilespmem:s24], [sflag:$0x1] =	stream.linear.gather [hbm4b:s13+s3], $0x50, $0x38;
	[tilespmem:$0x880] =	vst v63  }
0x90: {  	s20 =	rddreg [dreg:$0x6];
	s15 =	sadd.s32 $0x0, s18  }
0x91: {  	[tilespmem:s25], [sflag:$0x1] =	stream.linear.gather [hbm4b:s15+s3], $0x50, $0x38;
	[tilespmem:$0x880] =	vst v63  }
0x92: {  	s13 =	sadd.s32 $0x0, s20  }
0x93: {  	[tilespmem:s26], [sflag:$0x1] =	stream.linear.gather [hbm4b:s13+s3], $0x50, $0x38;
	[tilespmem:$0x880] =	vst v63  }
0x94: {  	_ =	swait.ge [sflag:s10], $0x50  }
0x95: {  	[sflag:s10] =	ssyncset.done $0x0  }
0x96: {  	[sflag:s10] =	ssyncadd.s32 $0xFFFFFFB0  }
0x97: {  	_ =	swait.ge [sflag:s10], $0x50  }
0x98: {  	[sflag:s10] =	ssyncset.done $0x0  }
0x99: {  	[sflag:s10] =	ssyncadd.s32 $0xFFFFFFB0  }
0x9a: {  	_ =	swait.ge [sflag:s10], $0x50  }
0x9b: {  	[sflag:s10] =	ssyncset.done $0x0  }
0x9c: {  	[sflag:s10] =	ssyncadd.s32 $0xFFFFFFB0  }
0x9d: {  	_ =	swait.ge [sflag:s10], $0x50  }
0x9e: {  	[sflag:s10] =	ssyncset.done $0x0  }
0x9f: {  	[sflag:s10] =	ssyncadd.s32 $0xFFFFFFB0  }
0xa0: {  	_ =	swait.ge [sflag:s10], $0x50  }
0xa1: {  	[sflag:s10] =	ssyncset.done $0x0  }
0xa2: {  	[sflag:s10] =	ssyncadd.s32 $0xFFFFFFB0  }
0xa3: {  	[spmem:s2] =	stream.indirect.scatter.add.f32 [tilespmem:s30], [sflag:$0x4], $0x1, s31, s29, $0xb8;
	[tilespmem:$0x880] =	vst v63  }
0xa4: {  	_ = 	snop  }
0xa5: {  	[spmem:s2] =	stream.indirect.scatter.add.f32 [tilespmem:s30], [sflag:$0x4], $0x1, s0, s29, $0xb8;
	[tilespmem:$0x880] =	vst v63  }
0xa6: {  	_ = 	snop  }
0xa7: {  	[spmem:s2] =	stream.indirect.scatter.add.f32 [tilespmem:s30], [sflag:$0x4], $0x1, s1, s29, $0xb8;
	[tilespmem:$0x880] =	vst v63  }
0xa8: {  	_ = 	snop  }
0xa9: {  	[spmem:s2] =	stream.indirect.scatter.add.f32 [tilespmem:s30], [sflag:$0x4], $0x1, s7, s29, $0xb8;
	[tilespmem:$0x880] =	vst v63  }
0xaa: {  	_ = 	snop  }
0xab: {  	[spmem:s2] =	stream.indirect.scatter.add.f32 [tilespmem:s30], [sflag:$0x4], $0x1, s8, s29, $0xb8;
	[tilespmem:$0x880] =	vst v63  }
0xac: {  	_ =	swait.ge [sflag:s11], $0x50  }
0xad: {  	[sflag:s11] =	ssyncset.done $0x0  }
0xae: {  	[sflag:s11] =	ssyncadd.s32 $0xFFFFFFB0  }
0xaf: {  	_ =	swait.ge [sflag:s11], $0x50  }
0xb0: {  	[sflag:s11] =	ssyncset.done $0x0  }
0xb1: {  	[sflag:s11] =	ssyncadd.s32 $0xFFFFFFB0  }
0xb2: {  	_ =	swait.ge [sflag:s11], $0x50  }
0xb3: {  	[sflag:s11] =	ssyncset.done $0x0  }
0xb4: {  	[sflag:s11] =	ssyncadd.s32 $0xFFFFFFB0  }
0xb5: {  	_ =	swait.ge [sflag:s11], $0x50  }
0xb6: {  	[sflag:s11] =	ssyncset.done $0x0  }
0xb7: {  	[sflag:s11] =	ssyncadd.s32 $0xFFFFFFB0  }
0xb8: {  	_ =	swait.ge [sflag:s11], $0x50  }
0xb9: {  	s20 =	smov.u32 s14;
	s13 =	simm.s32 $0x64;
	[sflag:s11] =	ssyncset.done $0x0  }
.LBB2_2:
0xba: {  	[sflag:s11] =	ssyncadd.s32 $0xFFFFFFB0  }
0xbb: {  	_ =	swait.ge [sflag:s28], $0x50  }
0xbc: {  	[sflag:s28] =	ssyncset.done $0x0  }
0xbd: {  	[sflag:s28] =	ssyncadd.s32 $0xFFFFFFB0  }
0xbe: {  	_ =	swait.ge [sflag:s28], $0x50  }
0xbf: {  	[sflag:s28] =	ssyncset.done $0x0  }
0xc0: {  	[sflag:s28] =	ssyncadd.s32 $0xFFFFFFB0  }
0xc1: {  	_ =	swait.ge [sflag:s28], $0x50  }
0xc2: {  	[sflag:s28] =	ssyncset.done $0x0  }
0xc3: {  	[sflag:s28] =	ssyncadd.s32 $0xFFFFFFB0  }
0xc4: {  	_ =	swait.ge [sflag:s28], $0x50  }
0xc5: {  	[sflag:s28] =	ssyncset.done $0x0  }
0xc6: {  	[sflag:s28] =	ssyncadd.s32 $0xFFFFFFB0  }
0xc7: {  	_ =	swait.ge [sflag:s28], $0x50  }
0xc8: {  	[sflag:s28] =	ssyncset.done $0x0  }
0xc9: {  	[sflag:s28] =	ssyncadd.s32 $0xFFFFFFB0  }
0xca: {  	[spmem:s2] =	stream.indirect.scatter.add.f32 [tilespmem:s30], [sflag:$0x3], $0x1, s3, s29, $0xb8;
	[tilespmem:$0x880] =	vst v63  }
0xcb: {  	_ = 	snop  }
0xcc: {  	[spmem:s2] =	stream.indirect.scatter.add.f32 [tilespmem:s30], [sflag:$0x3], $0x1, s23, s29, $0xb8;
	[tilespmem:$0x880] =	vst v63  }
0xcd: {  	_ = 	snop  }
0xce: {  	[spmem:s2] =	stream.indirect.scatter.add.f32 [tilespmem:s30], [sflag:$0x3], $0x1, s24, s29, $0xb8;
	[tilespmem:$0x880] =	vst v63  }
0xcf: {  	_ = 	snop  }
0xd0: {  	[spmem:s2] =	stream.indirect.scatter.add.f32 [tilespmem:s30], [sflag:$0x3], $0x1, s25, s29, $0xb8;
	[tilespmem:$0x880] =	vst v63  }
0xd1: {  	s15 =	smov.u32 s13;
	s16 =	rddreg [dreg:$0xb]  }
0xd2: {  	[spmem:s2] =	stream.indirect.scatter.add.f32 [tilespmem:s30], [sflag:$0x3], $0x1, s26, s29, $0xb8;
	[tilespmem:$0x880] =	vst v63  }
0xd3: {  	s17 =	rddreg [dreg:$0xa];
	s16 =	sadd.s32 s15, s16  }
0xd4: {  	[tilespmem:s31], [sflag:$0x2] =	stream.linear.gather [hbm4b:s16+s3], $0x50, $0x38;
	[tilespmem:$0x880] =	vst v63  }
0xd5: {  	s18 =	rddreg [dreg:$0x9];
	s16 =	sadd.s32 s15, s17  }
0xd6: {  	[tilespmem:s0], [sflag:$0x2] =	stream.linear.gather [hbm4b:s16+s3], $0x50, $0x38;
	[tilespmem:$0x880] =	vst v63  }
0xd7: {  	s17 =	rddreg [dreg:$0x8];
	s16 =	sadd.s32 s15, s18  }
0xd8: {  	[tilespmem:s1], [sflag:$0x2] =	stream.linear.gather [hbm4b:s16+s3], $0x50, $0x38;
	[tilespmem:$0x880] =	vst v63  }
0xd9: {  	s17 =	sadd.s32 s15, s17;
	s18 =	rddreg [dreg:$0x7]  }
0xda: {  	[tilespmem:s7], [sflag:$0x2] =	stream.linear.gather [hbm4b:s17+s3], $0x50, $0x38;
	[tilespmem:$0x880] =	vst v63  }
0xdb: {  	s17 =	sadd.s32 s15, s18  }
0xdc: {  	[tilespmem:s8], [sflag:$0x2] =	stream.linear.gather [hbm4b:s17+s3], $0x50, $0x38;
	[tilespmem:$0x880] =	vst v63  }
0xdd: {  	_ =	swait.ge [sflag:s9], $0x50  }
0xde: {  	[sflag:s9] =	ssyncset.done $0x0  }
0xdf: {  	[sflag:s9] =	ssyncadd.s32 $0xFFFFFFB0  }
0xe0: {  	_ =	swait.ge [sflag:s9], $0x50  }
0xe1: {  	[sflag:s9] =	ssyncset.done $0x0  }
0xe2: {  	[sflag:s9] =	ssyncadd.s32 $0xFFFFFFB0  }
0xe3: {  	_ =	swait.ge [sflag:s9], $0x50  }
0xe4: {  	[sflag:s9] =	ssyncset.done $0x0  }
0xe5: {  	[sflag:s9] =	ssyncadd.s32 $0xFFFFFFB0  }
0xe6: {  	_ =	swait.ge [sflag:s9], $0x50  }
0xe7: {  	[sflag:s9] =	ssyncset.done $0x0  }
0xe8: {  	[sflag:s9] =	ssyncadd.s32 $0xFFFFFFB0  }
0xe9: {  	s20 =	sadd.s32 $0x320, s20;
	_ =	swait.ge [sflag:s9], $0x50  }
0xea: {  	s18 =	sshrl.u32 s20, $0x3;
	[sflag:s9] =	ssyncset.done $0x0  }
0xeb: {  	s16 =	sadd.s32 s4, s18;
	s17 =	rddreg [dreg:$0x3];
	[sflag:s9] =	ssyncadd.s32 $0xFFFFFFB0  }
0xec: {  	[tilespmem:s3], [sflag:$0x1] =	stream.linear.gather [hbm4b:s16+s3], $0x50, $0x38;
	[tilespmem:$0x880] =	vst v63  }
0xed: {  	s18 =	rddreg [dreg:$0x4];
	s16 =	sadd.s32 s15, s17  }
0xee: {  	[tilespmem:s23], [sflag:$0x1] =	stream.linear.gather [hbm4b:s16+s3], $0x50, $0x38;
	[tilespmem:$0x880] =	vst v63  }
0xef: {  	s17 =	rddreg [dreg:$0x5];
	s16 =	sadd.s32 s15, s18  }
0xf0: {  	[tilespmem:s24], [sflag:$0x1] =	stream.linear.gather [hbm4b:s16+s3], $0x50, $0x38;
	[tilespmem:$0x880] =	vst v63  }
0xf1: {  	s17 =	sadd.s32 s15, s17;
	s18 =	rddreg [dreg:$0x6]  }
0xf2: {  	[tilespmem:s25], [sflag:$0x1] =	stream.linear.gather [hbm4b:s17+s3], $0x50, $0x38;
	[tilespmem:$0x880] =	vst v63  }
0xf3: {  	s15 =	sadd.s32 s15, s18  }
0xf4: {  	[tilespmem:s26], [sflag:$0x1] =	stream.linear.gather [hbm4b:s15+s3], $0x50, $0x38;
	[tilespmem:$0x880] =	vst v63  }
0xf5: {  	_ =	swait.ge [sflag:s10], $0x50  }
0xf6: {  	[sflag:s10] =	ssyncset.done $0x0  }
0xf7: {  	[sflag:s10] =	ssyncadd.s32 $0xFFFFFFB0  }
0xf8: {  	_ =	swait.ge [sflag:s10], $0x50  }
0xf9: {  	[sflag:s10] =	ssyncset.done $0x0  }
0xfa: {  	[sflag:s10] =	ssyncadd.s32 $0xFFFFFFB0  }
0xfb: {  	_ =	swait.ge [sflag:s10], $0x50  }
0xfc: {  	[sflag:s10] =	ssyncset.done $0x0  }
0xfd: {  	[sflag:s10] =	ssyncadd.s32 $0xFFFFFFB0  }
0xfe: {  	_ =	swait.ge [sflag:s10], $0x50  }
0xff: {  	[sflag:s10] =	ssyncset.done $0x0  }
0x100: {  	[sflag:s10] =	ssyncadd.s32 $0xFFFFFFB0  }
0x101: {  	_ =	swait.ge [sflag:s10], $0x50  }
0x102: {  	[sflag:s10] =	ssyncset.done $0x0  }
0x103: {  	[sflag:s10] =	ssyncadd.s32 $0xFFFFFFB0  }
0x104: {  	[spmem:s2] =	stream.indirect.scatter.add.f32 [tilespmem:s30], [sflag:$0x4], $0x1, s31, s29, $0xb8;
	[tilespmem:$0x880] =	vst v63  }
0x105: {  	_ = 	snop  }
0x106: {  	[spmem:s2] =	stream.indirect.scatter.add.f32 [tilespmem:s30], [sflag:$0x4], $0x1, s0, s29, $0xb8;
	[tilespmem:$0x880] =	vst v63  }
0x107: {  	_ = 	snop  }
0x108: {  	[spmem:s2] =	stream.indirect.scatter.add.f32 [tilespmem:s30], [sflag:$0x4], $0x1, s1, s29, $0xb8;
	[tilespmem:$0x880] =	vst v63  }
0x109: {  	_ = 	snop  }
0x10a: {  	[spmem:s2] =	stream.indirect.scatter.add.f32 [tilespmem:s30], [sflag:$0x4], $0x1, s7, s29, $0xb8;
	[tilespmem:$0x880] =	vst v63  }
0x10b: {  	_ = 	snop  }
0x10c: {  	[spmem:s2] =	stream.indirect.scatter.add.f32 [tilespmem:s30], [sflag:$0x4], $0x1, s8, s29, $0xb8;
	[tilespmem:$0x880] =	vst v63  }
0x10d: {  	_ =	swait.ge [sflag:s11], $0x50  }
0x10e: {  	[sflag:s11] =	ssyncset.done $0x0  }
0x10f: {  	[sflag:s11] =	ssyncadd.s32 $0xFFFFFFB0  }
0x110: {  	_ =	swait.ge [sflag:s11], $0x50  }
0x111: {  	[sflag:s11] =	ssyncset.done $0x0  }
0x112: {  	[sflag:s11] =	ssyncadd.s32 $0xFFFFFFB0  }
0x113: {  	_ =	swait.ge [sflag:s11], $0x50  }
0x114: {  	[sflag:s11] =	ssyncset.done $0x0  }
0x115: {  	p0 =	sne.s32 s13, $0x44C;
	[sflag:s11] =	ssyncadd.s32 $0xFFFFFFB0  }
.Ltmp0:
0x116: {  	_ =	swait.ge [sflag:s11], $0x50;
	(pc) =	sbr.rel @p0 .LBB2_2-.Ltmp0, $4  }
0x117: {  	[sflag:s11] =	ssyncset.done $0x0  }
0x118: {  	[sflag:s11] =	ssyncadd.s32 $0xFFFFFFB0  }
0x119: {  	_ =	swait.ge [sflag:s11], $0x50  }
0x11a: {  	s13 =	sadd.s32 $0x64, s13;
	[sflag:s11] =	ssyncset.done $0x0  }
0x11b: {  	[sflag:s11] =	ssyncadd.s32 $0xFFFFFFB0  }
0x11c: {  	_ =	swait.ge [sflag:s28], $0x50  }
0x11d: {  	[sflag:s28] =	ssyncset.done $0x0  }
0x11e: {  	[sflag:s28] =	ssyncadd.s32 $0xFFFFFFB0  }
0x11f: {  	_ =	swait.ge [sflag:s28], $0x50  }
0x120: {  	[sflag:s28] =	ssyncset.done $0x0  }
0x121: {  	[sflag:s28] =	ssyncadd.s32 $0xFFFFFFB0  }
0x122: {  	_ =	swait.ge [sflag:s28], $0x50  }
0x123: {  	[sflag:s28] =	ssyncset.done $0x0  }
0x124: {  	[sflag:s28] =	ssyncadd.s32 $0xFFFFFFB0  }
0x125: {  	_ =	swait.ge [sflag:s28], $0x50  }
0x126: {  	[sflag:s28] =	ssyncset.done $0x0  }
0x127: {  	[sflag:s28] =	ssyncadd.s32 $0xFFFFFFB0  }
0x128: {  	_ =	swait.ge [sflag:s28], $0x50  }
0x129: {  	[sflag:s28] =	ssyncset.done $0x0  }
0x12a: {  	[sflag:s28] =	ssyncadd.s32 $0xFFFFFFB0  }
0x12b: {  	[spmem:s2] =	stream.indirect.scatter.add.f32 [tilespmem:s30], [sflag:$0x3], $0x1, s3, s29, $0xb8;
	[tilespmem:$0x880] =	vst v63  }
0x12c: {  	_ = 	snop  }
0x12d: {  	[spmem:s2] =	stream.indirect.scatter.add.f32 [tilespmem:s30], [sflag:$0x3], $0x1, s23, s29, $0xb8;
	[tilespmem:$0x880] =	vst v63  }
0x12e: {  	_ = 	snop  }
0x12f: {  	[spmem:s2] =	stream.indirect.scatter.add.f32 [tilespmem:s30], [sflag:$0x3], $0x1, s24, s29, $0xb8;
	[tilespmem:$0x880] =	vst v63  }
0x130: {  	_ = 	snop  }
0x131: {  	[spmem:s2] =	stream.indirect.scatter.add.f32 [tilespmem:s30], [sflag:$0x3], $0x1, s25, s29, $0xb8;
	[tilespmem:$0x880] =	vst v63  }
0x132: {  	_ = 	snop  }
0x133: {  	[spmem:s2] =	stream.indirect.scatter.add.f32 [tilespmem:s30], [sflag:$0x3], $0x1, s26, s29, $0xb8;
	[tilespmem:$0x880] =	vst v63  }
0x134: {  	_ =	swait.ge [sflag:s9], $0x50  }
0x135: {  	[sflag:s9] =	ssyncset.done $0x0  }
0x136: {  	[sflag:s9] =	ssyncadd.s32 $0xFFFFFFB0  }
0x137: {  	_ =	swait.ge [sflag:s9], $0x50  }
0x138: {  	[sflag:s9] =	ssyncset.done $0x0  }
0x139: {  	[sflag:s9] =	ssyncadd.s32 $0xFFFFFFB0  }
0x13a: {  	_ =	swait.ge [sflag:s9], $0x50  }
0x13b: {  	[sflag:s9] =	ssyncset.done $0x0  }
0x13c: {  	[sflag:s9] =	ssyncadd.s32 $0xFFFFFFB0  }
0x13d: {  	_ =	swait.ge [sflag:s9], $0x50  }
0x13e: {  	[sflag:s9] =	ssyncset.done $0x0  }
0x13f: {  	[sflag:s9] =	ssyncadd.s32 $0xFFFFFFB0  }
0x140: {  	_ =	swait.ge [sflag:s9], $0x50  }
0x141: {  	[sflag:s9] =	ssyncset.done $0x0  }
0x142: {  	s13 =	stileid.u32;
	s15 =	sshrl.u32 s6, $0x3;
	[sflag:s9] =	ssyncadd.s32 $0xFFFFFFB0  }
0x143: {  	s17 =	simm.s32 $0x20;
	s13 =	sshll.u32 s13, $0x6;
	[bflag:$0x0] =	sbarrier.arrive $0xFFFF  }
0x144: {  	s18 =	simm.s32 $0x10;
	s13 =	sor.u32 $0x1C05, s13;
	s16 =	rddreg [dreg:$0x10]  }
0x145: {  	[hbm:s16@s17], [sflag:s13] =	dma.strided [spmem:s15@s18], $0x50, s28, $0x10   }
0x146: {  	_ =	swait.ge [sflag:s22], $0x50  }
0x147: {  	s12 =	sadd.s32 $0x1, s12;
	s20 =	rddreg [dreg:$0x11]  }
0x148: {  	p0 =	sne.s32 s12, s20  }
.Ltmp1:
0x149: {  	_ = 	snop;
	(pc) =	sbr.rel @p0 .LBB2_1-.Ltmp1, $3  }
0x14a: {  	_ =	sdelay $0x1  }
0x14b: {  	[sflag:s22] =	ssyncset.done $0x0  }
0x14c: {  	[sflag:s22] =	ssyncadd.s32 $0xFFFFFFB0  }
0x14d: {  	_ =	sfence.sel $0x180000  }
0x14e: {  	[bflag:$0x0] =	sbarrier.arrive $0xFFFF  }
0x14f: {  	_ =	strace $0x90000047  }
0x150: {  	s0 =	stileid.u32;
	[bflag:$0x2] =	sbarrier.arrive $0xFFFF  }
0x151: {  	p0 =	sne.s32 s0, $0x0;
	s0 =	rddreg [dreg:$0x2]  }
0x152: {  	s0 =	sadd.s32 @!p0 $0x100000, s0  }
0x153: {  	[sflag:s0] =	ssyncadd.tile.s32 @!p0 $0x1;
	_ =	shalt  }
.Lfunc_end2:
_tile_overlayer_lowered:
.L_overlay_start_2:
0x154: {  	(tag) =	ssettag $0x2  }
0x155: {  	s0 =	rddreg [dreg:$0x0];
	s2 =	stileid.u32  }
0x156: {  	s1 =	rddreg [dreg:$0x1];
	p0 =	sne.s32 s2, $0x0  }
0x157: {  	s3 =	rddreg [dreg:$0x2];
	[bflag:$0x3] =	sbarrier.arrive $0xFFFF;
	s2 =	simm.s32 @!p0 $0x1C05  }
0x158: {  	[timem:s3], [sflag:s2] =	dma.local @!p0 [hbm:s0], s1  }
0x159: {  	s0 =	simm.s32 @!p0 $0x5  }
0x15a: {  	_ =	swait.ge @!p0 [sflag:s0], s1  }
0x15b: {  	s1 =	ssub.s32 @!p0 $0x0, s1;
	[sflag:s0] =	ssyncset.done @!p0 $0x0  }
0x15c: {  	[sflag:s0] =	ssyncadd.s32 @!p0 s1  }
0x15d: {  	[bflag:$0x3] =	sbarrier.arrive $0xFFFF  }
0x15e: {  	_ =	shalt  }

</sc_bundles>
